<compile_context>
chip_gen: v7x
topology: tpu7x:2x2x1
jax: 0.10.2.dev20260603
libtpu: 0.0.44.dev20260713+nightly
codegen_flags: <defaults>
</compile_context>

<pallas_src>
import functools

import jax
import jax.numpy as jnp
from jax import lax
from jax.experimental import pallas as pl
from jax.experimental.pallas import tpu as pltpu
from jax.experimental.pallas import tpu_sc as plsc

_N = 10000
_E = 320000
_D = 128
_HID = 256
_LBL = 10

_NC, _NS = 2, 16
_NW = _NC * _NS
_C = 128
_CR = 2560
_EPAD = _CR * _C - _E
_CPW = _CR // _NW
_G = 8
_GPAIR = _CPW // (2 * _G)

_RB = 80
_NB = _N // _RB
_BPT = -(-_NB // _NS)

_BR = 1000


def _make_agg():
    mesh = plsc.VectorSubcoreMesh(
        core_axis_name="c", subcore_axis_name="s",
        num_cores=_NC, num_subcores=_NS)

    @functools.partial(
        pl.kernel,
        out_type=jax.ShapeDtypeStruct((_NC, _N, _D), jnp.float32),
        mesh=mesh,
        scratch_types=[
            pltpu.VMEM((_G, _C), jnp.int32),
            pltpu.VMEM((_G, _C), jnp.int32),
            pltpu.VMEM((_G, _C), jnp.int32),
            pltpu.VMEM((_G, _C), jnp.int32),
            pltpu.VMEM((_C, _D), jnp.float32),
            pltpu.VMEM((_C, _D), jnp.float32),
            pltpu.VMEM_SHARED((_N + 64, _D), jnp.float32),
            pltpu.SemaphoreType.DMA,
            pltpu.SemaphoreType.DMA,
            pltpu.SemaphoreType.DMA,
            pltpu.SemaphoreType.DMA,
            pltpu.SemaphoreType.DMA,
        ],
    )
    def agg(h_hbm, src_hbm, dst_hbm, out_hbm,
            srcg0, srcg1, dstg0, dstg1, rows0, rows1,
            acc_s, gsem0, gsem1, isem, isemA, isemB):
        cid = lax.axis_index("c")
        sid = lax.axis_index("s")
        wid = sid * _NC + cid
        srcg = (srcg0, srcg1)
        dstg = (dstg0, dstg1)
        rows = (rows0, rows1)
        gsem = (gsem0, gsem1)

        for i in range(_BPT):
            b = sid + i * _NS

            @pl.when(b < _NB)
            def _(b=b):
                r = b * _RB
                pltpu.async_copy(h_hbm.at[pl.ds(r, _RB)],
                                 acc_s.at[pl.ds(r, _RB)], isem)
        for i in range(_BPT):
            b = sid + i * _NS

            @pl.when(b < _NB)
            def _(b=b):
                r = b * _RB
                pltpu.make_async_copy(h_hbm.at[pl.ds(r, _RB)],
                                      acc_s.at[pl.ds(r, _RB)], isem).wait()

        plsc.subcore_barrier()

        crow_w = wid * _CPW

        def _drain(rows_p, gsem_p, dref):
            pltpu.make_async_copy(h_hbm.at[pl.ds(0, _C)], rows_p,
                                  gsem_p).wait()
            pltpu.sync_copy(rows_p, acc_s.at[dref], add=True)

        def pair_body(gg, carry):
            cbase = crow_w + gg * (2 * _G)

            @pl.when(gg == 0)
            def _():
                pltpu.sync_copy(src_hbm.at[pl.ds(cbase, _G)], srcg0)
                pltpu.sync_copy(dst_hbm.at[pl.ds(cbase, _G)], dstg0)

            @pl.when(gg > 0)
            def _():
                pltpu.make_async_copy(src_hbm.at[pl.ds(cbase, _G)],
                                      srcg0, isemA).wait()
                pltpu.make_async_copy(dst_hbm.at[pl.ds(cbase, _G)],
                                      dstg0, isemA).wait()
                _drain(rows0, gsem0, dstg1.at[_G - 2])
                _drain(rows1, gsem1, dstg1.at[_G - 1])

            pltpu.async_copy(src_hbm.at[pl.ds(cbase + _G, _G)],
                             srcg1, isemB)
            pltpu.async_copy(dst_hbm.at[pl.ds(cbase + _G, _G)],
                             dstg1, isemB)

            last = [None, None]
            for k in range(2 * _G):
                half, j = divmod(k, _G)
                p = k & 1
                if k == _G:
                    pltpu.make_async_copy(src_hbm.at[pl.ds(cbase + _G, _G)],
                                          srcg1, isemB).wait()
                    pltpu.make_async_copy(dst_hbm.at[pl.ds(cbase + _G, _G)],
                                          dstg1, isemB).wait()
                if last[p] is not None:
                    d, dref = last[p]
                    d.wait()
                    pltpu.sync_copy(rows[p], acc_s.at[dref], add=True)
                d = pltpu.async_copy(h_hbm.at[srcg[half].at[j]],
                                     rows[p], gsem[p])
                last[p] = (d, dstg[half].at[j])

            @pl.when(gg < _GPAIR - 1)
            def _():
                pltpu.async_copy(src_hbm.at[pl.ds(cbase + 2 * _G, _G)],
                                 srcg0, isemA)
                pltpu.async_copy(dst_hbm.at[pl.ds(cbase + 2 * _G, _G)],
                                 dstg0, isemA)
            return carry
        lax.fori_loop(0, _GPAIR, pair_body, 0)

        _drain(rows0, gsem0, dstg1.at[_G - 2])
        _drain(rows1, gsem1, dstg1.at[_G - 1])

        plsc.subcore_barrier()

        for i in range(_BPT):
            b = sid + i * _NS

            @pl.when(b < _NB)
            def _(b=b):
                r = b * _RB
                pltpu.async_copy(acc_s.at[pl.ds(r, _RB)],
                                 out_hbm.at[cid, pl.ds(r, _RB)], isem)
        for i in range(_BPT):
            b = sid + i * _NS

            @pl.when(b < _NB)
            def _(b=b):
                r = b * _RB
                pltpu.make_async_copy(acc_s.at[pl.ds(r, _RB)],
                                      out_hbm.at[cid, pl.ds(r, _RB)],
                                      isem).wait()

    return agg


_agg = _make_agg()


def _dense(c, h, W, b):
    def body(c_ref, h_ref, W_ref, b_ref, o_ref):
        comb = c_ref[0] + c_ref[1] - h_ref[...]
        o_ref[...] = jnp.maximum(comb @ W_ref[...] + b_ref[...], 0.0)

    return pl.pallas_call(
        body,
        grid=(_N // _BR,),
        in_specs=[
            pl.BlockSpec((2, _BR, _D), lambda i: (0, i, 0)),
            pl.BlockSpec((_BR, _D), lambda i: (i, 0)),
            pl.BlockSpec((_D, _D), lambda i: (0, 0)),
            pl.BlockSpec((1, _D), lambda i: (0, 0)),
        ],
        out_specs=pl.BlockSpec((_BR, _D), lambda i: (i, 0)),
        out_shape=jax.ShapeDtypeStruct((_N, _D), jnp.float32),
    )(c, h, W, b.reshape(1, _D))


def _final(c, h, W2, b2, Wm1, bm1, Wm2, bm2):
    def body(c_ref, h_ref, W2_ref, b2_ref, Wm1_ref, bm1_ref, Wm2_ref,
             bm2_ref, o_ref):
        comb = c_ref[0] + c_ref[1] - h_ref[...]
        h3 = jnp.maximum(comb @ W2_ref[...] + b2_ref[...], 0.0)
        t = jnp.maximum(h3 @ Wm1_ref[...] + bm1_ref[...], 0.0)
        o_ref[...] = t @ Wm2_ref[...] + bm2_ref[...]

    return pl.pallas_call(
        body,
        grid=(_N // _BR,),
        in_specs=[
            pl.BlockSpec((2, _BR, _D), lambda i: (0, i, 0)),
            pl.BlockSpec((_BR, _D), lambda i: (i, 0)),
            pl.BlockSpec((_D, _D), lambda i: (0, 0)),
            pl.BlockSpec((1, _D), lambda i: (0, 0)),
            pl.BlockSpec((_D, _HID), lambda i: (0, 0)),
            pl.BlockSpec((1, _HID), lambda i: (0, 0)),
            pl.BlockSpec((_HID, _LBL), lambda i: (0, 0)),
            pl.BlockSpec((1, _LBL), lambda i: (0, 0)),
        ],
        out_specs=pl.BlockSpec((_BR, _LBL), lambda i: (i, 0)),
        out_shape=jax.ShapeDtypeStruct((_N, _LBL), jnp.float32),
    )(c, h, W2, b2.reshape(1, _D), Wm1, bm1.reshape(1, _HID),
      Wm2, bm2.reshape(1, _LBL))


def kernel(x, edge_index, edge_weight, W0, b0, W1, b1, W2, b2,
           Wm1, bm1, Wm2, bm2):
    del edge_weight
    pad_ar = jnp.arange(_EPAD, dtype=jnp.int32)
    src = jnp.concatenate(
        [edge_index[0], pad_ar % _N]).reshape(_CR, _C)
    dst = jnp.concatenate(
        [edge_index[1], _N + (pad_ar % 64)]).reshape(_CR, _C)

    c1 = _agg(x, src, dst)
    h1 = _dense(c1, x, W0, b0)
    c2 = _agg(h1, src, dst)
    h2 = _dense(c2, h1, W1, b1)
    c3 = _agg(h2, src, dst)
    return _final(c3, h2, W2, b2, Wm1, bm1, Wm2, bm2)

# --- scband reference (transcript-rebuilt; emitter-appended) ---
"""Pipeline reference for scband-ginmodel-42528766165366 (READ-ONLY COPY).

The authoritative reference and input builder live on the scoring server;
editing this copy changes nothing except your own understanding.
"""

import jax
import jax.numpy as jnp
import numpy as np

N = 10000
E = 320000
D = 128
HIDDEN = 256
NUM_LABELS = 10


def setup_inputs(seed: int = 0) -> dict:
    key = jax.random.key(seed)
    ks = jax.random.split(key, 14)
    x = jax.random.normal(ks[0], (N, D), dtype=jnp.float32)
    edge_index = jax.random.randint(ks[1], (2, E), 0, N).astype(jnp.int32)
    edge_weight = jax.random.uniform(ks[2], (E,), dtype=jnp.float32)
    # GIN layer dense weights (tfg GIN: (1+eps)*x + sum_neighbors -> Dense(units, relu)), eps=0
    W0 = jax.random.normal(ks[3], (D, 128), dtype=jnp.float32) * 0.05
    b0 = jnp.zeros((128,), dtype=jnp.float32)
    W1 = jax.random.normal(ks[4], (128, 128), dtype=jnp.float32) * 0.05
    b1 = jnp.zeros((128,), dtype=jnp.float32)
    W2 = jax.random.normal(ks[5], (128, 128), dtype=jnp.float32) * 0.05
    b2 = jnp.zeros((128,), dtype=jnp.float32)
    # MLP head: Flatten (identity on [N,128]) -> Dense(256, relu) -> Dense(num_labels)
    Wm1 = jax.random.normal(ks[6], (128, HIDDEN), dtype=jnp.float32) * 0.05
    bm1 = jnp.zeros((HIDDEN,), dtype=jnp.float32)
    Wm2 = jax.random.normal(ks[7], (HIDDEN, NUM_LABELS), dtype=jnp.float32) * 0.05
    bm2 = jnp.zeros((NUM_LABELS,), dtype=jnp.float32)
    return {
        "x": x,
        "edge_index": edge_index,
        "edge_weight": edge_weight,
        "W0": W0, "b0": b0,
        "W1": W1, "b1": b1,
        "W2": W2, "b2": b2,
        "Wm1": Wm1, "bm1": bm1,
        "Wm2": Wm2, "bm2": bm2,
    }


def _gin_layer(h, edge_index, W, b, eps=0.0):
    src = edge_index[0]
    dst = edge_index[1]
    gathered = jnp.take(h, src, axis=0)
    agg = jax.ops.segment_sum(gathered, dst, num_segments=h.shape[0])
    combined = (1.0 + eps) * h + agg
    return jax.nn.relu(combined @ W + b)


def reference(x, edge_index, edge_weight, W0, b0, W1, b1, W2, b2, Wm1, bm1, Wm2, bm2):
    h = _gin_layer(x, edge_index, W0, b0)
    h = _gin_layer(h, edge_index, W1, b1)
    h = _gin_layer(h, edge_index, W2, b2)
    # Flatten is identity for rank-2 [N, 128]
    h = jax.nn.relu(h @ Wm1 + bm1)
    out = h @ Wm2 + bm2
    return out

if __name__ == "__main__":
    import jax
    _d = setup_inputs()
    print(jax.jit(kernel)(*tuple(_d.values())))

</pallas_src>

<mosaic_0001>
#map = affine_map<(d0, d1) -> (0, 0)>
#map1 = affine_map<(d0, d1) -> (0, 0, 0)>
module attributes {stable_mosaic.version = 14 : i64} {
  func.func @agg(%arg0: i32, %arg1: i32, %arg2: memref<10000x128xf32, #tpu.memory_space<hbm>>, %arg3: memref<2560x128xi32, #tpu.memory_space<hbm>>, %arg4: memref<2560x128xi32, #tpu.memory_space<hbm>>, %arg5: memref<2x10000x128xf32, #tpu.memory_space<hbm>>, %arg6: memref<8x128xi32, #tpu.memory_space<vmem>>, %arg7: memref<8x128xi32, #tpu.memory_space<vmem>>, %arg8: memref<8x128xi32, #tpu.memory_space<vmem>>, %arg9: memref<8x128xi32, #tpu.memory_space<vmem>>, %arg10: memref<128x128xf32, #tpu.memory_space<vmem>>, %arg11: memref<128x128xf32, #tpu.memory_space<vmem>>, %arg12: memref<10064x128xf32, #tpu.memory_space<vmem_shared>>, %arg13: memref<!tpu.dma_semaphore, #tpu.memory_space<semaphore_mem>>, %arg14: memref<!tpu.dma_semaphore, #tpu.memory_space<semaphore_mem>>, %arg15: memref<!tpu.dma_semaphore, #tpu.memory_space<semaphore_mem>>, %arg16: memref<!tpu.dma_semaphore, #tpu.memory_space<semaphore_mem>>, %arg17: memref<!tpu.dma_semaphore, #tpu.memory_space<semaphore_mem>>) attributes {dimension_semantics = [#tpu.dimension_semantics<core_parallel>, #tpu.dimension_semantics<subcore_parallel>], iteration_bounds = array<i64: 2, 16>, scalar_prefetch = 0 : i64, scratch_operands = 12 : i64, tpu.core_type = #tpu.core_type<sc_vector_subcore>, window_params = [{transform_indices = #map}, {transform_indices = #map}, {transform_indices = #map}, {transform_indices = #map1}]} {
    %mul3A = arith.constant 2 : i32
    %mul3A_0 = arith.muli %arg1, %mul3A : i32
    %add3A = arith.addi %mul3A_0, %arg0 : i32
    %add3A_1 = arith.constant 0 : i32
    %add3A_2 = arith.addi %arg1, %add3A_1 : i32
    %lt3A = arith.constant 125 : i32
    %lt3A_3 = arith.cmpi slt, %add3A_2, %lt3A : i32
    %convert_element_type3A = arith.extui %lt3A_3 : i1 to i32
    %cond3A = arith.constant 0 : i32
    %cond3A_4 = arith.cmpi ne, %convert_element_type3A, %cond3A : i32
    scf.if %cond3A_4 {
      %mul3A_242 = arith.constant 80 : i32
      %mul3A_243 = arith.muli %add3A_2, %mul3A_242 : i32
      %dma_start3A = arith.constant 0 : i32
      %dma_start3A_244 = tpu.memref_slice %arg12[%mul3A_243, %dma_start3A] : memref<10064x128xf32, #tpu.memory_space<vmem_shared>> -> memref<80x128xf32, #tpu.memory_space<vmem_shared>>
      %dma_start3A_245 = arith.constant 0 : i32
      %dma_start3A_246 = tpu.memref_slice %arg2[%mul3A_243, %dma_start3A_245] : memref<10000x128xf32, #tpu.memory_space<hbm>> -> memref<80x128xf32, #tpu.memory_space<hbm>>
      tpu.enqueue_dma source(%dma_start3A_246 : memref<80x128xf32, #tpu.memory_space<hbm>>) target(%dma_start3A_244 : memref<80x128xf32, #tpu.memory_space<vmem_shared>>) target_semaphore(%arg15 : memref<!tpu.dma_semaphore, #tpu.memory_space<semaphore_mem>>)
    } else {
    }
    %add3A_5 = arith.constant 16 : i32
    %add3A_6 = arith.addi %arg1, %add3A_5 : i32
    %lt3A_7 = arith.constant 125 : i32
    %lt3A_8 = arith.cmpi slt, %add3A_6, %lt3A_7 : i32
    %convert_element_type3A_9 = arith.extui %lt3A_8 : i1 to i32
    %cond3A_10 = arith.constant 0 : i32
    %cond3A_11 = arith.cmpi ne, %convert_element_type3A_9, %cond3A_10 : i32
    scf.if %cond3A_11 {
      %mul3A_242 = arith.constant 80 : i32
      %mul3A_243 = arith.muli %add3A_6, %mul3A_242 : i32
      %dma_start3A = arith.constant 0 : i32
      %dma_start3A_244 = tpu.memref_slice %arg12[%mul3A_243, %dma_start3A] : memref<10064x128xf32, #tpu.memory_space<vmem_shared>> -> memref<80x128xf32, #tpu.memory_space<vmem_shared>>
      %dma_start3A_245 = arith.constant 0 : i32
      %dma_start3A_246 = tpu.memref_slice %arg2[%mul3A_243, %dma_start3A_245] : memref<10000x128xf32, #tpu.memory_space<hbm>> -> memref<80x128xf32, #tpu.memory_space<hbm>>
      tpu.enqueue_dma source(%dma_start3A_246 : memref<80x128xf32, #tpu.memory_space<hbm>>) target(%dma_start3A_244 : memref<80x128xf32, #tpu.memory_space<vmem_shared>>) target_semaphore(%arg15 : memref<!tpu.dma_semaphore, #tpu.memory_space<semaphore_mem>>)
    } else {
    }
    %add3A_12 = arith.constant 32 : i32
    %add3A_13 = arith.addi %arg1, %add3A_12 : i32
    %lt3A_14 = arith.constant 125 : i32
    %lt3A_15 = arith.cmpi slt, %add3A_13, %lt3A_14 : i32
    %convert_element_type3A_16 = arith.extui %lt3A_15 : i1 to i32
    %cond3A_17 = arith.constant 0 : i32
    %cond3A_18 = arith.cmpi ne, %convert_element_type3A_16, %cond3A_17 : i32
    scf.if %cond3A_18 {
      %mul3A_242 = arith.constant 80 : i32
      %mul3A_243 = arith.muli %add3A_13, %mul3A_242 : i32
      %dma_start3A = arith.constant 0 : i32
      %dma_start3A_244 = tpu.memref_slice %arg12[%mul3A_243, %dma_start3A] : memref<10064x128xf32, #tpu.memory_space<vmem_shared>> -> memref<80x128xf32, #tpu.memory_space<vmem_shared>>
      %dma_start3A_245 = arith.constant 0 : i32
      %dma_start3A_246 = tpu.memref_slice %arg2[%mul3A_243, %dma_start3A_245] : memref<10000x128xf32, #tpu.memory_space<hbm>> -> memref<80x128xf32, #tpu.memory_space<hbm>>
      tpu.enqueue_dma source(%dma_start3A_246 : memref<80x128xf32, #tpu.memory_space<hbm>>) target(%dma_start3A_244 : memref<80x128xf32, #tpu.memory_space<vmem_shared>>) target_semaphore(%arg15 : memref<!tpu.dma_semaphore, #tpu.memory_space<semaphore_mem>>)
    } else {
    }
    %add3A_19 = arith.constant 48 : i32
    %add3A_20 = arith.addi %arg1, %add3A_19 : i32
    %lt3A_21 = arith.constant 125 : i32
    %lt3A_22 = arith.cmpi slt, %add3A_20, %lt3A_21 : i32
    %convert_element_type3A_23 = arith.extui %lt3A_22 : i1 to i32
    %cond3A_24 = arith.constant 0 : i32
    %cond3A_25 = arith.cmpi ne, %convert_element_type3A_23, %cond3A_24 : i32
    scf.if %cond3A_25 {
      %mul3A_242 = arith.constant 80 : i32
      %mul3A_243 = arith.muli %add3A_20, %mul3A_242 : i32
      %dma_start3A = arith.constant 0 : i32
      %dma_start3A_244 = tpu.memref_slice %arg12[%mul3A_243, %dma_start3A] : memref<10064x128xf32, #tpu.memory_space<vmem_shared>> -> memref<80x128xf32, #tpu.memory_space<vmem_shared>>
      %dma_start3A_245 = arith.constant 0 : i32
      %dma_start3A_246 = tpu.memref_slice %arg2[%mul3A_243, %dma_start3A_245] : memref<10000x128xf32, #tpu.memory_space<hbm>> -> memref<80x128xf32, #tpu.memory_space<hbm>>
      tpu.enqueue_dma source(%dma_start3A_246 : memref<80x128xf32, #tpu.memory_space<hbm>>) target(%dma_start3A_244 : memref<80x128xf32, #tpu.memory_space<vmem_shared>>) target_semaphore(%arg15 : memref<!tpu.dma_semaphore, #tpu.memory_space<semaphore_mem>>)
    } else {
    }
    %add3A_26 = arith.constant 64 : i32
    %add3A_27 = arith.addi %arg1, %add3A_26 : i32
    %lt3A_28 = arith.constant 125 : i32
    %lt3A_29 = arith.cmpi slt, %add3A_27, %lt3A_28 : i32
    %convert_element_type3A_30 = arith.extui %lt3A_29 : i1 to i32
    %cond3A_31 = arith.constant 0 : i32
    %cond3A_32 = arith.cmpi ne, %convert_element_type3A_30, %cond3A_31 : i32
    scf.if %cond3A_32 {
      %mul3A_242 = arith.constant 80 : i32
      %mul3A_243 = arith.muli %add3A_27, %mul3A_242 : i32
      %dma_start3A = arith.constant 0 : i32
      %dma_start3A_244 = tpu.memref_slice %arg12[%mul3A_243, %dma_start3A] : memref<10064x128xf32, #tpu.memory_space<vmem_shared>> -> memref<80x128xf32, #tpu.memory_space<vmem_shared>>
      %dma_start3A_245 = arith.constant 0 : i32
      %dma_start3A_246 = tpu.memref_slice %arg2[%mul3A_243, %dma_start3A_245] : memref<10000x128xf32, #tpu.memory_space<hbm>> -> memref<80x128xf32, #tpu.memory_space<hbm>>
      tpu.enqueue_dma source(%dma_start3A_246 : memref<80x128xf32, #tpu.memory_space<hbm>>) target(%dma_start3A_244 : memref<80x128xf32, #tpu.memory_space<vmem_shared>>) target_semaphore(%arg15 : memref<!tpu.dma_semaphore, #tpu.memory_space<semaphore_mem>>)
    } else {
    }
    %add3A_33 = arith.constant 80 : i32
    %add3A_34 = arith.addi %arg1, %add3A_33 : i32
    %lt3A_35 = arith.constant 125 : i32
    %lt3A_36 = arith.cmpi slt, %add3A_34, %lt3A_35 : i32
    %convert_element_type3A_37 = arith.extui %lt3A_36 : i1 to i32
    %cond3A_38 = arith.constant 0 : i32
    %cond3A_39 = arith.cmpi ne, %convert_element_type3A_37, %cond3A_38 : i32
    scf.if %cond3A_39 {
      %mul3A_242 = arith.constant 80 : i32
      %mul3A_243 = arith.muli %add3A_34, %mul3A_242 : i32
      %dma_start3A = arith.constant 0 : i32
      %dma_start3A_244 = tpu.memref_slice %arg12[%mul3A_243, %dma_start3A] : memref<10064x128xf32, #tpu.memory_space<vmem_shared>> -> memref<80x128xf32, #tpu.memory_space<vmem_shared>>
      %dma_start3A_245 = arith.constant 0 : i32
      %dma_start3A_246 = tpu.memref_slice %arg2[%mul3A_243, %dma_start3A_245] : memref<10000x128xf32, #tpu.memory_space<hbm>> -> memref<80x128xf32, #tpu.memory_space<hbm>>
      tpu.enqueue_dma source(%dma_start3A_246 : memref<80x128xf32, #tpu.memory_space<hbm>>) target(%dma_start3A_244 : memref<80x128xf32, #tpu.memory_space<vmem_shared>>) target_semaphore(%arg15 : memref<!tpu.dma_semaphore, #tpu.memory_space<semaphore_mem>>)
    } else {
    }
    %add3A_40 = arith.constant 96 : i32
    %add3A_41 = arith.addi %arg1, %add3A_40 : i32
    %lt3A_42 = arith.constant 125 : i32
    %lt3A_43 = arith.cmpi slt, %add3A_41, %lt3A_42 : i32
    %convert_element_type3A_44 = arith.extui %lt3A_43 : i1 to i32
    %cond3A_45 = arith.constant 0 : i32
    %cond3A_46 = arith.cmpi ne, %convert_element_type3A_44, %cond3A_45 : i32
    scf.if %cond3A_46 {
      %mul3A_242 = arith.constant 80 : i32
      %mul3A_243 = arith.muli %add3A_41, %mul3A_242 : i32
      %dma_start3A = arith.constant 0 : i32
      %dma_start3A_244 = tpu.memref_slice %arg12[%mul3A_243, %dma_start3A] : memref<10064x128xf32, #tpu.memory_space<vmem_shared>> -> memref<80x128xf32, #tpu.memory_space<vmem_shared>>
      %dma_start3A_245 = arith.constant 0 : i32
      %dma_start3A_246 = tpu.memref_slice %arg2[%mul3A_243, %dma_start3A_245] : memref<10000x128xf32, #tpu.memory_space<hbm>> -> memref<80x128xf32, #tpu.memory_space<hbm>>
      tpu.enqueue_dma source(%dma_start3A_246 : memref<80x128xf32, #tpu.memory_space<hbm>>) target(%dma_start3A_244 : memref<80x128xf32, #tpu.memory_space<vmem_shared>>) target_semaphore(%arg15 : memref<!tpu.dma_semaphore, #tpu.memory_space<semaphore_mem>>)
    } else {
    }
    %add3A_47 = arith.constant 112 : i32
    %add3A_48 = arith.addi %arg1, %add3A_47 : i32
    %lt3A_49 = arith.constant 125 : i32
    %lt3A_50 = arith.cmpi slt, %add3A_48, %lt3A_49 : i32
    %convert_element_type3A_51 = arith.extui %lt3A_50 : i1 to i32
    %cond3A_52 = arith.constant 0 : i32
    %cond3A_53 = arith.cmpi ne, %convert_element_type3A_51, %cond3A_52 : i32
    scf.if %cond3A_53 {
      %mul3A_242 = arith.constant 80 : i32
      %mul3A_243 = arith.muli %add3A_48, %mul3A_242 : i32
      %dma_start3A = arith.constant 0 : i32
      %dma_start3A_244 = tpu.memref_slice %arg12[%mul3A_243, %dma_start3A] : memref<10064x128xf32, #tpu.memory_space<vmem_shared>> -> memref<80x128xf32, #tpu.memory_space<vmem_shared>>
      %dma_start3A_245 = arith.constant 0 : i32
      %dma_start3A_246 = tpu.memref_slice %arg2[%mul3A_243, %dma_start3A_245] : memref<10000x128xf32, #tpu.memory_space<hbm>> -> memref<80x128xf32, #tpu.memory_space<hbm>>
      tpu.enqueue_dma source(%dma_start3A_246 : memref<80x128xf32, #tpu.memory_space<hbm>>) target(%dma_start3A_244 : memref<80x128xf32, #tpu.memory_space<vmem_shared>>) target_semaphore(%arg15 : memref<!tpu.dma_semaphore, #tpu.memory_space<semaphore_mem>>)
    } else {
    }
    %add3A_54 = arith.constant 0 : i32
    %add3A_55 = arith.addi %arg1, %add3A_54 : i32
    %lt3A_56 = arith.constant 125 : i32
    %lt3A_57 = arith.cmpi slt, %add3A_55, %lt3A_56 : i32
    %convert_element_type3A_58 = arith.extui %lt3A_57 : i1 to i32
    %cond3A_59 = arith.constant 0 : i32
    %cond3A_60 = arith.cmpi ne, %convert_element_type3A_58, %cond3A_59 : i32
    scf.if %cond3A_60 {
      %mul3A_242 = arith.constant 80 : i32
      %mul3A_243 = arith.muli %add3A_55, %mul3A_242 : i32
      %dma_wait3A_244 = arith.constant 0 : i32
      %dma_wait3A_245 = tpu.memref_slice %arg12[%mul3A_243, %dma_wait3A_244] : memref<10064x128xf32, #tpu.memory_space<vmem_shared>> -> memref<80x128xf32, #tpu.memory_space<vmem_shared>>
      %dma_wait3A_246 = arith.constant 0 : i32
      %dma_wait3A_247 = tpu.memref_slice %arg2[%mul3A_243, %dma_wait3A_246] : memref<10000x128xf32, #tpu.memory_space<hbm>> -> memref<80x128xf32, #tpu.memory_space<hbm>>
      tpu.wait_dma2 semaphore(%arg15 : memref<!tpu.dma_semaphore, #tpu.memory_space<semaphore_mem>>) src(%dma_wait3A_247 : memref<80x128xf32, #tpu.memory_space<hbm>>) dst(%dma_wait3A_245 : memref<80x128xf32, #tpu.memory_space<vmem_shared>>)
    } else {
    }
    %add3A_61 = arith.constant 16 : i32
    %add3A_62 = arith.addi %arg1, %add3A_61 : i32
    %lt3A_63 = arith.constant 125 : i32
    %lt3A_64 = arith.cmpi slt, %add3A_62, %lt3A_63 : i32
    %convert_element_type3A_65 = arith.extui %lt3A_64 : i1 to i32
    %cond3A_66 = arith.constant 0 : i32
    %cond3A_67 = arith.cmpi ne, %convert_element_type3A_65, %cond3A_66 : i32
    scf.if %cond3A_67 {
      %mul3A_242 = arith.constant 80 : i32
      %mul3A_243 = arith.muli %add3A_62, %mul3A_242 : i32
      %dma_wait3A_244 = arith.constant 0 : i32
      %dma_wait3A_245 = tpu.memref_slice %arg12[%mul3A_243, %dma_wait3A_244] : memref<10064x128xf32, #tpu.memory_space<vmem_shared>> -> memref<80x128xf32, #tpu.memory_space<vmem_shared>>
      %dma_wait3A_246 = arith.constant 0 : i32
      %dma_wait3A_247 = tpu.memref_slice %arg2[%mul3A_243, %dma_wait3A_246] : memref<10000x128xf32, #tpu.memory_space<hbm>> -> memref<80x128xf32, #tpu.memory_space<hbm>>
      tpu.wait_dma2 semaphore(%arg15 : memref<!tpu.dma_semaphore, #tpu.memory_space<semaphore_mem>>) src(%dma_wait3A_247 : memref<80x128xf32, #tpu.memory_space<hbm>>) dst(%dma_wait3A_245 : memref<80x128xf32, #tpu.memory_space<vmem_shared>>)
    } else {
    }
    %add3A_68 = arith.constant 32 : i32
    %add3A_69 = arith.addi %arg1, %add3A_68 : i32
    %lt3A_70 = arith.constant 125 : i32
    %lt3A_71 = arith.cmpi slt, %add3A_69, %lt3A_70 : i32
    %convert_element_type3A_72 = arith.extui %lt3A_71 : i1 to i32
    %cond3A_73 = arith.constant 0 : i32
    %cond3A_74 = arith.cmpi ne, %convert_element_type3A_72, %cond3A_73 : i32
    scf.if %cond3A_74 {
      %mul3A_242 = arith.constant 80 : i32
      %mul3A_243 = arith.muli %add3A_69, %mul3A_242 : i32
      %dma_wait3A_244 = arith.constant 0 : i32
      %dma_wait3A_245 = tpu.memref_slice %arg12[%mul3A_243, %dma_wait3A_244] : memref<10064x128xf32, #tpu.memory_space<vmem_shared>> -> memref<80x128xf32, #tpu.memory_space<vmem_shared>>
      %dma_wait3A_246 = arith.constant 0 : i32
      %dma_wait3A_247 = tpu.memref_slice %arg2[%mul3A_243, %dma_wait3A_246] : memref<10000x128xf32, #tpu.memory_space<hbm>> -> memref<80x128xf32, #tpu.memory_space<hbm>>
      tpu.wait_dma2 semaphore(%arg15 : memref<!tpu.dma_semaphore, #tpu.memory_space<semaphore_mem>>) src(%dma_wait3A_247 : memref<80x128xf32, #tpu.memory_space<hbm>>) dst(%dma_wait3A_245 : memref<80x128xf32, #tpu.memory_space<vmem_shared>>)
    } else {
    }
    %add3A_75 = arith.constant 48 : i32
    %add3A_76 = arith.addi %arg1, %add3A_75 : i32
    %lt3A_77 = arith.constant 125 : i32
    %lt3A_78 = arith.cmpi slt, %add3A_76, %lt3A_77 : i32
    %convert_element_type3A_79 = arith.extui %lt3A_78 : i1 to i32
    %cond3A_80 = arith.constant 0 : i32
    %cond3A_81 = arith.cmpi ne, %convert_element_type3A_79, %cond3A_80 : i32
    scf.if %cond3A_81 {
      %mul3A_242 = arith.constant 80 : i32
      %mul3A_243 = arith.muli %add3A_76, %mul3A_242 : i32
      %dma_wait3A_244 = arith.constant 0 : i32
      %dma_wait3A_245 = tpu.memref_slice %arg12[%mul3A_243, %dma_wait3A_244] : memref<10064x128xf32, #tpu.memory_space<vmem_shared>> -> memref<80x128xf32, #tpu.memory_space<vmem_shared>>
      %dma_wait3A_246 = arith.constant 0 : i32
      %dma_wait3A_247 = tpu.memref_slice %arg2[%mul3A_243, %dma_wait3A_246] : memref<10000x128xf32, #tpu.memory_space<hbm>> -> memref<80x128xf32, #tpu.memory_space<hbm>>
      tpu.wait_dma2 semaphore(%arg15 : memref<!tpu.dma_semaphore, #tpu.memory_space<semaphore_mem>>) src(%dma_wait3A_247 : memref<80x128xf32, #tpu.memory_space<hbm>>) dst(%dma_wait3A_245 : memref<80x128xf32, #tpu.memory_space<vmem_shared>>)
    } else {
    }
    %add3A_82 = arith.constant 64 : i32
    %add3A_83 = arith.addi %arg1, %add3A_82 : i32
    %lt3A_84 = arith.constant 125 : i32
    %lt3A_85 = arith.cmpi slt, %add3A_83, %lt3A_84 : i32
    %convert_element_type3A_86 = arith.extui %lt3A_85 : i1 to i32
    %cond3A_87 = arith.constant 0 : i32
    %cond3A_88 = arith.cmpi ne, %convert_element_type3A_86, %cond3A_87 : i32
    scf.if %cond3A_88 {
      %mul3A_242 = arith.constant 80 : i32
      %mul3A_243 = arith.muli %add3A_83, %mul3A_242 : i32
      %dma_wait3A_244 = arith.constant 0 : i32
      %dma_wait3A_245 = tpu.memref_slice %arg12[%mul3A_243, %dma_wait3A_244] : memref<10064x128xf32, #tpu.memory_space<vmem_shared>> -> memref<80x128xf32, #tpu.memory_space<vmem_shared>>
      %dma_wait3A_246 = arith.constant 0 : i32
      %dma_wait3A_247 = tpu.memref_slice %arg2[%mul3A_243, %dma_wait3A_246] : memref<10000x128xf32, #tpu.memory_space<hbm>> -> memref<80x128xf32, #tpu.memory_space<hbm>>
      tpu.wait_dma2 semaphore(%arg15 : memref<!tpu.dma_semaphore, #tpu.memory_space<semaphore_mem>>) src(%dma_wait3A_247 : memref<80x128xf32, #tpu.memory_space<hbm>>) dst(%dma_wait3A_245 : memref<80x128xf32, #tpu.memory_space<vmem_shared>>)
    } else {
    }
    %add3A_89 = arith.constant 80 : i32
    %add3A_90 = arith.addi %arg1, %add3A_89 : i32
    %lt3A_91 = arith.constant 125 : i32
    %lt3A_92 = arith.cmpi slt, %add3A_90, %lt3A_91 : i32
    %convert_element_type3A_93 = arith.extui %lt3A_92 : i1 to i32
    %cond3A_94 = arith.constant 0 : i32
    %cond3A_95 = arith.cmpi ne, %convert_element_type3A_93, %cond3A_94 : i32
    scf.if %cond3A_95 {
      %mul3A_242 = arith.constant 80 : i32
      %mul3A_243 = arith.muli %add3A_90, %mul3A_242 : i32
      %dma_wait3A_244 = arith.constant 0 : i32
      %dma_wait3A_245 = tpu.memref_slice %arg12[%mul3A_243, %dma_wait3A_244] : memref<10064x128xf32, #tpu.memory_space<vmem_shared>> -> memref<80x128xf32, #tpu.memory_space<vmem_shared>>
      %dma_wait3A_246 = arith.constant 0 : i32
      %dma_wait3A_247 = tpu.memref_slice %arg2[%mul3A_243, %dma_wait3A_246] : memref<10000x128xf32, #tpu.memory_space<hbm>> -> memref<80x128xf32, #tpu.memory_space<hbm>>
      tpu.wait_dma2 semaphore(%arg15 : memref<!tpu.dma_semaphore, #tpu.memory_space<semaphore_mem>>) src(%dma_wait3A_247 : memref<80x128xf32, #tpu.memory_space<hbm>>) dst(%dma_wait3A_245 : memref<80x128xf32, #tpu.memory_space<vmem_shared>>)
    } else {
    }
    %add3A_96 = arith.constant 96 : i32
    %add3A_97 = arith.addi %arg1, %add3A_96 : i32
    %lt3A_98 = arith.constant 125 : i32
    %lt3A_99 = arith.cmpi slt, %add3A_97, %lt3A_98 : i32
    %convert_element_type3A_100 = arith.extui %lt3A_99 : i1 to i32
    %cond3A_101 = arith.constant 0 : i32
    %cond3A_102 = arith.cmpi ne, %convert_element_type3A_100, %cond3A_101 : i32
    scf.if %cond3A_102 {
      %mul3A_242 = arith.constant 80 : i32
      %mul3A_243 = arith.muli %add3A_97, %mul3A_242 : i32
      %dma_wait3A_244 = arith.constant 0 : i32
      %dma_wait3A_245 = tpu.memref_slice %arg12[%mul3A_243, %dma_wait3A_244] : memref<10064x128xf32, #tpu.memory_space<vmem_shared>> -> memref<80x128xf32, #tpu.memory_space<vmem_shared>>
      %dma_wait3A_246 = arith.constant 0 : i32
      %dma_wait3A_247 = tpu.memref_slice %arg2[%mul3A_243, %dma_wait3A_246] : memref<10000x128xf32, #tpu.memory_space<hbm>> -> memref<80x128xf32, #tpu.memory_space<hbm>>
      tpu.wait_dma2 semaphore(%arg15 : memref<!tpu.dma_semaphore, #tpu.memory_space<semaphore_mem>>) src(%dma_wait3A_247 : memref<80x128xf32, #tpu.memory_space<hbm>>) dst(%dma_wait3A_245 : memref<80x128xf32, #tpu.memory_space<vmem_shared>>)
    } else {
    }
    %add3A_103 = arith.constant 112 : i32
    %add3A_104 = arith.addi %arg1, %add3A_103 : i32
    %lt3A_105 = arith.constant 125 : i32
    %lt3A_106 = arith.cmpi slt, %add3A_104, %lt3A_105 : i32
    %convert_element_type3A_107 = arith.extui %lt3A_106 : i1 to i32
    %cond3A_108 = arith.constant 0 : i32
    %cond3A_109 = arith.cmpi ne, %convert_element_type3A_107, %cond3A_108 : i32
    scf.if %cond3A_109 {
      %mul3A_242 = arith.constant 80 : i32
      %mul3A_243 = arith.muli %add3A_104, %mul3A_242 : i32
      %dma_wait3A_244 = arith.constant 0 : i32
      %dma_wait3A_245 = tpu.memref_slice %arg12[%mul3A_243, %dma_wait3A_244] : memref<10064x128xf32, #tpu.memory_space<vmem_shared>> -> memref<80x128xf32, #tpu.memory_space<vmem_shared>>
      %dma_wait3A_246 = arith.constant 0 : i32
      %dma_wait3A_247 = tpu.memref_slice %arg2[%mul3A_243, %dma_wait3A_246] : memref<10000x128xf32, #tpu.memory_space<hbm>> -> memref<80x128xf32, #tpu.memory_space<hbm>>
      tpu.wait_dma2 semaphore(%arg15 : memref<!tpu.dma_semaphore, #tpu.memory_space<semaphore_mem>>) src(%dma_wait3A_247 : memref<80x128xf32, #tpu.memory_space<hbm>>) dst(%dma_wait3A_245 : memref<80x128xf32, #tpu.memory_space<vmem_shared>>)
    } else {
    }
    %barrier3A = arith.constant 0 : index
    tpu.barrier barrier_id(%barrier3A)
    %mul3A_110 = arith.constant 80 : i32
    %mul3A_111 = arith.muli %add3A, %mul3A_110 : i32
    %scan3A = arith.constant 0 : i32
    %scan3A_112 = arith.constant 0 : i32
    %scan3A_113 = arith.constant 5 : i32
    %scan3A_114 = arith.addi %scan3A_112, %scan3A_113 : i32
    %scan3A_115 = arith.constant 1 : i32
    scf.for %scan3A_242 = %scan3A_112 to %scan3A_114 step %scan3A_115  : i32 {
      %mul3A_243 = arith.constant 16 : i32
      %mul3A_244 = arith.muli %scan3A_242, %mul3A_243 : i32
      %add3A_245 = arith.addi %mul3A_111, %mul3A_244 : i32
      %eq3A = arith.constant 0 : i32
      %eq3A_246 = arith.cmpi eq, %scan3A_242, %eq3A : i32
      %convert_element_type3A_247 = arith.extui %eq3A_246 : i1 to i32
      %cond3A_248 = arith.constant 0 : i32
      %cond3A_249 = arith.cmpi ne, %convert_element_type3A_247, %cond3A_248 : i32
      scf.if %cond3A_249 {
        "tpu.region"() ({
          %run_scoped3A_506 = tpu.sem_alloc : memref<!tpu.dma_semaphore, #tpu.memory_space<semaphore_mem>>
          %dma_start3A_507 = arith.constant 0 : i32
          %dma_start3A_508 = tpu.memref_slice %arg3[%add3A_245, %dma_start3A_507] : memref<2560x128xi32, #tpu.memory_space<hbm>> -> memref<8x128xi32, #tpu.memory_space<hbm>>
          %dma_start3A_509 = arith.constant 0 : i32
          %dma_start3A_510 = tpu.memref_slice %arg3[%add3A_245, %dma_start3A_509] : memref<2560x128xi32, #tpu.memory_space<hbm>> -> memref<8x128xi32, #tpu.memory_space<hbm>>
          tpu.enqueue_dma source(%dma_start3A_510 : memref<8x128xi32, #tpu.memory_space<hbm>>) target(%arg6 : memref<8x128xi32, #tpu.memory_space<vmem>>) target_semaphore(%run_scoped3A_506 : memref<!tpu.dma_semaphore, #tpu.memory_space<semaphore_mem>>)
          %dma_wait3A_511 = arith.constant 0 : i32
          %dma_wait3A_512 = tpu.memref_slice %arg3[%add3A_245, %dma_wait3A_511] : memref<2560x128xi32, #tpu.memory_space<hbm>> -> memref<8x128xi32, #tpu.memory_space<hbm>>
          %dma_wait3A_513 = arith.constant 0 : i32
          %dma_wait3A_514 = tpu.memref_slice %arg3[%add3A_245, %dma_wait3A_513] : memref<2560x128xi32, #tpu.memory_space<hbm>> -> memref<8x128xi32, #tpu.memory_space<hbm>>
          tpu.wait_dma2 semaphore(%run_scoped3A_506 : memref<!tpu.dma_semaphore, #tpu.memory_space<semaphore_mem>>) src(%dma_wait3A_514 : memref<8x128xi32, #tpu.memory_space<hbm>>) dst(%arg6 : memref<8x128xi32, #tpu.memory_space<vmem>>)
          tpu.yield
        }) : () -> ()
        "tpu.region"() ({
          %run_scoped3A_506 = tpu.sem_alloc : memref<!tpu.dma_semaphore, #tpu.memory_space<semaphore_mem>>
          %dma_start3A_507 = arith.constant 0 : i32
          %dma_start3A_508 = tpu.memref_slice %arg4[%add3A_245, %dma_start3A_507] : memref<2560x128xi32, #tpu.memory_space<hbm>> -> memref<8x128xi32, #tpu.memory_space<hbm>>
          %dma_start3A_509 = arith.constant 0 : i32
          %dma_start3A_510 = tpu.memref_slice %arg4[%add3A_245, %dma_start3A_509] : memref<2560x128xi32, #tpu.memory_space<hbm>> -> memref<8x128xi32, #tpu.memory_space<hbm>>
          tpu.enqueue_dma source(%dma_start3A_510 : memref<8x128xi32, #tpu.memory_space<hbm>>) target(%arg8 : memref<8x128xi32, #tpu.memory_space<vmem>>) target_semaphore(%run_scoped3A_506 : memref<!tpu.dma_semaphore, #tpu.memory_space<semaphore_mem>>)
          %dma_wait3A_511 = arith.constant 0 : i32
          %dma_wait3A_512 = tpu.memref_slice %arg4[%add3A_245, %dma_wait3A_511] : memref<2560x128xi32, #tpu.memory_space<hbm>> -> memref<8x128xi32, #tpu.memory_space<hbm>>
          %dma_wait3A_513 = arith.constant 0 : i32
          %dma_wait3A_514 = tpu.memref_slice %arg4[%add3A_245, %dma_wait3A_513] : memref<2560x128xi32, #tpu.memory_space<hbm>> -> memref<8x128xi32, #tpu.memory_space<hbm>>
          tpu.wait_dma2 semaphore(%run_scoped3A_506 : memref<!tpu.dma_semaphore, #tpu.memory_space<semaphore_mem>>) src(%dma_wait3A_514 : memref<8x128xi32, #tpu.memory_space<hbm>>) dst(%arg8 : memref<8x128xi32, #tpu.memory_space<vmem>>)
          tpu.yield
        }) : () -> ()
      } else {
      }
      %gt3A = arith.constant 0 : i32
      %gt3A_250 = arith.cmpi sgt, %scan3A_242, %gt3A : i32
      %convert_element_type3A_251 = arith.extui %gt3A_250 : i1 to i32
      %cond3A_252 = arith.constant 0 : i32
      %cond3A_253 = arith.cmpi ne, %convert_element_type3A_251, %cond3A_252 : i32
      scf.if %cond3A_253 {
        %dma_wait3A_506 = arith.constant 0 : i32
        %dma_wait3A_507 = tpu.memref_slice %arg3[%add3A_245, %dma_wait3A_506] : memref<2560x128xi32, #tpu.memory_space<hbm>> -> memref<8x128xi32, #tpu.memory_space<hbm>>
        %dma_wait3A_508 = arith.constant 0 : i32
        %dma_wait3A_509 = tpu.memref_slice %arg3[%add3A_245, %dma_wait3A_508] : memref<2560x128xi32, #tpu.memory_space<hbm>> -> memref<8x128xi32, #tpu.memory_space<hbm>>
        tpu.wait_dma2 semaphore(%arg16 : memref<!tpu.dma_semaphore, #tpu.memory_space<semaphore_mem>>) src(%dma_wait3A_509 : memref<8x128xi32, #tpu.memory_space<hbm>>) dst(%arg6 : memref<8x128xi32, #tpu.memory_space<vmem>>)
        %dma_wait3A_510 = arith.constant 0 : i32
        %dma_wait3A_511 = tpu.memref_slice %arg4[%add3A_245, %dma_wait3A_510] : memref<2560x128xi32, #tpu.memory_space<hbm>> -> memref<8x128xi32, #tpu.memory_space<hbm>>
        %dma_wait3A_512 = arith.constant 0 : i32
        %dma_wait3A_513 = tpu.memref_slice %arg4[%add3A_245, %dma_wait3A_512] : memref<2560x128xi32, #tpu.memory_space<hbm>> -> memref<8x128xi32, #tpu.memory_space<hbm>>
        tpu.wait_dma2 semaphore(%arg16 : memref<!tpu.dma_semaphore, #tpu.memory_space<semaphore_mem>>) src(%dma_wait3A_513 : memref<8x128xi32, #tpu.memory_space<hbm>>) dst(%arg8 : memref<8x128xi32, #tpu.memory_space<vmem>>)
        %dma_wait3A_514 = arith.constant 0 : i32
        %dma_wait3A_515 = arith.constant 0 : i32
        %dma_wait3A_516 = tpu.memref_slice %arg2[%dma_wait3A_514, %dma_wait3A_515] : memref<10000x128xf32, #tpu.memory_space<hbm>> -> memref<128x128xf32, #tpu.memory_space<hbm>>
        %dma_wait3A_517 = arith.constant 0 : i32
        %dma_wait3A_518 = arith.constant 0 : i32
        %dma_wait3A_519 = tpu.memref_slice %arg2[%dma_wait3A_517, %dma_wait3A_518] : memref<10000x128xf32, #tpu.memory_space<hbm>> -> memref<128x128xf32, #tpu.memory_space<hbm>>
        tpu.wait_dma2 semaphore(%arg13 : memref<!tpu.dma_semaphore, #tpu.memory_space<semaphore_mem>>) src(%dma_wait3A_519 : memref<128x128xf32, #tpu.memory_space<hbm>>) dst(%arg10 : memref<128x128xf32, #tpu.memory_space<vmem>>)
        %run_scoped3A_520 = arith.constant 6 : i32
        "tpu.region"() ({
          %run_scoped3A_528 = tpu.sem_alloc : memref<!tpu.dma_semaphore, #tpu.memory_space<semaphore_mem>>
          %dma_start3A_529 = arith.constant 0 : i32
          %dma_start3A_530 = tpu.memref_slice %arg9[%run_scoped3A_520, %dma_start3A_529] : memref<8x128xi32, #tpu.memory_space<vmem>> -> memref<1x128xi32, #tpu.memory_space<vmem>>
          %dma_start3A_531 = tpu.memref_squeeze %dma_start3A_530 : memref<1x128xi32, #tpu.memory_space<vmem>> -> memref<128xi32, #tpu.memory_space<vmem>>
          %dma_start3A_532 = arith.constant 0 : i32
          %dma_start3A_533 = arith.constant 0 : i32
          %dma_start3A_534 = tpu.memref_slice %arg12[%dma_start3A_532, %dma_start3A_533] : memref<10064x128xf32, #tpu.memory_space<vmem_shared>> -> memref<10064x128xf32, #tpu.memory_space<vmem_shared>>
          tpu.enqueue_indirect_dma source(%arg10 : memref<128x128xf32, #tpu.memory_space<vmem>>) target(%dma_start3A_534 : memref<10064x128xf32, #tpu.memory_space<vmem_shared>>) offsets(%dma_start3A_531 : memref<128xi32, #tpu.memory_space<vmem>>) semaphore(%run_scoped3A_528 : memref<!tpu.dma_semaphore, #tpu.memory_space<semaphore_mem>>) {add = true}
          %dma_wait3A_535 = arith.constant 0 : i32
          %dma_wait3A_536 = tpu.memref_slice %arg9[%run_scoped3A_520, %dma_wait3A_535] : memref<8x128xi32, #tpu.memory_space<vmem>> -> memref<1x128xi32, #tpu.memory_space<vmem>>
          %dma_wait3A_537 = tpu.memref_squeeze %dma_wait3A_536 : memref<1x128xi32, #tpu.memory_space<vmem>> -> memref<128xi32, #tpu.memory_space<vmem>>
          %dma_wait3A_538 = arith.constant 0 : i32
          %dma_wait3A_539 = arith.constant 0 : i32
          %dma_wait3A_540 = tpu.memref_slice %arg12[%dma_wait3A_538, %dma_wait3A_539] : memref<10064x128xf32, #tpu.memory_space<vmem_shared>> -> memref<10064x128xf32, #tpu.memory_space<vmem_shared>>
          tpu.wait_indirect_dma semaphore(%run_scoped3A_528 : memref<!tpu.dma_semaphore, #tpu.memory_space<semaphore_mem>>) src(%arg10 : memref<128x128xf32, #tpu.memory_space<vmem>>) dst(%dma_wait3A_540 : memref<10064x128xf32, #tpu.memory_space<vmem_shared>>)
          tpu.yield
        }) : () -> ()
        %dma_wait3A_521 = arith.constant 0 : i32
        %dma_wait3A_522 = arith.constant 0 : i32
        %dma_wait3A_523 = tpu.memref_slice %arg2[%dma_wait3A_521, %dma_wait3A_522] : memref<10000x128xf32, #tpu.memory_space<hbm>> -> memref<128x128xf32, #tpu.memory_space<hbm>>
        %dma_wait3A_524 = arith.constant 0 : i32
        %dma_wait3A_525 = arith.constant 0 : i32
        %dma_wait3A_526 = tpu.memref_slice %arg2[%dma_wait3A_524, %dma_wait3A_525] : memref<10000x128xf32, #tpu.memory_space<hbm>> -> memref<128x128xf32, #tpu.memory_space<hbm>>
        tpu.wait_dma2 semaphore(%arg14 : memref<!tpu.dma_semaphore, #tpu.memory_space<semaphore_mem>>) src(%dma_wait3A_526 : memref<128x128xf32, #tpu.memory_space<hbm>>) dst(%arg11 : memref<128x128xf32, #tpu.memory_space<vmem>>)
        %run_scoped3A_527 = arith.constant 7 : i32
        "tpu.region"() ({
          %run_scoped3A_528 = tpu.sem_alloc : memref<!tpu.dma_semaphore, #tpu.memory_space<semaphore_mem>>
          %dma_start3A_529 = arith.constant 0 : i32
          %dma_start3A_530 = tpu.memref_slice %arg9[%run_scoped3A_527, %dma_start3A_529] : memref<8x128xi32, #tpu.memory_space<vmem>> -> memref<1x128xi32, #tpu.memory_space<vmem>>
          %dma_start3A_531 = tpu.memref_squeeze %dma_start3A_530 : memref<1x128xi32, #tpu.memory_space<vmem>> -> memref<128xi32, #tpu.memory_space<vmem>>
          %dma_start3A_532 = arith.constant 0 : i32
          %dma_start3A_533 = arith.constant 0 : i32
          %dma_start3A_534 = tpu.memref_slice %arg12[%dma_start3A_532, %dma_start3A_533] : memref<10064x128xf32, #tpu.memory_space<vmem_shared>> -> memref<10064x128xf32, #tpu.memory_space<vmem_shared>>
          tpu.enqueue_indirect_dma source(%arg11 : memref<128x128xf32, #tpu.memory_space<vmem>>) target(%dma_start3A_534 : memref<10064x128xf32, #tpu.memory_space<vmem_shared>>) offsets(%dma_start3A_531 : memref<128xi32, #tpu.memory_space<vmem>>) semaphore(%run_scoped3A_528 : memref<!tpu.dma_semaphore, #tpu.memory_space<semaphore_mem>>) {add = true}
          %dma_wait3A_535 = arith.constant 0 : i32
          %dma_wait3A_536 = tpu.memref_slice %arg9[%run_scoped3A_527, %dma_wait3A_535] : memref<8x128xi32, #tpu.memory_space<vmem>> -> memref<1x128xi32, #tpu.memory_space<vmem>>
          %dma_wait3A_537 = tpu.memref_squeeze %dma_wait3A_536 : memref<1x128xi32, #tpu.memory_space<vmem>> -> memref<128xi32, #tpu.memory_space<vmem>>
          %dma_wait3A_538 = arith.constant 0 : i32
          %dma_wait3A_539 = arith.constant 0 : i32
          %dma_wait3A_540 = tpu.memref_slice %arg12[%dma_wait3A_538, %dma_wait3A_539] : memref<10064x128xf32, #tpu.memory_space<vmem_shared>> -> memref<10064x128xf32, #tpu.memory_space<vmem_shared>>
          tpu.wait_indirect_dma semaphore(%run_scoped3A_528 : memref<!tpu.dma_semaphore, #tpu.memory_space<semaphore_mem>>) src(%arg11 : memref<128x128xf32, #tpu.memory_space<vmem>>) dst(%dma_wait3A_540 : memref<10064x128xf32, #tpu.memory_space<vmem_shared>>)
          tpu.yield
        }) : () -> ()
      } else {
      }
      %add3A_254 = arith.constant 8 : i32
      %add3A_255 = arith.addi %add3A_245, %add3A_254 : i32
      %dma_start3A = arith.constant 0 : i32
      %dma_start3A_256 = tpu.memref_slice %arg3[%add3A_255, %dma_start3A] : memref<2560x128xi32, #tpu.memory_space<hbm>> -> memref<8x128xi32, #tpu.memory_space<hbm>>
      %dma_start3A_257 = arith.constant 0 : i32
      %dma_start3A_258 = tpu.memref_slice %arg3[%add3A_255, %dma_start3A_257] : memref<2560x128xi32, #tpu.memory_space<hbm>> -> memref<8x128xi32, #tpu.memory_space<hbm>>
      tpu.enqueue_dma source(%dma_start3A_258 : memref<8x128xi32, #tpu.memory_space<hbm>>) target(%arg7 : memref<8x128xi32, #tpu.memory_space<vmem>>) target_semaphore(%arg17 : memref<!tpu.dma_semaphore, #tpu.memory_space<semaphore_mem>>)
      %add3A_259 = arith.constant 8 : i32
      %add3A_260 = arith.addi %add3A_245, %add3A_259 : i32
      %dma_start3A_261 = arith.constant 0 : i32
      %dma_start3A_262 = tpu.memref_slice %arg4[%add3A_260, %dma_start3A_261] : memref<2560x128xi32, #tpu.memory_space<hbm>> -> memref<8x128xi32, #tpu.memory_space<hbm>>
      %dma_start3A_263 = arith.constant 0 : i32
      %dma_start3A_264 = tpu.memref_slice %arg4[%add3A_260, %dma_start3A_263] : memref<2560x128xi32, #tpu.memory_space<hbm>> -> memref<8x128xi32, #tpu.memory_space<hbm>>
      tpu.enqueue_dma source(%dma_start3A_264 : memref<8x128xi32, #tpu.memory_space<hbm>>) target(%arg9 : memref<8x128xi32, #tpu.memory_space<vmem>>) target_semaphore(%arg17 : memref<!tpu.dma_semaphore, #tpu.memory_space<semaphore_mem>>)
      %dma_start3A_265 = arith.constant 0 : i32
      %dma_start3A_266 = arith.constant 0 : i32
      %dma_start3A_267 = tpu.memref_slice %arg6[%dma_start3A_265, %dma_start3A_266] : memref<8x128xi32, #tpu.memory_space<vmem>> -> memref<1x128xi32, #tpu.memory_space<vmem>>
      %dma_start3A_268 = tpu.memref_squeeze %dma_start3A_267 : memref<1x128xi32, #tpu.memory_space<vmem>> -> memref<128xi32, #tpu.memory_space<vmem>>
      %dma_start3A_269 = arith.constant 0 : i32
      %dma_start3A_270 = arith.constant 0 : i32
      %dma_start3A_271 = tpu.memref_slice %arg2[%dma_start3A_269, %dma_start3A_270] : memref<10000x128xf32, #tpu.memory_space<hbm>> -> memref<10000x128xf32, #tpu.memory_space<hbm>>
      tpu.enqueue_indirect_dma source(%dma_start3A_271 : memref<10000x128xf32, #tpu.memory_space<hbm>>) target(%arg10 : memref<128x128xf32, #tpu.memory_space<vmem>>) offsets(%dma_start3A_268 : memref<128xi32, #tpu.memory_space<vmem>>) semaphore(%arg13 : memref<!tpu.dma_semaphore, #tpu.memory_space<semaphore_mem>>)
      %dma_start3A_272 = arith.constant 1 : i32
      %dma_start3A_273 = arith.constant 0 : i32
      %dma_start3A_274 = tpu.memref_slice %arg6[%dma_start3A_272, %dma_start3A_273] : memref<8x128xi32, #tpu.memory_space<vmem>> -> memref<1x128xi32, #tpu.memory_space<vmem>>
      %dma_start3A_275 = tpu.memref_squeeze %dma_start3A_274 : memref<1x128xi32, #tpu.memory_space<vmem>> -> memref<128xi32, #tpu.memory_space<vmem>>
      %dma_start3A_276 = arith.constant 0 : i32
      %dma_start3A_277 = arith.constant 0 : i32
      %dma_start3A_278 = tpu.memref_slice %arg2[%dma_start3A_276, %dma_start3A_277] : memref<10000x128xf32, #tpu.memory_space<hbm>> -> memref<10000x128xf32, #tpu.memory_space<hbm>>
      tpu.enqueue_indirect_dma source(%dma_start3A_278 : memref<10000x128xf32, #tpu.memory_space<hbm>>) target(%arg11 : memref<128x128xf32, #tpu.memory_space<vmem>>) offsets(%dma_start3A_275 : memref<128xi32, #tpu.memory_space<vmem>>) semaphore(%arg14 : memref<!tpu.dma_semaphore, #tpu.memory_space<semaphore_mem>>)
      %dma_wait3A_279 = arith.constant 0 : i32
      %dma_wait3A_280 = arith.constant 0 : i32
      %dma_wait3A_281 = tpu.memref_slice %arg6[%dma_wait3A_279, %dma_wait3A_280] : memref<8x128xi32, #tpu.memory_space<vmem>> -> memref<1x128xi32, #tpu.memory_space<vmem>>
      %dma_wait3A_282 = tpu.memref_squeeze %dma_wait3A_281 : memref<1x128xi32, #tpu.memory_space<vmem>> -> memref<128xi32, #tpu.memory_space<vmem>>
      %dma_wait3A_283 = arith.constant 0 : i32
      %dma_wait3A_284 = arith.constant 0 : i32
      %dma_wait3A_285 = tpu.memref_slice %arg2[%dma_wait3A_283, %dma_wait3A_284] : memref<10000x128xf32, #tpu.memory_space<hbm>> -> memref<10000x128xf32, #tpu.memory_space<hbm>>
      tpu.wait_indirect_dma semaphore(%arg13 : memref<!tpu.dma_semaphore, #tpu.memory_space<semaphore_mem>>) src(%dma_wait3A_285 : memref<10000x128xf32, #tpu.memory_space<hbm>>) dst(%arg10 : memref<128x128xf32, #tpu.memory_space<vmem>>)
      %run_scoped3A_286 = arith.constant 0 : i32
      "tpu.region"() ({
        %run_scoped3A_506 = tpu.sem_alloc : memref<!tpu.dma_semaphore, #tpu.memory_space<semaphore_mem>>
        %dma_start3A_507 = arith.constant 0 : i32
        %dma_start3A_508 = tpu.memref_slice %arg8[%run_scoped3A_286, %dma_start3A_507] : memref<8x128xi32, #tpu.memory_space<vmem>> -> memref<1x128xi32, #tpu.memory_space<vmem>>
        %dma_start3A_509 = tpu.memref_squeeze %dma_start3A_508 : memref<1x128xi32, #tpu.memory_space<vmem>> -> memref<128xi32, #tpu.memory_space<vmem>>
        %dma_start3A_510 = arith.constant 0 : i32
        %dma_start3A_511 = arith.constant 0 : i32
        %dma_start3A_512 = tpu.memref_slice %arg12[%dma_start3A_510, %dma_start3A_511] : memref<10064x128xf32, #tpu.memory_space<vmem_shared>> -> memref<10064x128xf32, #tpu.memory_space<vmem_shared>>
        tpu.enqueue_indirect_dma source(%arg10 : memref<128x128xf32, #tpu.memory_space<vmem>>) target(%dma_start3A_512 : memref<10064x128xf32, #tpu.memory_space<vmem_shared>>) offsets(%dma_start3A_509 : memref<128xi32, #tpu.memory_space<vmem>>) semaphore(%run_scoped3A_506 : memref<!tpu.dma_semaphore, #tpu.memory_space<semaphore_mem>>) {add = true}
        %dma_wait3A_513 = arith.constant 0 : i32
        %dma_wait3A_514 = tpu.memref_slice %arg8[%run_scoped3A_286, %dma_wait3A_513] : memref<8x128xi32, #tpu.memory_space<vmem>> -> memref<1x128xi32, #tpu.memory_space<vmem>>
        %dma_wait3A_515 = tpu.memref_squeeze %dma_wait3A_514 : memref<1x128xi32, #tpu.memory_space<vmem>> -> memref<128xi32, #tpu.memory_space<vmem>>
        %dma_wait3A_516 = arith.constant 0 : i32
        %dma_wait3A_517 = arith.constant 0 : i32
        %dma_wait3A_518 = tpu.memref_slice %arg12[%dma_wait3A_516, %dma_wait3A_517] : memref<10064x128xf32, #tpu.memory_space<vmem_shared>> -> memref<10064x128xf32, #tpu.memory_space<vmem_shared>>
        tpu.wait_indirect_dma semaphore(%run_scoped3A_506 : memref<!tpu.dma_semaphore, #tpu.memory_space<semaphore_mem>>) src(%arg10 : memref<128x128xf32, #tpu.memory_space<vmem>>) dst(%dma_wait3A_518 : memref<10064x128xf32, #tpu.memory_space<vmem_shared>>)
        tpu.yield
      }) : () -> ()
      %dma_start3A_287 = arith.constant 2 : i32
      %dma_start3A_288 = arith.constant 0 : i32
      %dma_start3A_289 = tpu.memref_slice %arg6[%dma_start3A_287, %dma_start3A_288] : memref<8x128xi32, #tpu.memory_space<vmem>> -> memref<1x128xi32, #tpu.memory_space<vmem>>
      %dma_start3A_290 = tpu.memref_squeeze %dma_start3A_289 : memref<1x128xi32, #tpu.memory_space<vmem>> -> memref<128xi32, #tpu.memory_space<vmem>>
      %dma_start3A_291 = arith.constant 0 : i32
      %dma_start3A_292 = arith.constant 0 : i32
      %dma_start3A_293 = tpu.memref_slice %arg2[%dma_start3A_291, %dma_start3A_292] : memref<10000x128xf32, #tpu.memory_space<hbm>> -> memref<10000x128xf32, #tpu.memory_space<hbm>>
      tpu.enqueue_indirect_dma source(%dma_start3A_293 : memref<10000x128xf32, #tpu.memory_space<hbm>>) target(%arg10 : memref<128x128xf32, #tpu.memory_space<vmem>>) offsets(%dma_start3A_290 : memref<128xi32, #tpu.memory_space<vmem>>) semaphore(%arg13 : memref<!tpu.dma_semaphore, #tpu.memory_space<semaphore_mem>>)
      %dma_wait3A_294 = arith.constant 1 : i32
      %dma_wait3A_295 = arith.constant 0 : i32
      %dma_wait3A_296 = tpu.memref_slice %arg6[%dma_wait3A_294, %dma_wait3A_295] : memref<8x128xi32, #tpu.memory_space<vmem>> -> memref<1x128xi32, #tpu.memory_space<vmem>>
      %dma_wait3A_297 = tpu.memref_squeeze %dma_wait3A_296 : memref<1x128xi32, #tpu.memory_space<vmem>> -> memref<128xi32, #tpu.memory_space<vmem>>
      %dma_wait3A_298 = arith.constant 0 : i32
      %dma_wait3A_299 = arith.constant 0 : i32
      %dma_wait3A_300 = tpu.memref_slice %arg2[%dma_wait3A_298, %dma_wait3A_299] : memref<10000x128xf32, #tpu.memory_space<hbm>> -> memref<10000x128xf32, #tpu.memory_space<hbm>>
      tpu.wait_indirect_dma semaphore(%arg14 : memref<!tpu.dma_semaphore, #tpu.memory_space<semaphore_mem>>) src(%dma_wait3A_300 : memref<10000x128xf32, #tpu.memory_space<hbm>>) dst(%arg11 : memref<128x128xf32, #tpu.memory_space<vmem>>)
      %run_scoped3A_301 = arith.constant 1 : i32
      "tpu.region"() ({
        %run_scoped3A_506 = tpu.sem_alloc : memref<!tpu.dma_semaphore, #tpu.memory_space<semaphore_mem>>
        %dma_start3A_507 = arith.constant 0 : i32
        %dma_start3A_508 = tpu.memref_slice %arg8[%run_scoped3A_301, %dma_start3A_507] : memref<8x128xi32, #tpu.memory_space<vmem>> -> memref<1x128xi32, #tpu.memory_space<vmem>>
        %dma_start3A_509 = tpu.memref_squeeze %dma_start3A_508 : memref<1x128xi32, #tpu.memory_space<vmem>> -> memref<128xi32, #tpu.memory_space<vmem>>
        %dma_start3A_510 = arith.constant 0 : i32
        %dma_start3A_511 = arith.constant 0 : i32
        %dma_start3A_512 = tpu.memref_slice %arg12[%dma_start3A_510, %dma_start3A_511] : memref<10064x128xf32, #tpu.memory_space<vmem_shared>> -> memref<10064x128xf32, #tpu.memory_space<vmem_shared>>
        tpu.enqueue_indirect_dma source(%arg11 : memref<128x128xf32, #tpu.memory_space<vmem>>) target(%dma_start3A_512 : memref<10064x128xf32, #tpu.memory_space<vmem_shared>>) offsets(%dma_start3A_509 : memref<128xi32, #tpu.memory_space<vmem>>) semaphore(%run_scoped3A_506 : memref<!tpu.dma_semaphore, #tpu.memory_space<semaphore_mem>>) {add = true}
        %dma_wait3A_513 = arith.constant 0 : i32
        %dma_wait3A_514 = tpu.memref_slice %arg8[%run_scoped3A_301, %dma_wait3A_513] : memref<8x128xi32, #tpu.memory_space<vmem>> -> memref<1x128xi32, #tpu.memory_space<vmem>>
        %dma_wait3A_515 = tpu.memref_squeeze %dma_wait3A_514 : memref<1x128xi32, #tpu.memory_space<vmem>> -> memref<128xi32, #tpu.memory_space<vmem>>
        %dma_wait3A_516 = arith.constant 0 : i32
        %dma_wait3A_517 = arith.constant 0 : i32
        %dma_wait3A_518 = tpu.memref_slice %arg12[%dma_wait3A_516, %dma_wait3A_517] : memref<10064x128xf32, #tpu.memory_space<vmem_shared>> -> memref<10064x128xf32, #tpu.memory_space<vmem_shared>>
        tpu.wait_indirect_dma semaphore(%run_scoped3A_506 : memref<!tpu.dma_semaphore, #tpu.memory_space<semaphore_mem>>) src(%arg11 : memref<128x128xf32, #tpu.memory_space<vmem>>) dst(%dma_wait3A_518 : memref<10064x128xf32, #tpu.memory_space<vmem_shared>>)
        tpu.yield
      }) : () -> ()
      %dma_start3A_302 = arith.constant 3 : i32
      %dma_start3A_303 = arith.constant 0 : i32
      %dma_start3A_304 = tpu.memref_slice %arg6[%dma_start3A_302, %dma_start3A_303] : memref<8x128xi32, #tpu.memory_space<vmem>> -> memref<1x128xi32, #tpu.memory_space<vmem>>
      %dma_start3A_305 = tpu.memref_squeeze %dma_start3A_304 : memref<1x128xi32, #tpu.memory_space<vmem>> -> memref<128xi32, #tpu.memory_space<vmem>>
      %dma_start3A_306 = arith.constant 0 : i32
      %dma_start3A_307 = arith.constant 0 : i32
      %dma_start3A_308 = tpu.memref_slice %arg2[%dma_start3A_306, %dma_start3A_307] : memref<10000x128xf32, #tpu.memory_space<hbm>> -> memref<10000x128xf32, #tpu.memory_space<hbm>>
      tpu.enqueue_indirect_dma source(%dma_start3A_308 : memref<10000x128xf32, #tpu.memory_space<hbm>>) target(%arg11 : memref<128x128xf32, #tpu.memory_space<vmem>>) offsets(%dma_start3A_305 : memref<128xi32, #tpu.memory_space<vmem>>) semaphore(%arg14 : memref<!tpu.dma_semaphore, #tpu.memory_space<semaphore_mem>>)
      %dma_wait3A_309 = arith.constant 2 : i32
      %dma_wait3A_310 = arith.constant 0 : i32
      %dma_wait3A_311 = tpu.memref_slice %arg6[%dma_wait3A_309, %dma_wait3A_310] : memref<8x128xi32, #tpu.memory_space<vmem>> -> memref<1x128xi32, #tpu.memory_space<vmem>>
      %dma_wait3A_312 = tpu.memref_squeeze %dma_wait3A_311 : memref<1x128xi32, #tpu.memory_space<vmem>> -> memref<128xi32, #tpu.memory_space<vmem>>
      %dma_wait3A_313 = arith.constant 0 : i32
      %dma_wait3A_314 = arith.constant 0 : i32
      %dma_wait3A_315 = tpu.memref_slice %arg2[%dma_wait3A_313, %dma_wait3A_314] : memref<10000x128xf32, #tpu.memory_space<hbm>> -> memref<10000x128xf32, #tpu.memory_space<hbm>>
      tpu.wait_indirect_dma semaphore(%arg13 : memref<!tpu.dma_semaphore, #tpu.memory_space<semaphore_mem>>) src(%dma_wait3A_315 : memref<10000x128xf32, #tpu.memory_space<hbm>>) dst(%arg10 : memref<128x128xf32, #tpu.memory_space<vmem>>)
      %run_scoped3A_316 = arith.constant 2 : i32
      "tpu.region"() ({
        %run_scoped3A_506 = tpu.sem_alloc : memref<!tpu.dma_semaphore, #tpu.memory_space<semaphore_mem>>
        %dma_start3A_507 = arith.constant 0 : i32
        %dma_start3A_508 = tpu.memref_slice %arg8[%run_scoped3A_316, %dma_start3A_507] : memref<8x128xi32, #tpu.memory_space<vmem>> -> memref<1x128xi32, #tpu.memory_space<vmem>>
        %dma_start3A_509 = tpu.memref_squeeze %dma_start3A_508 : memref<1x128xi32, #tpu.memory_space<vmem>> -> memref<128xi32, #tpu.memory_space<vmem>>
        %dma_start3A_510 = arith.constant 0 : i32
        %dma_start3A_511 = arith.constant 0 : i32
        %dma_start3A_512 = tpu.memref_slice %arg12[%dma_start3A_510, %dma_start3A_511] : memref<10064x128xf32, #tpu.memory_space<vmem_shared>> -> memref<10064x128xf32, #tpu.memory_space<vmem_shared>>
        tpu.enqueue_indirect_dma source(%arg10 : memref<128x128xf32, #tpu.memory_space<vmem>>) target(%dma_start3A_512 : memref<10064x128xf32, #tpu.memory_space<vmem_shared>>) offsets(%dma_start3A_509 : memref<128xi32, #tpu.memory_space<vmem>>) semaphore(%run_scoped3A_506 : memref<!tpu.dma_semaphore, #tpu.memory_space<semaphore_mem>>) {add = true}
        %dma_wait3A_513 = arith.constant 0 : i32
        %dma_wait3A_514 = tpu.memref_slice %arg8[%run_scoped3A_316, %dma_wait3A_513] : memref<8x128xi32, #tpu.memory_space<vmem>> -> memref<1x128xi32, #tpu.memory_space<vmem>>
        %dma_wait3A_515 = tpu.memref_squeeze %dma_wait3A_514 : memref<1x128xi32, #tpu.memory_space<vmem>> -> memref<128xi32, #tpu.memory_space<vmem>>
        %dma_wait3A_516 = arith.constant 0 : i32
        %dma_wait3A_517 = arith.constant 0 : i32
        %dma_wait3A_518 = tpu.memref_slice %arg12[%dma_wait3A_516, %dma_wait3A_517] : memref<10064x128xf32, #tpu.memory_space<vmem_shared>> -> memref<10064x128xf32, #tpu.memory_space<vmem_shared>>
        tpu.wait_indirect_dma semaphore(%run_scoped3A_506 : memref<!tpu.dma_semaphore, #tpu.memory_space<semaphore_mem>>) src(%arg10 : memref<128x128xf32, #tpu.memory_space<vmem>>) dst(%dma_wait3A_518 : memref<10064x128xf32, #tpu.memory_space<vmem_shared>>)
        tpu.yield
      }) : () -> ()
      %dma_start3A_317 = arith.constant 4 : i32
      %dma_start3A_318 = arith.constant 0 : i32
      %dma_start3A_319 = tpu.memref_slice %arg6[%dma_start3A_317, %dma_start3A_318] : memref<8x128xi32, #tpu.memory_space<vmem>> -> memref<1x128xi32, #tpu.memory_space<vmem>>
      %dma_start3A_320 = tpu.memref_squeeze %dma_start3A_319 : memref<1x128xi32, #tpu.memory_space<vmem>> -> memref<128xi32, #tpu.memory_space<vmem>>
      %dma_start3A_321 = arith.constant 0 : i32
      %dma_start3A_322 = arith.constant 0 : i32
      %dma_start3A_323 = tpu.memref_slice %arg2[%dma_start3A_321, %dma_start3A_322] : memref<10000x128xf32, #tpu.memory_space<hbm>> -> memref<10000x128xf32, #tpu.memory_space<hbm>>
      tpu.enqueue_indirect_dma source(%dma_start3A_323 : memref<10000x128xf32, #tpu.memory_space<hbm>>) target(%arg10 : memref<128x128xf32, #tpu.memory_space<vmem>>) offsets(%dma_start3A_320 : memref<128xi32, #tpu.memory_space<vmem>>) semaphore(%arg13 : memref<!tpu.dma_semaphore, #tpu.memory_space<semaphore_mem>>)
      %dma_wait3A_324 = arith.constant 3 : i32
      %dma_wait3A_325 = arith.constant 0 : i32
      %dma_wait3A_326 = tpu.memref_slice %arg6[%dma_wait3A_324, %dma_wait3A_325] : memref<8x128xi32, #tpu.memory_space<vmem>> -> memref<1x128xi32, #tpu.memory_space<vmem>>
      %dma_wait3A_327 = tpu.memref_squeeze %dma_wait3A_326 : memref<1x128xi32, #tpu.memory_space<vmem>> -> memref<128xi32, #tpu.memory_space<vmem>>
      %dma_wait3A_328 = arith.constant 0 : i32
      %dma_wait3A_329 = arith.constant 0 : i32
      %dma_wait3A_330 = tpu.memref_slice %arg2[%dma_wait3A_328, %dma_wait3A_329] : memref<10000x128xf32, #tpu.memory_space<hbm>> -> memref<10000x128xf32, #tpu.memory_space<hbm>>
      tpu.wait_indirect_dma semaphore(%arg14 : memref<!tpu.dma_semaphore, #tpu.memory_space<semaphore_mem>>) src(%dma_wait3A_330 : memref<10000x128xf32, #tpu.memory_space<hbm>>) dst(%arg11 : memref<128x128xf32, #tpu.memory_space<vmem>>)
      %run_scoped3A_331 = arith.constant 3 : i32
      "tpu.region"() ({
        %run_scoped3A_506 = tpu.sem_alloc : memref<!tpu.dma_semaphore, #tpu.memory_space<semaphore_mem>>
        %dma_start3A_507 = arith.constant 0 : i32
        %dma_start3A_508 = tpu.memref_slice %arg8[%run_scoped3A_331, %dma_start3A_507] : memref<8x128xi32, #tpu.memory_space<vmem>> -> memref<1x128xi32, #tpu.memory_space<vmem>>
        %dma_start3A_509 = tpu.memref_squeeze %dma_start3A_508 : memref<1x128xi32, #tpu.memory_space<vmem>> -> memref<128xi32, #tpu.memory_space<vmem>>
        %dma_start3A_510 = arith.constant 0 : i32
        %dma_start3A_511 = arith.constant 0 : i32
        %dma_start3A_512 = tpu.memref_slice %arg12[%dma_start3A_510, %dma_start3A_511] : memref<10064x128xf32, #tpu.memory_space<vmem_shared>> -> memref<10064x128xf32, #tpu.memory_space<vmem_shared>>
        tpu.enqueue_indirect_dma source(%arg11 : memref<128x128xf32, #tpu.memory_space<vmem>>) target(%dma_start3A_512 : memref<10064x128xf32, #tpu.memory_space<vmem_shared>>) offsets(%dma_start3A_509 : memref<128xi32, #tpu.memory_space<vmem>>) semaphore(%run_scoped3A_506 : memref<!tpu.dma_semaphore, #tpu.memory_space<semaphore_mem>>) {add = true}
        %dma_wait3A_513 = arith.constant 0 : i32
        %dma_wait3A_514 = tpu.memref_slice %arg8[%run_scoped3A_331, %dma_wait3A_513] : memref<8x128xi32, #tpu.memory_space<vmem>> -> memref<1x128xi32, #tpu.memory_space<vmem>>
        %dma_wait3A_515 = tpu.memref_squeeze %dma_wait3A_514 : memref<1x128xi32, #tpu.memory_space<vmem>> -> memref<128xi32, #tpu.memory_space<vmem>>
        %dma_wait3A_516 = arith.constant 0 : i32
        %dma_wait3A_517 = arith.constant 0 : i32
        %dma_wait3A_518 = tpu.memref_slice %arg12[%dma_wait3A_516, %dma_wait3A_517] : memref<10064x128xf32, #tpu.memory_space<vmem_shared>> -> memref<10064x128xf32, #tpu.memory_space<vmem_shared>>
        tpu.wait_indirect_dma semaphore(%run_scoped3A_506 : memref<!tpu.dma_semaphore, #tpu.memory_space<semaphore_mem>>) src(%arg11 : memref<128x128xf32, #tpu.memory_space<vmem>>) dst(%dma_wait3A_518 : memref<10064x128xf32, #tpu.memory_space<vmem_shared>>)
        tpu.yield
      }) : () -> ()
      %dma_start3A_332 = arith.constant 5 : i32
      %dma_start3A_333 = arith.constant 0 : i32
      %dma_start3A_334 = tpu.memref_slice %arg6[%dma_start3A_332, %dma_start3A_333] : memref<8x128xi32, #tpu.memory_space<vmem>> -> memref<1x128xi32, #tpu.memory_space<vmem>>
      %dma_start3A_335 = tpu.memref_squeeze %dma_start3A_334 : memref<1x128xi32, #tpu.memory_space<vmem>> -> memref<128xi32, #tpu.memory_space<vmem>>
      %dma_start3A_336 = arith.constant 0 : i32
      %dma_start3A_337 = arith.constant 0 : i32
      %dma_start3A_338 = tpu.memref_slice %arg2[%dma_start3A_336, %dma_start3A_337] : memref<10000x128xf32, #tpu.memory_space<hbm>> -> memref<10000x128xf32, #tpu.memory_space<hbm>>
      tpu.enqueue_indirect_dma source(%dma_start3A_338 : memref<10000x128xf32, #tpu.memory_space<hbm>>) target(%arg11 : memref<128x128xf32, #tpu.memory_space<vmem>>) offsets(%dma_start3A_335 : memref<128xi32, #tpu.memory_space<vmem>>) semaphore(%arg14 : memref<!tpu.dma_semaphore, #tpu.memory_space<semaphore_mem>>)
      %dma_wait3A_339 = arith.constant 4 : i32
      %dma_wait3A_340 = arith.constant 0 : i32
      %dma_wait3A_341 = tpu.memref_slice %arg6[%dma_wait3A_339, %dma_wait3A_340] : memref<8x128xi32, #tpu.memory_space<vmem>> -> memref<1x128xi32, #tpu.memory_space<vmem>>
      %dma_wait3A_342 = tpu.memref_squeeze %dma_wait3A_341 : memref<1x128xi32, #tpu.memory_space<vmem>> -> memref<128xi32, #tpu.memory_space<vmem>>
      %dma_wait3A_343 = arith.constant 0 : i32
      %dma_wait3A_344 = arith.constant 0 : i32
      %dma_wait3A_345 = tpu.memref_slice %arg2[%dma_wait3A_343, %dma_wait3A_344] : memref<10000x128xf32, #tpu.memory_space<hbm>> -> memref<10000x128xf32, #tpu.memory_space<hbm>>
      tpu.wait_indirect_dma semaphore(%arg13 : memref<!tpu.dma_semaphore, #tpu.memory_space<semaphore_mem>>) src(%dma_wait3A_345 : memref<10000x128xf32, #tpu.memory_space<hbm>>) dst(%arg10 : memref<128x128xf32, #tpu.memory_space<vmem>>)
      %run_scoped3A_346 = arith.constant 4 : i32
      "tpu.region"() ({
        %run_scoped3A_506 = tpu.sem_alloc : memref<!tpu.dma_semaphore, #tpu.memory_space<semaphore_mem>>
        %dma_start3A_507 = arith.constant 0 : i32
        %dma_start3A_508 = tpu.memref_slice %arg8[%run_scoped3A_346, %dma_start3A_507] : memref<8x128xi32, #tpu.memory_space<vmem>> -> memref<1x128xi32, #tpu.memory_space<vmem>>
        %dma_start3A_509 = tpu.memref_squeeze %dma_start3A_508 : memref<1x128xi32, #tpu.memory_space<vmem>> -> memref<128xi32, #tpu.memory_space<vmem>>
        %dma_start3A_510 = arith.constant 0 : i32
        %dma_start3A_511 = arith.constant 0 : i32
        %dma_start3A_512 = tpu.memref_slice %arg12[%dma_start3A_510, %dma_start3A_511] : memref<10064x128xf32, #tpu.memory_space<vmem_shared>> -> memref<10064x128xf32, #tpu.memory_space<vmem_shared>>
        tpu.enqueue_indirect_dma source(%arg10 : memref<128x128xf32, #tpu.memory_space<vmem>>) target(%dma_start3A_512 : memref<10064x128xf32, #tpu.memory_space<vmem_shared>>) offsets(%dma_start3A_509 : memref<128xi32, #tpu.memory_space<vmem>>) semaphore(%run_scoped3A_506 : memref<!tpu.dma_semaphore, #tpu.memory_space<semaphore_mem>>) {add = true}
        %dma_wait3A_513 = arith.constant 0 : i32
        %dma_wait3A_514 = tpu.memref_slice %arg8[%run_scoped3A_346, %dma_wait3A_513] : memref<8x128xi32, #tpu.memory_space<vmem>> -> memref<1x128xi32, #tpu.memory_space<vmem>>
        %dma_wait3A_515 = tpu.memref_squeeze %dma_wait3A_514 : memref<1x128xi32, #tpu.memory_space<vmem>> -> memref<128xi32, #tpu.memory_space<vmem>>
        %dma_wait3A_516 = arith.constant 0 : i32
        %dma_wait3A_517 = arith.constant 0 : i32
        %dma_wait3A_518 = tpu.memref_slice %arg12[%dma_wait3A_516, %dma_wait3A_517] : memref<10064x128xf32, #tpu.memory_space<vmem_shared>> -> memref<10064x128xf32, #tpu.memory_space<vmem_shared>>
        tpu.wait_indirect_dma semaphore(%run_scoped3A_506 : memref<!tpu.dma_semaphore, #tpu.memory_space<semaphore_mem>>) src(%arg10 : memref<128x128xf32, #tpu.memory_space<vmem>>) dst(%dma_wait3A_518 : memref<10064x128xf32, #tpu.memory_space<vmem_shared>>)
        tpu.yield
      }) : () -> ()
      %dma_start3A_347 = arith.constant 6 : i32
      %dma_start3A_348 = arith.constant 0 : i32
      %dma_start3A_349 = tpu.memref_slice %arg6[%dma_start3A_347, %dma_start3A_348] : memref<8x128xi32, #tpu.memory_space<vmem>> -> memref<1x128xi32, #tpu.memory_space<vmem>>
      %dma_start3A_350 = tpu.memref_squeeze %dma_start3A_349 : memref<1x128xi32, #tpu.memory_space<vmem>> -> memref<128xi32, #tpu.memory_space<vmem>>
      %dma_start3A_351 = arith.constant 0 : i32
      %dma_start3A_352 = arith.constant 0 : i32
      %dma_start3A_353 = tpu.memref_slice %arg2[%dma_start3A_351, %dma_start3A_352] : memref<10000x128xf32, #tpu.memory_space<hbm>> -> memref<10000x128xf32, #tpu.memory_space<hbm>>
      tpu.enqueue_indirect_dma source(%dma_start3A_353 : memref<10000x128xf32, #tpu.memory_space<hbm>>) target(%arg10 : memref<128x128xf32, #tpu.memory_space<vmem>>) offsets(%dma_start3A_350 : memref<128xi32, #tpu.memory_space<vmem>>) semaphore(%arg13 : memref<!tpu.dma_semaphore, #tpu.memory_space<semaphore_mem>>)
      %dma_wait3A_354 = arith.constant 5 : i32
      %dma_wait3A_355 = arith.constant 0 : i32
      %dma_wait3A_356 = tpu.memref_slice %arg6[%dma_wait3A_354, %dma_wait3A_355] : memref<8x128xi32, #tpu.memory_space<vmem>> -> memref<1x128xi32, #tpu.memory_space<vmem>>
      %dma_wait3A_357 = tpu.memref_squeeze %dma_wait3A_356 : memref<1x128xi32, #tpu.memory_space<vmem>> -> memref<128xi32, #tpu.memory_space<vmem>>
      %dma_wait3A_358 = arith.constant 0 : i32
      %dma_wait3A_359 = arith.constant 0 : i32
      %dma_wait3A_360 = tpu.memref_slice %arg2[%dma_wait3A_358, %dma_wait3A_359] : memref<10000x128xf32, #tpu.memory_space<hbm>> -> memref<10000x128xf32, #tpu.memory_space<hbm>>
      tpu.wait_indirect_dma semaphore(%arg14 : memref<!tpu.dma_semaphore, #tpu.memory_space<semaphore_mem>>) src(%dma_wait3A_360 : memref<10000x128xf32, #tpu.memory_space<hbm>>) dst(%arg11 : memref<128x128xf32, #tpu.memory_space<vmem>>)
      %run_scoped3A_361 = arith.constant 5 : i32
      "tpu.region"() ({
        %run_scoped3A_506 = tpu.sem_alloc : memref<!tpu.dma_semaphore, #tpu.memory_space<semaphore_mem>>
        %dma_start3A_507 = arith.constant 0 : i32
        %dma_start3A_508 = tpu.memref_slice %arg8[%run_scoped3A_361, %dma_start3A_507] : memref<8x128xi32, #tpu.memory_space<vmem>> -> memref<1x128xi32, #tpu.memory_space<vmem>>
        %dma_start3A_509 = tpu.memref_squeeze %dma_start3A_508 : memref<1x128xi32, #tpu.memory_space<vmem>> -> memref<128xi32, #tpu.memory_space<vmem>>
        %dma_start3A_510 = arith.constant 0 : i32
        %dma_start3A_511 = arith.constant 0 : i32
        %dma_start3A_512 = tpu.memref_slice %arg12[%dma_start3A_510, %dma_start3A_511] : memref<10064x128xf32, #tpu.memory_space<vmem_shared>> -> memref<10064x128xf32, #tpu.memory_space<vmem_shared>>
        tpu.enqueue_indirect_dma source(%arg11 : memref<128x128xf32, #tpu.memory_space<vmem>>) target(%dma_start3A_512 : memref<10064x128xf32, #tpu.memory_space<vmem_shared>>) offsets(%dma_start3A_509 : memref<128xi32, #tpu.memory_space<vmem>>) semaphore(%run_scoped3A_506 : memref<!tpu.dma_semaphore, #tpu.memory_space<semaphore_mem>>) {add = true}
        %dma_wait3A_513 = arith.constant 0 : i32
        %dma_wait3A_514 = tpu.memref_slice %arg8[%run_scoped3A_361, %dma_wait3A_513] : memref<8x128xi32, #tpu.memory_space<vmem>> -> memref<1x128xi32, #tpu.memory_space<vmem>>
        %dma_wait3A_515 = tpu.memref_squeeze %dma_wait3A_514 : memref<1x128xi32, #tpu.memory_space<vmem>> -> memref<128xi32, #tpu.memory_space<vmem>>
        %dma_wait3A_516 = arith.constant 0 : i32
        %dma_wait3A_517 = arith.constant 0 : i32
        %dma_wait3A_518 = tpu.memref_slice %arg12[%dma_wait3A_516, %dma_wait3A_517] : memref<10064x128xf32, #tpu.memory_space<vmem_shared>> -> memref<10064x128xf32, #tpu.memory_space<vmem_shared>>
        tpu.wait_indirect_dma semaphore(%run_scoped3A_506 : memref<!tpu.dma_semaphore, #tpu.memory_space<semaphore_mem>>) src(%arg11 : memref<128x128xf32, #tpu.memory_space<vmem>>) dst(%dma_wait3A_518 : memref<10064x128xf32, #tpu.memory_space<vmem_shared>>)
        tpu.yield
      }) : () -> ()
      %dma_start3A_362 = arith.constant 7 : i32
      %dma_start3A_363 = arith.constant 0 : i32
      %dma_start3A_364 = tpu.memref_slice %arg6[%dma_start3A_362, %dma_start3A_363] : memref<8x128xi32, #tpu.memory_space<vmem>> -> memref<1x128xi32, #tpu.memory_space<vmem>>
      %dma_start3A_365 = tpu.memref_squeeze %dma_start3A_364 : memref<1x128xi32, #tpu.memory_space<vmem>> -> memref<128xi32, #tpu.memory_space<vmem>>
      %dma_start3A_366 = arith.constant 0 : i32
      %dma_start3A_367 = arith.constant 0 : i32
      %dma_start3A_368 = tpu.memref_slice %arg2[%dma_start3A_366, %dma_start3A_367] : memref<10000x128xf32, #tpu.memory_space<hbm>> -> memref<10000x128xf32, #tpu.memory_space<hbm>>
      tpu.enqueue_indirect_dma source(%dma_start3A_368 : memref<10000x128xf32, #tpu.memory_space<hbm>>) target(%arg11 : memref<128x128xf32, #tpu.memory_space<vmem>>) offsets(%dma_start3A_365 : memref<128xi32, #tpu.memory_space<vmem>>) semaphore(%arg14 : memref<!tpu.dma_semaphore, #tpu.memory_space<semaphore_mem>>)
      %add3A_369 = arith.constant 8 : i32
      %add3A_370 = arith.addi %add3A_245, %add3A_369 : i32
      %dma_wait3A_371 = arith.constant 0 : i32
      %dma_wait3A_372 = tpu.memref_slice %arg3[%add3A_370, %dma_wait3A_371] : memref<2560x128xi32, #tpu.memory_space<hbm>> -> memref<8x128xi32, #tpu.memory_space<hbm>>
      %dma_wait3A_373 = arith.constant 0 : i32
      %dma_wait3A_374 = tpu.memref_slice %arg3[%add3A_370, %dma_wait3A_373] : memref<2560x128xi32, #tpu.memory_space<hbm>> -> memref<8x128xi32, #tpu.memory_space<hbm>>
      tpu.wait_dma2 semaphore(%arg17 : memref<!tpu.dma_semaphore, #tpu.memory_space<semaphore_mem>>) src(%dma_wait3A_374 : memref<8x128xi32, #tpu.memory_space<hbm>>) dst(%arg7 : memref<8x128xi32, #tpu.memory_space<vmem>>)
      %add3A_375 = arith.constant 8 : i32
      %add3A_376 = arith.addi %add3A_245, %add3A_375 : i32
      %dma_wait3A_377 = arith.constant 0 : i32
      %dma_wait3A_378 = tpu.memref_slice %arg4[%add3A_376, %dma_wait3A_377] : memref<2560x128xi32, #tpu.memory_space<hbm>> -> memref<8x128xi32, #tpu.memory_space<hbm>>
      %dma_wait3A_379 = arith.constant 0 : i32
      %dma_wait3A_380 = tpu.memref_slice %arg4[%add3A_376, %dma_wait3A_379] : memref<2560x128xi32, #tpu.memory_space<hbm>> -> memref<8x128xi32, #tpu.memory_space<hbm>>
      tpu.wait_dma2 semaphore(%arg17 : memref<!tpu.dma_semaphore, #tpu.memory_space<semaphore_mem>>) src(%dma_wait3A_380 : memref<8x128xi32, #tpu.memory_space<hbm>>) dst(%arg9 : memref<8x128xi32, #tpu.memory_space<vmem>>)
      %dma_wait3A_381 = arith.constant 6 : i32
      %dma_wait3A_382 = arith.constant 0 : i32
      %dma_wait3A_383 = tpu.memref_slice %arg6[%dma_wait3A_381, %dma_wait3A_382] : memref<8x128xi32, #tpu.memory_space<vmem>> -> memref<1x128xi32, #tpu.memory_space<vmem>>
      %dma_wait3A_384 = tpu.memref_squeeze %dma_wait3A_383 : memref<1x128xi32, #tpu.memory_space<vmem>> -> memref<128xi32, #tpu.memory_space<vmem>>
      %dma_wait3A_385 = arith.constant 0 : i32
      %dma_wait3A_386 = arith.constant 0 : i32
      %dma_wait3A_387 = tpu.memref_slice %arg2[%dma_wait3A_385, %dma_wait3A_386] : memref<10000x128xf32, #tpu.memory_space<hbm>> -> memref<10000x128xf32, #tpu.memory_space<hbm>>
      tpu.wait_indirect_dma semaphore(%arg13 : memref<!tpu.dma_semaphore, #tpu.memory_space<semaphore_mem>>) src(%dma_wait3A_387 : memref<10000x128xf32, #tpu.memory_space<hbm>>) dst(%arg10 : memref<128x128xf32, #tpu.memory_space<vmem>>)
      %run_scoped3A_388 = arith.constant 6 : i32
      "tpu.region"() ({
        %run_scoped3A_506 = tpu.sem_alloc : memref<!tpu.dma_semaphore, #tpu.memory_space<semaphore_mem>>
        %dma_start3A_507 = arith.constant 0 : i32
        %dma_start3A_508 = tpu.memref_slice %arg8[%run_scoped3A_388, %dma_start3A_507] : memref<8x128xi32, #tpu.memory_space<vmem>> -> memref<1x128xi32, #tpu.memory_space<vmem>>
        %dma_start3A_509 = tpu.memref_squeeze %dma_start3A_508 : memref<1x128xi32, #tpu.memory_space<vmem>> -> memref<128xi32, #tpu.memory_space<vmem>>
        %dma_start3A_510 = arith.constant 0 : i32
        %dma_start3A_511 = arith.constant 0 : i32
        %dma_start3A_512 = tpu.memref_slice %arg12[%dma_start3A_510, %dma_start3A_511] : memref<10064x128xf32, #tpu.memory_space<vmem_shared>> -> memref<10064x128xf32, #tpu.memory_space<vmem_shared>>
        tpu.enqueue_indirect_dma source(%arg10 : memref<128x128xf32, #tpu.memory_space<vmem>>) target(%dma_start3A_512 : memref<10064x128xf32, #tpu.memory_space<vmem_shared>>) offsets(%dma_start3A_509 : memref<128xi32, #tpu.memory_space<vmem>>) semaphore(%run_scoped3A_506 : memref<!tpu.dma_semaphore, #tpu.memory_space<semaphore_mem>>) {add = true}
        %dma_wait3A_513 = arith.constant 0 : i32
        %dma_wait3A_514 = tpu.memref_slice %arg8[%run_scoped3A_388, %dma_wait3A_513] : memref<8x128xi32, #tpu.memory_space<vmem>> -> memref<1x128xi32, #tpu.memory_space<vmem>>
        %dma_wait3A_515 = tpu.memref_squeeze %dma_wait3A_514 : memref<1x128xi32, #tpu.memory_space<vmem>> -> memref<128xi32, #tpu.memory_space<vmem>>
        %dma_wait3A_516 = arith.constant 0 : i32
        %dma_wait3A_517 = arith.constant 0 : i32
        %dma_wait3A_518 = tpu.memref_slice %arg12[%dma_wait3A_516, %dma_wait3A_517] : memref<10064x128xf32, #tpu.memory_space<vmem_shared>> -> memref<10064x128xf32, #tpu.memory_space<vmem_shared>>
        tpu.wait_indirect_dma semaphore(%run_scoped3A_506 : memref<!tpu.dma_semaphore, #tpu.memory_space<semaphore_mem>>) src(%arg10 : memref<128x128xf32, #tpu.memory_space<vmem>>) dst(%dma_wait3A_518 : memref<10064x128xf32, #tpu.memory_space<vmem_shared>>)
        tpu.yield
      }) : () -> ()
      %dma_start3A_389 = arith.constant 0 : i32
      %dma_start3A_390 = arith.constant 0 : i32
      %dma_start3A_391 = tpu.memref_slice %arg7[%dma_start3A_389, %dma_start3A_390] : memref<8x128xi32, #tpu.memory_space<vmem>> -> memref<1x128xi32, #tpu.memory_space<vmem>>
      %dma_start3A_392 = tpu.memref_squeeze %dma_start3A_391 : memref<1x128xi32, #tpu.memory_space<vmem>> -> memref<128xi32, #tpu.memory_space<vmem>>
      %dma_start3A_393 = arith.constant 0 : i32
      %dma_start3A_394 = arith.constant 0 : i32
      %dma_start3A_395 = tpu.memref_slice %arg2[%dma_start3A_393, %dma_start3A_394] : memref<10000x128xf32, #tpu.memory_space<hbm>> -> memref<10000x128xf32, #tpu.memory_space<hbm>>
      tpu.enqueue_indirect_dma source(%dma_start3A_395 : memref<10000x128xf32, #tpu.memory_space<hbm>>) target(%arg10 : memref<128x128xf32, #tpu.memory_space<vmem>>) offsets(%dma_start3A_392 : memref<128xi32, #tpu.memory_space<vmem>>) semaphore(%arg13 : memref<!tpu.dma_semaphore, #tpu.memory_space<semaphore_mem>>)
      %dma_wait3A_396 = arith.constant 7 : i32
      %dma_wait3A_397 = arith.constant 0 : i32
      %dma_wait3A_398 = tpu.memref_slice %arg6[%dma_wait3A_396, %dma_wait3A_397] : memref<8x128xi32, #tpu.memory_space<vmem>> -> memref<1x128xi32, #tpu.memory_space<vmem>>
      %dma_wait3A_399 = tpu.memref_squeeze %dma_wait3A_398 : memref<1x128xi32, #tpu.memory_space<vmem>> -> memref<128xi32, #tpu.memory_space<vmem>>
      %dma_wait3A_400 = arith.constant 0 : i32
      %dma_wait3A_401 = arith.constant 0 : i32
      %dma_wait3A_402 = tpu.memref_slice %arg2[%dma_wait3A_400, %dma_wait3A_401] : memref<10000x128xf32, #tpu.memory_space<hbm>> -> memref<10000x128xf32, #tpu.memory_space<hbm>>
      tpu.wait_indirect_dma semaphore(%arg14 : memref<!tpu.dma_semaphore, #tpu.memory_space<semaphore_mem>>) src(%dma_wait3A_402 : memref<10000x128xf32, #tpu.memory_space<hbm>>) dst(%arg11 : memref<128x128xf32, #tpu.memory_space<vmem>>)
      %run_scoped3A_403 = arith.constant 7 : i32
      "tpu.region"() ({
        %run_scoped3A_506 = tpu.sem_alloc : memref<!tpu.dma_semaphore, #tpu.memory_space<semaphore_mem>>
        %dma_start3A_507 = arith.constant 0 : i32
        %dma_start3A_508 = tpu.memref_slice %arg8[%run_scoped3A_403, %dma_start3A_507] : memref<8x128xi32, #tpu.memory_space<vmem>> -> memref<1x128xi32, #tpu.memory_space<vmem>>
        %dma_start3A_509 = tpu.memref_squeeze %dma_start3A_508 : memref<1x128xi32, #tpu.memory_space<vmem>> -> memref<128xi32, #tpu.memory_space<vmem>>
        %dma_start3A_510 = arith.constant 0 : i32
        %dma_start3A_511 = arith.constant 0 : i32
        %dma_start3A_512 = tpu.memref_slice %arg12[%dma_start3A_510, %dma_start3A_511] : memref<10064x128xf32, #tpu.memory_space<vmem_shared>> -> memref<10064x128xf32, #tpu.memory_space<vmem_shared>>
        tpu.enqueue_indirect_dma source(%arg11 : memref<128x128xf32, #tpu.memory_space<vmem>>) target(%dma_start3A_512 : memref<10064x128xf32, #tpu.memory_space<vmem_shared>>) offsets(%dma_start3A_509 : memref<128xi32, #tpu.memory_space<vmem>>) semaphore(%run_scoped3A_506 : memref<!tpu.dma_semaphore, #tpu.memory_space<semaphore_mem>>) {add = true}
        %dma_wait3A_513 = arith.constant 0 : i32
        %dma_wait3A_514 = tpu.memref_slice %arg8[%run_scoped3A_403, %dma_wait3A_513] : memref<8x128xi32, #tpu.memory_space<vmem>> -> memref<1x128xi32, #tpu.memory_space<vmem>>
        %dma_wait3A_515 = tpu.memref_squeeze %dma_wait3A_514 : memref<1x128xi32, #tpu.memory_space<vmem>> -> memref<128xi32, #tpu.memory_space<vmem>>
        %dma_wait3A_516 = arith.constant 0 : i32
        %dma_wait3A_517 = arith.constant 0 : i32
        %dma_wait3A_518 = tpu.memref_slice %arg12[%dma_wait3A_516, %dma_wait3A_517] : memref<10064x128xf32, #tpu.memory_space<vmem_shared>> -> memref<10064x128xf32, #tpu.memory_space<vmem_shared>>
        tpu.wait_indirect_dma semaphore(%run_scoped3A_506 : memref<!tpu.dma_semaphore, #tpu.memory_space<semaphore_mem>>) src(%arg11 : memref<128x128xf32, #tpu.memory_space<vmem>>) dst(%dma_wait3A_518 : memref<10064x128xf32, #tpu.memory_space<vmem_shared>>)
        tpu.yield
      }) : () -> ()
      %dma_start3A_404 = arith.constant 1 : i32
      %dma_start3A_405 = arith.constant 0 : i32
      %dma_start3A_406 = tpu.memref_slice %arg7[%dma_start3A_404, %dma_start3A_405] : memref<8x128xi32, #tpu.memory_space<vmem>> -> memref<1x128xi32, #tpu.memory_space<vmem>>
      %dma_start3A_407 = tpu.memref_squeeze %dma_start3A_406 : memref<1x128xi32, #tpu.memory_space<vmem>> -> memref<128xi32, #tpu.memory_space<vmem>>
      %dma_start3A_408 = arith.constant 0 : i32
      %dma_start3A_409 = arith.constant 0 : i32
      %dma_start3A_410 = tpu.memref_slice %arg2[%dma_start3A_408, %dma_start3A_409] : memref<10000x128xf32, #tpu.memory_space<hbm>> -> memref<10000x128xf32, #tpu.memory_space<hbm>>
      tpu.enqueue_indirect_dma source(%dma_start3A_410 : memref<10000x128xf32, #tpu.memory_space<hbm>>) target(%arg11 : memref<128x128xf32, #tpu.memory_space<vmem>>) offsets(%dma_start3A_407 : memref<128xi32, #tpu.memory_space<vmem>>) semaphore(%arg14 : memref<!tpu.dma_semaphore, #tpu.memory_space<semaphore_mem>>)
      %dma_wait3A_411 = arith.constant 0 : i32
      %dma_wait3A_412 = arith.constant 0 : i32
      %dma_wait3A_413 = tpu.memref_slice %arg7[%dma_wait3A_411, %dma_wait3A_412] : memref<8x128xi32, #tpu.memory_space<vmem>> -> memref<1x128xi32, #tpu.memory_space<vmem>>
      %dma_wait3A_414 = tpu.memref_squeeze %dma_wait3A_413 : memref<1x128xi32, #tpu.memory_space<vmem>> -> memref<128xi32, #tpu.memory_space<vmem>>
      %dma_wait3A_415 = arith.constant 0 : i32
      %dma_wait3A_416 = arith.constant 0 : i32
      %dma_wait3A_417 = tpu.memref_slice %arg2[%dma_wait3A_415, %dma_wait3A_416] : memref<10000x128xf32, #tpu.memory_space<hbm>> -> memref<10000x128xf32, #tpu.memory_space<hbm>>
      tpu.wait_indirect_dma semaphore(%arg13 : memref<!tpu.dma_semaphore, #tpu.memory_space<semaphore_mem>>) src(%dma_wait3A_417 : memref<10000x128xf32, #tpu.memory_space<hbm>>) dst(%arg10 : memref<128x128xf32, #tpu.memory_space<vmem>>)
      %run_scoped3A_418 = arith.constant 0 : i32
      "tpu.region"() ({
        %run_scoped3A_506 = tpu.sem_alloc : memref<!tpu.dma_semaphore, #tpu.memory_space<semaphore_mem>>
        %dma_start3A_507 = arith.constant 0 : i32
        %dma_start3A_508 = tpu.memref_slice %arg9[%run_scoped3A_418, %dma_start3A_507] : memref<8x128xi32, #tpu.memory_space<vmem>> -> memref<1x128xi32, #tpu.memory_space<vmem>>
        %dma_start3A_509 = tpu.memref_squeeze %dma_start3A_508 : memref<1x128xi32, #tpu.memory_space<vmem>> -> memref<128xi32, #tpu.memory_space<vmem>>
        %dma_start3A_510 = arith.constant 0 : i32
        %dma_start3A_511 = arith.constant 0 : i32
        %dma_start3A_512 = tpu.memref_slice %arg12[%dma_start3A_510, %dma_start3A_511] : memref<10064x128xf32, #tpu.memory_space<vmem_shared>> -> memref<10064x128xf32, #tpu.memory_space<vmem_shared>>
        tpu.enqueue_indirect_dma source(%arg10 : memref<128x128xf32, #tpu.memory_space<vmem>>) target(%dma_start3A_512 : memref<10064x128xf32, #tpu.memory_space<vmem_shared>>) offsets(%dma_start3A_509 : memref<128xi32, #tpu.memory_space<vmem>>) semaphore(%run_scoped3A_506 : memref<!tpu.dma_semaphore, #tpu.memory_space<semaphore_mem>>) {add = true}
        %dma_wait3A_513 = arith.constant 0 : i32
        %dma_wait3A_514 = tpu.memref_slice %arg9[%run_scoped3A_418, %dma_wait3A_513] : memref<8x128xi32, #tpu.memory_space<vmem>> -> memref<1x128xi32, #tpu.memory_space<vmem>>
        %dma_wait3A_515 = tpu.memref_squeeze %dma_wait3A_514 : memref<1x128xi32, #tpu.memory_space<vmem>> -> memref<128xi32, #tpu.memory_space<vmem>>
        %dma_wait3A_516 = arith.constant 0 : i32
        %dma_wait3A_517 = arith.constant 0 : i32
        %dma_wait3A_518 = tpu.memref_slice %arg12[%dma_wait3A_516, %dma_wait3A_517] : memref<10064x128xf32, #tpu.memory_space<vmem_shared>> -> memref<10064x128xf32, #tpu.memory_space<vmem_shared>>
        tpu.wait_indirect_dma semaphore(%run_scoped3A_506 : memref<!tpu.dma_semaphore, #tpu.memory_space<semaphore_mem>>) src(%arg10 : memref<128x128xf32, #tpu.memory_space<vmem>>) dst(%dma_wait3A_518 : memref<10064x128xf32, #tpu.memory_space<vmem_shared>>)
        tpu.yield
      }) : () -> ()
      %dma_start3A_419 = arith.constant 2 : i32
      %dma_start3A_420 = arith.constant 0 : i32
      %dma_start3A_421 = tpu.memref_slice %arg7[%dma_start3A_419, %dma_start3A_420] : memref<8x128xi32, #tpu.memory_space<vmem>> -> memref<1x128xi32, #tpu.memory_space<vmem>>
      %dma_start3A_422 = tpu.memref_squeeze %dma_start3A_421 : memref<1x128xi32, #tpu.memory_space<vmem>> -> memref<128xi32, #tpu.memory_space<vmem>>
      %dma_start3A_423 = arith.constant 0 : i32
      %dma_start3A_424 = arith.constant 0 : i32
      %dma_start3A_425 = tpu.memref_slice %arg2[%dma_start3A_423, %dma_start3A_424] : memref<10000x128xf32, #tpu.memory_space<hbm>> -> memref<10000x128xf32, #tpu.memory_space<hbm>>
      tpu.enqueue_indirect_dma source(%dma_start3A_425 : memref<10000x128xf32, #tpu.memory_space<hbm>>) target(%arg10 : memref<128x128xf32, #tpu.memory_space<vmem>>) offsets(%dma_start3A_422 : memref<128xi32, #tpu.memory_space<vmem>>) semaphore(%arg13 : memref<!tpu.dma_semaphore, #tpu.memory_space<semaphore_mem>>)
      %dma_wait3A_426 = arith.constant 1 : i32
      %dma_wait3A_427 = arith.constant 0 : i32
      %dma_wait3A_428 = tpu.memref_slice %arg7[%dma_wait3A_426, %dma_wait3A_427] : memref<8x128xi32, #tpu.memory_space<vmem>> -> memref<1x128xi32, #tpu.memory_space<vmem>>
      %dma_wait3A_429 = tpu.memref_squeeze %dma_wait3A_428 : memref<1x128xi32, #tpu.memory_space<vmem>> -> memref<128xi32, #tpu.memory_space<vmem>>
      %dma_wait3A_430 = arith.constant 0 : i32
      %dma_wait3A_431 = arith.constant 0 : i32
      %dma_wait3A_432 = tpu.memref_slice %arg2[%dma_wait3A_430, %dma_wait3A_431] : memref<10000x128xf32, #tpu.memory_space<hbm>> -> memref<10000x128xf32, #tpu.memory_space<hbm>>
      tpu.wait_indirect_dma semaphore(%arg14 : memref<!tpu.dma_semaphore, #tpu.memory_space<semaphore_mem>>) src(%dma_wait3A_432 : memref<10000x128xf32, #tpu.memory_space<hbm>>) dst(%arg11 : memref<128x128xf32, #tpu.memory_space<vmem>>)
      %run_scoped3A_433 = arith.constant 1 : i32
      "tpu.region"() ({
        %run_scoped3A_506 = tpu.sem_alloc : memref<!tpu.dma_semaphore, #tpu.memory_space<semaphore_mem>>
        %dma_start3A_507 = arith.constant 0 : i32
        %dma_start3A_508 = tpu.memref_slice %arg9[%run_scoped3A_433, %dma_start3A_507] : memref<8x128xi32, #tpu.memory_space<vmem>> -> memref<1x128xi32, #tpu.memory_space<vmem>>
        %dma_start3A_509 = tpu.memref_squeeze %dma_start3A_508 : memref<1x128xi32, #tpu.memory_space<vmem>> -> memref<128xi32, #tpu.memory_space<vmem>>
        %dma_start3A_510 = arith.constant 0 : i32
        %dma_start3A_511 = arith.constant 0 : i32
        %dma_start3A_512 = tpu.memref_slice %arg12[%dma_start3A_510, %dma_start3A_511] : memref<10064x128xf32, #tpu.memory_space<vmem_shared>> -> memref<10064x128xf32, #tpu.memory_space<vmem_shared>>
        tpu.enqueue_indirect_dma source(%arg11 : memref<128x128xf32, #tpu.memory_space<vmem>>) target(%dma_start3A_512 : memref<10064x128xf32, #tpu.memory_space<vmem_shared>>) offsets(%dma_start3A_509 : memref<128xi32, #tpu.memory_space<vmem>>) semaphore(%run_scoped3A_506 : memref<!tpu.dma_semaphore, #tpu.memory_space<semaphore_mem>>) {add = true}
        %dma_wait3A_513 = arith.constant 0 : i32
        %dma_wait3A_514 = tpu.memref_slice %arg9[%run_scoped3A_433, %dma_wait3A_513] : memref<8x128xi32, #tpu.memory_space<vmem>> -> memref<1x128xi32, #tpu.memory_space<vmem>>
        %dma_wait3A_515 = tpu.memref_squeeze %dma_wait3A_514 : memref<1x128xi32, #tpu.memory_space<vmem>> -> memref<128xi32, #tpu.memory_space<vmem>>
        %dma_wait3A_516 = arith.constant 0 : i32
        %dma_wait3A_517 = arith.constant 0 : i32
        %dma_wait3A_518 = tpu.memref_slice %arg12[%dma_wait3A_516, %dma_wait3A_517] : memref<10064x128xf32, #tpu.memory_space<vmem_shared>> -> memref<10064x128xf32, #tpu.memory_space<vmem_shared>>
        tpu.wait_indirect_dma semaphore(%run_scoped3A_506 : memref<!tpu.dma_semaphore, #tpu.memory_space<semaphore_mem>>) src(%arg11 : memref<128x128xf32, #tpu.memory_space<vmem>>) dst(%dma_wait3A_518 : memref<10064x128xf32, #tpu.memory_space<vmem_shared>>)
        tpu.yield
      }) : () -> ()
      %dma_start3A_434 = arith.constant 3 : i32
      %dma_start3A_435 = arith.constant 0 : i32
      %dma_start3A_436 = tpu.memref_slice %arg7[%dma_start3A_434, %dma_start3A_435] : memref<8x128xi32, #tpu.memory_space<vmem>> -> memref<1x128xi32, #tpu.memory_space<vmem>>
      %dma_start3A_437 = tpu.memref_squeeze %dma_start3A_436 : memref<1x128xi32, #tpu.memory_space<vmem>> -> memref<128xi32, #tpu.memory_space<vmem>>
      %dma_start3A_438 = arith.constant 0 : i32
      %dma_start3A_439 = arith.constant 0 : i32
      %dma_start3A_440 = tpu.memref_slice %arg2[%dma_start3A_438, %dma_start3A_439] : memref<10000x128xf32, #tpu.memory_space<hbm>> -> memref<10000x128xf32, #tpu.memory_space<hbm>>
      tpu.enqueue_indirect_dma source(%dma_start3A_440 : memref<10000x128xf32, #tpu.memory_space<hbm>>) target(%arg11 : memref<128x128xf32, #tpu.memory_space<vmem>>) offsets(%dma_start3A_437 : memref<128xi32, #tpu.memory_space<vmem>>) semaphore(%arg14 : memref<!tpu.dma_semaphore, #tpu.memory_space<semaphore_mem>>)
      %dma_wait3A_441 = arith.constant 2 : i32
      %dma_wait3A_442 = arith.constant 0 : i32
      %dma_wait3A_443 = tpu.memref_slice %arg7[%dma_wait3A_441, %dma_wait3A_442] : memref<8x128xi32, #tpu.memory_space<vmem>> -> memref<1x128xi32, #tpu.memory_space<vmem>>
      %dma_wait3A_444 = tpu.memref_squeeze %dma_wait3A_443 : memref<1x128xi32, #tpu.memory_space<vmem>> -> memref<128xi32, #tpu.memory_space<vmem>>
      %dma_wait3A_445 = arith.constant 0 : i32
      %dma_wait3A_446 = arith.constant 0 : i32
      %dma_wait3A_447 = tpu.memref_slice %arg2[%dma_wait3A_445, %dma_wait3A_446] : memref<10000x128xf32, #tpu.memory_space<hbm>> -> memref<10000x128xf32, #tpu.memory_space<hbm>>
      tpu.wait_indirect_dma semaphore(%arg13 : memref<!tpu.dma_semaphore, #tpu.memory_space<semaphore_mem>>) src(%dma_wait3A_447 : memref<10000x128xf32, #tpu.memory_space<hbm>>) dst(%arg10 : memref<128x128xf32, #tpu.memory_space<vmem>>)
      %run_scoped3A_448 = arith.constant 2 : i32
      "tpu.region"() ({
        %run_scoped3A_506 = tpu.sem_alloc : memref<!tpu.dma_semaphore, #tpu.memory_space<semaphore_mem>>
        %dma_start3A_507 = arith.constant 0 : i32
        %dma_start3A_508 = tpu.memref_slice %arg9[%run_scoped3A_448, %dma_start3A_507] : memref<8x128xi32, #tpu.memory_space<vmem>> -> memref<1x128xi32, #tpu.memory_space<vmem>>
        %dma_start3A_509 = tpu.memref_squeeze %dma_start3A_508 : memref<1x128xi32, #tpu.memory_space<vmem>> -> memref<128xi32, #tpu.memory_space<vmem>>
        %dma_start3A_510 = arith.constant 0 : i32
        %dma_start3A_511 = arith.constant 0 : i32
        %dma_start3A_512 = tpu.memref_slice %arg12[%dma_start3A_510, %dma_start3A_511] : memref<10064x128xf32, #tpu.memory_space<vmem_shared>> -> memref<10064x128xf32, #tpu.memory_space<vmem_shared>>
        tpu.enqueue_indirect_dma source(%arg10 : memref<128x128xf32, #tpu.memory_space<vmem>>) target(%dma_start3A_512 : memref<10064x128xf32, #tpu.memory_space<vmem_shared>>) offsets(%dma_start3A_509 : memref<128xi32, #tpu.memory_space<vmem>>) semaphore(%run_scoped3A_506 : memref<!tpu.dma_semaphore, #tpu.memory_space<semaphore_mem>>) {add = true}
        %dma_wait3A_513 = arith.constant 0 : i32
        %dma_wait3A_514 = tpu.memref_slice %arg9[%run_scoped3A_448, %dma_wait3A_513] : memref<8x128xi32, #tpu.memory_space<vmem>> -> memref<1x128xi32, #tpu.memory_space<vmem>>
        %dma_wait3A_515 = tpu.memref_squeeze %dma_wait3A_514 : memref<1x128xi32, #tpu.memory_space<vmem>> -> memref<128xi32, #tpu.memory_space<vmem>>
        %dma_wait3A_516 = arith.constant 0 : i32
        %dma_wait3A_517 = arith.constant 0 : i32
        %dma_wait3A_518 = tpu.memref_slice %arg12[%dma_wait3A_516, %dma_wait3A_517] : memref<10064x128xf32, #tpu.memory_space<vmem_shared>> -> memref<10064x128xf32, #tpu.memory_space<vmem_shared>>
        tpu.wait_indirect_dma semaphore(%run_scoped3A_506 : memref<!tpu.dma_semaphore, #tpu.memory_space<semaphore_mem>>) src(%arg10 : memref<128x128xf32, #tpu.memory_space<vmem>>) dst(%dma_wait3A_518 : memref<10064x128xf32, #tpu.memory_space<vmem_shared>>)
        tpu.yield
      }) : () -> ()
      %dma_start3A_449 = arith.constant 4 : i32
      %dma_start3A_450 = arith.constant 0 : i32
      %dma_start3A_451 = tpu.memref_slice %arg7[%dma_start3A_449, %dma_start3A_450] : memref<8x128xi32, #tpu.memory_space<vmem>> -> memref<1x128xi32, #tpu.memory_space<vmem>>
      %dma_start3A_452 = tpu.memref_squeeze %dma_start3A_451 : memref<1x128xi32, #tpu.memory_space<vmem>> -> memref<128xi32, #tpu.memory_space<vmem>>
      %dma_start3A_453 = arith.constant 0 : i32
      %dma_start3A_454 = arith.constant 0 : i32
      %dma_start3A_455 = tpu.memref_slice %arg2[%dma_start3A_453, %dma_start3A_454] : memref<10000x128xf32, #tpu.memory_space<hbm>> -> memref<10000x128xf32, #tpu.memory_space<hbm>>
      tpu.enqueue_indirect_dma source(%dma_start3A_455 : memref<10000x128xf32, #tpu.memory_space<hbm>>) target(%arg10 : memref<128x128xf32, #tpu.memory_space<vmem>>) offsets(%dma_start3A_452 : memref<128xi32, #tpu.memory_space<vmem>>) semaphore(%arg13 : memref<!tpu.dma_semaphore, #tpu.memory_space<semaphore_mem>>)
      %dma_wait3A_456 = arith.constant 3 : i32
      %dma_wait3A_457 = arith.constant 0 : i32
      %dma_wait3A_458 = tpu.memref_slice %arg7[%dma_wait3A_456, %dma_wait3A_457] : memref<8x128xi32, #tpu.memory_space<vmem>> -> memref<1x128xi32, #tpu.memory_space<vmem>>
      %dma_wait3A_459 = tpu.memref_squeeze %dma_wait3A_458 : memref<1x128xi32, #tpu.memory_space<vmem>> -> memref<128xi32, #tpu.memory_space<vmem>>
      %dma_wait3A_460 = arith.constant 0 : i32
      %dma_wait3A_461 = arith.constant 0 : i32
      %dma_wait3A_462 = tpu.memref_slice %arg2[%dma_wait3A_460, %dma_wait3A_461] : memref<10000x128xf32, #tpu.memory_space<hbm>> -> memref<10000x128xf32, #tpu.memory_space<hbm>>
      tpu.wait_indirect_dma semaphore(%arg14 : memref<!tpu.dma_semaphore, #tpu.memory_space<semaphore_mem>>) src(%dma_wait3A_462 : memref<10000x128xf32, #tpu.memory_space<hbm>>) dst(%arg11 : memref<128x128xf32, #tpu.memory_space<vmem>>)
      %run_scoped3A_463 = arith.constant 3 : i32
      "tpu.region"() ({
        %run_scoped3A_506 = tpu.sem_alloc : memref<!tpu.dma_semaphore, #tpu.memory_space<semaphore_mem>>
        %dma_start3A_507 = arith.constant 0 : i32
        %dma_start3A_508 = tpu.memref_slice %arg9[%run_scoped3A_463, %dma_start3A_507] : memref<8x128xi32, #tpu.memory_space<vmem>> -> memref<1x128xi32, #tpu.memory_space<vmem>>
        %dma_start3A_509 = tpu.memref_squeeze %dma_start3A_508 : memref<1x128xi32, #tpu.memory_space<vmem>> -> memref<128xi32, #tpu.memory_space<vmem>>
        %dma_start3A_510 = arith.constant 0 : i32
        %dma_start3A_511 = arith.constant 0 : i32
        %dma_start3A_512 = tpu.memref_slice %arg12[%dma_start3A_510, %dma_start3A_511] : memref<10064x128xf32, #tpu.memory_space<vmem_shared>> -> memref<10064x128xf32, #tpu.memory_space<vmem_shared>>
        tpu.enqueue_indirect_dma source(%arg11 : memref<128x128xf32, #tpu.memory_space<vmem>>) target(%dma_start3A_512 : memref<10064x128xf32, #tpu.memory_space<vmem_shared>>) offsets(%dma_start3A_509 : memref<128xi32, #tpu.memory_space<vmem>>) semaphore(%run_scoped3A_506 : memref<!tpu.dma_semaphore, #tpu.memory_space<semaphore_mem>>) {add = true}
        %dma_wait3A_513 = arith.constant 0 : i32
        %dma_wait3A_514 = tpu.memref_slice %arg9[%run_scoped3A_463, %dma_wait3A_513] : memref<8x128xi32, #tpu.memory_space<vmem>> -> memref<1x128xi32, #tpu.memory_space<vmem>>
        %dma_wait3A_515 = tpu.memref_squeeze %dma_wait3A_514 : memref<1x128xi32, #tpu.memory_space<vmem>> -> memref<128xi32, #tpu.memory_space<vmem>>
        %dma_wait3A_516 = arith.constant 0 : i32
        %dma_wait3A_517 = arith.constant 0 : i32
        %dma_wait3A_518 = tpu.memref_slice %arg12[%dma_wait3A_516, %dma_wait3A_517] : memref<10064x128xf32, #tpu.memory_space<vmem_shared>> -> memref<10064x128xf32, #tpu.memory_space<vmem_shared>>
        tpu.wait_indirect_dma semaphore(%run_scoped3A_506 : memref<!tpu.dma_semaphore, #tpu.memory_space<semaphore_mem>>) src(%arg11 : memref<128x128xf32, #tpu.memory_space<vmem>>) dst(%dma_wait3A_518 : memref<10064x128xf32, #tpu.memory_space<vmem_shared>>)
        tpu.yield
      }) : () -> ()
      %dma_start3A_464 = arith.constant 5 : i32
      %dma_start3A_465 = arith.constant 0 : i32
      %dma_start3A_466 = tpu.memref_slice %arg7[%dma_start3A_464, %dma_start3A_465] : memref<8x128xi32, #tpu.memory_space<vmem>> -> memref<1x128xi32, #tpu.memory_space<vmem>>
      %dma_start3A_467 = tpu.memref_squeeze %dma_start3A_466 : memref<1x128xi32, #tpu.memory_space<vmem>> -> memref<128xi32, #tpu.memory_space<vmem>>
      %dma_start3A_468 = arith.constant 0 : i32
      %dma_start3A_469 = arith.constant 0 : i32
      %dma_start3A_470 = tpu.memref_slice %arg2[%dma_start3A_468, %dma_start3A_469] : memref<10000x128xf32, #tpu.memory_space<hbm>> -> memref<10000x128xf32, #tpu.memory_space<hbm>>
      tpu.enqueue_indirect_dma source(%dma_start3A_470 : memref<10000x128xf32, #tpu.memory_space<hbm>>) target(%arg11 : memref<128x128xf32, #tpu.memory_space<vmem>>) offsets(%dma_start3A_467 : memref<128xi32, #tpu.memory_space<vmem>>) semaphore(%arg14 : memref<!tpu.dma_semaphore, #tpu.memory_space<semaphore_mem>>)
      %dma_wait3A_471 = arith.constant 4 : i32
      %dma_wait3A_472 = arith.constant 0 : i32
      %dma_wait3A_473 = tpu.memref_slice %arg7[%dma_wait3A_471, %dma_wait3A_472] : memref<8x128xi32, #tpu.memory_space<vmem>> -> memref<1x128xi32, #tpu.memory_space<vmem>>
      %dma_wait3A_474 = tpu.memref_squeeze %dma_wait3A_473 : memref<1x128xi32, #tpu.memory_space<vmem>> -> memref<128xi32, #tpu.memory_space<vmem>>
      %dma_wait3A_475 = arith.constant 0 : i32
      %dma_wait3A_476 = arith.constant 0 : i32
      %dma_wait3A_477 = tpu.memref_slice %arg2[%dma_wait3A_475, %dma_wait3A_476] : memref<10000x128xf32, #tpu.memory_space<hbm>> -> memref<10000x128xf32, #tpu.memory_space<hbm>>
      tpu.wait_indirect_dma semaphore(%arg13 : memref<!tpu.dma_semaphore, #tpu.memory_space<semaphore_mem>>) src(%dma_wait3A_477 : memref<10000x128xf32, #tpu.memory_space<hbm>>) dst(%arg10 : memref<128x128xf32, #tpu.memory_space<vmem>>)
      %run_scoped3A_478 = arith.constant 4 : i32
      "tpu.region"() ({
        %run_scoped3A_506 = tpu.sem_alloc : memref<!tpu.dma_semaphore, #tpu.memory_space<semaphore_mem>>
        %dma_start3A_507 = arith.constant 0 : i32
        %dma_start3A_508 = tpu.memref_slice %arg9[%run_scoped3A_478, %dma_start3A_507] : memref<8x128xi32, #tpu.memory_space<vmem>> -> memref<1x128xi32, #tpu.memory_space<vmem>>
        %dma_start3A_509 = tpu.memref_squeeze %dma_start3A_508 : memref<1x128xi32, #tpu.memory_space<vmem>> -> memref<128xi32, #tpu.memory_space<vmem>>
        %dma_start3A_510 = arith.constant 0 : i32
        %dma_start3A_511 = arith.constant 0 : i32
        %dma_start3A_512 = tpu.memref_slice %arg12[%dma_start3A_510, %dma_start3A_511] : memref<10064x128xf32, #tpu.memory_space<vmem_shared>> -> memref<10064x128xf32, #tpu.memory_space<vmem_shared>>
        tpu.enqueue_indirect_dma source(%arg10 : memref<128x128xf32, #tpu.memory_space<vmem>>) target(%dma_start3A_512 : memref<10064x128xf32, #tpu.memory_space<vmem_shared>>) offsets(%dma_start3A_509 : memref<128xi32, #tpu.memory_space<vmem>>) semaphore(%run_scoped3A_506 : memref<!tpu.dma_semaphore, #tpu.memory_space<semaphore_mem>>) {add = true}
        %dma_wait3A_513 = arith.constant 0 : i32
        %dma_wait3A_514 = tpu.memref_slice %arg9[%run_scoped3A_478, %dma_wait3A_513] : memref<8x128xi32, #tpu.memory_space<vmem>> -> memref<1x128xi32, #tpu.memory_space<vmem>>
        %dma_wait3A_515 = tpu.memref_squeeze %dma_wait3A_514 : memref<1x128xi32, #tpu.memory_space<vmem>> -> memref<128xi32, #tpu.memory_space<vmem>>
        %dma_wait3A_516 = arith.constant 0 : i32
        %dma_wait3A_517 = arith.constant 0 : i32
        %dma_wait3A_518 = tpu.memref_slice %arg12[%dma_wait3A_516, %dma_wait3A_517] : memref<10064x128xf32, #tpu.memory_space<vmem_shared>> -> memref<10064x128xf32, #tpu.memory_space<vmem_shared>>
        tpu.wait_indirect_dma semaphore(%run_scoped3A_506 : memref<!tpu.dma_semaphore, #tpu.memory_space<semaphore_mem>>) src(%arg10 : memref<128x128xf32, #tpu.memory_space<vmem>>) dst(%dma_wait3A_518 : memref<10064x128xf32, #tpu.memory_space<vmem_shared>>)
        tpu.yield
      }) : () -> ()
      %dma_start3A_479 = arith.constant 6 : i32
      %dma_start3A_480 = arith.constant 0 : i32
      %dma_start3A_481 = tpu.memref_slice %arg7[%dma_start3A_479, %dma_start3A_480] : memref<8x128xi32, #tpu.memory_space<vmem>> -> memref<1x128xi32, #tpu.memory_space<vmem>>
      %dma_start3A_482 = tpu.memref_squeeze %dma_start3A_481 : memref<1x128xi32, #tpu.memory_space<vmem>> -> memref<128xi32, #tpu.memory_space<vmem>>
      %dma_start3A_483 = arith.constant 0 : i32
      %dma_start3A_484 = arith.constant 0 : i32
      %dma_start3A_485 = tpu.memref_slice %arg2[%dma_start3A_483, %dma_start3A_484] : memref<10000x128xf32, #tpu.memory_space<hbm>> -> memref<10000x128xf32, #tpu.memory_space<hbm>>
      tpu.enqueue_indirect_dma source(%dma_start3A_485 : memref<10000x128xf32, #tpu.memory_space<hbm>>) target(%arg10 : memref<128x128xf32, #tpu.memory_space<vmem>>) offsets(%dma_start3A_482 : memref<128xi32, #tpu.memory_space<vmem>>) semaphore(%arg13 : memref<!tpu.dma_semaphore, #tpu.memory_space<semaphore_mem>>)
      %dma_wait3A_486 = arith.constant 5 : i32
      %dma_wait3A_487 = arith.constant 0 : i32
      %dma_wait3A_488 = tpu.memref_slice %arg7[%dma_wait3A_486, %dma_wait3A_487] : memref<8x128xi32, #tpu.memory_space<vmem>> -> memref<1x128xi32, #tpu.memory_space<vmem>>
      %dma_wait3A_489 = tpu.memref_squeeze %dma_wait3A_488 : memref<1x128xi32, #tpu.memory_space<vmem>> -> memref<128xi32, #tpu.memory_space<vmem>>
      %dma_wait3A_490 = arith.constant 0 : i32
      %dma_wait3A_491 = arith.constant 0 : i32
      %dma_wait3A_492 = tpu.memref_slice %arg2[%dma_wait3A_490, %dma_wait3A_491] : memref<10000x128xf32, #tpu.memory_space<hbm>> -> memref<10000x128xf32, #tpu.memory_space<hbm>>
      tpu.wait_indirect_dma semaphore(%arg14 : memref<!tpu.dma_semaphore, #tpu.memory_space<semaphore_mem>>) src(%dma_wait3A_492 : memref<10000x128xf32, #tpu.memory_space<hbm>>) dst(%arg11 : memref<128x128xf32, #tpu.memory_space<vmem>>)
      %run_scoped3A_493 = arith.constant 5 : i32
      "tpu.region"() ({
        %run_scoped3A_506 = tpu.sem_alloc : memref<!tpu.dma_semaphore, #tpu.memory_space<semaphore_mem>>
        %dma_start3A_507 = arith.constant 0 : i32
        %dma_start3A_508 = tpu.memref_slice %arg9[%run_scoped3A_493, %dma_start3A_507] : memref<8x128xi32, #tpu.memory_space<vmem>> -> memref<1x128xi32, #tpu.memory_space<vmem>>
        %dma_start3A_509 = tpu.memref_squeeze %dma_start3A_508 : memref<1x128xi32, #tpu.memory_space<vmem>> -> memref<128xi32, #tpu.memory_space<vmem>>
        %dma_start3A_510 = arith.constant 0 : i32
        %dma_start3A_511 = arith.constant 0 : i32
        %dma_start3A_512 = tpu.memref_slice %arg12[%dma_start3A_510, %dma_start3A_511] : memref<10064x128xf32, #tpu.memory_space<vmem_shared>> -> memref<10064x128xf32, #tpu.memory_space<vmem_shared>>
        tpu.enqueue_indirect_dma source(%arg11 : memref<128x128xf32, #tpu.memory_space<vmem>>) target(%dma_start3A_512 : memref<10064x128xf32, #tpu.memory_space<vmem_shared>>) offsets(%dma_start3A_509 : memref<128xi32, #tpu.memory_space<vmem>>) semaphore(%run_scoped3A_506 : memref<!tpu.dma_semaphore, #tpu.memory_space<semaphore_mem>>) {add = true}
        %dma_wait3A_513 = arith.constant 0 : i32
        %dma_wait3A_514 = tpu.memref_slice %arg9[%run_scoped3A_493, %dma_wait3A_513] : memref<8x128xi32, #tpu.memory_space<vmem>> -> memref<1x128xi32, #tpu.memory_space<vmem>>
        %dma_wait3A_515 = tpu.memref_squeeze %dma_wait3A_514 : memref<1x128xi32, #tpu.memory_space<vmem>> -> memref<128xi32, #tpu.memory_space<vmem>>
        %dma_wait3A_516 = arith.constant 0 : i32
        %dma_wait3A_517 = arith.constant 0 : i32
        %dma_wait3A_518 = tpu.memref_slice %arg12[%dma_wait3A_516, %dma_wait3A_517] : memref<10064x128xf32, #tpu.memory_space<vmem_shared>> -> memref<10064x128xf32, #tpu.memory_space<vmem_shared>>
        tpu.wait_indirect_dma semaphore(%run_scoped3A_506 : memref<!tpu.dma_semaphore, #tpu.memory_space<semaphore_mem>>) src(%arg11 : memref<128x128xf32, #tpu.memory_space<vmem>>) dst(%dma_wait3A_518 : memref<10064x128xf32, #tpu.memory_space<vmem_shared>>)
        tpu.yield
      }) : () -> ()
      %dma_start3A_494 = arith.constant 7 : i32
      %dma_start3A_495 = arith.constant 0 : i32
      %dma_start3A_496 = tpu.memref_slice %arg7[%dma_start3A_494, %dma_start3A_495] : memref<8x128xi32, #tpu.memory_space<vmem>> -> memref<1x128xi32, #tpu.memory_space<vmem>>
      %dma_start3A_497 = tpu.memref_squeeze %dma_start3A_496 : memref<1x128xi32, #tpu.memory_space<vmem>> -> memref<128xi32, #tpu.memory_space<vmem>>
      %dma_start3A_498 = arith.constant 0 : i32
      %dma_start3A_499 = arith.constant 0 : i32
      %dma_start3A_500 = tpu.memref_slice %arg2[%dma_start3A_498, %dma_start3A_499] : memref<10000x128xf32, #tpu.memory_space<hbm>> -> memref<10000x128xf32, #tpu.memory_space<hbm>>
      tpu.enqueue_indirect_dma source(%dma_start3A_500 : memref<10000x128xf32, #tpu.memory_space<hbm>>) target(%arg11 : memref<128x128xf32, #tpu.memory_space<vmem>>) offsets(%dma_start3A_497 : memref<128xi32, #tpu.memory_space<vmem>>) semaphore(%arg14 : memref<!tpu.dma_semaphore, #tpu.memory_space<semaphore_mem>>)
      %lt3A_501 = arith.constant 4 : i32
      %lt3A_502 = arith.cmpi slt, %scan3A_242, %lt3A_501 : i32
      %convert_element_type3A_503 = arith.extui %lt3A_502 : i1 to i32
      %cond3A_504 = arith.constant 0 : i32
      %cond3A_505 = arith.cmpi ne, %convert_element_type3A_503, %cond3A_504 : i32
      scf.if %cond3A_505 {
        %add3A_506 = arith.constant 16 : i32
        %add3A_507 = arith.addi %add3A_245, %add3A_506 : i32
        %dma_start3A_508 = arith.constant 0 : i32
        %dma_start3A_509 = tpu.memref_slice %arg3[%add3A_507, %dma_start3A_508] : memref<2560x128xi32, #tpu.memory_space<hbm>> -> memref<8x128xi32, #tpu.memory_space<hbm>>
        %dma_start3A_510 = arith.constant 0 : i32
        %dma_start3A_511 = tpu.memref_slice %arg3[%add3A_507, %dma_start3A_510] : memref<2560x128xi32, #tpu.memory_space<hbm>> -> memref<8x128xi32, #tpu.memory_space<hbm>>
        tpu.enqueue_dma source(%dma_start3A_511 : memref<8x128xi32, #tpu.memory_space<hbm>>) target(%arg6 : memref<8x128xi32, #tpu.memory_space<vmem>>) target_semaphore(%arg16 : memref<!tpu.dma_semaphore, #tpu.memory_space<semaphore_mem>>)
        %add3A_512 = arith.constant 16 : i32
        %add3A_513 = arith.addi %add3A_245, %add3A_512 : i32
        %dma_start3A_514 = arith.constant 0 : i32
        %dma_start3A_515 = tpu.memref_slice %arg4[%add3A_513, %dma_start3A_514] : memref<2560x128xi32, #tpu.memory_space<hbm>> -> memref<8x128xi32, #tpu.memory_space<hbm>>
        %dma_start3A_516 = arith.constant 0 : i32
        %dma_start3A_517 = tpu.memref_slice %arg4[%add3A_513, %dma_start3A_516] : memref<2560x128xi32, #tpu.memory_space<hbm>> -> memref<8x128xi32, #tpu.memory_space<hbm>>
        tpu.enqueue_dma source(%dma_start3A_517 : memref<8x128xi32, #tpu.memory_space<hbm>>) target(%arg8 : memref<8x128xi32, #tpu.memory_space<vmem>>) target_semaphore(%arg16 : memref<!tpu.dma_semaphore, #tpu.memory_space<semaphore_mem>>)
      } else {
      }
    }
    %scan3A_116 = arith.constant 5 : i32
    %dma_wait3A = arith.constant 0 : i32
    %dma_wait3A_117 = arith.constant 0 : i32
    %dma_wait3A_118 = tpu.memref_slice %arg2[%dma_wait3A, %dma_wait3A_117] : memref<10000x128xf32, #tpu.memory_space<hbm>> -> memref<128x128xf32, #tpu.memory_space<hbm>>
    %dma_wait3A_119 = arith.constant 0 : i32
    %dma_wait3A_120 = arith.constant 0 : i32
    %dma_wait3A_121 = tpu.memref_slice %arg2[%dma_wait3A_119, %dma_wait3A_120] : memref<10000x128xf32, #tpu.memory_space<hbm>> -> memref<128x128xf32, #tpu.memory_space<hbm>>
    tpu.wait_dma2 semaphore(%arg13 : memref<!tpu.dma_semaphore, #tpu.memory_space<semaphore_mem>>) src(%dma_wait3A_121 : memref<128x128xf32, #tpu.memory_space<hbm>>) dst(%arg10 : memref<128x128xf32, #tpu.memory_space<vmem>>)
    %run_scoped3A = arith.constant 6 : i32
    "tpu.region"() ({
      %run_scoped3A_242 = tpu.sem_alloc : memref<!tpu.dma_semaphore, #tpu.memory_space<semaphore_mem>>
      %dma_start3A = arith.constant 0 : i32
      %dma_start3A_243 = tpu.memref_slice %arg9[%run_scoped3A, %dma_start3A] : memref<8x128xi32, #tpu.memory_space<vmem>> -> memref<1x128xi32, #tpu.memory_space<vmem>>
      %dma_start3A_244 = tpu.memref_squeeze %dma_start3A_243 : memref<1x128xi32, #tpu.memory_space<vmem>> -> memref<128xi32, #tpu.memory_space<vmem>>
      %dma_start3A_245 = arith.constant 0 : i32
      %dma_start3A_246 = arith.constant 0 : i32
      %dma_start3A_247 = tpu.memref_slice %arg12[%dma_start3A_245, %dma_start3A_246] : memref<10064x128xf32, #tpu.memory_space<vmem_shared>> -> memref<10064x128xf32, #tpu.memory_space<vmem_shared>>
      tpu.enqueue_indirect_dma source(%arg10 : memref<128x128xf32, #tpu.memory_space<vmem>>) target(%dma_start3A_247 : memref<10064x128xf32, #tpu.memory_space<vmem_shared>>) offsets(%dma_start3A_244 : memref<128xi32, #tpu.memory_space<vmem>>) semaphore(%run_scoped3A_242 : memref<!tpu.dma_semaphore, #tpu.memory_space<semaphore_mem>>) {add = true}
      %dma_wait3A_248 = arith.constant 0 : i32
      %dma_wait3A_249 = tpu.memref_slice %arg9[%run_scoped3A, %dma_wait3A_248] : memref<8x128xi32, #tpu.memory_space<vmem>> -> memref<1x128xi32, #tpu.memory_space<vmem>>
      %dma_wait3A_250 = tpu.memref_squeeze %dma_wait3A_249 : memref<1x128xi32, #tpu.memory_space<vmem>> -> memref<128xi32, #tpu.memory_space<vmem>>
      %dma_wait3A_251 = arith.constant 0 : i32
      %dma_wait3A_252 = arith.constant 0 : i32
      %dma_wait3A_253 = tpu.memref_slice %arg12[%dma_wait3A_251, %dma_wait3A_252] : memref<10064x128xf32, #tpu.memory_space<vmem_shared>> -> memref<10064x128xf32, #tpu.memory_space<vmem_shared>>
      tpu.wait_indirect_dma semaphore(%run_scoped3A_242 : memref<!tpu.dma_semaphore, #tpu.memory_space<semaphore_mem>>) src(%arg10 : memref<128x128xf32, #tpu.memory_space<vmem>>) dst(%dma_wait3A_253 : memref<10064x128xf32, #tpu.memory_space<vmem_shared>>)
      tpu.yield
    }) : () -> ()
    %dma_wait3A_122 = arith.constant 0 : i32
    %dma_wait3A_123 = arith.constant 0 : i32
    %dma_wait3A_124 = tpu.memref_slice %arg2[%dma_wait3A_122, %dma_wait3A_123] : memref<10000x128xf32, #tpu.memory_space<hbm>> -> memref<128x128xf32, #tpu.memory_space<hbm>>
    %dma_wait3A_125 = arith.constant 0 : i32
    %dma_wait3A_126 = arith.constant 0 : i32
    %dma_wait3A_127 = tpu.memref_slice %arg2[%dma_wait3A_125, %dma_wait3A_126] : memref<10000x128xf32, #tpu.memory_space<hbm>> -> memref<128x128xf32, #tpu.memory_space<hbm>>
    tpu.wait_dma2 semaphore(%arg14 : memref<!tpu.dma_semaphore, #tpu.memory_space<semaphore_mem>>) src(%dma_wait3A_127 : memref<128x128xf32, #tpu.memory_space<hbm>>) dst(%arg11 : memref<128x128xf32, #tpu.memory_space<vmem>>)
    %run_scoped3A_128 = arith.constant 7 : i32
    "tpu.region"() ({
      %run_scoped3A_242 = tpu.sem_alloc : memref<!tpu.dma_semaphore, #tpu.memory_space<semaphore_mem>>
      %dma_start3A = arith.constant 0 : i32
      %dma_start3A_243 = tpu.memref_slice %arg9[%run_scoped3A_128, %dma_start3A] : memref<8x128xi32, #tpu.memory_space<vmem>> -> memref<1x128xi32, #tpu.memory_space<vmem>>
      %dma_start3A_244 = tpu.memref_squeeze %dma_start3A_243 : memref<1x128xi32, #tpu.memory_space<vmem>> -> memref<128xi32, #tpu.memory_space<vmem>>
      %dma_start3A_245 = arith.constant 0 : i32
      %dma_start3A_246 = arith.constant 0 : i32
      %dma_start3A_247 = tpu.memref_slice %arg12[%dma_start3A_245, %dma_start3A_246] : memref<10064x128xf32, #tpu.memory_space<vmem_shared>> -> memref<10064x128xf32, #tpu.memory_space<vmem_shared>>
      tpu.enqueue_indirect_dma source(%arg11 : memref<128x128xf32, #tpu.memory_space<vmem>>) target(%dma_start3A_247 : memref<10064x128xf32, #tpu.memory_space<vmem_shared>>) offsets(%dma_start3A_244 : memref<128xi32, #tpu.memory_space<vmem>>) semaphore(%run_scoped3A_242 : memref<!tpu.dma_semaphore, #tpu.memory_space<semaphore_mem>>) {add = true}
      %dma_wait3A_248 = arith.constant 0 : i32
      %dma_wait3A_249 = tpu.memref_slice %arg9[%run_scoped3A_128, %dma_wait3A_248] : memref<8x128xi32, #tpu.memory_space<vmem>> -> memref<1x128xi32, #tpu.memory_space<vmem>>
      %dma_wait3A_250 = tpu.memref_squeeze %dma_wait3A_249 : memref<1x128xi32, #tpu.memory_space<vmem>> -> memref<128xi32, #tpu.memory_space<vmem>>
      %dma_wait3A_251 = arith.constant 0 : i32
      %dma_wait3A_252 = arith.constant 0 : i32
      %dma_wait3A_253 = tpu.memref_slice %arg12[%dma_wait3A_251, %dma_wait3A_252] : memref<10064x128xf32, #tpu.memory_space<vmem_shared>> -> memref<10064x128xf32, #tpu.memory_space<vmem_shared>>
      tpu.wait_indirect_dma semaphore(%run_scoped3A_242 : memref<!tpu.dma_semaphore, #tpu.memory_space<semaphore_mem>>) src(%arg11 : memref<128x128xf32, #tpu.memory_space<vmem>>) dst(%dma_wait3A_253 : memref<10064x128xf32, #tpu.memory_space<vmem_shared>>)
      tpu.yield
    }) : () -> ()
    %barrier3A_129 = arith.constant 0 : index
    tpu.barrier barrier_id(%barrier3A_129)
    %add3A_130 = arith.constant 0 : i32
    %add3A_131 = arith.addi %arg1, %add3A_130 : i32
    %lt3A_132 = arith.constant 125 : i32
    %lt3A_133 = arith.cmpi slt, %add3A_131, %lt3A_132 : i32
    %convert_element_type3A_134 = arith.extui %lt3A_133 : i1 to i32
    %cond3A_135 = arith.constant 0 : i32
    %cond3A_136 = arith.cmpi ne, %convert_element_type3A_134, %cond3A_135 : i32
    scf.if %cond3A_136 {
      %mul3A_242 = arith.constant 80 : i32
      %mul3A_243 = arith.muli %add3A_131, %mul3A_242 : i32
      %dma_start3A = arith.constant 0 : i32
      %dma_start3A_244 = tpu.memref_slice %arg5[%arg0, %mul3A_243, %dma_start3A] : memref<2x10000x128xf32, #tpu.memory_space<hbm>> -> memref<1x80x128xf32, #tpu.memory_space<hbm>>
      %dma_start3A_245 = tpu.memref_squeeze %dma_start3A_244 : memref<1x80x128xf32, #tpu.memory_space<hbm>> -> memref<80x128xf32, #tpu.memory_space<hbm>>
      %dma_start3A_246 = arith.constant 0 : i32
      %dma_start3A_247 = tpu.memref_slice %arg12[%mul3A_243, %dma_start3A_246] : memref<10064x128xf32, #tpu.memory_space<vmem_shared>> -> memref<80x128xf32, #tpu.memory_space<vmem_shared>>
      tpu.enqueue_dma source(%dma_start3A_247 : memref<80x128xf32, #tpu.memory_space<vmem_shared>>) target(%dma_start3A_245 : memref<80x128xf32, #tpu.memory_space<hbm>>) target_semaphore(%arg15 : memref<!tpu.dma_semaphore, #tpu.memory_space<semaphore_mem>>)
    } else {
    }
    %add3A_137 = arith.constant 16 : i32
    %add3A_138 = arith.addi %arg1, %add3A_137 : i32
    %lt3A_139 = arith.constant 125 : i32
    %lt3A_140 = arith.cmpi slt, %add3A_138, %lt3A_139 : i32
    %convert_element_type3A_141 = arith.extui %lt3A_140 : i1 to i32
    %cond3A_142 = arith.constant 0 : i32
    %cond3A_143 = arith.cmpi ne, %convert_element_type3A_141, %cond3A_142 : i32
    scf.if %cond3A_143 {
      %mul3A_242 = arith.constant 80 : i32
      %mul3A_243 = arith.muli %add3A_138, %mul3A_242 : i32
      %dma_start3A = arith.constant 0 : i32
      %dma_start3A_244 = tpu.memref_slice %arg5[%arg0, %mul3A_243, %dma_start3A] : memref<2x10000x128xf32, #tpu.memory_space<hbm>> -> memref<1x80x128xf32, #tpu.memory_space<hbm>>
      %dma_start3A_245 = tpu.memref_squeeze %dma_start3A_244 : memref<1x80x128xf32, #tpu.memory_space<hbm>> -> memref<80x128xf32, #tpu.memory_space<hbm>>
      %dma_start3A_246 = arith.constant 0 : i32
      %dma_start3A_247 = tpu.memref_slice %arg12[%mul3A_243, %dma_start3A_246] : memref<10064x128xf32, #tpu.memory_space<vmem_shared>> -> memref<80x128xf32, #tpu.memory_space<vmem_shared>>
      tpu.enqueue_dma source(%dma_start3A_247 : memref<80x128xf32, #tpu.memory_space<vmem_shared>>) target(%dma_start3A_245 : memref<80x128xf32, #tpu.memory_space<hbm>>) target_semaphore(%arg15 : memref<!tpu.dma_semaphore, #tpu.memory_space<semaphore_mem>>)
    } else {
    }
    %add3A_144 = arith.constant 32 : i32
    %add3A_145 = arith.addi %arg1, %add3A_144 : i32
    %lt3A_146 = arith.constant 125 : i32
    %lt3A_147 = arith.cmpi slt, %add3A_145, %lt3A_146 : i32
    %convert_element_type3A_148 = arith.extui %lt3A_147 : i1 to i32
    %cond3A_149 = arith.constant 0 : i32
    %cond3A_150 = arith.cmpi ne, %convert_element_type3A_148, %cond3A_149 : i32
    scf.if %cond3A_150 {
      %mul3A_242 = arith.constant 80 : i32
      %mul3A_243 = arith.muli %add3A_145, %mul3A_242 : i32
      %dma_start3A = arith.constant 0 : i32
      %dma_start3A_244 = tpu.memref_slice %arg5[%arg0, %mul3A_243, %dma_start3A] : memref<2x10000x128xf32, #tpu.memory_space<hbm>> -> memref<1x80x128xf32, #tpu.memory_space<hbm>>
      %dma_start3A_245 = tpu.memref_squeeze %dma_start3A_244 : memref<1x80x128xf32, #tpu.memory_space<hbm>> -> memref<80x128xf32, #tpu.memory_space<hbm>>
      %dma_start3A_246 = arith.constant 0 : i32
      %dma_start3A_247 = tpu.memref_slice %arg12[%mul3A_243, %dma_start3A_246] : memref<10064x128xf32, #tpu.memory_space<vmem_shared>> -> memref<80x128xf32, #tpu.memory_space<vmem_shared>>
      tpu.enqueue_dma source(%dma_start3A_247 : memref<80x128xf32, #tpu.memory_space<vmem_shared>>) target(%dma_start3A_245 : memref<80x128xf32, #tpu.memory_space<hbm>>) target_semaphore(%arg15 : memref<!tpu.dma_semaphore, #tpu.memory_space<semaphore_mem>>)
    } else {
    }
    %add3A_151 = arith.constant 48 : i32
    %add3A_152 = arith.addi %arg1, %add3A_151 : i32
    %lt3A_153 = arith.constant 125 : i32
    %lt3A_154 = arith.cmpi slt, %add3A_152, %lt3A_153 : i32
    %convert_element_type3A_155 = arith.extui %lt3A_154 : i1 to i32
    %cond3A_156 = arith.constant 0 : i32
    %cond3A_157 = arith.cmpi ne, %convert_element_type3A_155, %cond3A_156 : i32
    scf.if %cond3A_157 {
      %mul3A_242 = arith.constant 80 : i32
      %mul3A_243 = arith.muli %add3A_152, %mul3A_242 : i32
      %dma_start3A = arith.constant 0 : i32
      %dma_start3A_244 = tpu.memref_slice %arg5[%arg0, %mul3A_243, %dma_start3A] : memref<2x10000x128xf32, #tpu.memory_space<hbm>> -> memref<1x80x128xf32, #tpu.memory_space<hbm>>
      %dma_start3A_245 = tpu.memref_squeeze %dma_start3A_244 : memref<1x80x128xf32, #tpu.memory_space<hbm>> -> memref<80x128xf32, #tpu.memory_space<hbm>>
      %dma_start3A_246 = arith.constant 0 : i32
      %dma_start3A_247 = tpu.memref_slice %arg12[%mul3A_243, %dma_start3A_246] : memref<10064x128xf32, #tpu.memory_space<vmem_shared>> -> memref<80x128xf32, #tpu.memory_space<vmem_shared>>
      tpu.enqueue_dma source(%dma_start3A_247 : memref<80x128xf32, #tpu.memory_space<vmem_shared>>) target(%dma_start3A_245 : memref<80x128xf32, #tpu.memory_space<hbm>>) target_semaphore(%arg15 : memref<!tpu.dma_semaphore, #tpu.memory_space<semaphore_mem>>)
    } else {
    }
    %add3A_158 = arith.constant 64 : i32
    %add3A_159 = arith.addi %arg1, %add3A_158 : i32
    %lt3A_160 = arith.constant 125 : i32
    %lt3A_161 = arith.cmpi slt, %add3A_159, %lt3A_160 : i32
    %convert_element_type3A_162 = arith.extui %lt3A_161 : i1 to i32
    %cond3A_163 = arith.constant 0 : i32
    %cond3A_164 = arith.cmpi ne, %convert_element_type3A_162, %cond3A_163 : i32
    scf.if %cond3A_164 {
      %mul3A_242 = arith.constant 80 : i32
      %mul3A_243 = arith.muli %add3A_159, %mul3A_242 : i32
      %dma_start3A = arith.constant 0 : i32
      %dma_start3A_244 = tpu.memref_slice %arg5[%arg0, %mul3A_243, %dma_start3A] : memref<2x10000x128xf32, #tpu.memory_space<hbm>> -> memref<1x80x128xf32, #tpu.memory_space<hbm>>
      %dma_start3A_245 = tpu.memref_squeeze %dma_start3A_244 : memref<1x80x128xf32, #tpu.memory_space<hbm>> -> memref<80x128xf32, #tpu.memory_space<hbm>>
      %dma_start3A_246 = arith.constant 0 : i32
      %dma_start3A_247 = tpu.memref_slice %arg12[%mul3A_243, %dma_start3A_246] : memref<10064x128xf32, #tpu.memory_space<vmem_shared>> -> memref<80x128xf32, #tpu.memory_space<vmem_shared>>
      tpu.enqueue_dma source(%dma_start3A_247 : memref<80x128xf32, #tpu.memory_space<vmem_shared>>) target(%dma_start3A_245 : memref<80x128xf32, #tpu.memory_space<hbm>>) target_semaphore(%arg15 : memref<!tpu.dma_semaphore, #tpu.memory_space<semaphore_mem>>)
    } else {
    }
    %add3A_165 = arith.constant 80 : i32
    %add3A_166 = arith.addi %arg1, %add3A_165 : i32
    %lt3A_167 = arith.constant 125 : i32
    %lt3A_168 = arith.cmpi slt, %add3A_166, %lt3A_167 : i32
    %convert_element_type3A_169 = arith.extui %lt3A_168 : i1 to i32
    %cond3A_170 = arith.constant 0 : i32
    %cond3A_171 = arith.cmpi ne, %convert_element_type3A_169, %cond3A_170 : i32
    scf.if %cond3A_171 {
      %mul3A_242 = arith.constant 80 : i32
      %mul3A_243 = arith.muli %add3A_166, %mul3A_242 : i32
      %dma_start3A = arith.constant 0 : i32
      %dma_start3A_244 = tpu.memref_slice %arg5[%arg0, %mul3A_243, %dma_start3A] : memref<2x10000x128xf32, #tpu.memory_space<hbm>> -> memref<1x80x128xf32, #tpu.memory_space<hbm>>
      %dma_start3A_245 = tpu.memref_squeeze %dma_start3A_244 : memref<1x80x128xf32, #tpu.memory_space<hbm>> -> memref<80x128xf32, #tpu.memory_space<hbm>>
      %dma_start3A_246 = arith.constant 0 : i32
      %dma_start3A_247 = tpu.memref_slice %arg12[%mul3A_243, %dma_start3A_246] : memref<10064x128xf32, #tpu.memory_space<vmem_shared>> -> memref<80x128xf32, #tpu.memory_space<vmem_shared>>
      tpu.enqueue_dma source(%dma_start3A_247 : memref<80x128xf32, #tpu.memory_space<vmem_shared>>) target(%dma_start3A_245 : memref<80x128xf32, #tpu.memory_space<hbm>>) target_semaphore(%arg15 : memref<!tpu.dma_semaphore, #tpu.memory_space<semaphore_mem>>)
    } else {
    }
    %add3A_172 = arith.constant 96 : i32
    %add3A_173 = arith.addi %arg1, %add3A_172 : i32
    %lt3A_174 = arith.constant 125 : i32
    %lt3A_175 = arith.cmpi slt, %add3A_173, %lt3A_174 : i32
    %convert_element_type3A_176 = arith.extui %lt3A_175 : i1 to i32
    %cond3A_177 = arith.constant 0 : i32
    %cond3A_178 = arith.cmpi ne, %convert_element_type3A_176, %cond3A_177 : i32
    scf.if %cond3A_178 {
      %mul3A_242 = arith.constant 80 : i32
      %mul3A_243 = arith.muli %add3A_173, %mul3A_242 : i32
      %dma_start3A = arith.constant 0 : i32
      %dma_start3A_244 = tpu.memref_slice %arg5[%arg0, %mul3A_243, %dma_start3A] : memref<2x10000x128xf32, #tpu.memory_space<hbm>> -> memref<1x80x128xf32, #tpu.memory_space<hbm>>
      %dma_start3A_245 = tpu.memref_squeeze %dma_start3A_244 : memref<1x80x128xf32, #tpu.memory_space<hbm>> -> memref<80x128xf32, #tpu.memory_space<hbm>>
      %dma_start3A_246 = arith.constant 0 : i32
      %dma_start3A_247 = tpu.memref_slice %arg12[%mul3A_243, %dma_start3A_246] : memref<10064x128xf32, #tpu.memory_space<vmem_shared>> -> memref<80x128xf32, #tpu.memory_space<vmem_shared>>
      tpu.enqueue_dma source(%dma_start3A_247 : memref<80x128xf32, #tpu.memory_space<vmem_shared>>) target(%dma_start3A_245 : memref<80x128xf32, #tpu.memory_space<hbm>>) target_semaphore(%arg15 : memref<!tpu.dma_semaphore, #tpu.memory_space<semaphore_mem>>)
    } else {
    }
    %add3A_179 = arith.constant 112 : i32
    %add3A_180 = arith.addi %arg1, %add3A_179 : i32
    %lt3A_181 = arith.constant 125 : i32
    %lt3A_182 = arith.cmpi slt, %add3A_180, %lt3A_181 : i32
    %convert_element_type3A_183 = arith.extui %lt3A_182 : i1 to i32
    %cond3A_184 = arith.constant 0 : i32
    %cond3A_185 = arith.cmpi ne, %convert_element_type3A_183, %cond3A_184 : i32
    scf.if %cond3A_185 {
      %mul3A_242 = arith.constant 80 : i32
      %mul3A_243 = arith.muli %add3A_180, %mul3A_242 : i32
      %dma_start3A = arith.constant 0 : i32
      %dma_start3A_244 = tpu.memref_slice %arg5[%arg0, %mul3A_243, %dma_start3A] : memref<2x10000x128xf32, #tpu.memory_space<hbm>> -> memref<1x80x128xf32, #tpu.memory_space<hbm>>
      %dma_start3A_245 = tpu.memref_squeeze %dma_start3A_244 : memref<1x80x128xf32, #tpu.memory_space<hbm>> -> memref<80x128xf32, #tpu.memory_space<hbm>>
      %dma_start3A_246 = arith.constant 0 : i32
      %dma_start3A_247 = tpu.memref_slice %arg12[%mul3A_243, %dma_start3A_246] : memref<10064x128xf32, #tpu.memory_space<vmem_shared>> -> memref<80x128xf32, #tpu.memory_space<vmem_shared>>
      tpu.enqueue_dma source(%dma_start3A_247 : memref<80x128xf32, #tpu.memory_space<vmem_shared>>) target(%dma_start3A_245 : memref<80x128xf32, #tpu.memory_space<hbm>>) target_semaphore(%arg15 : memref<!tpu.dma_semaphore, #tpu.memory_space<semaphore_mem>>)
    } else {
    }
    %add3A_186 = arith.constant 0 : i32
    %add3A_187 = arith.addi %arg1, %add3A_186 : i32
    %lt3A_188 = arith.constant 125 : i32
    %lt3A_189 = arith.cmpi slt, %add3A_187, %lt3A_188 : i32
    %convert_element_type3A_190 = arith.extui %lt3A_189 : i1 to i32
    %cond3A_191 = arith.constant 0 : i32
    %cond3A_192 = arith.cmpi ne, %convert_element_type3A_190, %cond3A_191 : i32
    scf.if %cond3A_192 {
      %mul3A_242 = arith.constant 80 : i32
      %mul3A_243 = arith.muli %add3A_187, %mul3A_242 : i32
      %dma_wait3A_244 = arith.constant 0 : i32
      %dma_wait3A_245 = tpu.memref_slice %arg5[%arg0, %mul3A_243, %dma_wait3A_244] : memref<2x10000x128xf32, #tpu.memory_space<hbm>> -> memref<1x80x128xf32, #tpu.memory_space<hbm>>
      %dma_wait3A_246 = tpu.memref_squeeze %dma_wait3A_245 : memref<1x80x128xf32, #tpu.memory_space<hbm>> -> memref<80x128xf32, #tpu.memory_space<hbm>>
      %dma_wait3A_247 = arith.constant 0 : i32
      %dma_wait3A_248 = tpu.memref_slice %arg12[%mul3A_243, %dma_wait3A_247] : memref<10064x128xf32, #tpu.memory_space<vmem_shared>> -> memref<80x128xf32, #tpu.memory_space<vmem_shared>>
      tpu.wait_dma2 semaphore(%arg15 : memref<!tpu.dma_semaphore, #tpu.memory_space<semaphore_mem>>) src(%dma_wait3A_248 : memref<80x128xf32, #tpu.memory_space<vmem_shared>>) dst(%dma_wait3A_246 : memref<80x128xf32, #tpu.memory_space<hbm>>)
    } else {
    }
    %add3A_193 = arith.constant 16 : i32
    %add3A_194 = arith.addi %arg1, %add3A_193 : i32
    %lt3A_195 = arith.constant 125 : i32
    %lt3A_196 = arith.cmpi slt, %add3A_194, %lt3A_195 : i32
    %convert_element_type3A_197 = arith.extui %lt3A_196 : i1 to i32
    %cond3A_198 = arith.constant 0 : i32
    %cond3A_199 = arith.cmpi ne, %convert_element_type3A_197, %cond3A_198 : i32
    scf.if %cond3A_199 {
      %mul3A_242 = arith.constant 80 : i32
      %mul3A_243 = arith.muli %add3A_194, %mul3A_242 : i32
      %dma_wait3A_244 = arith.constant 0 : i32
      %dma_wait3A_245 = tpu.memref_slice %arg5[%arg0, %mul3A_243, %dma_wait3A_244] : memref<2x10000x128xf32, #tpu.memory_space<hbm>> -> memref<1x80x128xf32, #tpu.memory_space<hbm>>
      %dma_wait3A_246 = tpu.memref_squeeze %dma_wait3A_245 : memref<1x80x128xf32, #tpu.memory_space<hbm>> -> memref<80x128xf32, #tpu.memory_space<hbm>>
      %dma_wait3A_247 = arith.constant 0 : i32
      %dma_wait3A_248 = tpu.memref_slice %arg12[%mul3A_243, %dma_wait3A_247] : memref<10064x128xf32, #tpu.memory_space<vmem_shared>> -> memref<80x128xf32, #tpu.memory_space<vmem_shared>>
      tpu.wait_dma2 semaphore(%arg15 : memref<!tpu.dma_semaphore, #tpu.memory_space<semaphore_mem>>) src(%dma_wait3A_248 : memref<80x128xf32, #tpu.memory_space<vmem_shared>>) dst(%dma_wait3A_246 : memref<80x128xf32, #tpu.memory_space<hbm>>)
    } else {
    }
    %add3A_200 = arith.constant 32 : i32
    %add3A_201 = arith.addi %arg1, %add3A_200 : i32
    %lt3A_202 = arith.constant 125 : i32
    %lt3A_203 = arith.cmpi slt, %add3A_201, %lt3A_202 : i32
    %convert_element_type3A_204 = arith.extui %lt3A_203 : i1 to i32
    %cond3A_205 = arith.constant 0 : i32
    %cond3A_206 = arith.cmpi ne, %convert_element_type3A_204, %cond3A_205 : i32
    scf.if %cond3A_206 {
      %mul3A_242 = arith.constant 80 : i32
      %mul3A_243 = arith.muli %add3A_201, %mul3A_242 : i32
      %dma_wait3A_244 = arith.constant 0 : i32
      %dma_wait3A_245 = tpu.memref_slice %arg5[%arg0, %mul3A_243, %dma_wait3A_244] : memref<2x10000x128xf32, #tpu.memory_space<hbm>> -> memref<1x80x128xf32, #tpu.memory_space<hbm>>
      %dma_wait3A_246 = tpu.memref_squeeze %dma_wait3A_245 : memref<1x80x128xf32, #tpu.memory_space<hbm>> -> memref<80x128xf32, #tpu.memory_space<hbm>>
      %dma_wait3A_247 = arith.constant 0 : i32
      %dma_wait3A_248 = tpu.memref_slice %arg12[%mul3A_243, %dma_wait3A_247] : memref<10064x128xf32, #tpu.memory_space<vmem_shared>> -> memref<80x128xf32, #tpu.memory_space<vmem_shared>>
      tpu.wait_dma2 semaphore(%arg15 : memref<!tpu.dma_semaphore, #tpu.memory_space<semaphore_mem>>) src(%dma_wait3A_248 : memref<80x128xf32, #tpu.memory_space<vmem_shared>>) dst(%dma_wait3A_246 : memref<80x128xf32, #tpu.memory_space<hbm>>)
    } else {
    }
    %add3A_207 = arith.constant 48 : i32
    %add3A_208 = arith.addi %arg1, %add3A_207 : i32
    %lt3A_209 = arith.constant 125 : i32
    %lt3A_210 = arith.cmpi slt, %add3A_208, %lt3A_209 : i32
    %convert_element_type3A_211 = arith.extui %lt3A_210 : i1 to i32
    %cond3A_212 = arith.constant 0 : i32
    %cond3A_213 = arith.cmpi ne, %convert_element_type3A_211, %cond3A_212 : i32
    scf.if %cond3A_213 {
      %mul3A_242 = arith.constant 80 : i32
      %mul3A_243 = arith.muli %add3A_208, %mul3A_242 : i32
      %dma_wait3A_244 = arith.constant 0 : i32
      %dma_wait3A_245 = tpu.memref_slice %arg5[%arg0, %mul3A_243, %dma_wait3A_244] : memref<2x10000x128xf32, #tpu.memory_space<hbm>> -> memref<1x80x128xf32, #tpu.memory_space<hbm>>
      %dma_wait3A_246 = tpu.memref_squeeze %dma_wait3A_245 : memref<1x80x128xf32, #tpu.memory_space<hbm>> -> memref<80x128xf32, #tpu.memory_space<hbm>>
      %dma_wait3A_247 = arith.constant 0 : i32
      %dma_wait3A_248 = tpu.memref_slice %arg12[%mul3A_243, %dma_wait3A_247] : memref<10064x128xf32, #tpu.memory_space<vmem_shared>> -> memref<80x128xf32, #tpu.memory_space<vmem_shared>>
      tpu.wait_dma2 semaphore(%arg15 : memref<!tpu.dma_semaphore, #tpu.memory_space<semaphore_mem>>) src(%dma_wait3A_248 : memref<80x128xf32, #tpu.memory_space<vmem_shared>>) dst(%dma_wait3A_246 : memref<80x128xf32, #tpu.memory_space<hbm>>)
    } else {
    }
    %add3A_214 = arith.constant 64 : i32
    %add3A_215 = arith.addi %arg1, %add3A_214 : i32
    %lt3A_216 = arith.constant 125 : i32
    %lt3A_217 = arith.cmpi slt, %add3A_215, %lt3A_216 : i32
    %convert_element_type3A_218 = arith.extui %lt3A_217 : i1 to i32
    %cond3A_219 = arith.constant 0 : i32
    %cond3A_220 = arith.cmpi ne, %convert_element_type3A_218, %cond3A_219 : i32
    scf.if %cond3A_220 {
      %mul3A_242 = arith.constant 80 : i32
      %mul3A_243 = arith.muli %add3A_215, %mul3A_242 : i32
      %dma_wait3A_244 = arith.constant 0 : i32
      %dma_wait3A_245 = tpu.memref_slice %arg5[%arg0, %mul3A_243, %dma_wait3A_244] : memref<2x10000x128xf32, #tpu.memory_space<hbm>> -> memref<1x80x128xf32, #tpu.memory_space<hbm>>
      %dma_wait3A_246 = tpu.memref_squeeze %dma_wait3A_245 : memref<1x80x128xf32, #tpu.memory_space<hbm>> -> memref<80x128xf32, #tpu.memory_space<hbm>>
      %dma_wait3A_247 = arith.constant 0 : i32
      %dma_wait3A_248 = tpu.memref_slice %arg12[%mul3A_243, %dma_wait3A_247] : memref<10064x128xf32, #tpu.memory_space<vmem_shared>> -> memref<80x128xf32, #tpu.memory_space<vmem_shared>>
      tpu.wait_dma2 semaphore(%arg15 : memref<!tpu.dma_semaphore, #tpu.memory_space<semaphore_mem>>) src(%dma_wait3A_248 : memref<80x128xf32, #tpu.memory_space<vmem_shared>>) dst(%dma_wait3A_246 : memref<80x128xf32, #tpu.memory_space<hbm>>)
    } else {
    }
    %add3A_221 = arith.constant 80 : i32
    %add3A_222 = arith.addi %arg1, %add3A_221 : i32
    %lt3A_223 = arith.constant 125 : i32
    %lt3A_224 = arith.cmpi slt, %add3A_222, %lt3A_223 : i32
    %convert_element_type3A_225 = arith.extui %lt3A_224 : i1 to i32
    %cond3A_226 = arith.constant 0 : i32
    %cond3A_227 = arith.cmpi ne, %convert_element_type3A_225, %cond3A_226 : i32
    scf.if %cond3A_227 {
      %mul3A_242 = arith.constant 80 : i32
      %mul3A_243 = arith.muli %add3A_222, %mul3A_242 : i32
      %dma_wait3A_244 = arith.constant 0 : i32
      %dma_wait3A_245 = tpu.memref_slice %arg5[%arg0, %mul3A_243, %dma_wait3A_244] : memref<2x10000x128xf32, #tpu.memory_space<hbm>> -> memref<1x80x128xf32, #tpu.memory_space<hbm>>
      %dma_wait3A_246 = tpu.memref_squeeze %dma_wait3A_245 : memref<1x80x128xf32, #tpu.memory_space<hbm>> -> memref<80x128xf32, #tpu.memory_space<hbm>>
      %dma_wait3A_247 = arith.constant 0 : i32
      %dma_wait3A_248 = tpu.memref_slice %arg12[%mul3A_243, %dma_wait3A_247] : memref<10064x128xf32, #tpu.memory_space<vmem_shared>> -> memref<80x128xf32, #tpu.memory_space<vmem_shared>>
      tpu.wait_dma2 semaphore(%arg15 : memref<!tpu.dma_semaphore, #tpu.memory_space<semaphore_mem>>) src(%dma_wait3A_248 : memref<80x128xf32, #tpu.memory_space<vmem_shared>>) dst(%dma_wait3A_246 : memref<80x128xf32, #tpu.memory_space<hbm>>)
    } else {
    }
    %add3A_228 = arith.constant 96 : i32
    %add3A_229 = arith.addi %arg1, %add3A_228 : i32
    %lt3A_230 = arith.constant 125 : i32
    %lt3A_231 = arith.cmpi slt, %add3A_229, %lt3A_230 : i32
    %convert_element_type3A_232 = arith.extui %lt3A_231 : i1 to i32
    %cond3A_233 = arith.constant 0 : i32
    %cond3A_234 = arith.cmpi ne, %convert_element_type3A_232, %cond3A_233 : i32
    scf.if %cond3A_234 {
      %mul3A_242 = arith.constant 80 : i32
      %mul3A_243 = arith.muli %add3A_229, %mul3A_242 : i32
      %dma_wait3A_244 = arith.constant 0 : i32
      %dma_wait3A_245 = tpu.memref_slice %arg5[%arg0, %mul3A_243, %dma_wait3A_244] : memref<2x10000x128xf32, #tpu.memory_space<hbm>> -> memref<1x80x128xf32, #tpu.memory_space<hbm>>
      %dma_wait3A_246 = tpu.memref_squeeze %dma_wait3A_245 : memref<1x80x128xf32, #tpu.memory_space<hbm>> -> memref<80x128xf32, #tpu.memory_space<hbm>>
      %dma_wait3A_247 = arith.constant 0 : i32
      %dma_wait3A_248 = tpu.memref_slice %arg12[%mul3A_243, %dma_wait3A_247] : memref<10064x128xf32, #tpu.memory_space<vmem_shared>> -> memref<80x128xf32, #tpu.memory_space<vmem_shared>>
      tpu.wait_dma2 semaphore(%arg15 : memref<!tpu.dma_semaphore, #tpu.memory_space<semaphore_mem>>) src(%dma_wait3A_248 : memref<80x128xf32, #tpu.memory_space<vmem_shared>>) dst(%dma_wait3A_246 : memref<80x128xf32, #tpu.memory_space<hbm>>)
    } else {
    }
    %add3A_235 = arith.constant 112 : i32
    %add3A_236 = arith.addi %arg1, %add3A_235 : i32
    %lt3A_237 = arith.constant 125 : i32
    %lt3A_238 = arith.cmpi slt, %add3A_236, %lt3A_237 : i32
    %convert_element_type3A_239 = arith.extui %lt3A_238 : i1 to i32
    %cond3A_240 = arith.constant 0 : i32
    %cond3A_241 = arith.cmpi ne, %convert_element_type3A_239, %cond3A_240 : i32
    scf.if %cond3A_241 {
      %mul3A_242 = arith.constant 80 : i32
      %mul3A_243 = arith.muli %add3A_236, %mul3A_242 : i32
      %dma_wait3A_244 = arith.constant 0 : i32
      %dma_wait3A_245 = tpu.memref_slice %arg5[%arg0, %mul3A_243, %dma_wait3A_244] : memref<2x10000x128xf32, #tpu.memory_space<hbm>> -> memref<1x80x128xf32, #tpu.memory_space<hbm>>
      %dma_wait3A_246 = tpu.memref_squeeze %dma_wait3A_245 : memref<1x80x128xf32, #tpu.memory_space<hbm>> -> memref<80x128xf32, #tpu.memory_space<hbm>>
      %dma_wait3A_247 = arith.constant 0 : i32
      %dma_wait3A_248 = tpu.memref_slice %arg12[%mul3A_243, %dma_wait3A_247] : memref<10064x128xf32, #tpu.memory_space<vmem_shared>> -> memref<80x128xf32, #tpu.memory_space<vmem_shared>>
      tpu.wait_dma2 semaphore(%arg15 : memref<!tpu.dma_semaphore, #tpu.memory_space<semaphore_mem>>) src(%dma_wait3A_248 : memref<80x128xf32, #tpu.memory_space<vmem_shared>>) dst(%dma_wait3A_246 : memref<80x128xf32, #tpu.memory_space<hbm>>)
    } else {
    }
    return
  }
}

#map = affine_map<(d0, d1) -> (0, 0)>
#map1 = affine_map<(d0, d1) -> (0, 0, 0)>
module attributes {stable_mosaic.version = 14 : i64} {
  func.func @agg(%arg0: i32, %arg1: i32, %arg2: memref<10000x128xf32, #tpu.memory_space<hbm>>, %arg3: memref<2560x128xi32, #tpu.memory_space<hbm>>, %arg4: memref<2560x128xi32, #tpu.memory_space<hbm>>, %arg5: memref<2x10000x128xf32, #tpu.memory_space<hbm>>, %arg6: memref<8x128xi32, #tpu.memory_space<vmem>>, %arg7: memref<8x128xi32, #tpu.memory_space<vmem>>, %arg8: memref<8x128xi32, #tpu.memory_space<vmem>>, %arg9: memref<8x128xi32, #tpu.memory_space<vmem>>, %arg10: memref<128x128xf32, #tpu.memory_space<vmem>>, %arg11: memref<128x128xf32, #tpu.memory_space<vmem>>, %arg12: memref<10064x128xf32, #tpu.memory_space<vmem_shared>>, %arg13: memref<!tpu.dma_semaphore, #tpu.memory_space<semaphore_mem>>, %arg14: memref<!tpu.dma_semaphore, #tpu.memory_space<semaphore_mem>>, %arg15: memref<!tpu.dma_semaphore, #tpu.memory_space<semaphore_mem>>, %arg16: memref<!tpu.dma_semaphore, #tpu.memory_space<semaphore_mem>>, %arg17: memref<!tpu.dma_semaphore, #tpu.memory_space<semaphore_mem>>) attributes {dimension_semantics = [#tpu.dimension_semantics<core_parallel>, #tpu.dimension_semantics<subcore_parallel>], iteration_bounds = array<i64: 2, 16>, scalar_prefetch = 0 : i64, scratch_operands = 12 : i64, tpu.core_type = #tpu.core_type<sc_vector_subcore>, window_params = [{transform_indices = #map}, {transform_indices = #map}, {transform_indices = #map}, {transform_indices = #map1}]} {
    %mul3A = arith.constant 2 : i32
    %mul3A_0 = arith.muli %arg1, %mul3A : i32
    %add3A = arith.addi %mul3A_0, %arg0 : i32
    %add3A_1 = arith.constant 0 : i32
    %add3A_2 = arith.addi %arg1, %add3A_1 : i32
    %lt3A = arith.constant 125 : i32
    %lt3A_3 = arith.cmpi slt, %add3A_2, %lt3A : i32
    %convert_element_type3A = arith.extui %lt3A_3 : i1 to i32
    %cond3A = arith.constant 0 : i32
    %cond3A_4 = arith.cmpi ne, %convert_element_type3A, %cond3A : i32
    scf.if %cond3A_4 {
      %mul3A_242 = arith.constant 80 : i32
      %mul3A_243 = arith.muli %add3A_2, %mul3A_242 : i32
      %dma_start3A = arith.constant 0 : i32
      %dma_start3A_244 = tpu.memref_slice %arg12[%mul3A_243, %dma_start3A] : memref<10064x128xf32, #tpu.memory_space<vmem_shared>> -> memref<80x128xf32, #tpu.memory_space<vmem_shared>>
      %dma_start3A_245 = arith.constant 0 : i32
      %dma_start3A_246 = tpu.memref_slice %arg2[%mul3A_243, %dma_start3A_245] : memref<10000x128xf32, #tpu.memory_space<hbm>> -> memref<80x128xf32, #tpu.memory_space<hbm>>
      tpu.enqueue_dma source(%dma_start3A_246 : memref<80x128xf32, #tpu.memory_space<hbm>>) target(%dma_start3A_244 : memref<80x128xf32, #tpu.memory_space<vmem_shared>>) target_semaphore(%arg15 : memref<!tpu.dma_semaphore, #tpu.memory_space<semaphore_mem>>)
    } else {
    }
    %add3A_5 = arith.constant 16 : i32
    %add3A_6 = arith.addi %arg1, %add3A_5 : i32
    %lt3A_7 = arith.constant 125 : i32
    %lt3A_8 = arith.cmpi slt, %add3A_6, %lt3A_7 : i32
    %convert_element_type3A_9 = arith.extui %lt3A_8 : i1 to i32
    %cond3A_10 = arith.constant 0 : i32
    %cond3A_11 = arith.cmpi ne, %convert_element_type3A_9, %cond3A_10 : i32
    scf.if %cond3A_11 {
      %mul3A_242 = arith.constant 80 : i32
      %mul3A_243 = arith.muli %add3A_6, %mul3A_242 : i32
      %dma_start3A = arith.constant 0 : i32
      %dma_start3A_244 = tpu.memref_slice %arg12[%mul3A_243, %dma_start3A] : memref<10064x128xf32, #tpu.memory_space<vmem_shared>> -> memref<80x128xf32, #tpu.memory_space<vmem_shared>>
      %dma_start3A_245 = arith.constant 0 : i32
      %dma_start3A_246 = tpu.memref_slice %arg2[%mul3A_243, %dma_start3A_245] : memref<10000x128xf32, #tpu.memory_space<hbm>> -> memref<80x128xf32, #tpu.memory_space<hbm>>
      tpu.enqueue_dma source(%dma_start3A_246 : memref<80x128xf32, #tpu.memory_space<hbm>>) target(%dma_start3A_244 : memref<80x128xf32, #tpu.memory_space<vmem_shared>>) target_semaphore(%arg15 : memref<!tpu.dma_semaphore, #tpu.memory_space<semaphore_mem>>)
    } else {
    }
    %add3A_12 = arith.constant 32 : i32
    %add3A_13 = arith.addi %arg1, %add3A_12 : i32
    %lt3A_14 = arith.constant 125 : i32
    %lt3A_15 = arith.cmpi slt, %add3A_13, %lt3A_14 : i32
    %convert_element_type3A_16 = arith.extui %lt3A_15 : i1 to i32
    %cond3A_17 = arith.constant 0 : i32
    %cond3A_18 = arith.cmpi ne, %convert_element_type3A_16, %cond3A_17 : i32
    scf.if %cond3A_18 {
      %mul3A_242 = arith.constant 80 : i32
      %mul3A_243 = arith.muli %add3A_13, %mul3A_242 : i32
      %dma_start3A = arith.constant 0 : i32
      %dma_start3A_244 = tpu.memref_slice %arg12[%mul3A_243, %dma_start3A] : memref<10064x128xf32, #tpu.memory_space<vmem_shared>> -> memref<80x128xf32, #tpu.memory_space<vmem_shared>>
      %dma_start3A_245 = arith.constant 0 : i32
      %dma_start3A_246 = tpu.memref_slice %arg2[%mul3A_243, %dma_start3A_245] : memref<10000x128xf32, #tpu.memory_space<hbm>> -> memref<80x128xf32, #tpu.memory_space<hbm>>
      tpu.enqueue_dma source(%dma_start3A_246 : memref<80x128xf32, #tpu.memory_space<hbm>>) target(%dma_start3A_244 : memref<80x128xf32, #tpu.memory_space<vmem_shared>>) target_semaphore(%arg15 : memref<!tpu.dma_semaphore, #tpu.memory_space<semaphore_mem>>)
    } else {
    }
    %add3A_19 = arith.constant 48 : i32
    %add3A_20 = arith.addi %arg1, %add3A_19 : i32
    %lt3A_21 = arith.constant 125 : i32
    %lt3A_22 = arith.cmpi slt, %add3A_20, %lt3A_21 : i32
    %convert_element_type3A_23 = arith.extui %lt3A_22 : i1 to i32
    %cond3A_24 = arith.constant 0 : i32
    %cond3A_25 = arith.cmpi ne, %convert_element_type3A_23, %cond3A_24 : i32
    scf.if %cond3A_25 {
      %mul3A_242 = arith.constant 80 : i32
      %mul3A_243 = arith.muli %add3A_20, %mul3A_242 : i32
      %dma_start3A = arith.constant 0 : i32
      %dma_start3A_244 = tpu.memref_slice %arg12[%mul3A_243, %dma_start3A] : memref<10064x128xf32, #tpu.memory_space<vmem_shared>> -> memref<80x128xf32, #tpu.memory_space<vmem_shared>>
      %dma_start3A_245 = arith.constant 0 : i32
      %dma_start3A_246 = tpu.memref_slice %arg2[%mul3A_243, %dma_start3A_245] : memref<10000x128xf32, #tpu.memory_space<hbm>> -> memref<80x128xf32, #tpu.memory_space<hbm>>
      tpu.enqueue_dma source(%dma_start3A_246 : memref<80x128xf32, #tpu.memory_space<hbm>>) target(%dma_start3A_244 : memref<80x128xf32, #tpu.memory_space<vmem_shared>>) target_semaphore(%arg15 : memref<!tpu.dma_semaphore, #tpu.memory_space<semaphore_mem>>)
    } else {
    }
    %add3A_26 = arith.constant 64 : i32
    %add3A_27 = arith.addi %arg1, %add3A_26 : i32
    %lt3A_28 = arith.constant 125 : i32
    %lt3A_29 = arith.cmpi slt, %add3A_27, %lt3A_28 : i32
    %convert_element_type3A_30 = arith.extui %lt3A_29 : i1 to i32
    %cond3A_31 = arith.constant 0 : i32
    %cond3A_32 = arith.cmpi ne, %convert_element_type3A_30, %cond3A_31 : i32
    scf.if %cond3A_32 {
      %mul3A_242 = arith.constant 80 : i32
      %mul3A_243 = arith.muli %add3A_27, %mul3A_242 : i32
      %dma_start3A = arith.constant 0 : i32
      %dma_start3A_244 = tpu.memref_slice %arg12[%mul3A_243, %dma_start3A] : memref<10064x128xf32, #tpu.memory_space<vmem_shared>> -> memref<80x128xf32, #tpu.memory_space<vmem_shared>>
      %dma_start3A_245 = arith.constant 0 : i32
      %dma_start3A_246 = tpu.memref_slice %arg2[%mul3A_243, %dma_start3A_245] : memref<10000x128xf32, #tpu.memory_space<hbm>> -> memref<80x128xf32, #tpu.memory_space<hbm>>
      tpu.enqueue_dma source(%dma_start3A_246 : memref<80x128xf32, #tpu.memory_space<hbm>>) target(%dma_start3A_244 : memref<80x128xf32, #tpu.memory_space<vmem_shared>>) target_semaphore(%arg15 : memref<!tpu.dma_semaphore, #tpu.memory_space<semaphore_mem>>)
    } else {
    }
    %add3A_33 = arith.constant 80 : i32
    %add3A_34 = arith.addi %arg1, %add3A_33 : i32
    %lt3A_35 = arith.constant 125 : i32
    %lt3A_36 = arith.cmpi slt, %add3A_34, %lt3A_35 : i32
    %convert_element_type3A_37 = arith.extui %lt3A_36 : i1 to i32
    %cond3A_38 = arith.constant 0 : i32
    %cond3A_39 = arith.cmpi ne, %convert_element_type3A_37, %cond3A_38 : i32
    scf.if %cond3A_39 {
      %mul3A_242 = arith.constant 80 : i32
      %mul3A_243 = arith.muli %add3A_34, %mul3A_242 : i32
      %dma_start3A = arith.constant 0 : i32
      %dma_start3A_244 = tpu.memref_slice %arg12[%mul3A_243, %dma_start3A] : memref<10064x128xf32, #tpu.memory_space<vmem_shared>> -> memref<80x128xf32, #tpu.memory_space<vmem_shared>>
      %dma_start3A_245 = arith.constant 0 : i32
      %dma_start3A_246 = tpu.memref_slice %arg2[%mul3A_243, %dma_start3A_245] : memref<10000x128xf32, #tpu.memory_space<hbm>> -> memref<80x128xf32, #tpu.memory_space<hbm>>
      tpu.enqueue_dma source(%dma_start3A_246 : memref<80x128xf32, #tpu.memory_space<hbm>>) target(%dma_start3A_244 : memref<80x128xf32, #tpu.memory_space<vmem_shared>>) target_semaphore(%arg15 : memref<!tpu.dma_semaphore, #tpu.memory_space<semaphore_mem>>)
    } else {
    }
    %add3A_40 = arith.constant 96 : i32
    %add3A_41 = arith.addi %arg1, %add3A_40 : i32
    %lt3A_42 = arith.constant 125 : i32
    %lt3A_43 = arith.cmpi slt, %add3A_41, %lt3A_42 : i32
    %convert_element_type3A_44 = arith.extui %lt3A_43 : i1 to i32
    %cond3A_45 = arith.constant 0 : i32
    %cond3A_46 = arith.cmpi ne, %convert_element_type3A_44, %cond3A_45 : i32
    scf.if %cond3A_46 {
      %mul3A_242 = arith.constant 80 : i32
      %mul3A_243 = arith.muli %add3A_41, %mul3A_242 : i32
      %dma_start3A = arith.constant 0 : i32
      %dma_start3A_244 = tpu.memref_slice %arg12[%mul3A_243, %dma_start3A] : memref<10064x128xf32, #tpu.memory_space<vmem_shared>> -> memref<80x128xf32, #tpu.memory_space<vmem_shared>>
      %dma_start3A_245 = arith.constant 0 : i32
      %dma_start3A_246 = tpu.memref_slice %arg2[%mul3A_243, %dma_start3A_245] : memref<10000x128xf32, #tpu.memory_space<hbm>> -> memref<80x128xf32, #tpu.memory_space<hbm>>
      tpu.enqueue_dma source(%dma_start3A_246 : memref<80x128xf32, #tpu.memory_space<hbm>>) target(%dma_start3A_244 : memref<80x128xf32, #tpu.memory_space<vmem_shared>>) target_semaphore(%arg15 : memref<!tpu.dma_semaphore, #tpu.memory_space<semaphore_mem>>)
    } else {
    }
    %add3A_47 = arith.constant 112 : i32
    %add3A_48 = arith.addi %arg1, %add3A_47 : i32
    %lt3A_49 = arith.constant 125 : i32
    %lt3A_50 = arith.cmpi slt, %add3A_48, %lt3A_49 : i32
    %convert_element_type3A_51 = arith.extui %lt3A_50 : i1 to i32
    %cond3A_52 = arith.constant 0 : i32
    %cond3A_53 = arith.cmpi ne, %convert_element_type3A_51, %cond3A_52 : i32
    scf.if %cond3A_53 {
      %mul3A_242 = arith.constant 80 : i32
      %mul3A_243 = arith.muli %add3A_48, %mul3A_242 : i32
      %dma_start3A = arith.constant 0 : i32
      %dma_start3A_244 = tpu.memref_slice %arg12[%mul3A_243, %dma_start3A] : memref<10064x128xf32, #tpu.memory_space<vmem_shared>> -> memref<80x128xf32, #tpu.memory_space<vmem_shared>>
      %dma_start3A_245 = arith.constant 0 : i32
      %dma_start3A_246 = tpu.memref_slice %arg2[%mul3A_243, %dma_start3A_245] : memref<10000x128xf32, #tpu.memory_space<hbm>> -> memref<80x128xf32, #tpu.memory_space<hbm>>
      tpu.enqueue_dma source(%dma_start3A_246 : memref<80x128xf32, #tpu.memory_space<hbm>>) target(%dma_start3A_244 : memref<80x128xf32, #tpu.memory_space<vmem_shared>>) target_semaphore(%arg15 : memref<!tpu.dma_semaphore, #tpu.memory_space<semaphore_mem>>)
    } else {
    }
    %add3A_54 = arith.constant 0 : i32
    %add3A_55 = arith.addi %arg1, %add3A_54 : i32
    %lt3A_56 = arith.constant 125 : i32
    %lt3A_57 = arith.cmpi slt, %add3A_55, %lt3A_56 : i32
    %convert_element_type3A_58 = arith.extui %lt3A_57 : i1 to i32
    %cond3A_59 = arith.constant 0 : i32
    %cond3A_60 = arith.cmpi ne, %convert_element_type3A_58, %cond3A_59 : i32
    scf.if %cond3A_60 {
      %mul3A_242 = arith.constant 80 : i32
      %mul3A_243 = arith.muli %add3A_55, %mul3A_242 : i32
      %dma_wait3A_244 = arith.constant 0 : i32
      %dma_wait3A_245 = tpu.memref_slice %arg12[%mul3A_243, %dma_wait3A_244] : memref<10064x128xf32, #tpu.memory_space<vmem_shared>> -> memref<80x128xf32, #tpu.memory_space<vmem_shared>>
      %dma_wait3A_246 = arith.constant 0 : i32
      %dma_wait3A_247 = tpu.memref_slice %arg2[%mul3A_243, %dma_wait3A_246] : memref<10000x128xf32, #tpu.memory_space<hbm>> -> memref<80x128xf32, #tpu.memory_space<hbm>>
      tpu.wait_dma2 semaphore(%arg15 : memref<!tpu.dma_semaphore, #tpu.memory_space<semaphore_mem>>) src(%dma_wait3A_247 : memref<80x128xf32, #tpu.memory_space<hbm>>) dst(%dma_wait3A_245 : memref<80x128xf32, #tpu.memory_space<vmem_shared>>)
    } else {
    }
    %add3A_61 = arith.constant 16 : i32
    %add3A_62 = arith.addi %arg1, %add3A_61 : i32
    %lt3A_63 = arith.constant 125 : i32
    %lt3A_64 = arith.cmpi slt, %add3A_62, %lt3A_63 : i32
    %convert_element_type3A_65 = arith.extui %lt3A_64 : i1 to i32
    %cond3A_66 = arith.constant 0 : i32
    %cond3A_67 = arith.cmpi ne, %convert_element_type3A_65, %cond3A_66 : i32
    scf.if %cond3A_67 {
      %mul3A_242 = arith.constant 80 : i32
      %mul3A_243 = arith.muli %add3A_62, %mul3A_242 : i32
      %dma_wait3A_244 = arith.constant 0 : i32
      %dma_wait3A_245 = tpu.memref_slice %arg12[%mul3A_243, %dma_wait3A_244] : memref<10064x128xf32, #tpu.memory_space<vmem_shared>> -> memref<80x128xf32, #tpu.memory_space<vmem_shared>>
      %dma_wait3A_246 = arith.constant 0 : i32
      %dma_wait3A_247 = tpu.memref_slice %arg2[%mul3A_243, %dma_wait3A_246] : memref<10000x128xf32, #tpu.memory_space<hbm>> -> memref<80x128xf32, #tpu.memory_space<hbm>>
      tpu.wait_dma2 semaphore(%arg15 : memref<!tpu.dma_semaphore, #tpu.memory_space<semaphore_mem>>) src(%dma_wait3A_247 : memref<80x128xf32, #tpu.memory_space<hbm>>) dst(%dma_wait3A_245 : memref<80x128xf32, #tpu.memory_space<vmem_shared>>)
    } else {
    }
    %add3A_68 = arith.constant 32 : i32
    %add3A_69 = arith.addi %arg1, %add3A_68 : i32
    %lt3A_70 = arith.constant 125 : i32
    %lt3A_71 = arith.cmpi slt, %add3A_69, %lt3A_70 : i32
    %convert_element_type3A_72 = arith.extui %lt3A_71 : i1 to i32
    %cond3A_73 = arith.constant 0 : i32
    %cond3A_74 = arith.cmpi ne, %convert_element_type3A_72, %cond3A_73 : i32
    scf.if %cond3A_74 {
      %mul3A_242 = arith.constant 80 : i32
      %mul3A_243 = arith.muli %add3A_69, %mul3A_242 : i32
      %dma_wait3A_244 = arith.constant 0 : i32
      %dma_wait3A_245 = tpu.memref_slice %arg12[%mul3A_243, %dma_wait3A_244] : memref<10064x128xf32, #tpu.memory_space<vmem_shared>> -> memref<80x128xf32, #tpu.memory_space<vmem_shared>>
      %dma_wait3A_246 = arith.constant 0 : i32
      %dma_wait3A_247 = tpu.memref_slice %arg2[%mul3A_243, %dma_wait3A_246] : memref<10000x128xf32, #tpu.memory_space<hbm>> -> memref<80x128xf32, #tpu.memory_space<hbm>>
      tpu.wait_dma2 semaphore(%arg15 : memref<!tpu.dma_semaphore, #tpu.memory_space<semaphore_mem>>) src(%dma_wait3A_247 : memref<80x128xf32, #tpu.memory_space<hbm>>) dst(%dma_wait3A_245 : memref<80x128xf32, #tpu.memory_space<vmem_shared>>)
    } else {
    }
    %add3A_75 = arith.constant 48 : i32
    %add3A_76 = arith.addi %arg1, %add3A_75 : i32
    %lt3A_77 = arith.constant 125 : i32
    %lt3A_78 = arith.cmpi slt, %add3A_76, %lt3A_77 : i32
    %convert_element_type3A_79 = arith.extui %lt3A_78 : i1 to i32
    %cond3A_80 = arith.constant 0 : i32
    %cond3A_81 = arith.cmpi ne, %convert_element_type3A_79, %cond3A_80 : i32
    scf.if %cond3A_81 {
      %mul3A_242 = arith.constant 80 : i32
      %mul3A_243 = arith.muli %add3A_76, %mul3A_242 : i32
      %dma_wait3A_244 = arith.constant 0 : i32
      %dma_wait3A_245 = tpu.memref_slice %arg12[%mul3A_243, %dma_wait3A_244] : memref<10064x128xf32, #tpu.memory_space<vmem_shared>> -> memref<80x128xf32, #tpu.memory_space<vmem_shared>>
      %dma_wait3A_246 = arith.constant 0 : i32
      %dma_wait3A_247 = tpu.memref_slice %arg2[%mul3A_243, %dma_wait3A_246] : memref<10000x128xf32, #tpu.memory_space<hbm>> -> memref<80x128xf32, #tpu.memory_space<hbm>>
      tpu.wait_dma2 semaphore(%arg15 : memref<!tpu.dma_semaphore, #tpu.memory_space<semaphore_mem>>) src(%dma_wait3A_247 : memref<80x128xf32, #tpu.memory_space<hbm>>) dst(%dma_wait3A_245 : memref<80x128xf32, #tpu.memory_space<vmem_shared>>)
    } else {
    }
    %add3A_82 = arith.constant 64 : i32
    %add3A_83 = arith.addi %arg1, %add3A_82 : i32
    %lt3A_84 = arith.constant 125 : i32
    %lt3A_85 = arith.cmpi slt, %add3A_83, %lt3A_84 : i32
    %convert_element_type3A_86 = arith.extui %lt3A_85 : i1 to i32
    %cond3A_87 = arith.constant 0 : i32
    %cond3A_88 = arith.cmpi ne, %convert_element_type3A_86, %cond3A_87 : i32
    scf.if %cond3A_88 {
      %mul3A_242 = arith.constant 80 : i32
      %mul3A_243 = arith.muli %add3A_83, %mul3A_242 : i32
      %dma_wait3A_244 = arith.constant 0 : i32
      %dma_wait3A_245 = tpu.memref_slice %arg12[%mul3A_243, %dma_wait3A_244] : memref<10064x128xf32, #tpu.memory_space<vmem_shared>> -> memref<80x128xf32, #tpu.memory_space<vmem_shared>>
      %dma_wait3A_246 = arith.constant 0 : i32
      %dma_wait3A_247 = tpu.memref_slice %arg2[%mul3A_243, %dma_wait3A_246] : memref<10000x128xf32, #tpu.memory_space<hbm>> -> memref<80x128xf32, #tpu.memory_space<hbm>>
      tpu.wait_dma2 semaphore(%arg15 : memref<!tpu.dma_semaphore, #tpu.memory_space<semaphore_mem>>) src(%dma_wait3A_247 : memref<80x128xf32, #tpu.memory_space<hbm>>) dst(%dma_wait3A_245 : memref<80x128xf32, #tpu.memory_space<vmem_shared>>)
    } else {
    }
    %add3A_89 = arith.constant 80 : i32
    %add3A_90 = arith.addi %arg1, %add3A_89 : i32
    %lt3A_91 = arith.constant 125 : i32
    %lt3A_92 = arith.cmpi slt, %add3A_90, %lt3A_91 : i32
    %convert_element_type3A_93 = arith.extui %lt3A_92 : i1 to i32
    %cond3A_94 = arith.constant 0 : i32
    %cond3A_95 = arith.cmpi ne, %convert_element_type3A_93, %cond3A_94 : i32
    scf.if %cond3A_95 {
      %mul3A_242 = arith.constant 80 : i32
      %mul3A_243 = arith.muli %add3A_90, %mul3A_242 : i32
      %dma_wait3A_244 = arith.constant 0 : i32
      %dma_wait3A_245 = tpu.memref_slice %arg12[%mul3A_243, %dma_wait3A_244] : memref<10064x128xf32, #tpu.memory_space<vmem_shared>> -> memref<80x128xf32, #tpu.memory_space<vmem_shared>>
      %dma_wait3A_246 = arith.constant 0 : i32
      %dma_wait3A_247 = tpu.memref_slice %arg2[%mul3A_243, %dma_wait3A_246] : memref<10000x128xf32, #tpu.memory_space<hbm>> -> memref<80x128xf32, #tpu.memory_space<hbm>>
      tpu.wait_dma2 semaphore(%arg15 : memref<!tpu.dma_semaphore, #tpu.memory_space<semaphore_mem>>) src(%dma_wait3A_247 : memref<80x128xf32, #tpu.memory_space<hbm>>) dst(%dma_wait3A_245 : memref<80x128xf32, #tpu.memory_space<vmem_shared>>)
    } else {
    }
    %add3A_96 = arith.constant 96 : i32
    %add3A_97 = arith.addi %arg1, %add3A_96 : i32
    %lt3A_98 = arith.constant 125 : i32
    %lt3A_99 = arith.cmpi slt, %add3A_97, %lt3A_98 : i32
    %convert_element_type3A_100 = arith.extui %lt3A_99 : i1 to i32
    %cond3A_101 = arith.constant 0 : i32
    %cond3A_102 = arith.cmpi ne, %convert_element_type3A_100, %cond3A_101 : i32
    scf.if %cond3A_102 {
      %mul3A_242 = arith.constant 80 : i32
      %mul3A_243 = arith.muli %add3A_97, %mul3A_242 : i32
      %dma_wait3A_244 = arith.constant 0 : i32
      %dma_wait3A_245 = tpu.memref_slice %arg12[%mul3A_243, %dma_wait3A_244] : memref<10064x128xf32, #tpu.memory_space<vmem_shared>> -> memref<80x128xf32, #tpu.memory_space<vmem_shared>>
      %dma_wait3A_246 = arith.constant 0 : i32
      %dma_wait3A_247 = tpu.memref_slice %arg2[%mul3A_243, %dma_wait3A_246] : memref<10000x128xf32, #tpu.memory_space<hbm>> -> memref<80x128xf32, #tpu.memory_space<hbm>>
      tpu.wait_dma2 semaphore(%arg15 : memref<!tpu.dma_semaphore, #tpu.memory_space<semaphore_mem>>) src(%dma_wait3A_247 : memref<80x128xf32, #tpu.memory_space<hbm>>) dst(%dma_wait3A_245 : memref<80x128xf32, #tpu.memory_space<vmem_shared>>)
    } else {
    }
    %add3A_103 = arith.constant 112 : i32
    %add3A_104 = arith.addi %arg1, %add3A_103 : i32
    %lt3A_105 = arith.constant 125 : i32
    %lt3A_106 = arith.cmpi slt, %add3A_104, %lt3A_105 : i32
    %convert_element_type3A_107 = arith.extui %lt3A_106 : i1 to i32
    %cond3A_108 = arith.constant 0 : i32
    %cond3A_109 = arith.cmpi ne, %convert_element_type3A_107, %cond3A_108 : i32
    scf.if %cond3A_109 {
      %mul3A_242 = arith.constant 80 : i32
      %mul3A_243 = arith.muli %add3A_104, %mul3A_242 : i32
      %dma_wait3A_244 = arith.constant 0 : i32
      %dma_wait3A_245 = tpu.memref_slice %arg12[%mul3A_243, %dma_wait3A_244] : memref<10064x128xf32, #tpu.memory_space<vmem_shared>> -> memref<80x128xf32, #tpu.memory_space<vmem_shared>>
      %dma_wait3A_246 = arith.constant 0 : i32
      %dma_wait3A_247 = tpu.memref_slice %arg2[%mul3A_243, %dma_wait3A_246] : memref<10000x128xf32, #tpu.memory_space<hbm>> -> memref<80x128xf32, #tpu.memory_space<hbm>>
      tpu.wait_dma2 semaphore(%arg15 : memref<!tpu.dma_semaphore, #tpu.memory_space<semaphore_mem>>) src(%dma_wait3A_247 : memref<80x128xf32, #tpu.memory_space<hbm>>) dst(%dma_wait3A_245 : memref<80x128xf32, #tpu.memory_space<vmem_shared>>)
    } else {
    }
    %barrier3A = arith.constant 0 : index
    tpu.barrier barrier_id(%barrier3A)
    %mul3A_110 = arith.constant 80 : i32
    %mul3A_111 = arith.muli %add3A, %mul3A_110 : i32
    %scan3A = arith.constant 0 : i32
    %scan3A_112 = arith.constant 0 : i32
    %scan3A_113 = arith.constant 5 : i32
    %scan3A_114 = arith.addi %scan3A_112, %scan3A_113 : i32
    %scan3A_115 = arith.constant 1 : i32
    scf.for %scan3A_242 = %scan3A_112 to %scan3A_114 step %scan3A_115  : i32 {
      %mul3A_243 = arith.constant 16 : i32
      %mul3A_244 = arith.muli %scan3A_242, %mul3A_243 : i32
      %add3A_245 = arith.addi %mul3A_111, %mul3A_244 : i32
      %eq3A = arith.constant 0 : i32
      %eq3A_246 = arith.cmpi eq, %scan3A_242, %eq3A : i32
      %convert_element_type3A_247 = arith.extui %eq3A_246 : i1 to i32
      %cond3A_248 = arith.constant 0 : i32
      %cond3A_249 = arith.cmpi ne, %convert_element_type3A_247, %cond3A_248 : i32
      scf.if %cond3A_249 {
        "tpu.region"() ({
          %run_scoped3A_506 = tpu.sem_alloc : memref<!tpu.dma_semaphore, #tpu.memory_space<semaphore_mem>>
          %dma_start3A_507 = arith.constant 0 : i32
          %dma_start3A_508 = tpu.memref_slice %arg3[%add3A_245, %dma_start3A_507] : memref<2560x128xi32, #tpu.memory_space<hbm>> -> memref<8x128xi32, #tpu.memory_space<hbm>>
          %dma_start3A_509 = arith.constant 0 : i32
          %dma_start3A_510 = tpu.memref_slice %arg3[%add3A_245, %dma_start3A_509] : memref<2560x128xi32, #tpu.memory_space<hbm>> -> memref<8x128xi32, #tpu.memory_space<hbm>>
          tpu.enqueue_dma source(%dma_start3A_510 : memref<8x128xi32, #tpu.memory_space<hbm>>) target(%arg6 : memref<8x128xi32, #tpu.memory_space<vmem>>) target_semaphore(%run_scoped3A_506 : memref<!tpu.dma_semaphore, #tpu.memory_space<semaphore_mem>>)
          %dma_wait3A_511 = arith.constant 0 : i32
          %dma_wait3A_512 = tpu.memref_slice %arg3[%add3A_245, %dma_wait3A_511] : memref<2560x128xi32, #tpu.memory_space<hbm>> -> memref<8x128xi32, #tpu.memory_space<hbm>>
          %dma_wait3A_513 = arith.constant 0 : i32
          %dma_wait3A_514 = tpu.memref_slice %arg3[%add3A_245, %dma_wait3A_513] : memref<2560x128xi32, #tpu.memory_space<hbm>> -> memref<8x128xi32, #tpu.memory_space<hbm>>
          tpu.wait_dma2 semaphore(%run_scoped3A_506 : memref<!tpu.dma_semaphore, #tpu.memory_space<semaphore_mem>>) src(%dma_wait3A_514 : memref<8x128xi32, #tpu.memory_space<hbm>>) dst(%arg6 : memref<8x128xi32, #tpu.memory_space<vmem>>)
          tpu.yield
        }) : () -> ()
        "tpu.region"() ({
          %run_scoped3A_506 = tpu.sem_alloc : memref<!tpu.dma_semaphore, #tpu.memory_space<semaphore_mem>>
          %dma_start3A_507 = arith.constant 0 : i32
          %dma_start3A_508 = tpu.memref_slice %arg4[%add3A_245, %dma_start3A_507] : memref<2560x128xi32, #tpu.memory_space<hbm>> -> memref<8x128xi32, #tpu.memory_space<hbm>>
          %dma_start3A_509 = arith.constant 0 : i32
          %dma_start3A_510 = tpu.memref_slice %arg4[%add3A_245, %dma_start3A_509] : memref<2560x128xi32, #tpu.memory_space<hbm>> -> memref<8x128xi32, #tpu.memory_space<hbm>>
          tpu.enqueue_dma source(%dma_start3A_510 : memref<8x128xi32, #tpu.memory_space<hbm>>) target(%arg8 : memref<8x128xi32, #tpu.memory_space<vmem>>) target_semaphore(%run_scoped3A_506 : memref<!tpu.dma_semaphore, #tpu.memory_space<semaphore_mem>>)
          %dma_wait3A_511 = arith.constant 0 : i32
          %dma_wait3A_512 = tpu.memref_slice %arg4[%add3A_245, %dma_wait3A_511] : memref<2560x128xi32, #tpu.memory_space<hbm>> -> memref<8x128xi32, #tpu.memory_space<hbm>>
          %dma_wait3A_513 = arith.constant 0 : i32
          %dma_wait3A_514 = tpu.memref_slice %arg4[%add3A_245, %dma_wait3A_513] : memref<2560x128xi32, #tpu.memory_space<hbm>> -> memref<8x128xi32, #tpu.memory_space<hbm>>
          tpu.wait_dma2 semaphore(%run_scoped3A_506 : memref<!tpu.dma_semaphore, #tpu.memory_space<semaphore_mem>>) src(%dma_wait3A_514 : memref<8x128xi32, #tpu.memory_space<hbm>>) dst(%arg8 : memref<8x128xi32, #tpu.memory_space<vmem>>)
          tpu.yield
        }) : () -> ()
      } else {
      }
      %gt3A = arith.constant 0 : i32
      %gt3A_250 = arith.cmpi sgt, %scan3A_242, %gt3A : i32
      %convert_element_type3A_251 = arith.extui %gt3A_250 : i1 to i32
      %cond3A_252 = arith.constant 0 : i32
      %cond3A_253 = arith.cmpi ne, %convert_element_type3A_251, %cond3A_252 : i32
      scf.if %cond3A_253 {
        %dma_wait3A_506 = arith.constant 0 : i32
        %dma_wait3A_507 = tpu.memref_slice %arg3[%add3A_245, %dma_wait3A_506] : memref<2560x128xi32, #tpu.memory_space<hbm>> -> memref<8x128xi32, #tpu.memory_space<hbm>>
        %dma_wait3A_508 = arith.constant 0 : i32
        %dma_wait3A_509 = tpu.memref_slice %arg3[%add3A_245, %dma_wait3A_508] : memref<2560x128xi32, #tpu.memory_space<hbm>> -> memref<8x128xi32, #tpu.memory_space<hbm>>
        tpu.wait_dma2 semaphore(%arg16 : memref<!tpu.dma_semaphore, #tpu.memory_space<semaphore_mem>>) src(%dma_wait3A_509 : memref<8x128xi32, #tpu.memory_space<hbm>>) dst(%arg6 : memref<8x128xi32, #tpu.memory_space<vmem>>)
        %dma_wait3A_510 = arith.constant 0 : i32
        %dma_wait3A_511 = tpu.memref_slice %arg4[%add3A_245, %dma_wait3A_510] : memref<2560x128xi32, #tpu.memory_space<hbm>> -> memref<8x128xi32, #tpu.memory_space<hbm>>
        %dma_wait3A_512 = arith.constant 0 : i32
        %dma_wait3A_513 = tpu.memref_slice %arg4[%add3A_245, %dma_wait3A_512] : memref<2560x128xi32, #tpu.memory_space<hbm>> -> memref<8x128xi32, #tpu.memory_space<hbm>>
        tpu.wait_dma2 semaphore(%arg16 : memref<!tpu.dma_semaphore, #tpu.memory_space<semaphore_mem>>) src(%dma_wait3A_513 : memref<8x128xi32, #tpu.memory_space<hbm>>) dst(%arg8 : memref<8x128xi32, #tpu.memory_space<vmem>>)
        %dma_wait3A_514 = arith.constant 0 : i32
        %dma_wait3A_515 = arith.constant 0 : i32
        %dma_wait3A_516 = tpu.memref_slice %arg2[%dma_wait3A_514, %dma_wait3A_515] : memref<10000x128xf32, #tpu.memory_space<hbm>> -> memref<128x128xf32, #tpu.memory_space<hbm>>
        %dma_wait3A_517 = arith.constant 0 : i32
        %dma_wait3A_518 = arith.constant 0 : i32
        %dma_wait3A_519 = tpu.memref_slice %arg2[%dma_wait3A_517, %dma_wait3A_518] : memref<10000x128xf32, #tpu.memory_space<hbm>> -> memref<128x128xf32, #tpu.memory_space<hbm>>
        tpu.wait_dma2 semaphore(%arg13 : memref<!tpu.dma_semaphore, #tpu.memory_space<semaphore_mem>>) src(%dma_wait3A_519 : memref<128x128xf32, #tpu.memory_space<hbm>>) dst(%arg10 : memref<128x128xf32, #tpu.memory_space<vmem>>)
        %run_scoped3A_520 = arith.constant 6 : i32
        "tpu.region"() ({
          %run_scoped3A_528 = tpu.sem_alloc : memref<!tpu.dma_semaphore, #tpu.memory_space<semaphore_mem>>
          %dma_start3A_529 = arith.constant 0 : i32
          %dma_start3A_530 = tpu.memref_slice %arg9[%run_scoped3A_520, %dma_start3A_529] : memref<8x128xi32, #tpu.memory_space<vmem>> -> memref<1x128xi32, #tpu.memory_space<vmem>>
          %dma_start3A_531 = tpu.memref_squeeze %dma_start3A_530 : memref<1x128xi32, #tpu.memory_space<vmem>> -> memref<128xi32, #tpu.memory_space<vmem>>
          %dma_start3A_532 = arith.constant 0 : i32
          %dma_start3A_533 = arith.constant 0 : i32
          %dma_start3A_534 = tpu.memref_slice %arg12[%dma_start3A_532, %dma_start3A_533] : memref<10064x128xf32, #tpu.memory_space<vmem_shared>> -> memref<10064x128xf32, #tpu.memory_space<vmem_shared>>
          tpu.enqueue_indirect_dma source(%arg10 : memref<128x128xf32, #tpu.memory_space<vmem>>) target(%dma_start3A_534 : memref<10064x128xf32, #tpu.memory_space<vmem_shared>>) offsets(%dma_start3A_531 : memref<128xi32, #tpu.memory_space<vmem>>) semaphore(%run_scoped3A_528 : memref<!tpu.dma_semaphore, #tpu.memory_space<semaphore_mem>>) {add = true}
          %dma_wait3A_535 = arith.constant 0 : i32
          %dma_wait3A_536 = tpu.memref_slice %arg9[%run_scoped3A_520, %dma_wait3A_535] : memref<8x128xi32, #tpu.memory_space<vmem>> -> memref<1x128xi32, #tpu.memory_space<vmem>>
          %dma_wait3A_537 = tpu.memref_squeeze %dma_wait3A_536 : memref<1x128xi32, #tpu.memory_space<vmem>> -> memref<128xi32, #tpu.memory_space<vmem>>
          %dma_wait3A_538 = arith.constant 0 : i32
          %dma_wait3A_539 = arith.constant 0 : i32
          %dma_wait3A_540 = tpu.memref_slice %arg12[%dma_wait3A_538, %dma_wait3A_539] : memref<10064x128xf32, #tpu.memory_space<vmem_shared>> -> memref<10064x128xf32, #tpu.memory_space<vmem_shared>>
          tpu.wait_indirect_dma semaphore(%run_scoped3A_528 : memref<!tpu.dma_semaphore, #tpu.memory_space<semaphore_mem>>) src(%arg10 : memref<128x128xf32, #tpu.memory_space<vmem>>) dst(%dma_wait3A_540 : memref<10064x128xf32, #tpu.memory_space<vmem_shared>>)
          tpu.yield
        }) : () -> ()
        %dma_wait3A_521 = arith.constant 0 : i32
        %dma_wait3A_522 = arith.constant 0 : i32
        %dma_wait3A_523 = tpu.memref_slice %arg2[%dma_wait3A_521, %dma_wait3A_522] : memref<10000x128xf32, #tpu.memory_space<hbm>> -> memref<128x128xf32, #tpu.memory_space<hbm>>
        %dma_wait3A_524 = arith.constant 0 : i32
        %dma_wait3A_525 = arith.constant 0 : i32
        %dma_wait3A_526 = tpu.memref_slice %arg2[%dma_wait3A_524, %dma_wait3A_525] : memref<10000x128xf32, #tpu.memory_space<hbm>> -> memref<128x128xf32, #tpu.memory_space<hbm>>
        tpu.wait_dma2 semaphore(%arg14 : memref<!tpu.dma_semaphore, #tpu.memory_space<semaphore_mem>>) src(%dma_wait3A_526 : memref<128x128xf32, #tpu.memory_space<hbm>>) dst(%arg11 : memref<128x128xf32, #tpu.memory_space<vmem>>)
        %run_scoped3A_527 = arith.constant 7 : i32
        "tpu.region"() ({
          %run_scoped3A_528 = tpu.sem_alloc : memref<!tpu.dma_semaphore, #tpu.memory_space<semaphore_mem>>
          %dma_start3A_529 = arith.constant 0 : i32
          %dma_start3A_530 = tpu.memref_slice %arg9[%run_scoped3A_527, %dma_start3A_529] : memref<8x128xi32, #tpu.memory_space<vmem>> -> memref<1x128xi32, #tpu.memory_space<vmem>>
          %dma_start3A_531 = tpu.memref_squeeze %dma_start3A_530 : memref<1x128xi32, #tpu.memory_space<vmem>> -> memref<128xi32, #tpu.memory_space<vmem>>
          %dma_start3A_532 = arith.constant 0 : i32
          %dma_start3A_533 = arith.constant 0 : i32
          %dma_start3A_534 = tpu.memref_slice %arg12[%dma_start3A_532, %dma_start3A_533] : memref<10064x128xf32, #tpu.memory_space<vmem_shared>> -> memref<10064x128xf32, #tpu.memory_space<vmem_shared>>
          tpu.enqueue_indirect_dma source(%arg11 : memref<128x128xf32, #tpu.memory_space<vmem>>) target(%dma_start3A_534 : memref<10064x128xf32, #tpu.memory_space<vmem_shared>>) offsets(%dma_start3A_531 : memref<128xi32, #tpu.memory_space<vmem>>) semaphore(%run_scoped3A_528 : memref<!tpu.dma_semaphore, #tpu.memory_space<semaphore_mem>>) {add = true}
          %dma_wait3A_535 = arith.constant 0 : i32
          %dma_wait3A_536 = tpu.memref_slice %arg9[%run_scoped3A_527, %dma_wait3A_535] : memref<8x128xi32, #tpu.memory_space<vmem>> -> memref<1x128xi32, #tpu.memory_space<vmem>>
          %dma_wait3A_537 = tpu.memref_squeeze %dma_wait3A_536 : memref<1x128xi32, #tpu.memory_space<vmem>> -> memref<128xi32, #tpu.memory_space<vmem>>
          %dma_wait3A_538 = arith.constant 0 : i32
          %dma_wait3A_539 = arith.constant 0 : i32
          %dma_wait3A_540 = tpu.memref_slice %arg12[%dma_wait3A_538, %dma_wait3A_539] : memref<10064x128xf32, #tpu.memory_space<vmem_shared>> -> memref<10064x128xf32, #tpu.memory_space<vmem_shared>>
          tpu.wait_indirect_dma semaphore(%run_scoped3A_528 : memref<!tpu.dma_semaphore, #tpu.memory_space<semaphore_mem>>) src(%arg11 : memref<128x128xf32, #tpu.memory_space<vmem>>) dst(%dma_wait3A_540 : memref<10064x128xf32, #tpu.memory_space<vmem_shared>>)
          tpu.yield
        }) : () -> ()
      } else {
      }
      %add3A_254 = arith.constant 8 : i32
      %add3A_255 = arith.addi %add3A_245, %add3A_254 : i32
      %dma_start3A = arith.constant 0 : i32
      %dma_start3A_256 = tpu.memref_slice %arg3[%add3A_255, %dma_start3A] : memref<2560x128xi32, #tpu.memory_space<hbm>> -> memref<8x128xi32, #tpu.memory_space<hbm>>
      %dma_start3A_257 = arith.constant 0 : i32
      %dma_start3A_258 = tpu.memref_slice %arg3[%add3A_255, %dma_start3A_257] : memref<2560x128xi32, #tpu.memory_space<hbm>> -> memref<8x128xi32, #tpu.memory_space<hbm>>
      tpu.enqueue_dma source(%dma_start3A_258 : memref<8x128xi32, #tpu.memory_space<hbm>>) target(%arg7 : memref<8x128xi32, #tpu.memory_space<vmem>>) target_semaphore(%arg17 : memref<!tpu.dma_semaphore, #tpu.memory_space<semaphore_mem>>)
      %add3A_259 = arith.constant 8 : i32
      %add3A_260 = arith.addi %add3A_245, %add3A_259 : i32
      %dma_start3A_261 = arith.constant 0 : i32
      %dma_start3A_262 = tpu.memref_slice %arg4[%add3A_260, %dma_start3A_261] : memref<2560x128xi32, #tpu.memory_space<hbm>> -> memref<8x128xi32, #tpu.memory_space<hbm>>
      %dma_start3A_263 = arith.constant 0 : i32
      %dma_start3A_264 = tpu.memref_slice %arg4[%add3A_260, %dma_start3A_263] : memref<2560x128xi32, #tpu.memory_space<hbm>> -> memref<8x128xi32, #tpu.memory_space<hbm>>
      tpu.enqueue_dma source(%dma_start3A_264 : memref<8x128xi32, #tpu.memory_space<hbm>>) target(%arg9 : memref<8x128xi32, #tpu.memory_space<vmem>>) target_semaphore(%arg17 : memref<!tpu.dma_semaphore, #tpu.memory_space<semaphore_mem>>)
      %dma_start3A_265 = arith.constant 0 : i32
      %dma_start3A_266 = arith.constant 0 : i32
      %dma_start3A_267 = tpu.memref_slice %arg6[%dma_start3A_265, %dma_start3A_266] : memref<8x128xi32, #tpu.memory_space<vmem>> -> memref<1x128xi32, #tpu.memory_space<vmem>>
      %dma_start3A_268 = tpu.memref_squeeze %dma_start3A_267 : memref<1x128xi32, #tpu.memory_space<vmem>> -> memref<128xi32, #tpu.memory_space<vmem>>
      %dma_start3A_269 = arith.constant 0 : i32
      %dma_start3A_270 = arith.constant 0 : i32
      %dma_start3A_271 = tpu.memref_slice %arg2[%dma_start3A_269, %dma_start3A_270] : memref<10000x128xf32, #tpu.memory_space<hbm>> -> memref<10000x128xf32, #tpu.memory_space<hbm>>
      tpu.enqueue_indirect_dma source(%dma_start3A_271 : memref<10000x128xf32, #tpu.memory_space<hbm>>) target(%arg10 : memref<128x128xf32, #tpu.memory_space<vmem>>) offsets(%dma_start3A_268 : memref<128xi32, #tpu.memory_space<vmem>>) semaphore(%arg13 : memref<!tpu.dma_semaphore, #tpu.memory_space<semaphore_mem>>)
      %dma_start3A_272 = arith.constant 1 : i32
      %dma_start3A_273 = arith.constant 0 : i32
      %dma_start3A_274 = tpu.memref_slice %arg6[%dma_start3A_272, %dma_start3A_273] : memref<8x128xi32, #tpu.memory_space<vmem>> -> memref<1x128xi32, #tpu.memory_space<vmem>>
      %dma_start3A_275 = tpu.memref_squeeze %dma_start3A_274 : memref<1x128xi32, #tpu.memory_space<vmem>> -> memref<128xi32, #tpu.memory_space<vmem>>
      %dma_start3A_276 = arith.constant 0 : i32
      %dma_start3A_277 = arith.constant 0 : i32
      %dma_start3A_278 = tpu.memref_slice %arg2[%dma_start3A_276, %dma_start3A_277] : memref<10000x128xf32, #tpu.memory_space<hbm>> -> memref<10000x128xf32, #tpu.memory_space<hbm>>
      tpu.enqueue_indirect_dma source(%dma_start3A_278 : memref<10000x128xf32, #tpu.memory_space<hbm>>) target(%arg11 : memref<128x128xf32, #tpu.memory_space<vmem>>) offsets(%dma_start3A_275 : memref<128xi32, #tpu.memory_space<vmem>>) semaphore(%arg14 : memref<!tpu.dma_semaphore, #tpu.memory_space<semaphore_mem>>)
      %dma_wait3A_279 = arith.constant 0 : i32
      %dma_wait3A_280 = arith.constant 0 : i32
      %dma_wait3A_281 = tpu.memref_slice %arg6[%dma_wait3A_279, %dma_wait3A_280] : memref<8x128xi32, #tpu.memory_space<vmem>> -> memref<1x128xi32, #tpu.memory_space<vmem>>
      %dma_wait3A_282 = tpu.memref_squeeze %dma_wait3A_281 : memref<1x128xi32, #tpu.memory_space<vmem>> -> memref<128xi32, #tpu.memory_space<vmem>>
      %dma_wait3A_283 = arith.constant 0 : i32
      %dma_wait3A_284 = arith.constant 0 : i32
      %dma_wait3A_285 = tpu.memref_slice %arg2[%dma_wait3A_283, %dma_wait3A_284] : memref<10000x128xf32, #tpu.memory_space<hbm>> -> memref<10000x128xf32, #tpu.memory_space<hbm>>
      tpu.wait_indirect_dma semaphore(%arg13 : memref<!tpu.dma_semaphore, #tpu.memory_space<semaphore_mem>>) src(%dma_wait3A_285 : memref<10000x128xf32, #tpu.memory_space<hbm>>) dst(%arg10 : memref<128x128xf32, #tpu.memory_space<vmem>>)
      %run_scoped3A_286 = arith.constant 0 : i32
      "tpu.region"() ({
        %run_scoped3A_506 = tpu.sem_alloc : memref<!tpu.dma_semaphore, #tpu.memory_space<semaphore_mem>>
        %dma_start3A_507 = arith.constant 0 : i32
        %dma_start3A_508 = tpu.memref_slice %arg8[%run_scoped3A_286, %dma_start3A_507] : memref<8x128xi32, #tpu.memory_space<vmem>> -> memref<1x128xi32, #tpu.memory_space<vmem>>
        %dma_start3A_509 = tpu.memref_squeeze %dma_start3A_508 : memref<1x128xi32, #tpu.memory_space<vmem>> -> memref<128xi32, #tpu.memory_space<vmem>>
        %dma_start3A_510 = arith.constant 0 : i32
        %dma_start3A_511 = arith.constant 0 : i32
        %dma_start3A_512 = tpu.memref_slice %arg12[%dma_start3A_510, %dma_start3A_511] : memref<10064x128xf32, #tpu.memory_space<vmem_shared>> -> memref<10064x128xf32, #tpu.memory_space<vmem_shared>>
        tpu.enqueue_indirect_dma source(%arg10 : memref<128x128xf32, #tpu.memory_space<vmem>>) target(%dma_start3A_512 : memref<10064x128xf32, #tpu.memory_space<vmem_shared>>) offsets(%dma_start3A_509 : memref<128xi32, #tpu.memory_space<vmem>>) semaphore(%run_scoped3A_506 : memref<!tpu.dma_semaphore, #tpu.memory_space<semaphore_mem>>) {add = true}
        %dma_wait3A_513 = arith.constant 0 : i32
        %dma_wait3A_514 = tpu.memref_slice %arg8[%run_scoped3A_286, %dma_wait3A_513] : memref<8x128xi32, #tpu.memory_space<vmem>> -> memref<1x128xi32, #tpu.memory_space<vmem>>
        %dma_wait3A_515 = tpu.memref_squeeze %dma_wait3A_514 : memref<1x128xi32, #tpu.memory_space<vmem>> -> memref<128xi32, #tpu.memory_space<vmem>>
        %dma_wait3A_516 = arith.constant 0 : i32
        %dma_wait3A_517 = arith.constant 0 : i32
        %dma_wait3A_518 = tpu.memref_slice %arg12[%dma_wait3A_516, %dma_wait3A_517] : memref<10064x128xf32, #tpu.memory_space<vmem_shared>> -> memref<10064x128xf32, #tpu.memory_space<vmem_shared>>
        tpu.wait_indirect_dma semaphore(%run_scoped3A_506 : memref<!tpu.dma_semaphore, #tpu.memory_space<semaphore_mem>>) src(%arg10 : memref<128x128xf32, #tpu.memory_space<vmem>>) dst(%dma_wait3A_518 : memref<10064x128xf32, #tpu.memory_space<vmem_shared>>)
        tpu.yield
      }) : () -> ()
      %dma_start3A_287 = arith.constant 2 : i32
      %dma_start3A_288 = arith.constant 0 : i32
      %dma_start3A_289 = tpu.memref_slice %arg6[%dma_start3A_287, %dma_start3A_288] : memref<8x128xi32, #tpu.memory_space<vmem>> -> memref<1x128xi32, #tpu.memory_space<vmem>>
      %dma_start3A_290 = tpu.memref_squeeze %dma_start3A_289 : memref<1x128xi32, #tpu.memory_space<vmem>> -> memref<128xi32, #tpu.memory_space<vmem>>
      %dma_start3A_291 = arith.constant 0 : i32
      %dma_start3A_292 = arith.constant 0 : i32
      %dma_start3A_293 = tpu.memref_slice %arg2[%dma_start3A_291, %dma_start3A_292] : memref<10000x128xf32, #tpu.memory_space<hbm>> -> memref<10000x128xf32, #tpu.memory_space<hbm>>
      tpu.enqueue_indirect_dma source(%dma_start3A_293 : memref<10000x128xf32, #tpu.memory_space<hbm>>) target(%arg10 : memref<128x128xf32, #tpu.memory_space<vmem>>) offsets(%dma_start3A_290 : memref<128xi32, #tpu.memory_space<vmem>>) semaphore(%arg13 : memref<!tpu.dma_semaphore, #tpu.memory_space<semaphore_mem>>)
      %dma_wait3A_294 = arith.constant 1 : i32
      %dma_wait3A_295 = arith.constant 0 : i32
      %dma_wait3A_296 = tpu.memref_slice %arg6[%dma_wait3A_294, %dma_wait3A_295] : memref<8x128xi32, #tpu.memory_space<vmem>> -> memref<1x128xi32, #tpu.memory_space<vmem>>
      %dma_wait3A_297 = tpu.memref_squeeze %dma_wait3A_296 : memref<1x128xi32, #tpu.memory_space<vmem>> -> memref<128xi32, #tpu.memory_space<vmem>>
      %dma_wait3A_298 = arith.constant 0 : i32
      %dma_wait3A_299 = arith.constant 0 : i32
      %dma_wait3A_300 = tpu.memref_slice %arg2[%dma_wait3A_298, %dma_wait3A_299] : memref<10000x128xf32, #tpu.memory_space<hbm>> -> memref<10000x128xf32, #tpu.memory_space<hbm>>
      tpu.wait_indirect_dma semaphore(%arg14 : memref<!tpu.dma_semaphore, #tpu.memory_space<semaphore_mem>>) src(%dma_wait3A_300 : memref<10000x128xf32, #tpu.memory_space<hbm>>) dst(%arg11 : memref<128x128xf32, #tpu.memory_space<vmem>>)
      %run_scoped3A_301 = arith.constant 1 : i32
      "tpu.region"() ({
        %run_scoped3A_506 = tpu.sem_alloc : memref<!tpu.dma_semaphore, #tpu.memory_space<semaphore_mem>>
        %dma_start3A_507 = arith.constant 0 : i32
        %dma_start3A_508 = tpu.memref_slice %arg8[%run_scoped3A_301, %dma_start3A_507] : memref<8x128xi32, #tpu.memory_space<vmem>> -> memref<1x128xi32, #tpu.memory_space<vmem>>
        %dma_start3A_509 = tpu.memref_squeeze %dma_start3A_508 : memref<1x128xi32, #tpu.memory_space<vmem>> -> memref<128xi32, #tpu.memory_space<vmem>>
        %dma_start3A_510 = arith.constant 0 : i32
        %dma_start3A_511 = arith.constant 0 : i32
        %dma_start3A_512 = tpu.memref_slice %arg12[%dma_start3A_510, %dma_start3A_511] : memref<10064x128xf32, #tpu.memory_space<vmem_shared>> -> memref<10064x128xf32, #tpu.memory_space<vmem_shared>>
        tpu.enqueue_indirect_dma source(%arg11 : memref<128x128xf32, #tpu.memory_space<vmem>>) target(%dma_start3A_512 : memref<10064x128xf32, #tpu.memory_space<vmem_shared>>) offsets(%dma_start3A_509 : memref<128xi32, #tpu.memory_space<vmem>>) semaphore(%run_scoped3A_506 : memref<!tpu.dma_semaphore, #tpu.memory_space<semaphore_mem>>) {add = true}
        %dma_wait3A_513 = arith.constant 0 : i32
        %dma_wait3A_514 = tpu.memref_slice %arg8[%run_scoped3A_301, %dma_wait3A_513] : memref<8x128xi32, #tpu.memory_space<vmem>> -> memref<1x128xi32, #tpu.memory_space<vmem>>
        %dma_wait3A_515 = tpu.memref_squeeze %dma_wait3A_514 : memref<1x128xi32, #tpu.memory_space<vmem>> -> memref<128xi32, #tpu.memory_space<vmem>>
        %dma_wait3A_516 = arith.constant 0 : i32
        %dma_wait3A_517 = arith.constant 0 : i32
        %dma_wait3A_518 = tpu.memref_slice %arg12[%dma_wait3A_516, %dma_wait3A_517] : memref<10064x128xf32, #tpu.memory_space<vmem_shared>> -> memref<10064x128xf32, #tpu.memory_space<vmem_shared>>
        tpu.wait_indirect_dma semaphore(%run_scoped3A_506 : memref<!tpu.dma_semaphore, #tpu.memory_space<semaphore_mem>>) src(%arg11 : memref<128x128xf32, #tpu.memory_space<vmem>>) dst(%dma_wait3A_518 : memref<10064x128xf32, #tpu.memory_space<vmem_shared>>)
        tpu.yield
      }) : () -> ()
      %dma_start3A_302 = arith.constant 3 : i32
      %dma_start3A_303 = arith.constant 0 : i32
      %dma_start3A_304 = tpu.memref_slice %arg6[%dma_start3A_302, %dma_start3A_303] : memref<8x128xi32, #tpu.memory_space<vmem>> -> memref<1x128xi32, #tpu.memory_space<vmem>>
      %dma_start3A_305 = tpu.memref_squeeze %dma_start3A_304 : memref<1x128xi32, #tpu.memory_space<vmem>> -> memref<128xi32, #tpu.memory_space<vmem>>
      %dma_start3A_306 = arith.constant 0 : i32
      %dma_start3A_307 = arith.constant 0 : i32
      %dma_start3A_308 = tpu.memref_slice %arg2[%dma_start3A_306, %dma_start3A_307] : memref<10000x128xf32, #tpu.memory_space<hbm>> -> memref<10000x128xf32, #tpu.memory_space<hbm>>
      tpu.enqueue_indirect_dma source(%dma_start3A_308 : memref<10000x128xf32, #tpu.memory_space<hbm>>) target(%arg11 : memref<128x128xf32, #tpu.memory_space<vmem>>) offsets(%dma_start3A_305 : memref<128xi32, #tpu.memory_space<vmem>>) semaphore(%arg14 : memref<!tpu.dma_semaphore, #tpu.memory_space<semaphore_mem>>)
      %dma_wait3A_309 = arith.constant 2 : i32
      %dma_wait3A_310 = arith.constant 0 : i32
      %dma_wait3A_311 = tpu.memref_slice %arg6[%dma_wait3A_309, %dma_wait3A_310] : memref<8x128xi32, #tpu.memory_space<vmem>> -> memref<1x128xi32, #tpu.memory_space<vmem>>
      %dma_wait3A_312 = tpu.memref_squeeze %dma_wait3A_311 : memref<1x128xi32, #tpu.memory_space<vmem>> -> memref<128xi32, #tpu.memory_space<vmem>>
      %dma_wait3A_313 = arith.constant 0 : i32
      %dma_wait3A_314 = arith.constant 0 : i32
      %dma_wait3A_315 = tpu.memref_slice %arg2[%dma_wait3A_313, %dma_wait3A_314] : memref<10000x128xf32, #tpu.memory_space<hbm>> -> memref<10000x128xf32, #tpu.memory_space<hbm>>
      tpu.wait_indirect_dma semaphore(%arg13 : memref<!tpu.dma_semaphore, #tpu.memory_space<semaphore_mem>>) src(%dma_wait3A_315 : memref<10000x128xf32, #tpu.memory_space<hbm>>) dst(%arg10 : memref<128x128xf32, #tpu.memory_space<vmem>>)
      %run_scoped3A_316 = arith.constant 2 : i32
      "tpu.region"() ({
        %run_scoped3A_506 = tpu.sem_alloc : memref<!tpu.dma_semaphore, #tpu.memory_space<semaphore_mem>>
        %dma_start3A_507 = arith.constant 0 : i32
        %dma_start3A_508 = tpu.memref_slice %arg8[%run_scoped3A_316, %dma_start3A_507] : memref<8x128xi32, #tpu.memory_space<vmem>> -> memref<1x128xi32, #tpu.memory_space<vmem>>
        %dma_start3A_509 = tpu.memref_squeeze %dma_start3A_508 : memref<1x128xi32, #tpu.memory_space<vmem>> -> memref<128xi32, #tpu.memory_space<vmem>>
        %dma_start3A_510 = arith.constant 0 : i32
        %dma_start3A_511 = arith.constant 0 : i32
        %dma_start3A_512 = tpu.memref_slice %arg12[%dma_start3A_510, %dma_start3A_511] : memref<10064x128xf32, #tpu.memory_space<vmem_shared>> -> memref<10064x128xf32, #tpu.memory_space<vmem_shared>>
        tpu.enqueue_indirect_dma source(%arg10 : memref<128x128xf32, #tpu.memory_space<vmem>>) target(%dma_start3A_512 : memref<10064x128xf32, #tpu.memory_space<vmem_shared>>) offsets(%dma_start3A_509 : memref<128xi32, #tpu.memory_space<vmem>>) semaphore(%run_scoped3A_506 : memref<!tpu.dma_semaphore, #tpu.memory_space<semaphore_mem>>) {add = true}
        %dma_wait3A_513 = arith.constant 0 : i32
        %dma_wait3A_514 = tpu.memref_slice %arg8[%run_scoped3A_316, %dma_wait3A_513] : memref<8x128xi32, #tpu.memory_space<vmem>> -> memref<1x128xi32, #tpu.memory_space<vmem>>
        %dma_wait3A_515 = tpu.memref_squeeze %dma_wait3A_514 : memref<1x128xi32, #tpu.memory_space<vmem>> -> memref<128xi32, #tpu.memory_space<vmem>>
        %dma_wait3A_516 = arith.constant 0 : i32
        %dma_wait3A_517 = arith.constant 0 : i32
        %dma_wait3A_518 = tpu.memref_slice %arg12[%dma_wait3A_516, %dma_wait3A_517] : memref<10064x128xf32, #tpu.memory_space<vmem_shared>> -> memref<10064x128xf32, #tpu.memory_space<vmem_shared>>
        tpu.wait_indirect_dma semaphore(%run_scoped3A_506 : memref<!tpu.dma_semaphore, #tpu.memory_space<semaphore_mem>>) src(%arg10 : memref<128x128xf32, #tpu.memory_space<vmem>>) dst(%dma_wait3A_518 : memref<10064x128xf32, #tpu.memory_space<vmem_shared>>)
        tpu.yield
      }) : () -> ()
      %dma_start3A_317 = arith.constant 4 : i32
      %dma_start3A_318 = arith.constant 0 : i32
      %dma_start3A_319 = tpu.memref_slice %arg6[%dma_start3A_317, %dma_start3A_318] : memref<8x128xi32, #tpu.memory_space<vmem>> -> memref<1x128xi32, #tpu.memory_space<vmem>>
      %dma_start3A_320 = tpu.memref_squeeze %dma_start3A_319 : memref<1x128xi32, #tpu.memory_space<vmem>> -> memref<128xi32, #tpu.memory_space<vmem>>
      %dma_start3A_321 = arith.constant 0 : i32
      %dma_start3A_322 = arith.constant 0 : i32
      %dma_start3A_323 = tpu.memref_slice %arg2[%dma_start3A_321, %dma_start3A_322] : memref<10000x128xf32, #tpu.memory_space<hbm>> -> memref<10000x128xf32, #tpu.memory_space<hbm>>
      tpu.enqueue_indirect_dma source(%dma_start3A_323 : memref<10000x128xf32, #tpu.memory_space<hbm>>) target(%arg10 : memref<128x128xf32, #tpu.memory_space<vmem>>) offsets(%dma_start3A_320 : memref<128xi32, #tpu.memory_space<vmem>>) semaphore(%arg13 : memref<!tpu.dma_semaphore, #tpu.memory_space<semaphore_mem>>)
      %dma_wait3A_324 = arith.constant 3 : i32
      %dma_wait3A_325 = arith.constant 0 : i32
      %dma_wait3A_326 = tpu.memref_slice %arg6[%dma_wait3A_324, %dma_wait3A_325] : memref<8x128xi32, #tpu.memory_space<vmem>> -> memref<1x128xi32, #tpu.memory_space<vmem>>
      %dma_wait3A_327 = tpu.memref_squeeze %dma_wait3A_326 : memref<1x128xi32, #tpu.memory_space<vmem>> -> memref<128xi32, #tpu.memory_space<vmem>>
      %dma_wait3A_328 = arith.constant 0 : i32
      %dma_wait3A_329 = arith.constant 0 : i32
      %dma_wait3A_330 = tpu.memref_slice %arg2[%dma_wait3A_328, %dma_wait3A_329] : memref<10000x128xf32, #tpu.memory_space<hbm>> -> memref<10000x128xf32, #tpu.memory_space<hbm>>
      tpu.wait_indirect_dma semaphore(%arg14 : memref<!tpu.dma_semaphore, #tpu.memory_space<semaphore_mem>>) src(%dma_wait3A_330 : memref<10000x128xf32, #tpu.memory_space<hbm>>) dst(%arg11 : memref<128x128xf32, #tpu.memory_space<vmem>>)
      %run_scoped3A_331 = arith.constant 3 : i32
      "tpu.region"() ({
        %run_scoped3A_506 = tpu.sem_alloc : memref<!tpu.dma_semaphore, #tpu.memory_space<semaphore_mem>>
        %dma_start3A_507 = arith.constant 0 : i32
        %dma_start3A_508 = tpu.memref_slice %arg8[%run_scoped3A_331, %dma_start3A_507] : memref<8x128xi32, #tpu.memory_space<vmem>> -> memref<1x128xi32, #tpu.memory_space<vmem>>
        %dma_start3A_509 = tpu.memref_squeeze %dma_start3A_508 : memref<1x128xi32, #tpu.memory_space<vmem>> -> memref<128xi32, #tpu.memory_space<vmem>>
        %dma_start3A_510 = arith.constant 0 : i32
        %dma_start3A_511 = arith.constant 0 : i32
        %dma_start3A_512 = tpu.memref_slice %arg12[%dma_start3A_510, %dma_start3A_511] : memref<10064x128xf32, #tpu.memory_space<vmem_shared>> -> memref<10064x128xf32, #tpu.memory_space<vmem_shared>>
        tpu.enqueue_indirect_dma source(%arg11 : memref<128x128xf32, #tpu.memory_space<vmem>>) target(%dma_start3A_512 : memref<10064x128xf32, #tpu.memory_space<vmem_shared>>) offsets(%dma_start3A_509 : memref<128xi32, #tpu.memory_space<vmem>>) semaphore(%run_scoped3A_506 : memref<!tpu.dma_semaphore, #tpu.memory_space<semaphore_mem>>) {add = true}
        %dma_wait3A_513 = arith.constant 0 : i32
        %dma_wait3A_514 = tpu.memref_slice %arg8[%run_scoped3A_331, %dma_wait3A_513] : memref<8x128xi32, #tpu.memory_space<vmem>> -> memref<1x128xi32, #tpu.memory_space<vmem>>
        %dma_wait3A_515 = tpu.memref_squeeze %dma_wait3A_514 : memref<1x128xi32, #tpu.memory_space<vmem>> -> memref<128xi32, #tpu.memory_space<vmem>>
        %dma_wait3A_516 = arith.constant 0 : i32
        %dma_wait3A_517 = arith.constant 0 : i32
        %dma_wait3A_518 = tpu.memref_slice %arg12[%dma_wait3A_516, %dma_wait3A_517] : memref<10064x128xf32, #tpu.memory_space<vmem_shared>> -> memref<10064x128xf32, #tpu.memory_space<vmem_shared>>
        tpu.wait_indirect_dma semaphore(%run_scoped3A_506 : memref<!tpu.dma_semaphore, #tpu.memory_space<semaphore_mem>>) src(%arg11 : memref<128x128xf32, #tpu.memory_space<vmem>>) dst(%dma_wait3A_518 : memref<10064x128xf32, #tpu.memory_space<vmem_shared>>)
        tpu.yield
      }) : () -> ()
      %dma_start3A_332 = arith.constant 5 : i32
      %dma_start3A_333 = arith.constant 0 : i32
      %dma_start3A_334 = tpu.memref_slice %arg6[%dma_start3A_332, %dma_start3A_333] : memref<8x128xi32, #tpu.memory_space<vmem>> -> memref<1x128xi32, #tpu.memory_space<vmem>>
      %dma_start3A_335 = tpu.memref_squeeze %dma_start3A_334 : memref<1x128xi32, #tpu.memory_space<vmem>> -> memref<128xi32, #tpu.memory_space<vmem>>
      %dma_start3A_336 = arith.constant 0 : i32
      %dma_start3A_337 = arith.constant 0 : i32
      %dma_start3A_338 = tpu.memref_slice %arg2[%dma_start3A_336, %dma_start3A_337] : memref<10000x128xf32, #tpu.memory_space<hbm>> -> memref<10000x128xf32, #tpu.memory_space<hbm>>
      tpu.enqueue_indirect_dma source(%dma_start3A_338 : memref<10000x128xf32, #tpu.memory_space<hbm>>) target(%arg11 : memref<128x128xf32, #tpu.memory_space<vmem>>) offsets(%dma_start3A_335 : memref<128xi32, #tpu.memory_space<vmem>>) semaphore(%arg14 : memref<!tpu.dma_semaphore, #tpu.memory_space<semaphore_mem>>)
      %dma_wait3A_339 = arith.constant 4 : i32
      %dma_wait3A_340 = arith.constant 0 : i32
      %dma_wait3A_341 = tpu.memref_slice %arg6[%dma_wait3A_339, %dma_wait3A_340] : memref<8x128xi32, #tpu.memory_space<vmem>> -> memref<1x128xi32, #tpu.memory_space<vmem>>
      %dma_wait3A_342 = tpu.memref_squeeze %dma_wait3A_341 : memref<1x128xi32, #tpu.memory_space<vmem>> -> memref<128xi32, #tpu.memory_space<vmem>>
      %dma_wait3A_343 = arith.constant 0 : i32
      %dma_wait3A_344 = arith.constant 0 : i32
      %dma_wait3A_345 = tpu.memref_slice %arg2[%dma_wait3A_343, %dma_wait3A_344] : memref<10000x128xf32, #tpu.memory_space<hbm>> -> memref<10000x128xf32, #tpu.memory_space<hbm>>
      tpu.wait_indirect_dma semaphore(%arg13 : memref<!tpu.dma_semaphore, #tpu.memory_space<semaphore_mem>>) src(%dma_wait3A_345 : memref<10000x128xf32, #tpu.memory_space<hbm>>) dst(%arg10 : memref<128x128xf32, #tpu.memory_space<vmem>>)
      %run_scoped3A_346 = arith.constant 4 : i32
      "tpu.region"() ({
        %run_scoped3A_506 = tpu.sem_alloc : memref<!tpu.dma_semaphore, #tpu.memory_space<semaphore_mem>>
        %dma_start3A_507 = arith.constant 0 : i32
        %dma_start3A_508 = tpu.memref_slice %arg8[%run_scoped3A_346, %dma_start3A_507] : memref<8x128xi32, #tpu.memory_space<vmem>> -> memref<1x128xi32, #tpu.memory_space<vmem>>
        %dma_start3A_509 = tpu.memref_squeeze %dma_start3A_508 : memref<1x128xi32, #tpu.memory_space<vmem>> -> memref<128xi32, #tpu.memory_space<vmem>>
        %dma_start3A_510 = arith.constant 0 : i32
        %dma_start3A_511 = arith.constant 0 : i32
        %dma_start3A_512 = tpu.memref_slice %arg12[%dma_start3A_510, %dma_start3A_511] : memref<10064x128xf32, #tpu.memory_space<vmem_shared>> -> memref<10064x128xf32, #tpu.memory_space<vmem_shared>>
        tpu.enqueue_indirect_dma source(%arg10 : memref<128x128xf32, #tpu.memory_space<vmem>>) target(%dma_start3A_512 : memref<10064x128xf32, #tpu.memory_space<vmem_shared>>) offsets(%dma_start3A_509 : memref<128xi32, #tpu.memory_space<vmem>>) semaphore(%run_scoped3A_506 : memref<!tpu.dma_semaphore, #tpu.memory_space<semaphore_mem>>) {add = true}
        %dma_wait3A_513 = arith.constant 0 : i32
        %dma_wait3A_514 = tpu.memref_slice %arg8[%run_scoped3A_346, %dma_wait3A_513] : memref<8x128xi32, #tpu.memory_space<vmem>> -> memref<1x128xi32, #tpu.memory_space<vmem>>
        %dma_wait3A_515 = tpu.memref_squeeze %dma_wait3A_514 : memref<1x128xi32, #tpu.memory_space<vmem>> -> memref<128xi32, #tpu.memory_space<vmem>>
        %dma_wait3A_516 = arith.constant 0 : i32
        %dma_wait3A_517 = arith.constant 0 : i32
        %dma_wait3A_518 = tpu.memref_slice %arg12[%dma_wait3A_516, %dma_wait3A_517] : memref<10064x128xf32, #tpu.memory_space<vmem_shared>> -> memref<10064x128xf32, #tpu.memory_space<vmem_shared>>
        tpu.wait_indirect_dma semaphore(%run_scoped3A_506 : memref<!tpu.dma_semaphore, #tpu.memory_space<semaphore_mem>>) src(%arg10 : memref<128x128xf32, #tpu.memory_space<vmem>>) dst(%dma_wait3A_518 : memref<10064x128xf32, #tpu.memory_space<vmem_shared>>)
        tpu.yield
      }) : () -> ()
      %dma_start3A_347 = arith.constant 6 : i32
      %dma_start3A_348 = arith.constant 0 : i32
      %dma_start3A_349 = tpu.memref_slice %arg6[%dma_start3A_347, %dma_start3A_348] : memref<8x128xi32, #tpu.memory_space<vmem>> -> memref<1x128xi32, #tpu.memory_space<vmem>>
      %dma_start3A_350 = tpu.memref_squeeze %dma_start3A_349 : memref<1x128xi32, #tpu.memory_space<vmem>> -> memref<128xi32, #tpu.memory_space<vmem>>
      %dma_start3A_351 = arith.constant 0 : i32
      %dma_start3A_352 = arith.constant 0 : i32
      %dma_start3A_353 = tpu.memref_slice %arg2[%dma_start3A_351, %dma_start3A_352] : memref<10000x128xf32, #tpu.memory_space<hbm>> -> memref<10000x128xf32, #tpu.memory_space<hbm>>
      tpu.enqueue_indirect_dma source(%dma_start3A_353 : memref<10000x128xf32, #tpu.memory_space<hbm>>) target(%arg10 : memref<128x128xf32, #tpu.memory_space<vmem>>) offsets(%dma_start3A_350 : memref<128xi32, #tpu.memory_space<vmem>>) semaphore(%arg13 : memref<!tpu.dma_semaphore, #tpu.memory_space<semaphore_mem>>)
      %dma_wait3A_354 = arith.constant 5 : i32
      %dma_wait3A_355 = arith.constant 0 : i32
      %dma_wait3A_356 = tpu.memref_slice %arg6[%dma_wait3A_354, %dma_wait3A_355] : memref<8x128xi32, #tpu.memory_space<vmem>> -> memref<1x128xi32, #tpu.memory_space<vmem>>
      %dma_wait3A_357 = tpu.memref_squeeze %dma_wait3A_356 : memref<1x128xi32, #tpu.memory_space<vmem>> -> memref<128xi32, #tpu.memory_space<vmem>>
      %dma_wait3A_358 = arith.constant 0 : i32
      %dma_wait3A_359 = arith.constant 0 : i32
      %dma_wait3A_360 = tpu.memref_slice %arg2[%dma_wait3A_358, %dma_wait3A_359] : memref<10000x128xf32, #tpu.memory_space<hbm>> -> memref<10000x128xf32, #tpu.memory_space<hbm>>
      tpu.wait_indirect_dma semaphore(%arg14 : memref<!tpu.dma_semaphore, #tpu.memory_space<semaphore_mem>>) src(%dma_wait3A_360 : memref<10000x128xf32, #tpu.memory_space<hbm>>) dst(%arg11 : memref<128x128xf32, #tpu.memory_space<vmem>>)
      %run_scoped3A_361 = arith.constant 5 : i32
      "tpu.region"() ({
        %run_scoped3A_506 = tpu.sem_alloc : memref<!tpu.dma_semaphore, #tpu.memory_space<semaphore_mem>>
        %dma_start3A_507 = arith.constant 0 : i32
        %dma_start3A_508 = tpu.memref_slice %arg8[%run_scoped3A_361, %dma_start3A_507] : memref<8x128xi32, #tpu.memory_space<vmem>> -> memref<1x128xi32, #tpu.memory_space<vmem>>
        %dma_start3A_509 = tpu.memref_squeeze %dma_start3A_508 : memref<1x128xi32, #tpu.memory_space<vmem>> -> memref<128xi32, #tpu.memory_space<vmem>>
        %dma_start3A_510 = arith.constant 0 : i32
        %dma_start3A_511 = arith.constant 0 : i32
        %dma_start3A_512 = tpu.memref_slice %arg12[%dma_start3A_510, %dma_start3A_511] : memref<10064x128xf32, #tpu.memory_space<vmem_shared>> -> memref<10064x128xf32, #tpu.memory_space<vmem_shared>>
        tpu.enqueue_indirect_dma source(%arg11 : memref<128x128xf32, #tpu.memory_space<vmem>>) target(%dma_start3A_512 : memref<10064x128xf32, #tpu.memory_space<vmem_shared>>) offsets(%dma_start3A_509 : memref<128xi32, #tpu.memory_space<vmem>>) semaphore(%run_scoped3A_506 : memref<!tpu.dma_semaphore, #tpu.memory_space<semaphore_mem>>) {add = true}
        %dma_wait3A_513 = arith.constant 0 : i32
        %dma_wait3A_514 = tpu.memref_slice %arg8[%run_scoped3A_361, %dma_wait3A_513] : memref<8x128xi32, #tpu.memory_space<vmem>> -> memref<1x128xi32, #tpu.memory_space<vmem>>
        %dma_wait3A_515 = tpu.memref_squeeze %dma_wait3A_514 : memref<1x128xi32, #tpu.memory_space<vmem>> -> memref<128xi32, #tpu.memory_space<vmem>>
        %dma_wait3A_516 = arith.constant 0 : i32
        %dma_wait3A_517 = arith.constant 0 : i32
        %dma_wait3A_518 = tpu.memref_slice %arg12[%dma_wait3A_516, %dma_wait3A_517] : memref<10064x128xf32, #tpu.memory_space<vmem_shared>> -> memref<10064x128xf32, #tpu.memory_space<vmem_shared>>
        tpu.wait_indirect_dma semaphore(%run_scoped3A_506 : memref<!tpu.dma_semaphore, #tpu.memory_space<semaphore_mem>>) src(%arg11 : memref<128x128xf32, #tpu.memory_space<vmem>>) dst(%dma_wait3A_518 : memref<10064x128xf32, #tpu.memory_space<vmem_shared>>)
        tpu.yield
      }) : () -> ()
      %dma_start3A_362 = arith.constant 7 : i32
      %dma_start3A_363 = arith.constant 0 : i32
      %dma_start3A_364 = tpu.memref_slice %arg6[%dma_start3A_362, %dma_start3A_363] : memref<8x128xi32, #tpu.memory_space<vmem>> -> memref<1x128xi32, #tpu.memory_space<vmem>>
      %dma_start3A_365 = tpu.memref_squeeze %dma_start3A_364 : memref<1x128xi32, #tpu.memory_space<vmem>> -> memref<128xi32, #tpu.memory_space<vmem>>
      %dma_start3A_366 = arith.constant 0 : i32
      %dma_start3A_367 = arith.constant 0 : i32
      %dma_start3A_368 = tpu.memref_slice %arg2[%dma_start3A_366, %dma_start3A_367] : memref<10000x128xf32, #tpu.memory_space<hbm>> -> memref<10000x128xf32, #tpu.memory_space<hbm>>
      tpu.enqueue_indirect_dma source(%dma_start3A_368 : memref<10000x128xf32, #tpu.memory_space<hbm>>) target(%arg11 : memref<128x128xf32, #tpu.memory_space<vmem>>) offsets(%dma_start3A_365 : memref<128xi32, #tpu.memory_space<vmem>>) semaphore(%arg14 : memref<!tpu.dma_semaphore, #tpu.memory_space<semaphore_mem>>)
      %add3A_369 = arith.constant 8 : i32
      %add3A_370 = arith.addi %add3A_245, %add3A_369 : i32
      %dma_wait3A_371 = arith.constant 0 : i32
      %dma_wait3A_372 = tpu.memref_slice %arg3[%add3A_370, %dma_wait3A_371] : memref<2560x128xi32, #tpu.memory_space<hbm>> -> memref<8x128xi32, #tpu.memory_space<hbm>>
      %dma_wait3A_373 = arith.constant 0 : i32
      %dma_wait3A_374 = tpu.memref_slice %arg3[%add3A_370, %dma_wait3A_373] : memref<2560x128xi32, #tpu.memory_space<hbm>> -> memref<8x128xi32, #tpu.memory_space<hbm>>
      tpu.wait_dma2 semaphore(%arg17 : memref<!tpu.dma_semaphore, #tpu.memory_space<semaphore_mem>>) src(%dma_wait3A_374 : memref<8x128xi32, #tpu.memory_space<hbm>>) dst(%arg7 : memref<8x128xi32, #tpu.memory_space<vmem>>)
      %add3A_375 = arith.constant 8 : i32
      %add3A_376 = arith.addi %add3A_245, %add3A_375 : i32
      %dma_wait3A_377 = arith.constant 0 : i32
      %dma_wait3A_378 = tpu.memref_slice %arg4[%add3A_376, %dma_wait3A_377] : memref<2560x128xi32, #tpu.memory_space<hbm>> -> memref<8x128xi32, #tpu.memory_space<hbm>>
      %dma_wait3A_379 = arith.constant 0 : i32
      %dma_wait3A_380 = tpu.memref_slice %arg4[%add3A_376, %dma_wait3A_379] : memref<2560x128xi32, #tpu.memory_space<hbm>> -> memref<8x128xi32, #tpu.memory_space<hbm>>
      tpu.wait_dma2 semaphore(%arg17 : memref<!tpu.dma_semaphore, #tpu.memory_space<semaphore_mem>>) src(%dma_wait3A_380 : memref<8x128xi32, #tpu.memory_space<hbm>>) dst(%arg9 : memref<8x128xi32, #tpu.memory_space<vmem>>)
      %dma_wait3A_381 = arith.constant 6 : i32
      %dma_wait3A_382 = arith.constant 0 : i32
      %dma_wait3A_383 = tpu.memref_slice %arg6[%dma_wait3A_381, %dma_wait3A_382] : memref<8x128xi32, #tpu.memory_space<vmem>> -> memref<1x128xi32, #tpu.memory_space<vmem>>
      %dma_wait3A_384 = tpu.memref_squeeze %dma_wait3A_383 : memref<1x128xi32, #tpu.memory_space<vmem>> -> memref<128xi32, #tpu.memory_space<vmem>>
      %dma_wait3A_385 = arith.constant 0 : i32
      %dma_wait3A_386 = arith.constant 0 : i32
      %dma_wait3A_387 = tpu.memref_slice %arg2[%dma_wait3A_385, %dma_wait3A_386] : memref<10000x128xf32, #tpu.memory_space<hbm>> -> memref<10000x128xf32, #tpu.memory_space<hbm>>
      tpu.wait_indirect_dma semaphore(%arg13 : memref<!tpu.dma_semaphore, #tpu.memory_space<semaphore_mem>>) src(%dma_wait3A_387 : memref<10000x128xf32, #tpu.memory_space<hbm>>) dst(%arg10 : memref<128x128xf32, #tpu.memory_space<vmem>>)
      %run_scoped3A_388 = arith.constant 6 : i32
      "tpu.region"() ({
        %run_scoped3A_506 = tpu.sem_alloc : memref<!tpu.dma_semaphore, #tpu.memory_space<semaphore_mem>>
        %dma_start3A_507 = arith.constant 0 : i32
        %dma_start3A_508 = tpu.memref_slice %arg8[%run_scoped3A_388, %dma_start3A_507] : memref<8x128xi32, #tpu.memory_space<vmem>> -> memref<1x128xi32, #tpu.memory_space<vmem>>
        %dma_start3A_509 = tpu.memref_squeeze %dma_start3A_508 : memref<1x128xi32, #tpu.memory_space<vmem>> -> memref<128xi32, #tpu.memory_space<vmem>>
        %dma_start3A_510 = arith.constant 0 : i32
        %dma_start3A_511 = arith.constant 0 : i32
        %dma_start3A_512 = tpu.memref_slice %arg12[%dma_start3A_510, %dma_start3A_511] : memref<10064x128xf32, #tpu.memory_space<vmem_shared>> -> memref<10064x128xf32, #tpu.memory_space<vmem_shared>>
        tpu.enqueue_indirect_dma source(%arg10 : memref<128x128xf32, #tpu.memory_space<vmem>>) target(%dma_start3A_512 : memref<10064x128xf32, #tpu.memory_space<vmem_shared>>) offsets(%dma_start3A_509 : memref<128xi32, #tpu.memory_space<vmem>>) semaphore(%run_scoped3A_506 : memref<!tpu.dma_semaphore, #tpu.memory_space<semaphore_mem>>) {add = true}
        %dma_wait3A_513 = arith.constant 0 : i32
        %dma_wait3A_514 = tpu.memref_slice %arg8[%run_scoped3A_388, %dma_wait3A_513] : memref<8x128xi32, #tpu.memory_space<vmem>> -> memref<1x128xi32, #tpu.memory_space<vmem>>
        %dma_wait3A_515 = tpu.memref_squeeze %dma_wait3A_514 : memref<1x128xi32, #tpu.memory_space<vmem>> -> memref<128xi32, #tpu.memory_space<vmem>>
        %dma_wait3A_516 = arith.constant 0 : i32
        %dma_wait3A_517 = arith.constant 0 : i32
        %dma_wait3A_518 = tpu.memref_slice %arg12[%dma_wait3A_516, %dma_wait3A_517] : memref<10064x128xf32, #tpu.memory_space<vmem_shared>> -> memref<10064x128xf32, #tpu.memory_space<vmem_shared>>
        tpu.wait_indirect_dma semaphore(%run_scoped3A_506 : memref<!tpu.dma_semaphore, #tpu.memory_space<semaphore_mem>>) src(%arg10 : memref<128x128xf32, #tpu.memory_space<vmem>>) dst(%dma_wait3A_518 : memref<10064x128xf32, #tpu.memory_space<vmem_shared>>)
        tpu.yield
      }) : () -> ()
      %dma_start3A_389 = arith.constant 0 : i32
      %dma_start3A_390 = arith.constant 0 : i32
      %dma_start3A_391 = tpu.memref_slice %arg7[%dma_start3A_389, %dma_start3A_390] : memref<8x128xi32, #tpu.memory_space<vmem>> -> memref<1x128xi32, #tpu.memory_space<vmem>>
      %dma_start3A_392 = tpu.memref_squeeze %dma_start3A_391 : memref<1x128xi32, #tpu.memory_space<vmem>> -> memref<128xi32, #tpu.memory_space<vmem>>
      %dma_start3A_393 = arith.constant 0 : i32
      %dma_start3A_394 = arith.constant 0 : i32
      %dma_start3A_395 = tpu.memref_slice %arg2[%dma_start3A_393, %dma_start3A_394] : memref<10000x128xf32, #tpu.memory_space<hbm>> -> memref<10000x128xf32, #tpu.memory_space<hbm>>
      tpu.enqueue_indirect_dma source(%dma_start3A_395 : memref<10000x128xf32, #tpu.memory_space<hbm>>) target(%arg10 : memref<128x128xf32, #tpu.memory_space<vmem>>) offsets(%dma_start3A_392 : memref<128xi32, #tpu.memory_space<vmem>>) semaphore(%arg13 : memref<!tpu.dma_semaphore, #tpu.memory_space<semaphore_mem>>)
      %dma_wait3A_396 = arith.constant 7 : i32
      %dma_wait3A_397 = arith.constant 0 : i32
      %dma_wait3A_398 = tpu.memref_slice %arg6[%dma_wait3A_396, %dma_wait3A_397] : memref<8x128xi32, #tpu.memory_space<vmem>> -> memref<1x128xi32, #tpu.memory_space<vmem>>
      %dma_wait3A_399 = tpu.memref_squeeze %dma_wait3A_398 : memref<1x128xi32, #tpu.memory_space<vmem>> -> memref<128xi32, #tpu.memory_space<vmem>>
      %dma_wait3A_400 = arith.constant 0 : i32
      %dma_wait3A_401 = arith.constant 0 : i32
      %dma_wait3A_402 = tpu.memref_slice %arg2[%dma_wait3A_400, %dma_wait3A_401] : memref<10000x128xf32, #tpu.memory_space<hbm>> -> memref<10000x128xf32, #tpu.memory_space<hbm>>
      tpu.wait_indirect_dma semaphore(%arg14 : memref<!tpu.dma_semaphore, #tpu.memory_space<semaphore_mem>>) src(%dma_wait3A_402 : memref<10000x128xf32, #tpu.memory_space<hbm>>) dst(%arg11 : memref<128x128xf32, #tpu.memory_space<vmem>>)
      %run_scoped3A_403 = arith.constant 7 : i32
      "tpu.region"() ({
        %run_scoped3A_506 = tpu.sem_alloc : memref<!tpu.dma_semaphore, #tpu.memory_space<semaphore_mem>>
        %dma_start3A_507 = arith.constant 0 : i32
        %dma_start3A_508 = tpu.memref_slice %arg8[%run_scoped3A_403, %dma_start3A_507] : memref<8x128xi32, #tpu.memory_space<vmem>> -> memref<1x128xi32, #tpu.memory_space<vmem>>
        %dma_start3A_509 = tpu.memref_squeeze %dma_start3A_508 : memref<1x128xi32, #tpu.memory_space<vmem>> -> memref<128xi32, #tpu.memory_space<vmem>>
        %dma_start3A_510 = arith.constant 0 : i32
        %dma_start3A_511 = arith.constant 0 : i32
        %dma_start3A_512 = tpu.memref_slice %arg12[%dma_start3A_510, %dma_start3A_511] : memref<10064x128xf32, #tpu.memory_space<vmem_shared>> -> memref<10064x128xf32, #tpu.memory_space<vmem_shared>>
        tpu.enqueue_indirect_dma source(%arg11 : memref<128x128xf32, #tpu.memory_space<vmem>>) target(%dma_start3A_512 : memref<10064x128xf32, #tpu.memory_space<vmem_shared>>) offsets(%dma_start3A_509 : memref<128xi32, #tpu.memory_space<vmem>>) semaphore(%run_scoped3A_506 : memref<!tpu.dma_semaphore, #tpu.memory_space<semaphore_mem>>) {add = true}
        %dma_wait3A_513 = arith.constant 0 : i32
        %dma_wait3A_514 = tpu.memref_slice %arg8[%run_scoped3A_403, %dma_wait3A_513] : memref<8x128xi32, #tpu.memory_space<vmem>> -> memref<1x128xi32, #tpu.memory_space<vmem>>
        %dma_wait3A_515 = tpu.memref_squeeze %dma_wait3A_514 : memref<1x128xi32, #tpu.memory_space<vmem>> -> memref<128xi32, #tpu.memory_space<vmem>>
        %dma_wait3A_516 = arith.constant 0 : i32
        %dma_wait3A_517 = arith.constant 0 : i32
        %dma_wait3A_518 = tpu.memref_slice %arg12[%dma_wait3A_516, %dma_wait3A_517] : memref<10064x128xf32, #tpu.memory_space<vmem_shared>> -> memref<10064x128xf32, #tpu.memory_space<vmem_shared>>
        tpu.wait_indirect_dma semaphore(%run_scoped3A_506 : memref<!tpu.dma_semaphore, #tpu.memory_space<semaphore_mem>>) src(%arg11 : memref<128x128xf32, #tpu.memory_space<vmem>>) dst(%dma_wait3A_518 : memref<10064x128xf32, #tpu.memory_space<vmem_shared>>)
        tpu.yield
      }) : () -> ()
      %dma_start3A_404 = arith.constant 1 : i32
      %dma_start3A_405 = arith.constant 0 : i32
      %dma_start3A_406 = tpu.memref_slice %arg7[%dma_start3A_404, %dma_start3A_405] : memref<8x128xi32, #tpu.memory_space<vmem>> -> memref<1x128xi32, #tpu.memory_space<vmem>>
      %dma_start3A_407 = tpu.memref_squeeze %dma_start3A_406 : memref<1x128xi32, #tpu.memory_space<vmem>> -> memref<128xi32, #tpu.memory_space<vmem>>
      %dma_start3A_408 = arith.constant 0 : i32
      %dma_start3A_409 = arith.constant 0 : i32
      %dma_start3A_410 = tpu.memref_slice %arg2[%dma_start3A_408, %dma_start3A_409] : memref<10000x128xf32, #tpu.memory_space<hbm>> -> memref<10000x128xf32, #tpu.memory_space<hbm>>
      tpu.enqueue_indirect_dma source(%dma_start3A_410 : memref<10000x128xf32, #tpu.memory_space<hbm>>) target(%arg11 : memref<128x128xf32, #tpu.memory_space<vmem>>) offsets(%dma_start3A_407 : memref<128xi32, #tpu.memory_space<vmem>>) semaphore(%arg14 : memref<!tpu.dma_semaphore, #tpu.memory_space<semaphore_mem>>)
      %dma_wait3A_411 = arith.constant 0 : i32
      %dma_wait3A_412 = arith.constant 0 : i32
      %dma_wait3A_413 = tpu.memref_slice %arg7[%dma_wait3A_411, %dma_wait3A_412] : memref<8x128xi32, #tpu.memory_space<vmem>> -> memref<1x128xi32, #tpu.memory_space<vmem>>
      %dma_wait3A_414 = tpu.memref_squeeze %dma_wait3A_413 : memref<1x128xi32, #tpu.memory_space<vmem>> -> memref<128xi32, #tpu.memory_space<vmem>>
      %dma_wait3A_415 = arith.constant 0 : i32
      %dma_wait3A_416 = arith.constant 0 : i32
      %dma_wait3A_417 = tpu.memref_slice %arg2[%dma_wait3A_415, %dma_wait3A_416] : memref<10000x128xf32, #tpu.memory_space<hbm>> -> memref<10000x128xf32, #tpu.memory_space<hbm>>
      tpu.wait_indirect_dma semaphore(%arg13 : memref<!tpu.dma_semaphore, #tpu.memory_space<semaphore_mem>>) src(%dma_wait3A_417 : memref<10000x128xf32, #tpu.memory_space<hbm>>) dst(%arg10 : memref<128x128xf32, #tpu.memory_space<vmem>>)
      %run_scoped3A_418 = arith.constant 0 : i32
      "tpu.region"() ({
        %run_scoped3A_506 = tpu.sem_alloc : memref<!tpu.dma_semaphore, #tpu.memory_space<semaphore_mem>>
        %dma_start3A_507 = arith.constant 0 : i32
        %dma_start3A_508 = tpu.memref_slice %arg9[%run_scoped3A_418, %dma_start3A_507] : memref<8x128xi32, #tpu.memory_space<vmem>> -> memref<1x128xi32, #tpu.memory_space<vmem>>
        %dma_start3A_509 = tpu.memref_squeeze %dma_start3A_508 : memref<1x128xi32, #tpu.memory_space<vmem>> -> memref<128xi32, #tpu.memory_space<vmem>>
        %dma_start3A_510 = arith.constant 0 : i32
        %dma_start3A_511 = arith.constant 0 : i32
        %dma_start3A_512 = tpu.memref_slice %arg12[%dma_start3A_510, %dma_start3A_511] : memref<10064x128xf32, #tpu.memory_space<vmem_shared>> -> memref<10064x128xf32, #tpu.memory_space<vmem_shared>>
        tpu.enqueue_indirect_dma source(%arg10 : memref<128x128xf32, #tpu.memory_space<vmem>>) target(%dma_start3A_512 : memref<10064x128xf32, #tpu.memory_space<vmem_shared>>) offsets(%dma_start3A_509 : memref<128xi32, #tpu.memory_space<vmem>>) semaphore(%run_scoped3A_506 : memref<!tpu.dma_semaphore, #tpu.memory_space<semaphore_mem>>) {add = true}
        %dma_wait3A_513 = arith.constant 0 : i32
        %dma_wait3A_514 = tpu.memref_slice %arg9[%run_scoped3A_418, %dma_wait3A_513] : memref<8x128xi32, #tpu.memory_space<vmem>> -> memref<1x128xi32, #tpu.memory_space<vmem>>
        %dma_wait3A_515 = tpu.memref_squeeze %dma_wait3A_514 : memref<1x128xi32, #tpu.memory_space<vmem>> -> memref<128xi32, #tpu.memory_space<vmem>>
        %dma_wait3A_516 = arith.constant 0 : i32
        %dma_wait3A_517 = arith.constant 0 : i32
        %dma_wait3A_518 = tpu.memref_slice %arg12[%dma_wait3A_516, %dma_wait3A_517] : memref<10064x128xf32, #tpu.memory_space<vmem_shared>> -> memref<10064x128xf32, #tpu.memory_space<vmem_shared>>
        tpu.wait_indirect_dma semaphore(%run_scoped3A_506 : memref<!tpu.dma_semaphore, #tpu.memory_space<semaphore_mem>>) src(%arg10 : memref<128x128xf32, #tpu.memory_space<vmem>>) dst(%dma_wait3A_518 : memref<10064x128xf32, #tpu.memory_space<vmem_shared>>)
        tpu.yield
      }) : () -> ()
      %dma_start3A_419 = arith.constant 2 : i32
      %dma_start3A_420 = arith.constant 0 : i32
      %dma_start3A_421 = tpu.memref_slice %arg7[%dma_start3A_419, %dma_start3A_420] : memref<8x128xi32, #tpu.memory_space<vmem>> -> memref<1x128xi32, #tpu.memory_space<vmem>>
      %dma_start3A_422 = tpu.memref_squeeze %dma_start3A_421 : memref<1x128xi32, #tpu.memory_space<vmem>> -> memref<128xi32, #tpu.memory_space<vmem>>
      %dma_start3A_423 = arith.constant 0 : i32
      %dma_start3A_424 = arith.constant 0 : i32
      %dma_start3A_425 = tpu.memref_slice %arg2[%dma_start3A_423, %dma_start3A_424] : memref<10000x128xf32, #tpu.memory_space<hbm>> -> memref<10000x128xf32, #tpu.memory_space<hbm>>
      tpu.enqueue_indirect_dma source(%dma_start3A_425 : memref<10000x128xf32, #tpu.memory_space<hbm>>) target(%arg10 : memref<128x128xf32, #tpu.memory_space<vmem>>) offsets(%dma_start3A_422 : memref<128xi32, #tpu.memory_space<vmem>>) semaphore(%arg13 : memref<!tpu.dma_semaphore, #tpu.memory_space<semaphore_mem>>)
      %dma_wait3A_426 = arith.constant 1 : i32
      %dma_wait3A_427 = arith.constant 0 : i32
      %dma_wait3A_428 = tpu.memref_slice %arg7[%dma_wait3A_426, %dma_wait3A_427] : memref<8x128xi32, #tpu.memory_space<vmem>> -> memref<1x128xi32, #tpu.memory_space<vmem>>
      %dma_wait3A_429 = tpu.memref_squeeze %dma_wait3A_428 : memref<1x128xi32, #tpu.memory_space<vmem>> -> memref<128xi32, #tpu.memory_space<vmem>>
      %dma_wait3A_430 = arith.constant 0 : i32
      %dma_wait3A_431 = arith.constant 0 : i32
      %dma_wait3A_432 = tpu.memref_slice %arg2[%dma_wait3A_430, %dma_wait3A_431] : memref<10000x128xf32, #tpu.memory_space<hbm>> -> memref<10000x128xf32, #tpu.memory_space<hbm>>
      tpu.wait_indirect_dma semaphore(%arg14 : memref<!tpu.dma_semaphore, #tpu.memory_space<semaphore_mem>>) src(%dma_wait3A_432 : memref<10000x128xf32, #tpu.memory_space<hbm>>) dst(%arg11 : memref<128x128xf32, #tpu.memory_space<vmem>>)
      %run_scoped3A_433 = arith.constant 1 : i32
      "tpu.region"() ({
        %run_scoped3A_506 = tpu.sem_alloc : memref<!tpu.dma_semaphore, #tpu.memory_space<semaphore_mem>>
        %dma_start3A_507 = arith.constant 0 : i32
        %dma_start3A_508 = tpu.memref_slice %arg9[%run_scoped3A_433, %dma_start3A_507] : memref<8x128xi32, #tpu.memory_space<vmem>> -> memref<1x128xi32, #tpu.memory_space<vmem>>
        %dma_start3A_509 = tpu.memref_squeeze %dma_start3A_508 : memref<1x128xi32, #tpu.memory_space<vmem>> -> memref<128xi32, #tpu.memory_space<vmem>>
        %dma_start3A_510 = arith.constant 0 : i32
        %dma_start3A_511 = arith.constant 0 : i32
        %dma_start3A_512 = tpu.memref_slice %arg12[%dma_start3A_510, %dma_start3A_511] : memref<10064x128xf32, #tpu.memory_space<vmem_shared>> -> memref<10064x128xf32, #tpu.memory_space<vmem_shared>>
        tpu.enqueue_indirect_dma source(%arg11 : memref<128x128xf32, #tpu.memory_space<vmem>>) target(%dma_start3A_512 : memref<10064x128xf32, #tpu.memory_space<vmem_shared>>) offsets(%dma_start3A_509 : memref<128xi32, #tpu.memory_space<vmem>>) semaphore(%run_scoped3A_506 : memref<!tpu.dma_semaphore, #tpu.memory_space<semaphore_mem>>) {add = true}
        %dma_wait3A_513 = arith.constant 0 : i32
        %dma_wait3A_514 = tpu.memref_slice %arg9[%run_scoped3A_433, %dma_wait3A_513] : memref<8x128xi32, #tpu.memory_space<vmem>> -> memref<1x128xi32, #tpu.memory_space<vmem>>
        %dma_wait3A_515 = tpu.memref_squeeze %dma_wait3A_514 : memref<1x128xi32, #tpu.memory_space<vmem>> -> memref<128xi32, #tpu.memory_space<vmem>>
        %dma_wait3A_516 = arith.constant 0 : i32
        %dma_wait3A_517 = arith.constant 0 : i32
        %dma_wait3A_518 = tpu.memref_slice %arg12[%dma_wait3A_516, %dma_wait3A_517] : memref<10064x128xf32, #tpu.memory_space<vmem_shared>> -> memref<10064x128xf32, #tpu.memory_space<vmem_shared>>
        tpu.wait_indirect_dma semaphore(%run_scoped3A_506 : memref<!tpu.dma_semaphore, #tpu.memory_space<semaphore_mem>>) src(%arg11 : memref<128x128xf32, #tpu.memory_space<vmem>>) dst(%dma_wait3A_518 : memref<10064x128xf32, #tpu.memory_space<vmem_shared>>)
        tpu.yield
      }) : () -> ()
      %dma_start3A_434 = arith.constant 3 : i32
      %dma_start3A_435 = arith.constant 0 : i32
      %dma_start3A_436 = tpu.memref_slice %arg7[%dma_start3A_434, %dma_start3A_435] : memref<8x128xi32, #tpu.memory_space<vmem>> -> memref<1x128xi32, #tpu.memory_space<vmem>>
      %dma_start3A_437 = tpu.memref_squeeze %dma_start3A_436 : memref<1x128xi32, #tpu.memory_space<vmem>> -> memref<128xi32, #tpu.memory_space<vmem>>
      %dma_start3A_438 = arith.constant 0 : i32
      %dma_start3A_439 = arith.constant 0 : i32
      %dma_start3A_440 = tpu.memref_slice %arg2[%dma_start3A_438, %dma_start3A_439] : memref<10000x128xf32, #tpu.memory_space<hbm>> -> memref<10000x128xf32, #tpu.memory_space<hbm>>
      tpu.enqueue_indirect_dma source(%dma_start3A_440 : memref<10000x128xf32, #tpu.memory_space<hbm>>) target(%arg11 : memref<128x128xf32, #tpu.memory_space<vmem>>) offsets(%dma_start3A_437 : memref<128xi32, #tpu.memory_space<vmem>>) semaphore(%arg14 : memref<!tpu.dma_semaphore, #tpu.memory_space<semaphore_mem>>)
      %dma_wait3A_441 = arith.constant 2 : i32
      %dma_wait3A_442 = arith.constant 0 : i32
      %dma_wait3A_443 = tpu.memref_slice %arg7[%dma_wait3A_441, %dma_wait3A_442] : memref<8x128xi32, #tpu.memory_space<vmem>> -> memref<1x128xi32, #tpu.memory_space<vmem>>
      %dma_wait3A_444 = tpu.memref_squeeze %dma_wait3A_443 : memref<1x128xi32, #tpu.memory_space<vmem>> -> memref<128xi32, #tpu.memory_space<vmem>>
      %dma_wait3A_445 = arith.constant 0 : i32
      %dma_wait3A_446 = arith.constant 0 : i32
      %dma_wait3A_447 = tpu.memref_slice %arg2[%dma_wait3A_445, %dma_wait3A_446] : memref<10000x128xf32, #tpu.memory_space<hbm>> -> memref<10000x128xf32, #tpu.memory_space<hbm>>
      tpu.wait_indirect_dma semaphore(%arg13 : memref<!tpu.dma_semaphore, #tpu.memory_space<semaphore_mem>>) src(%dma_wait3A_447 : memref<10000x128xf32, #tpu.memory_space<hbm>>) dst(%arg10 : memref<128x128xf32, #tpu.memory_space<vmem>>)
      %run_scoped3A_448 = arith.constant 2 : i32
      "tpu.region"() ({
        %run_scoped3A_506 = tpu.sem_alloc : memref<!tpu.dma_semaphore, #tpu.memory_space<semaphore_mem>>
        %dma_start3A_507 = arith.constant 0 : i32
        %dma_start3A_508 = tpu.memref_slice %arg9[%run_scoped3A_448, %dma_start3A_507] : memref<8x128xi32, #tpu.memory_space<vmem>> -> memref<1x128xi32, #tpu.memory_space<vmem>>
        %dma_start3A_509 = tpu.memref_squeeze %dma_start3A_508 : memref<1x128xi32, #tpu.memory_space<vmem>> -> memref<128xi32, #tpu.memory_space<vmem>>
        %dma_start3A_510 = arith.constant 0 : i32
        %dma_start3A_511 = arith.constant 0 : i32
        %dma_start3A_512 = tpu.memref_slice %arg12[%dma_start3A_510, %dma_start3A_511] : memref<10064x128xf32, #tpu.memory_space<vmem_shared>> -> memref<10064x128xf32, #tpu.memory_space<vmem_shared>>
        tpu.enqueue_indirect_dma source(%arg10 : memref<128x128xf32, #tpu.memory_space<vmem>>) target(%dma_start3A_512 : memref<10064x128xf32, #tpu.memory_space<vmem_shared>>) offsets(%dma_start3A_509 : memref<128xi32, #tpu.memory_space<vmem>>) semaphore(%run_scoped3A_506 : memref<!tpu.dma_semaphore, #tpu.memory_space<semaphore_mem>>) {add = true}
        %dma_wait3A_513 = arith.constant 0 : i32
        %dma_wait3A_514 = tpu.memref_slice %arg9[%run_scoped3A_448, %dma_wait3A_513] : memref<8x128xi32, #tpu.memory_space<vmem>> -> memref<1x128xi32, #tpu.memory_space<vmem>>
        %dma_wait3A_515 = tpu.memref_squeeze %dma_wait3A_514 : memref<1x128xi32, #tpu.memory_space<vmem>> -> memref<128xi32, #tpu.memory_space<vmem>>
        %dma_wait3A_516 = arith.constant 0 : i32
        %dma_wait3A_517 = arith.constant 0 : i32
        %dma_wait3A_518 = tpu.memref_slice %arg12[%dma_wait3A_516, %dma_wait3A_517] : memref<10064x128xf32, #tpu.memory_space<vmem_shared>> -> memref<10064x128xf32, #tpu.memory_space<vmem_shared>>
        tpu.wait_indirect_dma semaphore(%run_scoped3A_506 : memref<!tpu.dma_semaphore, #tpu.memory_space<semaphore_mem>>) src(%arg10 : memref<128x128xf32, #tpu.memory_space<vmem>>) dst(%dma_wait3A_518 : memref<10064x128xf32, #tpu.memory_space<vmem_shared>>)
        tpu.yield
      }) : () -> ()
      %dma_start3A_449 = arith.constant 4 : i32
      %dma_start3A_450 = arith.constant 0 : i32
      %dma_start3A_451 = tpu.memref_slice %arg7[%dma_start3A_449, %dma_start3A_450] : memref<8x128xi32, #tpu.memory_space<vmem>> -> memref<1x128xi32, #tpu.memory_space<vmem>>
      %dma_start3A_452 = tpu.memref_squeeze %dma_start3A_451 : memref<1x128xi32, #tpu.memory_space<vmem>> -> memref<128xi32, #tpu.memory_space<vmem>>
      %dma_start3A_453 = arith.constant 0 : i32
      %dma_start3A_454 = arith.constant 0 : i32
      %dma_start3A_455 = tpu.memref_slice %arg2[%dma_start3A_453, %dma_start3A_454] : memref<10000x128xf32, #tpu.memory_space<hbm>> -> memref<10000x128xf32, #tpu.memory_space<hbm>>
      tpu.enqueue_indirect_dma source(%dma_start3A_455 : memref<10000x128xf32, #tpu.memory_space<hbm>>) target(%arg10 : memref<128x128xf32, #tpu.memory_space<vmem>>) offsets(%dma_start3A_452 : memref<128xi32, #tpu.memory_space<vmem>>) semaphore(%arg13 : memref<!tpu.dma_semaphore, #tpu.memory_space<semaphore_mem>>)
      %dma_wait3A_456 = arith.constant 3 : i32
      %dma_wait3A_457 = arith.constant 0 : i32
      %dma_wait3A_458 = tpu.memref_slice %arg7[%dma_wait3A_456, %dma_wait3A_457] : memref<8x128xi32, #tpu.memory_space<vmem>> -> memref<1x128xi32, #tpu.memory_space<vmem>>
      %dma_wait3A_459 = tpu.memref_squeeze %dma_wait3A_458 : memref<1x128xi32, #tpu.memory_space<vmem>> -> memref<128xi32, #tpu.memory_space<vmem>>
      %dma_wait3A_460 = arith.constant 0 : i32
      %dma_wait3A_461 = arith.constant 0 : i32
      %dma_wait3A_462 = tpu.memref_slice %arg2[%dma_wait3A_460, %dma_wait3A_461] : memref<10000x128xf32, #tpu.memory_space<hbm>> -> memref<10000x128xf32, #tpu.memory_space<hbm>>
      tpu.wait_indirect_dma semaphore(%arg14 : memref<!tpu.dma_semaphore, #tpu.memory_space<semaphore_mem>>) src(%dma_wait3A_462 : memref<10000x128xf32, #tpu.memory_space<hbm>>) dst(%arg11 : memref<128x128xf32, #tpu.memory_space<vmem>>)
      %run_scoped3A_463 = arith.constant 3 : i32
      "tpu.region"() ({
        %run_scoped3A_506 = tpu.sem_alloc : memref<!tpu.dma_semaphore, #tpu.memory_space<semaphore_mem>>
        %dma_start3A_507 = arith.constant 0 : i32
        %dma_start3A_508 = tpu.memref_slice %arg9[%run_scoped3A_463, %dma_start3A_507] : memref<8x128xi32, #tpu.memory_space<vmem>> -> memref<1x128xi32, #tpu.memory_space<vmem>>
        %dma_start3A_509 = tpu.memref_squeeze %dma_start3A_508 : memref<1x128xi32, #tpu.memory_space<vmem>> -> memref<128xi32, #tpu.memory_space<vmem>>
        %dma_start3A_510 = arith.constant 0 : i32
        %dma_start3A_511 = arith.constant 0 : i32
        %dma_start3A_512 = tpu.memref_slice %arg12[%dma_start3A_510, %dma_start3A_511] : memref<10064x128xf32, #tpu.memory_space<vmem_shared>> -> memref<10064x128xf32, #tpu.memory_space<vmem_shared>>
        tpu.enqueue_indirect_dma source(%arg11 : memref<128x128xf32, #tpu.memory_space<vmem>>) target(%dma_start3A_512 : memref<10064x128xf32, #tpu.memory_space<vmem_shared>>) offsets(%dma_start3A_509 : memref<128xi32, #tpu.memory_space<vmem>>) semaphore(%run_scoped3A_506 : memref<!tpu.dma_semaphore, #tpu.memory_space<semaphore_mem>>) {add = true}
        %dma_wait3A_513 = arith.constant 0 : i32
        %dma_wait3A_514 = tpu.memref_slice %arg9[%run_scoped3A_463, %dma_wait3A_513] : memref<8x128xi32, #tpu.memory_space<vmem>> -> memref<1x128xi32, #tpu.memory_space<vmem>>
        %dma_wait3A_515 = tpu.memref_squeeze %dma_wait3A_514 : memref<1x128xi32, #tpu.memory_space<vmem>> -> memref<128xi32, #tpu.memory_space<vmem>>
        %dma_wait3A_516 = arith.constant 0 : i32
        %dma_wait3A_517 = arith.constant 0 : i32
        %dma_wait3A_518 = tpu.memref_slice %arg12[%dma_wait3A_516, %dma_wait3A_517] : memref<10064x128xf32, #tpu.memory_space<vmem_shared>> -> memref<10064x128xf32, #tpu.memory_space<vmem_shared>>
        tpu.wait_indirect_dma semaphore(%run_scoped3A_506 : memref<!tpu.dma_semaphore, #tpu.memory_space<semaphore_mem>>) src(%arg11 : memref<128x128xf32, #tpu.memory_space<vmem>>) dst(%dma_wait3A_518 : memref<10064x128xf32, #tpu.memory_space<vmem_shared>>)
        tpu.yield
      }) : () -> ()
      %dma_start3A_464 = arith.constant 5 : i32
      %dma_start3A_465 = arith.constant 0 : i32
      %dma_start3A_466 = tpu.memref_slice %arg7[%dma_start3A_464, %dma_start3A_465] : memref<8x128xi32, #tpu.memory_space<vmem>> -> memref<1x128xi32, #tpu.memory_space<vmem>>
      %dma_start3A_467 = tpu.memref_squeeze %dma_start3A_466 : memref<1x128xi32, #tpu.memory_space<vmem>> -> memref<128xi32, #tpu.memory_space<vmem>>
      %dma_start3A_468 = arith.constant 0 : i32
      %dma_start3A_469 = arith.constant 0 : i32
      %dma_start3A_470 = tpu.memref_slice %arg2[%dma_start3A_468, %dma_start3A_469] : memref<10000x128xf32, #tpu.memory_space<hbm>> -> memref<10000x128xf32, #tpu.memory_space<hbm>>
      tpu.enqueue_indirect_dma source(%dma_start3A_470 : memref<10000x128xf32, #tpu.memory_space<hbm>>) target(%arg11 : memref<128x128xf32, #tpu.memory_space<vmem>>) offsets(%dma_start3A_467 : memref<128xi32, #tpu.memory_space<vmem>>) semaphore(%arg14 : memref<!tpu.dma_semaphore, #tpu.memory_space<semaphore_mem>>)
      %dma_wait3A_471 = arith.constant 4 : i32
      %dma_wait3A_472 = arith.constant 0 : i32
      %dma_wait3A_473 = tpu.memref_slice %arg7[%dma_wait3A_471, %dma_wait3A_472] : memref<8x128xi32, #tpu.memory_space<vmem>> -> memref<1x128xi32, #tpu.memory_space<vmem>>
      %dma_wait3A_474 = tpu.memref_squeeze %dma_wait3A_473 : memref<1x128xi32, #tpu.memory_space<vmem>> -> memref<128xi32, #tpu.memory_space<vmem>>
      %dma_wait3A_475 = arith.constant 0 : i32
      %dma_wait3A_476 = arith.constant 0 : i32
      %dma_wait3A_477 = tpu.memref_slice %arg2[%dma_wait3A_475, %dma_wait3A_476] : memref<10000x128xf32, #tpu.memory_space<hbm>> -> memref<10000x128xf32, #tpu.memory_space<hbm>>
      tpu.wait_indirect_dma semaphore(%arg13 : memref<!tpu.dma_semaphore, #tpu.memory_space<semaphore_mem>>) src(%dma_wait3A_477 : memref<10000x128xf32, #tpu.memory_space<hbm>>) dst(%arg10 : memref<128x128xf32, #tpu.memory_space<vmem>>)
      %run_scoped3A_478 = arith.constant 4 : i32
      "tpu.region"() ({
        %run_scoped3A_506 = tpu.sem_alloc : memref<!tpu.dma_semaphore, #tpu.memory_space<semaphore_mem>>
        %dma_start3A_507 = arith.constant 0 : i32
        %dma_start3A_508 = tpu.memref_slice %arg9[%run_scoped3A_478, %dma_start3A_507] : memref<8x128xi32, #tpu.memory_space<vmem>> -> memref<1x128xi32, #tpu.memory_space<vmem>>
        %dma_start3A_509 = tpu.memref_squeeze %dma_start3A_508 : memref<1x128xi32, #tpu.memory_space<vmem>> -> memref<128xi32, #tpu.memory_space<vmem>>
        %dma_start3A_510 = arith.constant 0 : i32
        %dma_start3A_511 = arith.constant 0 : i32
        %dma_start3A_512 = tpu.memref_slice %arg12[%dma_start3A_510, %dma_start3A_511] : memref<10064x128xf32, #tpu.memory_space<vmem_shared>> -> memref<10064x128xf32, #tpu.memory_space<vmem_shared>>
        tpu.enqueue_indirect_dma source(%arg10 : memref<128x128xf32, #tpu.memory_space<vmem>>) target(%dma_start3A_512 : memref<10064x128xf32, #tpu.memory_space<vmem_shared>>) offsets(%dma_start3A_509 : memref<128xi32, #tpu.memory_space<vmem>>) semaphore(%run_scoped3A_506 : memref<!tpu.dma_semaphore, #tpu.memory_space<semaphore_mem>>) {add = true}
        %dma_wait3A_513 = arith.constant 0 : i32
        %dma_wait3A_514 = tpu.memref_slice %arg9[%run_scoped3A_478, %dma_wait3A_513] : memref<8x128xi32, #tpu.memory_space<vmem>> -> memref<1x128xi32, #tpu.memory_space<vmem>>
        %dma_wait3A_515 = tpu.memref_squeeze %dma_wait3A_514 : memref<1x128xi32, #tpu.memory_space<vmem>> -> memref<128xi32, #tpu.memory_space<vmem>>
        %dma_wait3A_516 = arith.constant 0 : i32
        %dma_wait3A_517 = arith.constant 0 : i32
        %dma_wait3A_518 = tpu.memref_slice %arg12[%dma_wait3A_516, %dma_wait3A_517] : memref<10064x128xf32, #tpu.memory_space<vmem_shared>> -> memref<10064x128xf32, #tpu.memory_space<vmem_shared>>
        tpu.wait_indirect_dma semaphore(%run_scoped3A_506 : memref<!tpu.dma_semaphore, #tpu.memory_space<semaphore_mem>>) src(%arg10 : memref<128x128xf32, #tpu.memory_space<vmem>>) dst(%dma_wait3A_518 : memref<10064x128xf32, #tpu.memory_space<vmem_shared>>)
        tpu.yield
      }) : () -> ()
      %dma_start3A_479 = arith.constant 6 : i32
      %dma_start3A_480 = arith.constant 0 : i32
      %dma_start3A_481 = tpu.memref_slice %arg7[%dma_start3A_479, %dma_start3A_480] : memref<8x128xi32, #tpu.memory_space<vmem>> -> memref<1x128xi32, #tpu.memory_space<vmem>>
      %dma_start3A_482 = tpu.memref_squeeze %dma_start3A_481 : memref<1x128xi32, #tpu.memory_space<vmem>> -> memref<128xi32, #tpu.memory_space<vmem>>
      %dma_start3A_483 = arith.constant 0 : i32
      %dma_start3A_484 = arith.constant 0 : i32
      %dma_start3A_485 = tpu.memref_slice %arg2[%dma_start3A_483, %dma_start3A_484] : memref<10000x128xf32, #tpu.memory_space<hbm>> -> memref<10000x128xf32, #tpu.memory_space<hbm>>
      tpu.enqueue_indirect_dma source(%dma_start3A_485 : memref<10000x128xf32, #tpu.memory_space<hbm>>) target(%arg10 : memref<128x128xf32, #tpu.memory_space<vmem>>) offsets(%dma_start3A_482 : memref<128xi32, #tpu.memory_space<vmem>>) semaphore(%arg13 : memref<!tpu.dma_semaphore, #tpu.memory_space<semaphore_mem>>)
      %dma_wait3A_486 = arith.constant 5 : i32
      %dma_wait3A_487 = arith.constant 0 : i32
      %dma_wait3A_488 = tpu.memref_slice %arg7[%dma_wait3A_486, %dma_wait3A_487] : memref<8x128xi32, #tpu.memory_space<vmem>> -> memref<1x128xi32, #tpu.memory_space<vmem>>
      %dma_wait3A_489 = tpu.memref_squeeze %dma_wait3A_488 : memref<1x128xi32, #tpu.memory_space<vmem>> -> memref<128xi32, #tpu.memory_space<vmem>>
      %dma_wait3A_490 = arith.constant 0 : i32
      %dma_wait3A_491 = arith.constant 0 : i32
      %dma_wait3A_492 = tpu.memref_slice %arg2[%dma_wait3A_490, %dma_wait3A_491] : memref<10000x128xf32, #tpu.memory_space<hbm>> -> memref<10000x128xf32, #tpu.memory_space<hbm>>
      tpu.wait_indirect_dma semaphore(%arg14 : memref<!tpu.dma_semaphore, #tpu.memory_space<semaphore_mem>>) src(%dma_wait3A_492 : memref<10000x128xf32, #tpu.memory_space<hbm>>) dst(%arg11 : memref<128x128xf32, #tpu.memory_space<vmem>>)
      %run_scoped3A_493 = arith.constant 5 : i32
      "tpu.region"() ({
        %run_scoped3A_506 = tpu.sem_alloc : memref<!tpu.dma_semaphore, #tpu.memory_space<semaphore_mem>>
        %dma_start3A_507 = arith.constant 0 : i32
        %dma_start3A_508 = tpu.memref_slice %arg9[%run_scoped3A_493, %dma_start3A_507] : memref<8x128xi32, #tpu.memory_space<vmem>> -> memref<1x128xi32, #tpu.memory_space<vmem>>
        %dma_start3A_509 = tpu.memref_squeeze %dma_start3A_508 : memref<1x128xi32, #tpu.memory_space<vmem>> -> memref<128xi32, #tpu.memory_space<vmem>>
        %dma_start3A_510 = arith.constant 0 : i32
        %dma_start3A_511 = arith.constant 0 : i32
        %dma_start3A_512 = tpu.memref_slice %arg12[%dma_start3A_510, %dma_start3A_511] : memref<10064x128xf32, #tpu.memory_space<vmem_shared>> -> memref<10064x128xf32, #tpu.memory_space<vmem_shared>>
        tpu.enqueue_indirect_dma source(%arg11 : memref<128x128xf32, #tpu.memory_space<vmem>>) target(%dma_start3A_512 : memref<10064x128xf32, #tpu.memory_space<vmem_shared>>) offsets(%dma_start3A_509 : memref<128xi32, #tpu.memory_space<vmem>>) semaphore(%run_scoped3A_506 : memref<!tpu.dma_semaphore, #tpu.memory_space<semaphore_mem>>) {add = true}
        %dma_wait3A_513 = arith.constant 0 : i32
        %dma_wait3A_514 = tpu.memref_slice %arg9[%run_scoped3A_493, %dma_wait3A_513] : memref<8x128xi32, #tpu.memory_space<vmem>> -> memref<1x128xi32, #tpu.memory_space<vmem>>
        %dma_wait3A_515 = tpu.memref_squeeze %dma_wait3A_514 : memref<1x128xi32, #tpu.memory_space<vmem>> -> memref<128xi32, #tpu.memory_space<vmem>>
        %dma_wait3A_516 = arith.constant 0 : i32
        %dma_wait3A_517 = arith.constant 0 : i32
        %dma_wait3A_518 = tpu.memref_slice %arg12[%dma_wait3A_516, %dma_wait3A_517] : memref<10064x128xf32, #tpu.memory_space<vmem_shared>> -> memref<10064x128xf32, #tpu.memory_space<vmem_shared>>
        tpu.wait_indirect_dma semaphore(%run_scoped3A_506 : memref<!tpu.dma_semaphore, #tpu.memory_space<semaphore_mem>>) src(%arg11 : memref<128x128xf32, #tpu.memory_space<vmem>>) dst(%dma_wait3A_518 : memref<10064x128xf32, #tpu.memory_space<vmem_shared>>)
        tpu.yield
      }) : () -> ()
      %dma_start3A_494 = arith.constant 7 : i32
      %dma_start3A_495 = arith.constant 0 : i32
      %dma_start3A_496 = tpu.memref_slice %arg7[%dma_start3A_494, %dma_start3A_495] : memref<8x128xi32, #tpu.memory_space<vmem>> -> memref<1x128xi32, #tpu.memory_space<vmem>>
      %dma_start3A_497 = tpu.memref_squeeze %dma_start3A_496 : memref<1x128xi32, #tpu.memory_space<vmem>> -> memref<128xi32, #tpu.memory_space<vmem>>
      %dma_start3A_498 = arith.constant 0 : i32
      %dma_start3A_499 = arith.constant 0 : i32
      %dma_start3A_500 = tpu.memref_slice %arg2[%dma_start3A_498, %dma_start3A_499] : memref<10000x128xf32, #tpu.memory_space<hbm>> -> memref<10000x128xf32, #tpu.memory_space<hbm>>
      tpu.enqueue_indirect_dma source(%dma_start3A_500 : memref<10000x128xf32, #tpu.memory_space<hbm>>) target(%arg11 : memref<128x128xf32, #tpu.memory_space<vmem>>) offsets(%dma_start3A_497 : memref<128xi32, #tpu.memory_space<vmem>>) semaphore(%arg14 : memref<!tpu.dma_semaphore, #tpu.memory_space<semaphore_mem>>)
      %lt3A_501 = arith.constant 4 : i32
      %lt3A_502 = arith.cmpi slt, %scan3A_242, %lt3A_501 : i32
      %convert_element_type3A_503 = arith.extui %lt3A_502 : i1 to i32
      %cond3A_504 = arith.constant 0 : i32
      %cond3A_505 = arith.cmpi ne, %convert_element_type3A_503, %cond3A_504 : i32
      scf.if %cond3A_505 {
        %add3A_506 = arith.constant 16 : i32
        %add3A_507 = arith.addi %add3A_245, %add3A_506 : i32
        %dma_start3A_508 = arith.constant 0 : i32
        %dma_start3A_509 = tpu.memref_slice %arg3[%add3A_507, %dma_start3A_508] : memref<2560x128xi32, #tpu.memory_space<hbm>> -> memref<8x128xi32, #tpu.memory_space<hbm>>
        %dma_start3A_510 = arith.constant 0 : i32
        %dma_start3A_511 = tpu.memref_slice %arg3[%add3A_507, %dma_start3A_510] : memref<2560x128xi32, #tpu.memory_space<hbm>> -> memref<8x128xi32, #tpu.memory_space<hbm>>
        tpu.enqueue_dma source(%dma_start3A_511 : memref<8x128xi32, #tpu.memory_space<hbm>>) target(%arg6 : memref<8x128xi32, #tpu.memory_space<vmem>>) target_semaphore(%arg16 : memref<!tpu.dma_semaphore, #tpu.memory_space<semaphore_mem>>)
        %add3A_512 = arith.constant 16 : i32
        %add3A_513 = arith.addi %add3A_245, %add3A_512 : i32
        %dma_start3A_514 = arith.constant 0 : i32
        %dma_start3A_515 = tpu.memref_slice %arg4[%add3A_513, %dma_start3A_514] : memref<2560x128xi32, #tpu.memory_space<hbm>> -> memref<8x128xi32, #tpu.memory_space<hbm>>
        %dma_start3A_516 = arith.constant 0 : i32
        %dma_start3A_517 = tpu.memref_slice %arg4[%add3A_513, %dma_start3A_516] : memref<2560x128xi32, #tpu.memory_space<hbm>> -> memref<8x128xi32, #tpu.memory_space<hbm>>
        tpu.enqueue_dma source(%dma_start3A_517 : memref<8x128xi32, #tpu.memory_space<hbm>>) target(%arg8 : memref<8x128xi32, #tpu.memory_space<vmem>>) target_semaphore(%arg16 : memref<!tpu.dma_semaphore, #tpu.memory_space<semaphore_mem>>)
      } else {
      }
    }
    %scan3A_116 = arith.constant 5 : i32
    %dma_wait3A = arith.constant 0 : i32
    %dma_wait3A_117 = arith.constant 0 : i32
    %dma_wait3A_118 = tpu.memref_slice %arg2[%dma_wait3A, %dma_wait3A_117] : memref<10000x128xf32, #tpu.memory_space<hbm>> -> memref<128x128xf32, #tpu.memory_space<hbm>>
    %dma_wait3A_119 = arith.constant 0 : i32
    %dma_wait3A_120 = arith.constant 0 : i32
    %dma_wait3A_121 = tpu.memref_slice %arg2[%dma_wait3A_119, %dma_wait3A_120] : memref<10000x128xf32, #tpu.memory_space<hbm>> -> memref<128x128xf32, #tpu.memory_space<hbm>>
    tpu.wait_dma2 semaphore(%arg13 : memref<!tpu.dma_semaphore, #tpu.memory_space<semaphore_mem>>) src(%dma_wait3A_121 : memref<128x128xf32, #tpu.memory_space<hbm>>) dst(%arg10 : memref<128x128xf32, #tpu.memory_space<vmem>>)
    %run_scoped3A = arith.constant 6 : i32
    "tpu.region"() ({
      %run_scoped3A_242 = tpu.sem_alloc : memref<!tpu.dma_semaphore, #tpu.memory_space<semaphore_mem>>
      %dma_start3A = arith.constant 0 : i32
      %dma_start3A_243 = tpu.memref_slice %arg9[%run_scoped3A, %dma_start3A] : memref<8x128xi32, #tpu.memory_space<vmem>> -> memref<1x128xi32, #tpu.memory_space<vmem>>
      %dma_start3A_244 = tpu.memref_squeeze %dma_start3A_243 : memref<1x128xi32, #tpu.memory_space<vmem>> -> memref<128xi32, #tpu.memory_space<vmem>>
      %dma_start3A_245 = arith.constant 0 : i32
      %dma_start3A_246 = arith.constant 0 : i32
      %dma_start3A_247 = tpu.memref_slice %arg12[%dma_start3A_245, %dma_start3A_246] : memref<10064x128xf32, #tpu.memory_space<vmem_shared>> -> memref<10064x128xf32, #tpu.memory_space<vmem_shared>>
      tpu.enqueue_indirect_dma source(%arg10 : memref<128x128xf32, #tpu.memory_space<vmem>>) target(%dma_start3A_247 : memref<10064x128xf32, #tpu.memory_space<vmem_shared>>) offsets(%dma_start3A_244 : memref<128xi32, #tpu.memory_space<vmem>>) semaphore(%run_scoped3A_242 : memref<!tpu.dma_semaphore, #tpu.memory_space<semaphore_mem>>) {add = true}
      %dma_wait3A_248 = arith.constant 0 : i32
      %dma_wait3A_249 = tpu.memref_slice %arg9[%run_scoped3A, %dma_wait3A_248] : memref<8x128xi32, #tpu.memory_space<vmem>> -> memref<1x128xi32, #tpu.memory_space<vmem>>
      %dma_wait3A_250 = tpu.memref_squeeze %dma_wait3A_249 : memref<1x128xi32, #tpu.memory_space<vmem>> -> memref<128xi32, #tpu.memory_space<vmem>>
      %dma_wait3A_251 = arith.constant 0 : i32
      %dma_wait3A_252 = arith.constant 0 : i32
      %dma_wait3A_253 = tpu.memref_slice %arg12[%dma_wait3A_251, %dma_wait3A_252] : memref<10064x128xf32, #tpu.memory_space<vmem_shared>> -> memref<10064x128xf32, #tpu.memory_space<vmem_shared>>
      tpu.wait_indirect_dma semaphore(%run_scoped3A_242 : memref<!tpu.dma_semaphore, #tpu.memory_space<semaphore_mem>>) src(%arg10 : memref<128x128xf32, #tpu.memory_space<vmem>>) dst(%dma_wait3A_253 : memref<10064x128xf32, #tpu.memory_space<vmem_shared>>)
      tpu.yield
    }) : () -> ()
    %dma_wait3A_122 = arith.constant 0 : i32
    %dma_wait3A_123 = arith.constant 0 : i32
    %dma_wait3A_124 = tpu.memref_slice %arg2[%dma_wait3A_122, %dma_wait3A_123] : memref<10000x128xf32, #tpu.memory_space<hbm>> -> memref<128x128xf32, #tpu.memory_space<hbm>>
    %dma_wait3A_125 = arith.constant 0 : i32
    %dma_wait3A_126 = arith.constant 0 : i32
    %dma_wait3A_127 = tpu.memref_slice %arg2[%dma_wait3A_125, %dma_wait3A_126] : memref<10000x128xf32, #tpu.memory_space<hbm>> -> memref<128x128xf32, #tpu.memory_space<hbm>>
    tpu.wait_dma2 semaphore(%arg14 : memref<!tpu.dma_semaphore, #tpu.memory_space<semaphore_mem>>) src(%dma_wait3A_127 : memref<128x128xf32, #tpu.memory_space<hbm>>) dst(%arg11 : memref<128x128xf32, #tpu.memory_space<vmem>>)
    %run_scoped3A_128 = arith.constant 7 : i32
    "tpu.region"() ({
      %run_scoped3A_242 = tpu.sem_alloc : memref<!tpu.dma_semaphore, #tpu.memory_space<semaphore_mem>>
      %dma_start3A = arith.constant 0 : i32
      %dma_start3A_243 = tpu.memref_slice %arg9[%run_scoped3A_128, %dma_start3A] : memref<8x128xi32, #tpu.memory_space<vmem>> -> memref<1x128xi32, #tpu.memory_space<vmem>>
      %dma_start3A_244 = tpu.memref_squeeze %dma_start3A_243 : memref<1x128xi32, #tpu.memory_space<vmem>> -> memref<128xi32, #tpu.memory_space<vmem>>
      %dma_start3A_245 = arith.constant 0 : i32
      %dma_start3A_246 = arith.constant 0 : i32
      %dma_start3A_247 = tpu.memref_slice %arg12[%dma_start3A_245, %dma_start3A_246] : memref<10064x128xf32, #tpu.memory_space<vmem_shared>> -> memref<10064x128xf32, #tpu.memory_space<vmem_shared>>
      tpu.enqueue_indirect_dma source(%arg11 : memref<128x128xf32, #tpu.memory_space<vmem>>) target(%dma_start3A_247 : memref<10064x128xf32, #tpu.memory_space<vmem_shared>>) offsets(%dma_start3A_244 : memref<128xi32, #tpu.memory_space<vmem>>) semaphore(%run_scoped3A_242 : memref<!tpu.dma_semaphore, #tpu.memory_space<semaphore_mem>>) {add = true}
      %dma_wait3A_248 = arith.constant 0 : i32
      %dma_wait3A_249 = tpu.memref_slice %arg9[%run_scoped3A_128, %dma_wait3A_248] : memref<8x128xi32, #tpu.memory_space<vmem>> -> memref<1x128xi32, #tpu.memory_space<vmem>>
      %dma_wait3A_250 = tpu.memref_squeeze %dma_wait3A_249 : memref<1x128xi32, #tpu.memory_space<vmem>> -> memref<128xi32, #tpu.memory_space<vmem>>
      %dma_wait3A_251 = arith.constant 0 : i32
      %dma_wait3A_252 = arith.constant 0 : i32
      %dma_wait3A_253 = tpu.memref_slice %arg12[%dma_wait3A_251, %dma_wait3A_252] : memref<10064x128xf32, #tpu.memory_space<vmem_shared>> -> memref<10064x128xf32, #tpu.memory_space<vmem_shared>>
      tpu.wait_indirect_dma semaphore(%run_scoped3A_242 : memref<!tpu.dma_semaphore, #tpu.memory_space<semaphore_mem>>) src(%arg11 : memref<128x128xf32, #tpu.memory_space<vmem>>) dst(%dma_wait3A_253 : memref<10064x128xf32, #tpu.memory_space<vmem_shared>>)
      tpu.yield
    }) : () -> ()
    %barrier3A_129 = arith.constant 0 : index
    tpu.barrier barrier_id(%barrier3A_129)
    %add3A_130 = arith.constant 0 : i32
    %add3A_131 = arith.addi %arg1, %add3A_130 : i32
    %lt3A_132 = arith.constant 125 : i32
    %lt3A_133 = arith.cmpi slt, %add3A_131, %lt3A_132 : i32
    %convert_element_type3A_134 = arith.extui %lt3A_133 : i1 to i32
    %cond3A_135 = arith.constant 0 : i32
    %cond3A_136 = arith.cmpi ne, %convert_element_type3A_134, %cond3A_135 : i32
    scf.if %cond3A_136 {
      %mul3A_242 = arith.constant 80 : i32
      %mul3A_243 = arith.muli %add3A_131, %mul3A_242 : i32
      %dma_start3A = arith.constant 0 : i32
      %dma_start3A_244 = tpu.memref_slice %arg5[%arg0, %mul3A_243, %dma_start3A] : memref<2x10000x128xf32, #tpu.memory_space<hbm>> -> memref<1x80x128xf32, #tpu.memory_space<hbm>>
      %dma_start3A_245 = tpu.memref_squeeze %dma_start3A_244 : memref<1x80x128xf32, #tpu.memory_space<hbm>> -> memref<80x128xf32, #tpu.memory_space<hbm>>
      %dma_start3A_246 = arith.constant 0 : i32
      %dma_start3A_247 = tpu.memref_slice %arg12[%mul3A_243, %dma_start3A_246] : memref<10064x128xf32, #tpu.memory_space<vmem_shared>> -> memref<80x128xf32, #tpu.memory_space<vmem_shared>>
      tpu.enqueue_dma source(%dma_start3A_247 : memref<80x128xf32, #tpu.memory_space<vmem_shared>>) target(%dma_start3A_245 : memref<80x128xf32, #tpu.memory_space<hbm>>) target_semaphore(%arg15 : memref<!tpu.dma_semaphore, #tpu.memory_space<semaphore_mem>>)
    } else {
    }
    %add3A_137 = arith.constant 16 : i32
    %add3A_138 = arith.addi %arg1, %add3A_137 : i32
    %lt3A_139 = arith.constant 125 : i32
    %lt3A_140 = arith.cmpi slt, %add3A_138, %lt3A_139 : i32
    %convert_element_type3A_141 = arith.extui %lt3A_140 : i1 to i32
    %cond3A_142 = arith.constant 0 : i32
    %cond3A_143 = arith.cmpi ne, %convert_element_type3A_141, %cond3A_142 : i32
    scf.if %cond3A_143 {
      %mul3A_242 = arith.constant 80 : i32
      %mul3A_243 = arith.muli %add3A_138, %mul3A_242 : i32
      %dma_start3A = arith.constant 0 : i32
      %dma_start3A_244 = tpu.memref_slice %arg5[%arg0, %mul3A_243, %dma_start3A] : memref<2x10000x128xf32, #tpu.memory_space<hbm>> -> memref<1x80x128xf32, #tpu.memory_space<hbm>>
      %dma_start3A_245 = tpu.memref_squeeze %dma_start3A_244 : memref<1x80x128xf32, #tpu.memory_space<hbm>> -> memref<80x128xf32, #tpu.memory_space<hbm>>
      %dma_start3A_246 = arith.constant 0 : i32
      %dma_start3A_247 = tpu.memref_slice %arg12[%mul3A_243, %dma_start3A_246] : memref<10064x128xf32, #tpu.memory_space<vmem_shared>> -> memref<80x128xf32, #tpu.memory_space<vmem_shared>>
      tpu.enqueue_dma source(%dma_start3A_247 : memref<80x128xf32, #tpu.memory_space<vmem_shared>>) target(%dma_start3A_245 : memref<80x128xf32, #tpu.memory_space<hbm>>) target_semaphore(%arg15 : memref<!tpu.dma_semaphore, #tpu.memory_space<semaphore_mem>>)
    } else {
    }
    %add3A_144 = arith.constant 32 : i32
    %add3A_145 = arith.addi %arg1, %add3A_144 : i32
    %lt3A_146 = arith.constant 125 : i32
    %lt3A_147 = arith.cmpi slt, %add3A_145, %lt3A_146 : i32
    %convert_element_type3A_148 = arith.extui %lt3A_147 : i1 to i32
    %cond3A_149 = arith.constant 0 : i32
    %cond3A_150 = arith.cmpi ne, %convert_element_type3A_148, %cond3A_149 : i32
    scf.if %cond3A_150 {
      %mul3A_242 = arith.constant 80 : i32
      %mul3A_243 = arith.muli %add3A_145, %mul3A_242 : i32
      %dma_start3A = arith.constant 0 : i32
      %dma_start3A_244 = tpu.memref_slice %arg5[%arg0, %mul3A_243, %dma_start3A] : memref<2x10000x128xf32, #tpu.memory_space<hbm>> -> memref<1x80x128xf32, #tpu.memory_space<hbm>>
      %dma_start3A_245 = tpu.memref_squeeze %dma_start3A_244 : memref<1x80x128xf32, #tpu.memory_space<hbm>> -> memref<80x128xf32, #tpu.memory_space<hbm>>
      %dma_start3A_246 = arith.constant 0 : i32
      %dma_start3A_247 = tpu.memref_slice %arg12[%mul3A_243, %dma_start3A_246] : memref<10064x128xf32, #tpu.memory_space<vmem_shared>> -> memref<80x128xf32, #tpu.memory_space<vmem_shared>>
      tpu.enqueue_dma source(%dma_start3A_247 : memref<80x128xf32, #tpu.memory_space<vmem_shared>>) target(%dma_start3A_245 : memref<80x128xf32, #tpu.memory_space<hbm>>) target_semaphore(%arg15 : memref<!tpu.dma_semaphore, #tpu.memory_space<semaphore_mem>>)
    } else {
    }
    %add3A_151 = arith.constant 48 : i32
    %add3A_152 = arith.addi %arg1, %add3A_151 : i32
    %lt3A_153 = arith.constant 125 : i32
    %lt3A_154 = arith.cmpi slt, %add3A_152, %lt3A_153 : i32
    %convert_element_type3A_155 = arith.extui %lt3A_154 : i1 to i32
    %cond3A_156 = arith.constant 0 : i32
    %cond3A_157 = arith.cmpi ne, %convert_element_type3A_155, %cond3A_156 : i32
    scf.if %cond3A_157 {
      %mul3A_242 = arith.constant 80 : i32
      %mul3A_243 = arith.muli %add3A_152, %mul3A_242 : i32
      %dma_start3A = arith.constant 0 : i32
      %dma_start3A_244 = tpu.memref_slice %arg5[%arg0, %mul3A_243, %dma_start3A] : memref<2x10000x128xf32, #tpu.memory_space<hbm>> -> memref<1x80x128xf32, #tpu.memory_space<hbm>>
      %dma_start3A_245 = tpu.memref_squeeze %dma_start3A_244 : memref<1x80x128xf32, #tpu.memory_space<hbm>> -> memref<80x128xf32, #tpu.memory_space<hbm>>
      %dma_start3A_246 = arith.constant 0 : i32
      %dma_start3A_247 = tpu.memref_slice %arg12[%mul3A_243, %dma_start3A_246] : memref<10064x128xf32, #tpu.memory_space<vmem_shared>> -> memref<80x128xf32, #tpu.memory_space<vmem_shared>>
      tpu.enqueue_dma source(%dma_start3A_247 : memref<80x128xf32, #tpu.memory_space<vmem_shared>>) target(%dma_start3A_245 : memref<80x128xf32, #tpu.memory_space<hbm>>) target_semaphore(%arg15 : memref<!tpu.dma_semaphore, #tpu.memory_space<semaphore_mem>>)
    } else {
    }
    %add3A_158 = arith.constant 64 : i32
    %add3A_159 = arith.addi %arg1, %add3A_158 : i32
    %lt3A_160 = arith.constant 125 : i32
    %lt3A_161 = arith.cmpi slt, %add3A_159, %lt3A_160 : i32
    %convert_element_type3A_162 = arith.extui %lt3A_161 : i1 to i32
    %cond3A_163 = arith.constant 0 : i32
    %cond3A_164 = arith.cmpi ne, %convert_element_type3A_162, %cond3A_163 : i32
    scf.if %cond3A_164 {
      %mul3A_242 = arith.constant 80 : i32
      %mul3A_243 = arith.muli %add3A_159, %mul3A_242 : i32
      %dma_start3A = arith.constant 0 : i32
      %dma_start3A_244 = tpu.memref_slice %arg5[%arg0, %mul3A_243, %dma_start3A] : memref<2x10000x128xf32, #tpu.memory_space<hbm>> -> memref<1x80x128xf32, #tpu.memory_space<hbm>>
      %dma_start3A_245 = tpu.memref_squeeze %dma_start3A_244 : memref<1x80x128xf32, #tpu.memory_space<hbm>> -> memref<80x128xf32, #tpu.memory_space<hbm>>
      %dma_start3A_246 = arith.constant 0 : i32
      %dma_start3A_247 = tpu.memref_slice %arg12[%mul3A_243, %dma_start3A_246] : memref<10064x128xf32, #tpu.memory_space<vmem_shared>> -> memref<80x128xf32, #tpu.memory_space<vmem_shared>>
      tpu.enqueue_dma source(%dma_start3A_247 : memref<80x128xf32, #tpu.memory_space<vmem_shared>>) target(%dma_start3A_245 : memref<80x128xf32, #tpu.memory_space<hbm>>) target_semaphore(%arg15 : memref<!tpu.dma_semaphore, #tpu.memory_space<semaphore_mem>>)
    } else {
    }
    %add3A_165 = arith.constant 80 : i32
    %add3A_166 = arith.addi %arg1, %add3A_165 : i32
    %lt3A_167 = arith.constant 125 : i32
    %lt3A_168 = arith.cmpi slt, %add3A_166, %lt3A_167 : i32
    %convert_element_type3A_169 = arith.extui %lt3A_168 : i1 to i32
    %cond3A_170 = arith.constant 0 : i32
    %cond3A_171 = arith.cmpi ne, %convert_element_type3A_169, %cond3A_170 : i32
    scf.if %cond3A_171 {
      %mul3A_242 = arith.constant 80 : i32
      %mul3A_243 = arith.muli %add3A_166, %mul3A_242 : i32
      %dma_start3A = arith.constant 0 : i32
      %dma_start3A_244 = tpu.memref_slice %arg5[%arg0, %mul3A_243, %dma_start3A] : memref<2x10000x128xf32, #tpu.memory_space<hbm>> -> memref<1x80x128xf32, #tpu.memory_space<hbm>>
      %dma_start3A_245 = tpu.memref_squeeze %dma_start3A_244 : memref<1x80x128xf32, #tpu.memory_space<hbm>> -> memref<80x128xf32, #tpu.memory_space<hbm>>
      %dma_start3A_246 = arith.constant 0 : i32
      %dma_start3A_247 = tpu.memref_slice %arg12[%mul3A_243, %dma_start3A_246] : memref<10064x128xf32, #tpu.memory_space<vmem_shared>> -> memref<80x128xf32, #tpu.memory_space<vmem_shared>>
      tpu.enqueue_dma source(%dma_start3A_247 : memref<80x128xf32, #tpu.memory_space<vmem_shared>>) target(%dma_start3A_245 : memref<80x128xf32, #tpu.memory_space<hbm>>) target_semaphore(%arg15 : memref<!tpu.dma_semaphore, #tpu.memory_space<semaphore_mem>>)
    } else {
    }
    %add3A_172 = arith.constant 96 : i32
    %add3A_173 = arith.addi %arg1, %add3A_172 : i32
    %lt3A_174 = arith.constant 125 : i32
    %lt3A_175 = arith.cmpi slt, %add3A_173, %lt3A_174 : i32
    %convert_element_type3A_176 = arith.extui %lt3A_175 : i1 to i32
    %cond3A_177 = arith.constant 0 : i32
    %cond3A_178 = arith.cmpi ne, %convert_element_type3A_176, %cond3A_177 : i32
    scf.if %cond3A_178 {
      %mul3A_242 = arith.constant 80 : i32
      %mul3A_243 = arith.muli %add3A_173, %mul3A_242 : i32
      %dma_start3A = arith.constant 0 : i32
      %dma_start3A_244 = tpu.memref_slice %arg5[%arg0, %mul3A_243, %dma_start3A] : memref<2x10000x128xf32, #tpu.memory_space<hbm>> -> memref<1x80x128xf32, #tpu.memory_space<hbm>>
      %dma_start3A_245 = tpu.memref_squeeze %dma_start3A_244 : memref<1x80x128xf32, #tpu.memory_space<hbm>> -> memref<80x128xf32, #tpu.memory_space<hbm>>
      %dma_start3A_246 = arith.constant 0 : i32
      %dma_start3A_247 = tpu.memref_slice %arg12[%mul3A_243, %dma_start3A_246] : memref<10064x128xf32, #tpu.memory_space<vmem_shared>> -> memref<80x128xf32, #tpu.memory_space<vmem_shared>>
      tpu.enqueue_dma source(%dma_start3A_247 : memref<80x128xf32, #tpu.memory_space<vmem_shared>>) target(%dma_start3A_245 : memref<80x128xf32, #tpu.memory_space<hbm>>) target_semaphore(%arg15 : memref<!tpu.dma_semaphore, #tpu.memory_space<semaphore_mem>>)
    } else {
    }
    %add3A_179 = arith.constant 112 : i32
    %add3A_180 = arith.addi %arg1, %add3A_179 : i32
    %lt3A_181 = arith.constant 125 : i32
    %lt3A_182 = arith.cmpi slt, %add3A_180, %lt3A_181 : i32
    %convert_element_type3A_183 = arith.extui %lt3A_182 : i1 to i32
    %cond3A_184 = arith.constant 0 : i32
    %cond3A_185 = arith.cmpi ne, %convert_element_type3A_183, %cond3A_184 : i32
    scf.if %cond3A_185 {
      %mul3A_242 = arith.constant 80 : i32
      %mul3A_243 = arith.muli %add3A_180, %mul3A_242 : i32
      %dma_start3A = arith.constant 0 : i32
      %dma_start3A_244 = tpu.memref_slice %arg5[%arg0, %mul3A_243, %dma_start3A] : memref<2x10000x128xf32, #tpu.memory_space<hbm>> -> memref<1x80x128xf32, #tpu.memory_space<hbm>>
      %dma_start3A_245 = tpu.memref_squeeze %dma_start3A_244 : memref<1x80x128xf32, #tpu.memory_space<hbm>> -> memref<80x128xf32, #tpu.memory_space<hbm>>
      %dma_start3A_246 = arith.constant 0 : i32
      %dma_start3A_247 = tpu.memref_slice %arg12[%mul3A_243, %dma_start3A_246] : memref<10064x128xf32, #tpu.memory_space<vmem_shared>> -> memref<80x128xf32, #tpu.memory_space<vmem_shared>>
      tpu.enqueue_dma source(%dma_start3A_247 : memref<80x128xf32, #tpu.memory_space<vmem_shared>>) target(%dma_start3A_245 : memref<80x128xf32, #tpu.memory_space<hbm>>) target_semaphore(%arg15 : memref<!tpu.dma_semaphore, #tpu.memory_space<semaphore_mem>>)
    } else {
    }
    %add3A_186 = arith.constant 0 : i32
    %add3A_187 = arith.addi %arg1, %add3A_186 : i32
    %lt3A_188 = arith.constant 125 : i32
    %lt3A_189 = arith.cmpi slt, %add3A_187, %lt3A_188 : i32
    %convert_element_type3A_190 = arith.extui %lt3A_189 : i1 to i32
    %cond3A_191 = arith.constant 0 : i32
    %cond3A_192 = arith.cmpi ne, %convert_element_type3A_190, %cond3A_191 : i32
    scf.if %cond3A_192 {
      %mul3A_242 = arith.constant 80 : i32
      %mul3A_243 = arith.muli %add3A_187, %mul3A_242 : i32
      %dma_wait3A_244 = arith.constant 0 : i32
      %dma_wait3A_245 = tpu.memref_slice %arg5[%arg0, %mul3A_243, %dma_wait3A_244] : memref<2x10000x128xf32, #tpu.memory_space<hbm>> -> memref<1x80x128xf32, #tpu.memory_space<hbm>>
      %dma_wait3A_246 = tpu.memref_squeeze %dma_wait3A_245 : memref<1x80x128xf32, #tpu.memory_space<hbm>> -> memref<80x128xf32, #tpu.memory_space<hbm>>
      %dma_wait3A_247 = arith.constant 0 : i32
      %dma_wait3A_248 = tpu.memref_slice %arg12[%mul3A_243, %dma_wait3A_247] : memref<10064x128xf32, #tpu.memory_space<vmem_shared>> -> memref<80x128xf32, #tpu.memory_space<vmem_shared>>
      tpu.wait_dma2 semaphore(%arg15 : memref<!tpu.dma_semaphore, #tpu.memory_space<semaphore_mem>>) src(%dma_wait3A_248 : memref<80x128xf32, #tpu.memory_space<vmem_shared>>) dst(%dma_wait3A_246 : memref<80x128xf32, #tpu.memory_space<hbm>>)
    } else {
    }
    %add3A_193 = arith.constant 16 : i32
    %add3A_194 = arith.addi %arg1, %add3A_193 : i32
    %lt3A_195 = arith.constant 125 : i32
    %lt3A_196 = arith.cmpi slt, %add3A_194, %lt3A_195 : i32
    %convert_element_type3A_197 = arith.extui %lt3A_196 : i1 to i32
    %cond3A_198 = arith.constant 0 : i32
    %cond3A_199 = arith.cmpi ne, %convert_element_type3A_197, %cond3A_198 : i32
    scf.if %cond3A_199 {
      %mul3A_242 = arith.constant 80 : i32
      %mul3A_243 = arith.muli %add3A_194, %mul3A_242 : i32
      %dma_wait3A_244 = arith.constant 0 : i32
      %dma_wait3A_245 = tpu.memref_slice %arg5[%arg0, %mul3A_243, %dma_wait3A_244] : memref<2x10000x128xf32, #tpu.memory_space<hbm>> -> memref<1x80x128xf32, #tpu.memory_space<hbm>>
      %dma_wait3A_246 = tpu.memref_squeeze %dma_wait3A_245 : memref<1x80x128xf32, #tpu.memory_space<hbm>> -> memref<80x128xf32, #tpu.memory_space<hbm>>
      %dma_wait3A_247 = arith.constant 0 : i32
      %dma_wait3A_248 = tpu.memref_slice %arg12[%mul3A_243, %dma_wait3A_247] : memref<10064x128xf32, #tpu.memory_space<vmem_shared>> -> memref<80x128xf32, #tpu.memory_space<vmem_shared>>
      tpu.wait_dma2 semaphore(%arg15 : memref<!tpu.dma_semaphore, #tpu.memory_space<semaphore_mem>>) src(%dma_wait3A_248 : memref<80x128xf32, #tpu.memory_space<vmem_shared>>) dst(%dma_wait3A_246 : memref<80x128xf32, #tpu.memory_space<hbm>>)
    } else {
    }
    %add3A_200 = arith.constant 32 : i32
    %add3A_201 = arith.addi %arg1, %add3A_200 : i32
    %lt3A_202 = arith.constant 125 : i32
    %lt3A_203 = arith.cmpi slt, %add3A_201, %lt3A_202 : i32
    %convert_element_type3A_204 = arith.extui %lt3A_203 : i1 to i32
    %cond3A_205 = arith.constant 0 : i32
    %cond3A_206 = arith.cmpi ne, %convert_element_type3A_204, %cond3A_205 : i32
    scf.if %cond3A_206 {
      %mul3A_242 = arith.constant 80 : i32
      %mul3A_243 = arith.muli %add3A_201, %mul3A_242 : i32
      %dma_wait3A_244 = arith.constant 0 : i32
      %dma_wait3A_245 = tpu.memref_slice %arg5[%arg0, %mul3A_243, %dma_wait3A_244] : memref<2x10000x128xf32, #tpu.memory_space<hbm>> -> memref<1x80x128xf32, #tpu.memory_space<hbm>>
      %dma_wait3A_246 = tpu.memref_squeeze %dma_wait3A_245 : memref<1x80x128xf32, #tpu.memory_space<hbm>> -> memref<80x128xf32, #tpu.memory_space<hbm>>
      %dma_wait3A_247 = arith.constant 0 : i32
      %dma_wait3A_248 = tpu.memref_slice %arg12[%mul3A_243, %dma_wait3A_247] : memref<10064x128xf32, #tpu.memory_space<vmem_shared>> -> memref<80x128xf32, #tpu.memory_space<vmem_shared>>
      tpu.wait_dma2 semaphore(%arg15 : memref<!tpu.dma_semaphore, #tpu.memory_space<semaphore_mem>>) src(%dma_wait3A_248 : memref<80x128xf32, #tpu.memory_space<vmem_shared>>) dst(%dma_wait3A_246 : memref<80x128xf32, #tpu.memory_space<hbm>>)
    } else {
    }
    %add3A_207 = arith.constant 48 : i32
    %add3A_208 = arith.addi %arg1, %add3A_207 : i32
    %lt3A_209 = arith.constant 125 : i32
    %lt3A_210 = arith.cmpi slt, %add3A_208, %lt3A_209 : i32
    %convert_element_type3A_211 = arith.extui %lt3A_210 : i1 to i32
    %cond3A_212 = arith.constant 0 : i32
    %cond3A_213 = arith.cmpi ne, %convert_element_type3A_211, %cond3A_212 : i32
    scf.if %cond3A_213 {
      %mul3A_242 = arith.constant 80 : i32
      %mul3A_243 = arith.muli %add3A_208, %mul3A_242 : i32
      %dma_wait3A_244 = arith.constant 0 : i32
      %dma_wait3A_245 = tpu.memref_slice %arg5[%arg0, %mul3A_243, %dma_wait3A_244] : memref<2x10000x128xf32, #tpu.memory_space<hbm>> -> memref<1x80x128xf32, #tpu.memory_space<hbm>>
      %dma_wait3A_246 = tpu.memref_squeeze %dma_wait3A_245 : memref<1x80x128xf32, #tpu.memory_space<hbm>> -> memref<80x128xf32, #tpu.memory_space<hbm>>
      %dma_wait3A_247 = arith.constant 0 : i32
      %dma_wait3A_248 = tpu.memref_slice %arg12[%mul3A_243, %dma_wait3A_247] : memref<10064x128xf32, #tpu.memory_space<vmem_shared>> -> memref<80x128xf32, #tpu.memory_space<vmem_shared>>
      tpu.wait_dma2 semaphore(%arg15 : memref<!tpu.dma_semaphore, #tpu.memory_space<semaphore_mem>>) src(%dma_wait3A_248 : memref<80x128xf32, #tpu.memory_space<vmem_shared>>) dst(%dma_wait3A_246 : memref<80x128xf32, #tpu.memory_space<hbm>>)
    } else {
    }
    %add3A_214 = arith.constant 64 : i32
    %add3A_215 = arith.addi %arg1, %add3A_214 : i32
    %lt3A_216 = arith.constant 125 : i32
    %lt3A_217 = arith.cmpi slt, %add3A_215, %lt3A_216 : i32
    %convert_element_type3A_218 = arith.extui %lt3A_217 : i1 to i32
    %cond3A_219 = arith.constant 0 : i32
    %cond3A_220 = arith.cmpi ne, %convert_element_type3A_218, %cond3A_219 : i32
    scf.if %cond3A_220 {
      %mul3A_242 = arith.constant 80 : i32
      %mul3A_243 = arith.muli %add3A_215, %mul3A_242 : i32
      %dma_wait3A_244 = arith.constant 0 : i32
      %dma_wait3A_245 = tpu.memref_slice %arg5[%arg0, %mul3A_243, %dma_wait3A_244] : memref<2x10000x128xf32, #tpu.memory_space<hbm>> -> memref<1x80x128xf32, #tpu.memory_space<hbm>>
      %dma_wait3A_246 = tpu.memref_squeeze %dma_wait3A_245 : memref<1x80x128xf32, #tpu.memory_space<hbm>> -> memref<80x128xf32, #tpu.memory_space<hbm>>
      %dma_wait3A_247 = arith.constant 0 : i32
      %dma_wait3A_248 = tpu.memref_slice %arg12[%mul3A_243, %dma_wait3A_247] : memref<10064x128xf32, #tpu.memory_space<vmem_shared>> -> memref<80x128xf32, #tpu.memory_space<vmem_shared>>
      tpu.wait_dma2 semaphore(%arg15 : memref<!tpu.dma_semaphore, #tpu.memory_space<semaphore_mem>>) src(%dma_wait3A_248 : memref<80x128xf32, #tpu.memory_space<vmem_shared>>) dst(%dma_wait3A_246 : memref<80x128xf32, #tpu.memory_space<hbm>>)
    } else {
    }
    %add3A_221 = arith.constant 80 : i32
    %add3A_222 = arith.addi %arg1, %add3A_221 : i32
    %lt3A_223 = arith.constant 125 : i32
    %lt3A_224 = arith.cmpi slt, %add3A_222, %lt3A_223 : i32
    %convert_element_type3A_225 = arith.extui %lt3A_224 : i1 to i32
    %cond3A_226 = arith.constant 0 : i32
    %cond3A_227 = arith.cmpi ne, %convert_element_type3A_225, %cond3A_226 : i32
    scf.if %cond3A_227 {
      %mul3A_242 = arith.constant 80 : i32
      %mul3A_243 = arith.muli %add3A_222, %mul3A_242 : i32
      %dma_wait3A_244 = arith.constant 0 : i32
      %dma_wait3A_245 = tpu.memref_slice %arg5[%arg0, %mul3A_243, %dma_wait3A_244] : memref<2x10000x128xf32, #tpu.memory_space<hbm>> -> memref<1x80x128xf32, #tpu.memory_space<hbm>>
      %dma_wait3A_246 = tpu.memref_squeeze %dma_wait3A_245 : memref<1x80x128xf32, #tpu.memory_space<hbm>> -> memref<80x128xf32, #tpu.memory_space<hbm>>
      %dma_wait3A_247 = arith.constant 0 : i32
      %dma_wait3A_248 = tpu.memref_slice %arg12[%mul3A_243, %dma_wait3A_247] : memref<10064x128xf32, #tpu.memory_space<vmem_shared>> -> memref<80x128xf32, #tpu.memory_space<vmem_shared>>
      tpu.wait_dma2 semaphore(%arg15 : memref<!tpu.dma_semaphore, #tpu.memory_space<semaphore_mem>>) src(%dma_wait3A_248 : memref<80x128xf32, #tpu.memory_space<vmem_shared>>) dst(%dma_wait3A_246 : memref<80x128xf32, #tpu.memory_space<hbm>>)
    } else {
    }
    %add3A_228 = arith.constant 96 : i32
    %add3A_229 = arith.addi %arg1, %add3A_228 : i32
    %lt3A_230 = arith.constant 125 : i32
    %lt3A_231 = arith.cmpi slt, %add3A_229, %lt3A_230 : i32
    %convert_element_type3A_232 = arith.extui %lt3A_231 : i1 to i32
    %cond3A_233 = arith.constant 0 : i32
    %cond3A_234 = arith.cmpi ne, %convert_element_type3A_232, %cond3A_233 : i32
    scf.if %cond3A_234 {
      %mul3A_242 = arith.constant 80 : i32
      %mul3A_243 = arith.muli %add3A_229, %mul3A_242 : i32
      %dma_wait3A_244 = arith.constant 0 : i32
      %dma_wait3A_245 = tpu.memref_slice %arg5[%arg0, %mul3A_243, %dma_wait3A_244] : memref<2x10000x128xf32, #tpu.memory_space<hbm>> -> memref<1x80x128xf32, #tpu.memory_space<hbm>>
      %dma_wait3A_246 = tpu.memref_squeeze %dma_wait3A_245 : memref<1x80x128xf32, #tpu.memory_space<hbm>> -> memref<80x128xf32, #tpu.memory_space<hbm>>
      %dma_wait3A_247 = arith.constant 0 : i32
      %dma_wait3A_248 = tpu.memref_slice %arg12[%mul3A_243, %dma_wait3A_247] : memref<10064x128xf32, #tpu.memory_space<vmem_shared>> -> memref<80x128xf32, #tpu.memory_space<vmem_shared>>
      tpu.wait_dma2 semaphore(%arg15 : memref<!tpu.dma_semaphore, #tpu.memory_space<semaphore_mem>>) src(%dma_wait3A_248 : memref<80x128xf32, #tpu.memory_space<vmem_shared>>) dst(%dma_wait3A_246 : memref<80x128xf32, #tpu.memory_space<hbm>>)
    } else {
    }
    %add3A_235 = arith.constant 112 : i32
    %add3A_236 = arith.addi %arg1, %add3A_235 : i32
    %lt3A_237 = arith.constant 125 : i32
    %lt3A_238 = arith.cmpi slt, %add3A_236, %lt3A_237 : i32
    %convert_element_type3A_239 = arith.extui %lt3A_238 : i1 to i32
    %cond3A_240 = arith.constant 0 : i32
    %cond3A_241 = arith.cmpi ne, %convert_element_type3A_239, %cond3A_240 : i32
    scf.if %cond3A_241 {
      %mul3A_242 = arith.constant 80 : i32
      %mul3A_243 = arith.muli %add3A_236, %mul3A_242 : i32
      %dma_wait3A_244 = arith.constant 0 : i32
      %dma_wait3A_245 = tpu.memref_slice %arg5[%arg0, %mul3A_243, %dma_wait3A_244] : memref<2x10000x128xf32, #tpu.memory_space<hbm>> -> memref<1x80x128xf32, #tpu.memory_space<hbm>>
      %dma_wait3A_246 = tpu.memref_squeeze %dma_wait3A_245 : memref<1x80x128xf32, #tpu.memory_space<hbm>> -> memref<80x128xf32, #tpu.memory_space<hbm>>
      %dma_wait3A_247 = arith.constant 0 : i32
      %dma_wait3A_248 = tpu.memref_slice %arg12[%mul3A_243, %dma_wait3A_247] : memref<10064x128xf32, #tpu.memory_space<vmem_shared>> -> memref<80x128xf32, #tpu.memory_space<vmem_shared>>
      tpu.wait_dma2 semaphore(%arg15 : memref<!tpu.dma_semaphore, #tpu.memory_space<semaphore_mem>>) src(%dma_wait3A_248 : memref<80x128xf32, #tpu.memory_space<vmem_shared>>) dst(%dma_wait3A_246 : memref<80x128xf32, #tpu.memory_space<hbm>>)
    } else {
    }
    return
  }
}

#map = affine_map<(d0, d1) -> (0, 0)>
#map1 = affine_map<(d0, d1) -> (0, 0, 0)>
module attributes {stable_mosaic.version = 14 : i64} {
  func.func @agg(%arg0: i32, %arg1: i32, %arg2: memref<10000x128xf32, #tpu.memory_space<hbm>>, %arg3: memref<2560x128xi32, #tpu.memory_space<hbm>>, %arg4: memref<2560x128xi32, #tpu.memory_space<hbm>>, %arg5: memref<2x10000x128xf32, #tpu.memory_space<hbm>>, %arg6: memref<8x128xi32, #tpu.memory_space<vmem>>, %arg7: memref<8x128xi32, #tpu.memory_space<vmem>>, %arg8: memref<8x128xi32, #tpu.memory_space<vmem>>, %arg9: memref<8x128xi32, #tpu.memory_space<vmem>>, %arg10: memref<128x128xf32, #tpu.memory_space<vmem>>, %arg11: memref<128x128xf32, #tpu.memory_space<vmem>>, %arg12: memref<10064x128xf32, #tpu.memory_space<vmem_shared>>, %arg13: memref<!tpu.dma_semaphore, #tpu.memory_space<semaphore_mem>>, %arg14: memref<!tpu.dma_semaphore, #tpu.memory_space<semaphore_mem>>, %arg15: memref<!tpu.dma_semaphore, #tpu.memory_space<semaphore_mem>>, %arg16: memref<!tpu.dma_semaphore, #tpu.memory_space<semaphore_mem>>, %arg17: memref<!tpu.dma_semaphore, #tpu.memory_space<semaphore_mem>>) attributes {dimension_semantics = [#tpu.dimension_semantics<core_parallel>, #tpu.dimension_semantics<subcore_parallel>], iteration_bounds = array<i64: 2, 16>, scalar_prefetch = 0 : i64, scratch_operands = 12 : i64, tpu.core_type = #tpu.core_type<sc_vector_subcore>, window_params = [{transform_indices = #map}, {transform_indices = #map}, {transform_indices = #map}, {transform_indices = #map1}]} {
    %mul3A = arith.constant 2 : i32
    %mul3A_0 = arith.muli %arg1, %mul3A : i32
    %add3A = arith.addi %mul3A_0, %arg0 : i32
    %add3A_1 = arith.constant 0 : i32
    %add3A_2 = arith.addi %arg1, %add3A_1 : i32
    %lt3A = arith.constant 125 : i32
    %lt3A_3 = arith.cmpi slt, %add3A_2, %lt3A : i32
    %convert_element_type3A = arith.extui %lt3A_3 : i1 to i32
    %cond3A = arith.constant 0 : i32
    %cond3A_4 = arith.cmpi ne, %convert_element_type3A, %cond3A : i32
    scf.if %cond3A_4 {
      %mul3A_242 = arith.constant 80 : i32
      %mul3A_243 = arith.muli %add3A_2, %mul3A_242 : i32
      %dma_start3A = arith.constant 0 : i32
      %dma_start3A_244 = tpu.memref_slice %arg12[%mul3A_243, %dma_start3A] : memref<10064x128xf32, #tpu.memory_space<vmem_shared>> -> memref<80x128xf32, #tpu.memory_space<vmem_shared>>
      %dma_start3A_245 = arith.constant 0 : i32
      %dma_start3A_246 = tpu.memref_slice %arg2[%mul3A_243, %dma_start3A_245] : memref<10000x128xf32, #tpu.memory_space<hbm>> -> memref<80x128xf32, #tpu.memory_space<hbm>>
      tpu.enqueue_dma source(%dma_start3A_246 : memref<80x128xf32, #tpu.memory_space<hbm>>) target(%dma_start3A_244 : memref<80x128xf32, #tpu.memory_space<vmem_shared>>) target_semaphore(%arg15 : memref<!tpu.dma_semaphore, #tpu.memory_space<semaphore_mem>>)
    } else {
    }
    %add3A_5 = arith.constant 16 : i32
    %add3A_6 = arith.addi %arg1, %add3A_5 : i32
    %lt3A_7 = arith.constant 125 : i32
    %lt3A_8 = arith.cmpi slt, %add3A_6, %lt3A_7 : i32
    %convert_element_type3A_9 = arith.extui %lt3A_8 : i1 to i32
    %cond3A_10 = arith.constant 0 : i32
    %cond3A_11 = arith.cmpi ne, %convert_element_type3A_9, %cond3A_10 : i32
    scf.if %cond3A_11 {
      %mul3A_242 = arith.constant 80 : i32
      %mul3A_243 = arith.muli %add3A_6, %mul3A_242 : i32
      %dma_start3A = arith.constant 0 : i32
      %dma_start3A_244 = tpu.memref_slice %arg12[%mul3A_243, %dma_start3A] : memref<10064x128xf32, #tpu.memory_space<vmem_shared>> -> memref<80x128xf32, #tpu.memory_space<vmem_shared>>
      %dma_start3A_245 = arith.constant 0 : i32
      %dma_start3A_246 = tpu.memref_slice %arg2[%mul3A_243, %dma_start3A_245] : memref<10000x128xf32, #tpu.memory_space<hbm>> -> memref<80x128xf32, #tpu.memory_space<hbm>>
      tpu.enqueue_dma source(%dma_start3A_246 : memref<80x128xf32, #tpu.memory_space<hbm>>) target(%dma_start3A_244 : memref<80x128xf32, #tpu.memory_space<vmem_shared>>) target_semaphore(%arg15 : memref<!tpu.dma_semaphore, #tpu.memory_space<semaphore_mem>>)
    } else {
    }
    %add3A_12 = arith.constant 32 : i32
    %add3A_13 = arith.addi %arg1, %add3A_12 : i32
    %lt3A_14 = arith.constant 125 : i32
    %lt3A_15 = arith.cmpi slt, %add3A_13, %lt3A_14 : i32
    %convert_element_type3A_16 = arith.extui %lt3A_15 : i1 to i32
    %cond3A_17 = arith.constant 0 : i32
    %cond3A_18 = arith.cmpi ne, %convert_element_type3A_16, %cond3A_17 : i32
    scf.if %cond3A_18 {
      %mul3A_242 = arith.constant 80 : i32
      %mul3A_243 = arith.muli %add3A_13, %mul3A_242 : i32
      %dma_start3A = arith.constant 0 : i32
      %dma_start3A_244 = tpu.memref_slice %arg12[%mul3A_243, %dma_start3A] : memref<10064x128xf32, #tpu.memory_space<vmem_shared>> -> memref<80x128xf32, #tpu.memory_space<vmem_shared>>
      %dma_start3A_245 = arith.constant 0 : i32
      %dma_start3A_246 = tpu.memref_slice %arg2[%mul3A_243, %dma_start3A_245] : memref<10000x128xf32, #tpu.memory_space<hbm>> -> memref<80x128xf32, #tpu.memory_space<hbm>>
      tpu.enqueue_dma source(%dma_start3A_246 : memref<80x128xf32, #tpu.memory_space<hbm>>) target(%dma_start3A_244 : memref<80x128xf32, #tpu.memory_space<vmem_shared>>) target_semaphore(%arg15 : memref<!tpu.dma_semaphore, #tpu.memory_space<semaphore_mem>>)
    } else {
    }
    %add3A_19 = arith.constant 48 : i32
    %add3A_20 = arith.addi %arg1, %add3A_19 : i32
    %lt3A_21 = arith.constant 125 : i32
    %lt3A_22 = arith.cmpi slt, %add3A_20, %lt3A_21 : i32
    %convert_element_type3A_23 = arith.extui %lt3A_22 : i1 to i32
    %cond3A_24 = arith.constant 0 : i32
    %cond3A_25 = arith.cmpi ne, %convert_element_type3A_23, %cond3A_24 : i32
    scf.if %cond3A_25 {
      %mul3A_242 = arith.constant 80 : i32
      %mul3A_243 = arith.muli %add3A_20, %mul3A_242 : i32
      %dma_start3A = arith.constant 0 : i32
      %dma_start3A_244 = tpu.memref_slice %arg12[%mul3A_243, %dma_start3A] : memref<10064x128xf32, #tpu.memory_space<vmem_shared>> -> memref<80x128xf32, #tpu.memory_space<vmem_shared>>
      %dma_start3A_245 = arith.constant 0 : i32
      %dma_start3A_246 = tpu.memref_slice %arg2[%mul3A_243, %dma_start3A_245] : memref<10000x128xf32, #tpu.memory_space<hbm>> -> memref<80x128xf32, #tpu.memory_space<hbm>>
      tpu.enqueue_dma source(%dma_start3A_246 : memref<80x128xf32, #tpu.memory_space<hbm>>) target(%dma_start3A_244 : memref<80x128xf32, #tpu.memory_space<vmem_shared>>) target_semaphore(%arg15 : memref<!tpu.dma_semaphore, #tpu.memory_space<semaphore_mem>>)
    } else {
    }
    %add3A_26 = arith.constant 64 : i32
    %add3A_27 = arith.addi %arg1, %add3A_26 : i32
    %lt3A_28 = arith.constant 125 : i32
    %lt3A_29 = arith.cmpi slt, %add3A_27, %lt3A_28 : i32
    %convert_element_type3A_30 = arith.extui %lt3A_29 : i1 to i32
    %cond3A_31 = arith.constant 0 : i32
    %cond3A_32 = arith.cmpi ne, %convert_element_type3A_30, %cond3A_31 : i32
    scf.if %cond3A_32 {
      %mul3A_242 = arith.constant 80 : i32
      %mul3A_243 = arith.muli %add3A_27, %mul3A_242 : i32
      %dma_start3A = arith.constant 0 : i32
      %dma_start3A_244 = tpu.memref_slice %arg12[%mul3A_243, %dma_start3A] : memref<10064x128xf32, #tpu.memory_space<vmem_shared>> -> memref<80x128xf32, #tpu.memory_space<vmem_shared>>
      %dma_start3A_245 = arith.constant 0 : i32
      %dma_start3A_246 = tpu.memref_slice %arg2[%mul3A_243, %dma_start3A_245] : memref<10000x128xf32, #tpu.memory_space<hbm>> -> memref<80x128xf32, #tpu.memory_space<hbm>>
      tpu.enqueue_dma source(%dma_start3A_246 : memref<80x128xf32, #tpu.memory_space<hbm>>) target(%dma_start3A_244 : memref<80x128xf32, #tpu.memory_space<vmem_shared>>) target_semaphore(%arg15 : memref<!tpu.dma_semaphore, #tpu.memory_space<semaphore_mem>>)
    } else {
    }
    %add3A_33 = arith.constant 80 : i32
    %add3A_34 = arith.addi %arg1, %add3A_33 : i32
    %lt3A_35 = arith.constant 125 : i32
    %lt3A_36 = arith.cmpi slt, %add3A_34, %lt3A_35 : i32
    %convert_element_type3A_37 = arith.extui %lt3A_36 : i1 to i32
    %cond3A_38 = arith.constant 0 : i32
    %cond3A_39 = arith.cmpi ne, %convert_element_type3A_37, %cond3A_38 : i32
    scf.if %cond3A_39 {
      %mul3A_242 = arith.constant 80 : i32
      %mul3A_243 = arith.muli %add3A_34, %mul3A_242 : i32
      %dma_start3A = arith.constant 0 : i32
      %dma_start3A_244 = tpu.memref_slice %arg12[%mul3A_243, %dma_start3A] : memref<10064x128xf32, #tpu.memory_space<vmem_shared>> -> memref<80x128xf32, #tpu.memory_space<vmem_shared>>
      %dma_start3A_245 = arith.constant 0 : i32
      %dma_start3A_246 = tpu.memref_slice %arg2[%mul3A_243, %dma_start3A_245] : memref<10000x128xf32, #tpu.memory_space<hbm>> -> memref<80x128xf32, #tpu.memory_space<hbm>>
      tpu.enqueue_dma source(%dma_start3A_246 : memref<80x128xf32, #tpu.memory_space<hbm>>) target(%dma_start3A_244 : memref<80x128xf32, #tpu.memory_space<vmem_shared>>) target_semaphore(%arg15 : memref<!tpu.dma_semaphore, #tpu.memory_space<semaphore_mem>>)
    } else {
    }
    %add3A_40 = arith.constant 96 : i32
    %add3A_41 = arith.addi %arg1, %add3A_40 : i32
    %lt3A_42 = arith.constant 125 : i32
    %lt3A_43 = arith.cmpi slt, %add3A_41, %lt3A_42 : i32
    %convert_element_type3A_44 = arith.extui %lt3A_43 : i1 to i32
    %cond3A_45 = arith.constant 0 : i32
    %cond3A_46 = arith.cmpi ne, %convert_element_type3A_44, %cond3A_45 : i32
    scf.if %cond3A_46 {
      %mul3A_242 = arith.constant 80 : i32
      %mul3A_243 = arith.muli %add3A_41, %mul3A_242 : i32
      %dma_start3A = arith.constant 0 : i32
      %dma_start3A_244 = tpu.memref_slice %arg12[%mul3A_243, %dma_start3A] : memref<10064x128xf32, #tpu.memory_space<vmem_shared>> -> memref<80x128xf32, #tpu.memory_space<vmem_shared>>
      %dma_start3A_245 = arith.constant 0 : i32
      %dma_start3A_246 = tpu.memref_slice %arg2[%mul3A_243, %dma_start3A_245] : memref<10000x128xf32, #tpu.memory_space<hbm>> -> memref<80x128xf32, #tpu.memory_space<hbm>>
      tpu.enqueue_dma source(%dma_start3A_246 : memref<80x128xf32, #tpu.memory_space<hbm>>) target(%dma_start3A_244 : memref<80x128xf32, #tpu.memory_space<vmem_shared>>) target_semaphore(%arg15 : memref<!tpu.dma_semaphore, #tpu.memory_space<semaphore_mem>>)
    } else {
    }
    %add3A_47 = arith.constant 112 : i32
    %add3A_48 = arith.addi %arg1, %add3A_47 : i32
    %lt3A_49 = arith.constant 125 : i32
    %lt3A_50 = arith.cmpi slt, %add3A_48, %lt3A_49 : i32
    %convert_element_type3A_51 = arith.extui %lt3A_50 : i1 to i32
    %cond3A_52 = arith.constant 0 : i32
    %cond3A_53 = arith.cmpi ne, %convert_element_type3A_51, %cond3A_52 : i32
    scf.if %cond3A_53 {
      %mul3A_242 = arith.constant 80 : i32
      %mul3A_243 = arith.muli %add3A_48, %mul3A_242 : i32
      %dma_start3A = arith.constant 0 : i32
      %dma_start3A_244 = tpu.memref_slice %arg12[%mul3A_243, %dma_start3A] : memref<10064x128xf32, #tpu.memory_space<vmem_shared>> -> memref<80x128xf32, #tpu.memory_space<vmem_shared>>
      %dma_start3A_245 = arith.constant 0 : i32
      %dma_start3A_246 = tpu.memref_slice %arg2[%mul3A_243, %dma_start3A_245] : memref<10000x128xf32, #tpu.memory_space<hbm>> -> memref<80x128xf32, #tpu.memory_space<hbm>>
      tpu.enqueue_dma source(%dma_start3A_246 : memref<80x128xf32, #tpu.memory_space<hbm>>) target(%dma_start3A_244 : memref<80x128xf32, #tpu.memory_space<vmem_shared>>) target_semaphore(%arg15 : memref<!tpu.dma_semaphore, #tpu.memory_space<semaphore_mem>>)
    } else {
    }
    %add3A_54 = arith.constant 0 : i32
    %add3A_55 = arith.addi %arg1, %add3A_54 : i32
    %lt3A_56 = arith.constant 125 : i32
    %lt3A_57 = arith.cmpi slt, %add3A_55, %lt3A_56 : i32
    %convert_element_type3A_58 = arith.extui %lt3A_57 : i1 to i32
    %cond3A_59 = arith.constant 0 : i32
    %cond3A_60 = arith.cmpi ne, %convert_element_type3A_58, %cond3A_59 : i32
    scf.if %cond3A_60 {
      %mul3A_242 = arith.constant 80 : i32
      %mul3A_243 = arith.muli %add3A_55, %mul3A_242 : i32
      %dma_wait3A_244 = arith.constant 0 : i32
      %dma_wait3A_245 = tpu.memref_slice %arg12[%mul3A_243, %dma_wait3A_244] : memref<10064x128xf32, #tpu.memory_space<vmem_shared>> -> memref<80x128xf32, #tpu.memory_space<vmem_shared>>
      %dma_wait3A_246 = arith.constant 0 : i32
      %dma_wait3A_247 = tpu.memref_slice %arg2[%mul3A_243, %dma_wait3A_246] : memref<10000x128xf32, #tpu.memory_space<hbm>> -> memref<80x128xf32, #tpu.memory_space<hbm>>
      tpu.wait_dma2 semaphore(%arg15 : memref<!tpu.dma_semaphore, #tpu.memory_space<semaphore_mem>>) src(%dma_wait3A_247 : memref<80x128xf32, #tpu.memory_space<hbm>>) dst(%dma_wait3A_245 : memref<80x128xf32, #tpu.memory_space<vmem_shared>>)
    } else {
    }
    %add3A_61 = arith.constant 16 : i32
    %add3A_62 = arith.addi %arg1, %add3A_61 : i32
    %lt3A_63 = arith.constant 125 : i32
    %lt3A_64 = arith.cmpi slt, %add3A_62, %lt3A_63 : i32
    %convert_element_type3A_65 = arith.extui %lt3A_64 : i1 to i32
    %cond3A_66 = arith.constant 0 : i32
    %cond3A_67 = arith.cmpi ne, %convert_element_type3A_65, %cond3A_66 : i32
    scf.if %cond3A_67 {
      %mul3A_242 = arith.constant 80 : i32
      %mul3A_243 = arith.muli %add3A_62, %mul3A_242 : i32
      %dma_wait3A_244 = arith.constant 0 : i32
      %dma_wait3A_245 = tpu.memref_slice %arg12[%mul3A_243, %dma_wait3A_244] : memref<10064x128xf32, #tpu.memory_space<vmem_shared>> -> memref<80x128xf32, #tpu.memory_space<vmem_shared>>
      %dma_wait3A_246 = arith.constant 0 : i32
      %dma_wait3A_247 = tpu.memref_slice %arg2[%mul3A_243, %dma_wait3A_246] : memref<10000x128xf32, #tpu.memory_space<hbm>> -> memref<80x128xf32, #tpu.memory_space<hbm>>
      tpu.wait_dma2 semaphore(%arg15 : memref<!tpu.dma_semaphore, #tpu.memory_space<semaphore_mem>>) src(%dma_wait3A_247 : memref<80x128xf32, #tpu.memory_space<hbm>>) dst(%dma_wait3A_245 : memref<80x128xf32, #tpu.memory_space<vmem_shared>>)
    } else {
    }
    %add3A_68 = arith.constant 32 : i32
    %add3A_69 = arith.addi %arg1, %add3A_68 : i32
    %lt3A_70 = arith.constant 125 : i32
    %lt3A_71 = arith.cmpi slt, %add3A_69, %lt3A_70 : i32
    %convert_element_type3A_72 = arith.extui %lt3A_71 : i1 to i32
    %cond3A_73 = arith.constant 0 : i32
    %cond3A_74 = arith.cmpi ne, %convert_element_type3A_72, %cond3A_73 : i32
    scf.if %cond3A_74 {
      %mul3A_242 = arith.constant 80 : i32
      %mul3A_243 = arith.muli %add3A_69, %mul3A_242 : i32
      %dma_wait3A_244 = arith.constant 0 : i32
      %dma_wait3A_245 = tpu.memref_slice %arg12[%mul3A_243, %dma_wait3A_244] : memref<10064x128xf32, #tpu.memory_space<vmem_shared>> -> memref<80x128xf32, #tpu.memory_space<vmem_shared>>
      %dma_wait3A_246 = arith.constant 0 : i32
      %dma_wait3A_247 = tpu.memref_slice %arg2[%mul3A_243, %dma_wait3A_246] : memref<10000x128xf32, #tpu.memory_space<hbm>> -> memref<80x128xf32, #tpu.memory_space<hbm>>
      tpu.wait_dma2 semaphore(%arg15 : memref<!tpu.dma_semaphore, #tpu.memory_space<semaphore_mem>>) src(%dma_wait3A_247 : memref<80x128xf32, #tpu.memory_space<hbm>>) dst(%dma_wait3A_245 : memref<80x128xf32, #tpu.memory_space<vmem_shared>>)
    } else {
    }
    %add3A_75 = arith.constant 48 : i32
    %add3A_76 = arith.addi %arg1, %add3A_75 : i32
    %lt3A_77 = arith.constant 125 : i32
    %lt3A_78 = arith.cmpi slt, %add3A_76, %lt3A_77 : i32
    %convert_element_type3A_79 = arith.extui %lt3A_78 : i1 to i32
    %cond3A_80 = arith.constant 0 : i32
    %cond3A_81 = arith.cmpi ne, %convert_element_type3A_79, %cond3A_80 : i32
    scf.if %cond3A_81 {
      %mul3A_242 = arith.constant 80 : i32
      %mul3A_243 = arith.muli %add3A_76, %mul3A_242 : i32
      %dma_wait3A_244 = arith.constant 0 : i32
      %dma_wait3A_245 = tpu.memref_slice %arg12[%mul3A_243, %dma_wait3A_244] : memref<10064x128xf32, #tpu.memory_space<vmem_shared>> -> memref<80x128xf32, #tpu.memory_space<vmem_shared>>
      %dma_wait3A_246 = arith.constant 0 : i32
      %dma_wait3A_247 = tpu.memref_slice %arg2[%mul3A_243, %dma_wait3A_246] : memref<10000x128xf32, #tpu.memory_space<hbm>> -> memref<80x128xf32, #tpu.memory_space<hbm>>
      tpu.wait_dma2 semaphore(%arg15 : memref<!tpu.dma_semaphore, #tpu.memory_space<semaphore_mem>>) src(%dma_wait3A_247 : memref<80x128xf32, #tpu.memory_space<hbm>>) dst(%dma_wait3A_245 : memref<80x128xf32, #tpu.memory_space<vmem_shared>>)
    } else {
    }
    %add3A_82 = arith.constant 64 : i32
    %add3A_83 = arith.addi %arg1, %add3A_82 : i32
    %lt3A_84 = arith.constant 125 : i32
    %lt3A_85 = arith.cmpi slt, %add3A_83, %lt3A_84 : i32
    %convert_element_type3A_86 = arith.extui %lt3A_85 : i1 to i32
    %cond3A_87 = arith.constant 0 : i32
    %cond3A_88 = arith.cmpi ne, %convert_element_type3A_86, %cond3A_87 : i32
    scf.if %cond3A_88 {
      %mul3A_242 = arith.constant 80 : i32
      %mul3A_243 = arith.muli %add3A_83, %mul3A_242 : i32
      %dma_wait3A_244 = arith.constant 0 : i32
      %dma_wait3A_245 = tpu.memref_slice %arg12[%mul3A_243, %dma_wait3A_244] : memref<10064x128xf32, #tpu.memory_space<vmem_shared>> -> memref<80x128xf32, #tpu.memory_space<vmem_shared>>
      %dma_wait3A_246 = arith.constant 0 : i32
      %dma_wait3A_247 = tpu.memref_slice %arg2[%mul3A_243, %dma_wait3A_246] : memref<10000x128xf32, #tpu.memory_space<hbm>> -> memref<80x128xf32, #tpu.memory_space<hbm>>
      tpu.wait_dma2 semaphore(%arg15 : memref<!tpu.dma_semaphore, #tpu.memory_space<semaphore_mem>>) src(%dma_wait3A_247 : memref<80x128xf32, #tpu.memory_space<hbm>>) dst(%dma_wait3A_245 : memref<80x128xf32, #tpu.memory_space<vmem_shared>>)
    } else {
    }
    %add3A_89 = arith.constant 80 : i32
    %add3A_90 = arith.addi %arg1, %add3A_89 : i32
    %lt3A_91 = arith.constant 125 : i32
    %lt3A_92 = arith.cmpi slt, %add3A_90, %lt3A_91 : i32
    %convert_element_type3A_93 = arith.extui %lt3A_92 : i1 to i32
    %cond3A_94 = arith.constant 0 : i32
    %cond3A_95 = arith.cmpi ne, %convert_element_type3A_93, %cond3A_94 : i32
    scf.if %cond3A_95 {
      %mul3A_242 = arith.constant 80 : i32
      %mul3A_243 = arith.muli %add3A_90, %mul3A_242 : i32
      %dma_wait3A_244 = arith.constant 0 : i32
      %dma_wait3A_245 = tpu.memref_slice %arg12[%mul3A_243, %dma_wait3A_244] : memref<10064x128xf32, #tpu.memory_space<vmem_shared>> -> memref<80x128xf32, #tpu.memory_space<vmem_shared>>
      %dma_wait3A_246 = arith.constant 0 : i32
      %dma_wait3A_247 = tpu.memref_slice %arg2[%mul3A_243, %dma_wait3A_246] : memref<10000x128xf32, #tpu.memory_space<hbm>> -> memref<80x128xf32, #tpu.memory_space<hbm>>
      tpu.wait_dma2 semaphore(%arg15 : memref<!tpu.dma_semaphore, #tpu.memory_space<semaphore_mem>>) src(%dma_wait3A_247 : memref<80x128xf32, #tpu.memory_space<hbm>>) dst(%dma_wait3A_245 : memref<80x128xf32, #tpu.memory_space<vmem_shared>>)
    } else {
    }
    %add3A_96 = arith.constant 96 : i32
    %add3A_97 = arith.addi %arg1, %add3A_96 : i32
    %lt3A_98 = arith.constant 125 : i32
    %lt3A_99 = arith.cmpi slt, %add3A_97, %lt3A_98 : i32
    %convert_element_type3A_100 = arith.extui %lt3A_99 : i1 to i32
    %cond3A_101 = arith.constant 0 : i32
    %cond3A_102 = arith.cmpi ne, %convert_element_type3A_100, %cond3A_101 : i32
    scf.if %cond3A_102 {
      %mul3A_242 = arith.constant 80 : i32
      %mul3A_243 = arith.muli %add3A_97, %mul3A_242 : i32
      %dma_wait3A_244 = arith.constant 0 : i32
      %dma_wait3A_245 = tpu.memref_slice %arg12[%mul3A_243, %dma_wait3A_244] : memref<10064x128xf32, #tpu.memory_space<vmem_shared>> -> memref<80x128xf32, #tpu.memory_space<vmem_shared>>
      %dma_wait3A_246 = arith.constant 0 : i32
      %dma_wait3A_247 = tpu.memref_slice %arg2[%mul3A_243, %dma_wait3A_246] : memref<10000x128xf32, #tpu.memory_space<hbm>> -> memref<80x128xf32, #tpu.memory_space<hbm>>
      tpu.wait_dma2 semaphore(%arg15 : memref<!tpu.dma_semaphore, #tpu.memory_space<semaphore_mem>>) src(%dma_wait3A_247 : memref<80x128xf32, #tpu.memory_space<hbm>>) dst(%dma_wait3A_245 : memref<80x128xf32, #tpu.memory_space<vmem_shared>>)
    } else {
    }
    %add3A_103 = arith.constant 112 : i32
    %add3A_104 = arith.addi %arg1, %add3A_103 : i32
    %lt3A_105 = arith.constant 125 : i32
    %lt3A_106 = arith.cmpi slt, %add3A_104, %lt3A_105 : i32
    %convert_element_type3A_107 = arith.extui %lt3A_106 : i1 to i32
    %cond3A_108 = arith.constant 0 : i32
    %cond3A_109 = arith.cmpi ne, %convert_element_type3A_107, %cond3A_108 : i32
    scf.if %cond3A_109 {
      %mul3A_242 = arith.constant 80 : i32
      %mul3A_243 = arith.muli %add3A_104, %mul3A_242 : i32
      %dma_wait3A_244 = arith.constant 0 : i32
      %dma_wait3A_245 = tpu.memref_slice %arg12[%mul3A_243, %dma_wait3A_244] : memref<10064x128xf32, #tpu.memory_space<vmem_shared>> -> memref<80x128xf32, #tpu.memory_space<vmem_shared>>
      %dma_wait3A_246 = arith.constant 0 : i32
      %dma_wait3A_247 = tpu.memref_slice %arg2[%mul3A_243, %dma_wait3A_246] : memref<10000x128xf32, #tpu.memory_space<hbm>> -> memref<80x128xf32, #tpu.memory_space<hbm>>
      tpu.wait_dma2 semaphore(%arg15 : memref<!tpu.dma_semaphore, #tpu.memory_space<semaphore_mem>>) src(%dma_wait3A_247 : memref<80x128xf32, #tpu.memory_space<hbm>>) dst(%dma_wait3A_245 : memref<80x128xf32, #tpu.memory_space<vmem_shared>>)
    } else {
    }
    %barrier3A = arith.constant 0 : index
    tpu.barrier barrier_id(%barrier3A)
    %mul3A_110 = arith.constant 80 : i32
    %mul3A_111 = arith.muli %add3A, %mul3A_110 : i32
    %scan3A = arith.constant 0 : i32
    %scan3A_112 = arith.constant 0 : i32
    %scan3A_113 = arith.constant 5 : i32
    %scan3A_114 = arith.addi %scan3A_112, %scan3A_113 : i32
    %scan3A_115 = arith.constant 1 : i32
    scf.for %scan3A_242 = %scan3A_112 to %scan3A_114 step %scan3A_115  : i32 {
      %mul3A_243 = arith.constant 16 : i32
      %mul3A_244 = arith.muli %scan3A_242, %mul3A_243 : i32
      %add3A_245 = arith.addi %mul3A_111, %mul3A_244 : i32
      %eq3A = arith.constant 0 : i32
      %eq3A_246 = arith.cmpi eq, %scan3A_242, %eq3A : i32
      %convert_element_type3A_247 = arith.extui %eq3A_246 : i1 to i32
      %cond3A_248 = arith.constant 0 : i32
      %cond3A_249 = arith.cmpi ne, %convert_element_type3A_247, %cond3A_248 : i32
      scf.if %cond3A_249 {
        "tpu.region"() ({
          %run_scoped3A_506 = tpu.sem_alloc : memref<!tpu.dma_semaphore, #tpu.memory_space<semaphore_mem>>
          %dma_start3A_507 = arith.constant 0 : i32
          %dma_start3A_508 = tpu.memref_slice %arg3[%add3A_245, %dma_start3A_507] : memref<2560x128xi32, #tpu.memory_space<hbm>> -> memref<8x128xi32, #tpu.memory_space<hbm>>
          %dma_start3A_509 = arith.constant 0 : i32
          %dma_start3A_510 = tpu.memref_slice %arg3[%add3A_245, %dma_start3A_509] : memref<2560x128xi32, #tpu.memory_space<hbm>> -> memref<8x128xi32, #tpu.memory_space<hbm>>
          tpu.enqueue_dma source(%dma_start3A_510 : memref<8x128xi32, #tpu.memory_space<hbm>>) target(%arg6 : memref<8x128xi32, #tpu.memory_space<vmem>>) target_semaphore(%run_scoped3A_506 : memref<!tpu.dma_semaphore, #tpu.memory_space<semaphore_mem>>)
          %dma_wait3A_511 = arith.constant 0 : i32
          %dma_wait3A_512 = tpu.memref_slice %arg3[%add3A_245, %dma_wait3A_511] : memref<2560x128xi32, #tpu.memory_space<hbm>> -> memref<8x128xi32, #tpu.memory_space<hbm>>
          %dma_wait3A_513 = arith.constant 0 : i32
          %dma_wait3A_514 = tpu.memref_slice %arg3[%add3A_245, %dma_wait3A_513] : memref<2560x128xi32, #tpu.memory_space<hbm>> -> memref<8x128xi32, #tpu.memory_space<hbm>>
          tpu.wait_dma2 semaphore(%run_scoped3A_506 : memref<!tpu.dma_semaphore, #tpu.memory_space<semaphore_mem>>) src(%dma_wait3A_514 : memref<8x128xi32, #tpu.memory_space<hbm>>) dst(%arg6 : memref<8x128xi32, #tpu.memory_space<vmem>>)
          tpu.yield
        }) : () -> ()
        "tpu.region"() ({
          %run_scoped3A_506 = tpu.sem_alloc : memref<!tpu.dma_semaphore, #tpu.memory_space<semaphore_mem>>
          %dma_start3A_507 = arith.constant 0 : i32
          %dma_start3A_508 = tpu.memref_slice %arg4[%add3A_245, %dma_start3A_507] : memref<2560x128xi32, #tpu.memory_space<hbm>> -> memref<8x128xi32, #tpu.memory_space<hbm>>
          %dma_start3A_509 = arith.constant 0 : i32
          %dma_start3A_510 = tpu.memref_slice %arg4[%add3A_245, %dma_start3A_509] : memref<2560x128xi32, #tpu.memory_space<hbm>> -> memref<8x128xi32, #tpu.memory_space<hbm>>
          tpu.enqueue_dma source(%dma_start3A_510 : memref<8x128xi32, #tpu.memory_space<hbm>>) target(%arg8 : memref<8x128xi32, #tpu.memory_space<vmem>>) target_semaphore(%run_scoped3A_506 : memref<!tpu.dma_semaphore, #tpu.memory_space<semaphore_mem>>)
          %dma_wait3A_511 = arith.constant 0 : i32
          %dma_wait3A_512 = tpu.memref_slice %arg4[%add3A_245, %dma_wait3A_511] : memref<2560x128xi32, #tpu.memory_space<hbm>> -> memref<8x128xi32, #tpu.memory_space<hbm>>
          %dma_wait3A_513 = arith.constant 0 : i32
          %dma_wait3A_514 = tpu.memref_slice %arg4[%add3A_245, %dma_wait3A_513] : memref<2560x128xi32, #tpu.memory_space<hbm>> -> memref<8x128xi32, #tpu.memory_space<hbm>>
          tpu.wait_dma2 semaphore(%run_scoped3A_506 : memref<!tpu.dma_semaphore, #tpu.memory_space<semaphore_mem>>) src(%dma_wait3A_514 : memref<8x128xi32, #tpu.memory_space<hbm>>) dst(%arg8 : memref<8x128xi32, #tpu.memory_space<vmem>>)
          tpu.yield
        }) : () -> ()
      } else {
      }
      %gt3A = arith.constant 0 : i32
      %gt3A_250 = arith.cmpi sgt, %scan3A_242, %gt3A : i32
      %convert_element_type3A_251 = arith.extui %gt3A_250 : i1 to i32
      %cond3A_252 = arith.constant 0 : i32
      %cond3A_253 = arith.cmpi ne, %convert_element_type3A_251, %cond3A_252 : i32
      scf.if %cond3A_253 {
        %dma_wait3A_506 = arith.constant 0 : i32
        %dma_wait3A_507 = tpu.memref_slice %arg3[%add3A_245, %dma_wait3A_506] : memref<2560x128xi32, #tpu.memory_space<hbm>> -> memref<8x128xi32, #tpu.memory_space<hbm>>
        %dma_wait3A_508 = arith.constant 0 : i32
        %dma_wait3A_509 = tpu.memref_slice %arg3[%add3A_245, %dma_wait3A_508] : memref<2560x128xi32, #tpu.memory_space<hbm>> -> memref<8x128xi32, #tpu.memory_space<hbm>>
        tpu.wait_dma2 semaphore(%arg16 : memref<!tpu.dma_semaphore, #tpu.memory_space<semaphore_mem>>) src(%dma_wait3A_509 : memref<8x128xi32, #tpu.memory_space<hbm>>) dst(%arg6 : memref<8x128xi32, #tpu.memory_space<vmem>>)
        %dma_wait3A_510 = arith.constant 0 : i32
        %dma_wait3A_511 = tpu.memref_slice %arg4[%add3A_245, %dma_wait3A_510] : memref<2560x128xi32, #tpu.memory_space<hbm>> -> memref<8x128xi32, #tpu.memory_space<hbm>>
        %dma_wait3A_512 = arith.constant 0 : i32
        %dma_wait3A_513 = tpu.memref_slice %arg4[%add3A_245, %dma_wait3A_512] : memref<2560x128xi32, #tpu.memory_space<hbm>> -> memref<8x128xi32, #tpu.memory_space<hbm>>
        tpu.wait_dma2 semaphore(%arg16 : memref<!tpu.dma_semaphore, #tpu.memory_space<semaphore_mem>>) src(%dma_wait3A_513 : memref<8x128xi32, #tpu.memory_space<hbm>>) dst(%arg8 : memref<8x128xi32, #tpu.memory_space<vmem>>)
        %dma_wait3A_514 = arith.constant 0 : i32
        %dma_wait3A_515 = arith.constant 0 : i32
        %dma_wait3A_516 = tpu.memref_slice %arg2[%dma_wait3A_514, %dma_wait3A_515] : memref<10000x128xf32, #tpu.memory_space<hbm>> -> memref<128x128xf32, #tpu.memory_space<hbm>>
        %dma_wait3A_517 = arith.constant 0 : i32
        %dma_wait3A_518 = arith.constant 0 : i32
        %dma_wait3A_519 = tpu.memref_slice %arg2[%dma_wait3A_517, %dma_wait3A_518] : memref<10000x128xf32, #tpu.memory_space<hbm>> -> memref<128x128xf32, #tpu.memory_space<hbm>>
        tpu.wait_dma2 semaphore(%arg13 : memref<!tpu.dma_semaphore, #tpu.memory_space<semaphore_mem>>) src(%dma_wait3A_519 : memref<128x128xf32, #tpu.memory_space<hbm>>) dst(%arg10 : memref<128x128xf32, #tpu.memory_space<vmem>>)
        %run_scoped3A_520 = arith.constant 6 : i32
        "tpu.region"() ({
          %run_scoped3A_528 = tpu.sem_alloc : memref<!tpu.dma_semaphore, #tpu.memory_space<semaphore_mem>>
          %dma_start3A_529 = arith.constant 0 : i32
          %dma_start3A_530 = tpu.memref_slice %arg9[%run_scoped3A_520, %dma_start3A_529] : memref<8x128xi32, #tpu.memory_space<vmem>> -> memref<1x128xi32, #tpu.memory_space<vmem>>
          %dma_start3A_531 = tpu.memref_squeeze %dma_start3A_530 : memref<1x128xi32, #tpu.memory_space<vmem>> -> memref<128xi32, #tpu.memory_space<vmem>>
          %dma_start3A_532 = arith.constant 0 : i32
          %dma_start3A_533 = arith.constant 0 : i32
          %dma_start3A_534 = tpu.memref_slice %arg12[%dma_start3A_532, %dma_start3A_533] : memref<10064x128xf32, #tpu.memory_space<vmem_shared>> -> memref<10064x128xf32, #tpu.memory_space<vmem_shared>>
          tpu.enqueue_indirect_dma source(%arg10 : memref<128x128xf32, #tpu.memory_space<vmem>>) target(%dma_start3A_534 : memref<10064x128xf32, #tpu.memory_space<vmem_shared>>) offsets(%dma_start3A_531 : memref<128xi32, #tpu.memory_space<vmem>>) semaphore(%run_scoped3A_528 : memref<!tpu.dma_semaphore, #tpu.memory_space<semaphore_mem>>) {add = true}
          %dma_wait3A_535 = arith.constant 0 : i32
          %dma_wait3A_536 = tpu.memref_slice %arg9[%run_scoped3A_520, %dma_wait3A_535] : memref<8x128xi32, #tpu.memory_space<vmem>> -> memref<1x128xi32, #tpu.memory_space<vmem>>
          %dma_wait3A_537 = tpu.memref_squeeze %dma_wait3A_536 : memref<1x128xi32, #tpu.memory_space<vmem>> -> memref<128xi32, #tpu.memory_space<vmem>>
          %dma_wait3A_538 = arith.constant 0 : i32
          %dma_wait3A_539 = arith.constant 0 : i32
          %dma_wait3A_540 = tpu.memref_slice %arg12[%dma_wait3A_538, %dma_wait3A_539] : memref<10064x128xf32, #tpu.memory_space<vmem_shared>> -> memref<10064x128xf32, #tpu.memory_space<vmem_shared>>
          tpu.wait_indirect_dma semaphore(%run_scoped3A_528 : memref<!tpu.dma_semaphore, #tpu.memory_space<semaphore_mem>>) src(%arg10 : memref<128x128xf32, #tpu.memory_space<vmem>>) dst(%dma_wait3A_540 : memref<10064x128xf32, #tpu.memory_space<vmem_shared>>)
          tpu.yield
        }) : () -> ()
        %dma_wait3A_521 = arith.constant 0 : i32
        %dma_wait3A_522 = arith.constant 0 : i32
        %dma_wait3A_523 = tpu.memref_slice %arg2[%dma_wait3A_521, %dma_wait3A_522] : memref<10000x128xf32, #tpu.memory_space<hbm>> -> memref<128x128xf32, #tpu.memory_space<hbm>>
        %dma_wait3A_524 = arith.constant 0 : i32
        %dma_wait3A_525 = arith.constant 0 : i32
        %dma_wait3A_526 = tpu.memref_slice %arg2[%dma_wait3A_524, %dma_wait3A_525] : memref<10000x128xf32, #tpu.memory_space<hbm>> -> memref<128x128xf32, #tpu.memory_space<hbm>>
        tpu.wait_dma2 semaphore(%arg14 : memref<!tpu.dma_semaphore, #tpu.memory_space<semaphore_mem>>) src(%dma_wait3A_526 : memref<128x128xf32, #tpu.memory_space<hbm>>) dst(%arg11 : memref<128x128xf32, #tpu.memory_space<vmem>>)
        %run_scoped3A_527 = arith.constant 7 : i32
        "tpu.region"() ({
          %run_scoped3A_528 = tpu.sem_alloc : memref<!tpu.dma_semaphore, #tpu.memory_space<semaphore_mem>>
          %dma_start3A_529 = arith.constant 0 : i32
          %dma_start3A_530 = tpu.memref_slice %arg9[%run_scoped3A_527, %dma_start3A_529] : memref<8x128xi32, #tpu.memory_space<vmem>> -> memref<1x128xi32, #tpu.memory_space<vmem>>
          %dma_start3A_531 = tpu.memref_squeeze %dma_start3A_530 : memref<1x128xi32, #tpu.memory_space<vmem>> -> memref<128xi32, #tpu.memory_space<vmem>>
          %dma_start3A_532 = arith.constant 0 : i32
          %dma_start3A_533 = arith.constant 0 : i32
          %dma_start3A_534 = tpu.memref_slice %arg12[%dma_start3A_532, %dma_start3A_533] : memref<10064x128xf32, #tpu.memory_space<vmem_shared>> -> memref<10064x128xf32, #tpu.memory_space<vmem_shared>>
          tpu.enqueue_indirect_dma source(%arg11 : memref<128x128xf32, #tpu.memory_space<vmem>>) target(%dma_start3A_534 : memref<10064x128xf32, #tpu.memory_space<vmem_shared>>) offsets(%dma_start3A_531 : memref<128xi32, #tpu.memory_space<vmem>>) semaphore(%run_scoped3A_528 : memref<!tpu.dma_semaphore, #tpu.memory_space<semaphore_mem>>) {add = true}
          %dma_wait3A_535 = arith.constant 0 : i32
          %dma_wait3A_536 = tpu.memref_slice %arg9[%run_scoped3A_527, %dma_wait3A_535] : memref<8x128xi32, #tpu.memory_space<vmem>> -> memref<1x128xi32, #tpu.memory_space<vmem>>
          %dma_wait3A_537 = tpu.memref_squeeze %dma_wait3A_536 : memref<1x128xi32, #tpu.memory_space<vmem>> -> memref<128xi32, #tpu.memory_space<vmem>>
          %dma_wait3A_538 = arith.constant 0 : i32
          %dma_wait3A_539 = arith.constant 0 : i32
          %dma_wait3A_540 = tpu.memref_slice %arg12[%dma_wait3A_538, %dma_wait3A_539] : memref<10064x128xf32, #tpu.memory_space<vmem_shared>> -> memref<10064x128xf32, #tpu.memory_space<vmem_shared>>
          tpu.wait_indirect_dma semaphore(%run_scoped3A_528 : memref<!tpu.dma_semaphore, #tpu.memory_space<semaphore_mem>>) src(%arg11 : memref<128x128xf32, #tpu.memory_space<vmem>>) dst(%dma_wait3A_540 : memref<10064x128xf32, #tpu.memory_space<vmem_shared>>)
          tpu.yield
        }) : () -> ()
      } else {
      }
      %add3A_254 = arith.constant 8 : i32
      %add3A_255 = arith.addi %add3A_245, %add3A_254 : i32
      %dma_start3A = arith.constant 0 : i32
      %dma_start3A_256 = tpu.memref_slice %arg3[%add3A_255, %dma_start3A] : memref<2560x128xi32, #tpu.memory_space<hbm>> -> memref<8x128xi32, #tpu.memory_space<hbm>>
      %dma_start3A_257 = arith.constant 0 : i32
      %dma_start3A_258 = tpu.memref_slice %arg3[%add3A_255, %dma_start3A_257] : memref<2560x128xi32, #tpu.memory_space<hbm>> -> memref<8x128xi32, #tpu.memory_space<hbm>>
      tpu.enqueue_dma source(%dma_start3A_258 : memref<8x128xi32, #tpu.memory_space<hbm>>) target(%arg7 : memref<8x128xi32, #tpu.memory_space<vmem>>) target_semaphore(%arg17 : memref<!tpu.dma_semaphore, #tpu.memory_space<semaphore_mem>>)
      %add3A_259 = arith.constant 8 : i32
      %add3A_260 = arith.addi %add3A_245, %add3A_259 : i32
      %dma_start3A_261 = arith.constant 0 : i32
      %dma_start3A_262 = tpu.memref_slice %arg4[%add3A_260, %dma_start3A_261] : memref<2560x128xi32, #tpu.memory_space<hbm>> -> memref<8x128xi32, #tpu.memory_space<hbm>>
      %dma_start3A_263 = arith.constant 0 : i32
      %dma_start3A_264 = tpu.memref_slice %arg4[%add3A_260, %dma_start3A_263] : memref<2560x128xi32, #tpu.memory_space<hbm>> -> memref<8x128xi32, #tpu.memory_space<hbm>>
      tpu.enqueue_dma source(%dma_start3A_264 : memref<8x128xi32, #tpu.memory_space<hbm>>) target(%arg9 : memref<8x128xi32, #tpu.memory_space<vmem>>) target_semaphore(%arg17 : memref<!tpu.dma_semaphore, #tpu.memory_space<semaphore_mem>>)
      %dma_start3A_265 = arith.constant 0 : i32
      %dma_start3A_266 = arith.constant 0 : i32
      %dma_start3A_267 = tpu.memref_slice %arg6[%dma_start3A_265, %dma_start3A_266] : memref<8x128xi32, #tpu.memory_space<vmem>> -> memref<1x128xi32, #tpu.memory_space<vmem>>
      %dma_start3A_268 = tpu.memref_squeeze %dma_start3A_267 : memref<1x128xi32, #tpu.memory_space<vmem>> -> memref<128xi32, #tpu.memory_space<vmem>>
      %dma_start3A_269 = arith.constant 0 : i32
      %dma_start3A_270 = arith.constant 0 : i32
      %dma_start3A_271 = tpu.memref_slice %arg2[%dma_start3A_269, %dma_start3A_270] : memref<10000x128xf32, #tpu.memory_space<hbm>> -> memref<10000x128xf32, #tpu.memory_space<hbm>>
      tpu.enqueue_indirect_dma source(%dma_start3A_271 : memref<10000x128xf32, #tpu.memory_space<hbm>>) target(%arg10 : memref<128x128xf32, #tpu.memory_space<vmem>>) offsets(%dma_start3A_268 : memref<128xi32, #tpu.memory_space<vmem>>) semaphore(%arg13 : memref<!tpu.dma_semaphore, #tpu.memory_space<semaphore_mem>>)
      %dma_start3A_272 = arith.constant 1 : i32
      %dma_start3A_273 = arith.constant 0 : i32
      %dma_start3A_274 = tpu.memref_slice %arg6[%dma_start3A_272, %dma_start3A_273] : memref<8x128xi32, #tpu.memory_space<vmem>> -> memref<1x128xi32, #tpu.memory_space<vmem>>
      %dma_start3A_275 = tpu.memref_squeeze %dma_start3A_274 : memref<1x128xi32, #tpu.memory_space<vmem>> -> memref<128xi32, #tpu.memory_space<vmem>>
      %dma_start3A_276 = arith.constant 0 : i32
      %dma_start3A_277 = arith.constant 0 : i32
      %dma_start3A_278 = tpu.memref_slice %arg2[%dma_start3A_276, %dma_start3A_277] : memref<10000x128xf32, #tpu.memory_space<hbm>> -> memref<10000x128xf32, #tpu.memory_space<hbm>>
      tpu.enqueue_indirect_dma source(%dma_start3A_278 : memref<10000x128xf32, #tpu.memory_space<hbm>>) target(%arg11 : memref<128x128xf32, #tpu.memory_space<vmem>>) offsets(%dma_start3A_275 : memref<128xi32, #tpu.memory_space<vmem>>) semaphore(%arg14 : memref<!tpu.dma_semaphore, #tpu.memory_space<semaphore_mem>>)
      %dma_wait3A_279 = arith.constant 0 : i32
      %dma_wait3A_280 = arith.constant 0 : i32
      %dma_wait3A_281 = tpu.memref_slice %arg6[%dma_wait3A_279, %dma_wait3A_280] : memref<8x128xi32, #tpu.memory_space<vmem>> -> memref<1x128xi32, #tpu.memory_space<vmem>>
      %dma_wait3A_282 = tpu.memref_squeeze %dma_wait3A_281 : memref<1x128xi32, #tpu.memory_space<vmem>> -> memref<128xi32, #tpu.memory_space<vmem>>
      %dma_wait3A_283 = arith.constant 0 : i32
      %dma_wait3A_284 = arith.constant 0 : i32
      %dma_wait3A_285 = tpu.memref_slice %arg2[%dma_wait3A_283, %dma_wait3A_284] : memref<10000x128xf32, #tpu.memory_space<hbm>> -> memref<10000x128xf32, #tpu.memory_space<hbm>>
      tpu.wait_indirect_dma semaphore(%arg13 : memref<!tpu.dma_semaphore, #tpu.memory_space<semaphore_mem>>) src(%dma_wait3A_285 : memref<10000x128xf32, #tpu.memory_space<hbm>>) dst(%arg10 : memref<128x128xf32, #tpu.memory_space<vmem>>)
      %run_scoped3A_286 = arith.constant 0 : i32
      "tpu.region"() ({
        %run_scoped3A_506 = tpu.sem_alloc : memref<!tpu.dma_semaphore, #tpu.memory_space<semaphore_mem>>
        %dma_start3A_507 = arith.constant 0 : i32
        %dma_start3A_508 = tpu.memref_slice %arg8[%run_scoped3A_286, %dma_start3A_507] : memref<8x128xi32, #tpu.memory_space<vmem>> -> memref<1x128xi32, #tpu.memory_space<vmem>>
        %dma_start3A_509 = tpu.memref_squeeze %dma_start3A_508 : memref<1x128xi32, #tpu.memory_space<vmem>> -> memref<128xi32, #tpu.memory_space<vmem>>
        %dma_start3A_510 = arith.constant 0 : i32
        %dma_start3A_511 = arith.constant 0 : i32
        %dma_start3A_512 = tpu.memref_slice %arg12[%dma_start3A_510, %dma_start3A_511] : memref<10064x128xf32, #tpu.memory_space<vmem_shared>> -> memref<10064x128xf32, #tpu.memory_space<vmem_shared>>
        tpu.enqueue_indirect_dma source(%arg10 : memref<128x128xf32, #tpu.memory_space<vmem>>) target(%dma_start3A_512 : memref<10064x128xf32, #tpu.memory_space<vmem_shared>>) offsets(%dma_start3A_509 : memref<128xi32, #tpu.memory_space<vmem>>) semaphore(%run_scoped3A_506 : memref<!tpu.dma_semaphore, #tpu.memory_space<semaphore_mem>>) {add = true}
        %dma_wait3A_513 = arith.constant 0 : i32
        %dma_wait3A_514 = tpu.memref_slice %arg8[%run_scoped3A_286, %dma_wait3A_513] : memref<8x128xi32, #tpu.memory_space<vmem>> -> memref<1x128xi32, #tpu.memory_space<vmem>>
        %dma_wait3A_515 = tpu.memref_squeeze %dma_wait3A_514 : memref<1x128xi32, #tpu.memory_space<vmem>> -> memref<128xi32, #tpu.memory_space<vmem>>
        %dma_wait3A_516 = arith.constant 0 : i32
        %dma_wait3A_517 = arith.constant 0 : i32
        %dma_wait3A_518 = tpu.memref_slice %arg12[%dma_wait3A_516, %dma_wait3A_517] : memref<10064x128xf32, #tpu.memory_space<vmem_shared>> -> memref<10064x128xf32, #tpu.memory_space<vmem_shared>>
        tpu.wait_indirect_dma semaphore(%run_scoped3A_506 : memref<!tpu.dma_semaphore, #tpu.memory_space<semaphore_mem>>) src(%arg10 : memref<128x128xf32, #tpu.memory_space<vmem>>) dst(%dma_wait3A_518 : memref<10064x128xf32, #tpu.memory_space<vmem_shared>>)
        tpu.yield
      }) : () -> ()
      %dma_start3A_287 = arith.constant 2 : i32
      %dma_start3A_288 = arith.constant 0 : i32
      %dma_start3A_289 = tpu.memref_slice %arg6[%dma_start3A_287, %dma_start3A_288] : memref<8x128xi32, #tpu.memory_space<vmem>> -> memref<1x128xi32, #tpu.memory_space<vmem>>
      %dma_start3A_290 = tpu.memref_squeeze %dma_start3A_289 : memref<1x128xi32, #tpu.memory_space<vmem>> -> memref<128xi32, #tpu.memory_space<vmem>>
      %dma_start3A_291 = arith.constant 0 : i32
      %dma_start3A_292 = arith.constant 0 : i32
      %dma_start3A_293 = tpu.memref_slice %arg2[%dma_start3A_291, %dma_start3A_292] : memref<10000x128xf32, #tpu.memory_space<hbm>> -> memref<10000x128xf32, #tpu.memory_space<hbm>>
      tpu.enqueue_indirect_dma source(%dma_start3A_293 : memref<10000x128xf32, #tpu.memory_space<hbm>>) target(%arg10 : memref<128x128xf32, #tpu.memory_space<vmem>>) offsets(%dma_start3A_290 : memref<128xi32, #tpu.memory_space<vmem>>) semaphore(%arg13 : memref<!tpu.dma_semaphore, #tpu.memory_space<semaphore_mem>>)
      %dma_wait3A_294 = arith.constant 1 : i32
      %dma_wait3A_295 = arith.constant 0 : i32
      %dma_wait3A_296 = tpu.memref_slice %arg6[%dma_wait3A_294, %dma_wait3A_295] : memref<8x128xi32, #tpu.memory_space<vmem>> -> memref<1x128xi32, #tpu.memory_space<vmem>>
      %dma_wait3A_297 = tpu.memref_squeeze %dma_wait3A_296 : memref<1x128xi32, #tpu.memory_space<vmem>> -> memref<128xi32, #tpu.memory_space<vmem>>
      %dma_wait3A_298 = arith.constant 0 : i32
      %dma_wait3A_299 = arith.constant 0 : i32
      %dma_wait3A_300 = tpu.memref_slice %arg2[%dma_wait3A_298, %dma_wait3A_299] : memref<10000x128xf32, #tpu.memory_space<hbm>> -> memref<10000x128xf32, #tpu.memory_space<hbm>>
      tpu.wait_indirect_dma semaphore(%arg14 : memref<!tpu.dma_semaphore, #tpu.memory_space<semaphore_mem>>) src(%dma_wait3A_300 : memref<10000x128xf32, #tpu.memory_space<hbm>>) dst(%arg11 : memref<128x128xf32, #tpu.memory_space<vmem>>)
      %run_scoped3A_301 = arith.constant 1 : i32
      "tpu.region"() ({
        %run_scoped3A_506 = tpu.sem_alloc : memref<!tpu.dma_semaphore, #tpu.memory_space<semaphore_mem>>
        %dma_start3A_507 = arith.constant 0 : i32
        %dma_start3A_508 = tpu.memref_slice %arg8[%run_scoped3A_301, %dma_start3A_507] : memref<8x128xi32, #tpu.memory_space<vmem>> -> memref<1x128xi32, #tpu.memory_space<vmem>>
        %dma_start3A_509 = tpu.memref_squeeze %dma_start3A_508 : memref<1x128xi32, #tpu.memory_space<vmem>> -> memref<128xi32, #tpu.memory_space<vmem>>
        %dma_start3A_510 = arith.constant 0 : i32
        %dma_start3A_511 = arith.constant 0 : i32
        %dma_start3A_512 = tpu.memref_slice %arg12[%dma_start3A_510, %dma_start3A_511] : memref<10064x128xf32, #tpu.memory_space<vmem_shared>> -> memref<10064x128xf32, #tpu.memory_space<vmem_shared>>
        tpu.enqueue_indirect_dma source(%arg11 : memref<128x128xf32, #tpu.memory_space<vmem>>) target(%dma_start3A_512 : memref<10064x128xf32, #tpu.memory_space<vmem_shared>>) offsets(%dma_start3A_509 : memref<128xi32, #tpu.memory_space<vmem>>) semaphore(%run_scoped3A_506 : memref<!tpu.dma_semaphore, #tpu.memory_space<semaphore_mem>>) {add = true}
        %dma_wait3A_513 = arith.constant 0 : i32
        %dma_wait3A_514 = tpu.memref_slice %arg8[%run_scoped3A_301, %dma_wait3A_513] : memref<8x128xi32, #tpu.memory_space<vmem>> -> memref<1x128xi32, #tpu.memory_space<vmem>>
        %dma_wait3A_515 = tpu.memref_squeeze %dma_wait3A_514 : memref<1x128xi32, #tpu.memory_space<vmem>> -> memref<128xi32, #tpu.memory_space<vmem>>
        %dma_wait3A_516 = arith.constant 0 : i32
        %dma_wait3A_517 = arith.constant 0 : i32
        %dma_wait3A_518 = tpu.memref_slice %arg12[%dma_wait3A_516, %dma_wait3A_517] : memref<10064x128xf32, #tpu.memory_space<vmem_shared>> -> memref<10064x128xf32, #tpu.memory_space<vmem_shared>>
        tpu.wait_indirect_dma semaphore(%run_scoped3A_506 : memref<!tpu.dma_semaphore, #tpu.memory_space<semaphore_mem>>) src(%arg11 : memref<128x128xf32, #tpu.memory_space<vmem>>) dst(%dma_wait3A_518 : memref<10064x128xf32, #tpu.memory_space<vmem_shared>>)
        tpu.yield
      }) : () -> ()
      %dma_start3A_302 = arith.constant 3 : i32
      %dma_start3A_303 = arith.constant 0 : i32
      %dma_start3A_304 = tpu.memref_slice %arg6[%dma_start3A_302, %dma_start3A_303] : memref<8x128xi32, #tpu.memory_space<vmem>> -> memref<1x128xi32, #tpu.memory_space<vmem>>
      %dma_start3A_305 = tpu.memref_squeeze %dma_start3A_304 : memref<1x128xi32, #tpu.memory_space<vmem>> -> memref<128xi32, #tpu.memory_space<vmem>>
      %dma_start3A_306 = arith.constant 0 : i32
      %dma_start3A_307 = arith.constant 0 : i32
      %dma_start3A_308 = tpu.memref_slice %arg2[%dma_start3A_306, %dma_start3A_307] : memref<10000x128xf32, #tpu.memory_space<hbm>> -> memref<10000x128xf32, #tpu.memory_space<hbm>>
      tpu.enqueue_indirect_dma source(%dma_start3A_308 : memref<10000x128xf32, #tpu.memory_space<hbm>>) target(%arg11 : memref<128x128xf32, #tpu.memory_space<vmem>>) offsets(%dma_start3A_305 : memref<128xi32, #tpu.memory_space<vmem>>) semaphore(%arg14 : memref<!tpu.dma_semaphore, #tpu.memory_space<semaphore_mem>>)
      %dma_wait3A_309 = arith.constant 2 : i32
      %dma_wait3A_310 = arith.constant 0 : i32
      %dma_wait3A_311 = tpu.memref_slice %arg6[%dma_wait3A_309, %dma_wait3A_310] : memref<8x128xi32, #tpu.memory_space<vmem>> -> memref<1x128xi32, #tpu.memory_space<vmem>>
      %dma_wait3A_312 = tpu.memref_squeeze %dma_wait3A_311 : memref<1x128xi32, #tpu.memory_space<vmem>> -> memref<128xi32, #tpu.memory_space<vmem>>
      %dma_wait3A_313 = arith.constant 0 : i32
      %dma_wait3A_314 = arith.constant 0 : i32
      %dma_wait3A_315 = tpu.memref_slice %arg2[%dma_wait3A_313, %dma_wait3A_314] : memref<10000x128xf32, #tpu.memory_space<hbm>> -> memref<10000x128xf32, #tpu.memory_space<hbm>>
      tpu.wait_indirect_dma semaphore(%arg13 : memref<!tpu.dma_semaphore, #tpu.memory_space<semaphore_mem>>) src(%dma_wait3A_315 : memref<10000x128xf32, #tpu.memory_space<hbm>>) dst(%arg10 : memref<128x128xf32, #tpu.memory_space<vmem>>)
      %run_scoped3A_316 = arith.constant 2 : i32
      "tpu.region"() ({
        %run_scoped3A_506 = tpu.sem_alloc : memref<!tpu.dma_semaphore, #tpu.memory_space<semaphore_mem>>
        %dma_start3A_507 = arith.constant 0 : i32
        %dma_start3A_508 = tpu.memref_slice %arg8[%run_scoped3A_316, %dma_start3A_507] : memref<8x128xi32, #tpu.memory_space<vmem>> -> memref<1x128xi32, #tpu.memory_space<vmem>>
        %dma_start3A_509 = tpu.memref_squeeze %dma_start3A_508 : memref<1x128xi32, #tpu.memory_space<vmem>> -> memref<128xi32, #tpu.memory_space<vmem>>
        %dma_start3A_510 = arith.constant 0 : i32
        %dma_start3A_511 = arith.constant 0 : i32
        %dma_start3A_512 = tpu.memref_slice %arg12[%dma_start3A_510, %dma_start3A_511] : memref<10064x128xf32, #tpu.memory_space<vmem_shared>> -> memref<10064x128xf32, #tpu.memory_space<vmem_shared>>
        tpu.enqueue_indirect_dma source(%arg10 : memref<128x128xf32, #tpu.memory_space<vmem>>) target(%dma_start3A_512 : memref<10064x128xf32, #tpu.memory_space<vmem_shared>>) offsets(%dma_start3A_509 : memref<128xi32, #tpu.memory_space<vmem>>) semaphore(%run_scoped3A_506 : memref<!tpu.dma_semaphore, #tpu.memory_space<semaphore_mem>>) {add = true}
        %dma_wait3A_513 = arith.constant 0 : i32
        %dma_wait3A_514 = tpu.memref_slice %arg8[%run_scoped3A_316, %dma_wait3A_513] : memref<8x128xi32, #tpu.memory_space<vmem>> -> memref<1x128xi32, #tpu.memory_space<vmem>>
        %dma_wait3A_515 = tpu.memref_squeeze %dma_wait3A_514 : memref<1x128xi32, #tpu.memory_space<vmem>> -> memref<128xi32, #tpu.memory_space<vmem>>
        %dma_wait3A_516 = arith.constant 0 : i32
        %dma_wait3A_517 = arith.constant 0 : i32
        %dma_wait3A_518 = tpu.memref_slice %arg12[%dma_wait3A_516, %dma_wait3A_517] : memref<10064x128xf32, #tpu.memory_space<vmem_shared>> -> memref<10064x128xf32, #tpu.memory_space<vmem_shared>>
        tpu.wait_indirect_dma semaphore(%run_scoped3A_506 : memref<!tpu.dma_semaphore, #tpu.memory_space<semaphore_mem>>) src(%arg10 : memref<128x128xf32, #tpu.memory_space<vmem>>) dst(%dma_wait3A_518 : memref<10064x128xf32, #tpu.memory_space<vmem_shared>>)
        tpu.yield
      }) : () -> ()
      %dma_start3A_317 = arith.constant 4 : i32
      %dma_start3A_318 = arith.constant 0 : i32
      %dma_start3A_319 = tpu.memref_slice %arg6[%dma_start3A_317, %dma_start3A_318] : memref<8x128xi32, #tpu.memory_space<vmem>> -> memref<1x128xi32, #tpu.memory_space<vmem>>
      %dma_start3A_320 = tpu.memref_squeeze %dma_start3A_319 : memref<1x128xi32, #tpu.memory_space<vmem>> -> memref<128xi32, #tpu.memory_space<vmem>>
      %dma_start3A_321 = arith.constant 0 : i32
      %dma_start3A_322 = arith.constant 0 : i32
      %dma_start3A_323 = tpu.memref_slice %arg2[%dma_start3A_321, %dma_start3A_322] : memref<10000x128xf32, #tpu.memory_space<hbm>> -> memref<10000x128xf32, #tpu.memory_space<hbm>>
      tpu.enqueue_indirect_dma source(%dma_start3A_323 : memref<10000x128xf32, #tpu.memory_space<hbm>>) target(%arg10 : memref<128x128xf32, #tpu.memory_space<vmem>>) offsets(%dma_start3A_320 : memref<128xi32, #tpu.memory_space<vmem>>) semaphore(%arg13 : memref<!tpu.dma_semaphore, #tpu.memory_space<semaphore_mem>>)
      %dma_wait3A_324 = arith.constant 3 : i32
      %dma_wait3A_325 = arith.constant 0 : i32
      %dma_wait3A_326 = tpu.memref_slice %arg6[%dma_wait3A_324, %dma_wait3A_325] : memref<8x128xi32, #tpu.memory_space<vmem>> -> memref<1x128xi32, #tpu.memory_space<vmem>>
      %dma_wait3A_327 = tpu.memref_squeeze %dma_wait3A_326 : memref<1x128xi32, #tpu.memory_space<vmem>> -> memref<128xi32, #tpu.memory_space<vmem>>
      %dma_wait3A_328 = arith.constant 0 : i32
      %dma_wait3A_329 = arith.constant 0 : i32
      %dma_wait3A_330 = tpu.memref_slice %arg2[%dma_wait3A_328, %dma_wait3A_329] : memref<10000x128xf32, #tpu.memory_space<hbm>> -> memref<10000x128xf32, #tpu.memory_space<hbm>>
      tpu.wait_indirect_dma semaphore(%arg14 : memref<!tpu.dma_semaphore, #tpu.memory_space<semaphore_mem>>) src(%dma_wait3A_330 : memref<10000x128xf32, #tpu.memory_space<hbm>>) dst(%arg11 : memref<128x128xf32, #tpu.memory_space<vmem>>)
      %run_scoped3A_331 = arith.constant 3 : i32
      "tpu.region"() ({
        %run_scoped3A_506 = tpu.sem_alloc : memref<!tpu.dma_semaphore, #tpu.memory_space<semaphore_mem>>
        %dma_start3A_507 = arith.constant 0 : i32
        %dma_start3A_508 = tpu.memref_slice %arg8[%run_scoped3A_331, %dma_start3A_507] : memref<8x128xi32, #tpu.memory_space<vmem>> -> memref<1x128xi32, #tpu.memory_space<vmem>>
        %dma_start3A_509 = tpu.memref_squeeze %dma_start3A_508 : memref<1x128xi32, #tpu.memory_space<vmem>> -> memref<128xi32, #tpu.memory_space<vmem>>
        %dma_start3A_510 = arith.constant 0 : i32
        %dma_start3A_511 = arith.constant 0 : i32
        %dma_start3A_512 = tpu.memref_slice %arg12[%dma_start3A_510, %dma_start3A_511] : memref<10064x128xf32, #tpu.memory_space<vmem_shared>> -> memref<10064x128xf32, #tpu.memory_space<vmem_shared>>
        tpu.enqueue_indirect_dma source(%arg11 : memref<128x128xf32, #tpu.memory_space<vmem>>) target(%dma_start3A_512 : memref<10064x128xf32, #tpu.memory_space<vmem_shared>>) offsets(%dma_start3A_509 : memref<128xi32, #tpu.memory_space<vmem>>) semaphore(%run_scoped3A_506 : memref<!tpu.dma_semaphore, #tpu.memory_space<semaphore_mem>>) {add = true}
        %dma_wait3A_513 = arith.constant 0 : i32
        %dma_wait3A_514 = tpu.memref_slice %arg8[%run_scoped3A_331, %dma_wait3A_513] : memref<8x128xi32, #tpu.memory_space<vmem>> -> memref<1x128xi32, #tpu.memory_space<vmem>>
        %dma_wait3A_515 = tpu.memref_squeeze %dma_wait3A_514 : memref<1x128xi32, #tpu.memory_space<vmem>> -> memref<128xi32, #tpu.memory_space<vmem>>
        %dma_wait3A_516 = arith.constant 0 : i32
        %dma_wait3A_517 = arith.constant 0 : i32
        %dma_wait3A_518 = tpu.memref_slice %arg12[%dma_wait3A_516, %dma_wait3A_517] : memref<10064x128xf32, #tpu.memory_space<vmem_shared>> -> memref<10064x128xf32, #tpu.memory_space<vmem_shared>>
        tpu.wait_indirect_dma semaphore(%run_scoped3A_506 : memref<!tpu.dma_semaphore, #tpu.memory_space<semaphore_mem>>) src(%arg11 : memref<128x128xf32, #tpu.memory_space<vmem>>) dst(%dma_wait3A_518 : memref<10064x128xf32, #tpu.memory_space<vmem_shared>>)
        tpu.yield
      }) : () -> ()
      %dma_start3A_332 = arith.constant 5 : i32
      %dma_start3A_333 = arith.constant 0 : i32
      %dma_start3A_334 = tpu.memref_slice %arg6[%dma_start3A_332, %dma_start3A_333] : memref<8x128xi32, #tpu.memory_space<vmem>> -> memref<1x128xi32, #tpu.memory_space<vmem>>
      %dma_start3A_335 = tpu.memref_squeeze %dma_start3A_334 : memref<1x128xi32, #tpu.memory_space<vmem>> -> memref<128xi32, #tpu.memory_space<vmem>>
      %dma_start3A_336 = arith.constant 0 : i32
      %dma_start3A_337 = arith.constant 0 : i32
      %dma_start3A_338 = tpu.memref_slice %arg2[%dma_start3A_336, %dma_start3A_337] : memref<10000x128xf32, #tpu.memory_space<hbm>> -> memref<10000x128xf32, #tpu.memory_space<hbm>>
      tpu.enqueue_indirect_dma source(%dma_start3A_338 : memref<10000x128xf32, #tpu.memory_space<hbm>>) target(%arg11 : memref<128x128xf32, #tpu.memory_space<vmem>>) offsets(%dma_start3A_335 : memref<128xi32, #tpu.memory_space<vmem>>) semaphore(%arg14 : memref<!tpu.dma_semaphore, #tpu.memory_space<semaphore_mem>>)
      %dma_wait3A_339 = arith.constant 4 : i32
      %dma_wait3A_340 = arith.constant 0 : i32
      %dma_wait3A_341 = tpu.memref_slice %arg6[%dma_wait3A_339, %dma_wait3A_340] : memref<8x128xi32, #tpu.memory_space<vmem>> -> memref<1x128xi32, #tpu.memory_space<vmem>>
      %dma_wait3A_342 = tpu.memref_squeeze %dma_wait3A_341 : memref<1x128xi32, #tpu.memory_space<vmem>> -> memref<128xi32, #tpu.memory_space<vmem>>
      %dma_wait3A_343 = arith.constant 0 : i32
      %dma_wait3A_344 = arith.constant 0 : i32
      %dma_wait3A_345 = tpu.memref_slice %arg2[%dma_wait3A_343, %dma_wait3A_344] : memref<10000x128xf32, #tpu.memory_space<hbm>> -> memref<10000x128xf32, #tpu.memory_space<hbm>>
      tpu.wait_indirect_dma semaphore(%arg13 : memref<!tpu.dma_semaphore, #tpu.memory_space<semaphore_mem>>) src(%dma_wait3A_345 : memref<10000x128xf32, #tpu.memory_space<hbm>>) dst(%arg10 : memref<128x128xf32, #tpu.memory_space<vmem>>)
      %run_scoped3A_346 = arith.constant 4 : i32
      "tpu.region"() ({
        %run_scoped3A_506 = tpu.sem_alloc : memref<!tpu.dma_semaphore, #tpu.memory_space<semaphore_mem>>
        %dma_start3A_507 = arith.constant 0 : i32
        %dma_start3A_508 = tpu.memref_slice %arg8[%run_scoped3A_346, %dma_start3A_507] : memref<8x128xi32, #tpu.memory_space<vmem>> -> memref<1x128xi32, #tpu.memory_space<vmem>>
        %dma_start3A_509 = tpu.memref_squeeze %dma_start3A_508 : memref<1x128xi32, #tpu.memory_space<vmem>> -> memref<128xi32, #tpu.memory_space<vmem>>
        %dma_start3A_510 = arith.constant 0 : i32
        %dma_start3A_511 = arith.constant 0 : i32
        %dma_start3A_512 = tpu.memref_slice %arg12[%dma_start3A_510, %dma_start3A_511] : memref<10064x128xf32, #tpu.memory_space<vmem_shared>> -> memref<10064x128xf32, #tpu.memory_space<vmem_shared>>
        tpu.enqueue_indirect_dma source(%arg10 : memref<128x128xf32, #tpu.memory_space<vmem>>) target(%dma_start3A_512 : memref<10064x128xf32, #tpu.memory_space<vmem_shared>>) offsets(%dma_start3A_509 : memref<128xi32, #tpu.memory_space<vmem>>) semaphore(%run_scoped3A_506 : memref<!tpu.dma_semaphore, #tpu.memory_space<semaphore_mem>>) {add = true}
        %dma_wait3A_513 = arith.constant 0 : i32
        %dma_wait3A_514 = tpu.memref_slice %arg8[%run_scoped3A_346, %dma_wait3A_513] : memref<8x128xi32, #tpu.memory_space<vmem>> -> memref<1x128xi32, #tpu.memory_space<vmem>>
        %dma_wait3A_515 = tpu.memref_squeeze %dma_wait3A_514 : memref<1x128xi32, #tpu.memory_space<vmem>> -> memref<128xi32, #tpu.memory_space<vmem>>
        %dma_wait3A_516 = arith.constant 0 : i32
        %dma_wait3A_517 = arith.constant 0 : i32
        %dma_wait3A_518 = tpu.memref_slice %arg12[%dma_wait3A_516, %dma_wait3A_517] : memref<10064x128xf32, #tpu.memory_space<vmem_shared>> -> memref<10064x128xf32, #tpu.memory_space<vmem_shared>>
        tpu.wait_indirect_dma semaphore(%run_scoped3A_506 : memref<!tpu.dma_semaphore, #tpu.memory_space<semaphore_mem>>) src(%arg10 : memref<128x128xf32, #tpu.memory_space<vmem>>) dst(%dma_wait3A_518 : memref<10064x128xf32, #tpu.memory_space<vmem_shared>>)
        tpu.yield
      }) : () -> ()
      %dma_start3A_347 = arith.constant 6 : i32
      %dma_start3A_348 = arith.constant 0 : i32
      %dma_start3A_349 = tpu.memref_slice %arg6[%dma_start3A_347, %dma_start3A_348] : memref<8x128xi32, #tpu.memory_space<vmem>> -> memref<1x128xi32, #tpu.memory_space<vmem>>
      %dma_start3A_350 = tpu.memref_squeeze %dma_start3A_349 : memref<1x128xi32, #tpu.memory_space<vmem>> -> memref<128xi32, #tpu.memory_space<vmem>>
      %dma_start3A_351 = arith.constant 0 : i32
      %dma_start3A_352 = arith.constant 0 : i32
      %dma_start3A_353 = tpu.memref_slice %arg2[%dma_start3A_351, %dma_start3A_352] : memref<10000x128xf32, #tpu.memory_space<hbm>> -> memref<10000x128xf32, #tpu.memory_space<hbm>>
      tpu.enqueue_indirect_dma source(%dma_start3A_353 : memref<10000x128xf32, #tpu.memory_space<hbm>>) target(%arg10 : memref<128x128xf32, #tpu.memory_space<vmem>>) offsets(%dma_start3A_350 : memref<128xi32, #tpu.memory_space<vmem>>) semaphore(%arg13 : memref<!tpu.dma_semaphore, #tpu.memory_space<semaphore_mem>>)
      %dma_wait3A_354 = arith.constant 5 : i32
      %dma_wait3A_355 = arith.constant 0 : i32
      %dma_wait3A_356 = tpu.memref_slice %arg6[%dma_wait3A_354, %dma_wait3A_355] : memref<8x128xi32, #tpu.memory_space<vmem>> -> memref<1x128xi32, #tpu.memory_space<vmem>>
      %dma_wait3A_357 = tpu.memref_squeeze %dma_wait3A_356 : memref<1x128xi32, #tpu.memory_space<vmem>> -> memref<128xi32, #tpu.memory_space<vmem>>
      %dma_wait3A_358 = arith.constant 0 : i32
      %dma_wait3A_359 = arith.constant 0 : i32
      %dma_wait3A_360 = tpu.memref_slice %arg2[%dma_wait3A_358, %dma_wait3A_359] : memref<10000x128xf32, #tpu.memory_space<hbm>> -> memref<10000x128xf32, #tpu.memory_space<hbm>>
      tpu.wait_indirect_dma semaphore(%arg14 : memref<!tpu.dma_semaphore, #tpu.memory_space<semaphore_mem>>) src(%dma_wait3A_360 : memref<10000x128xf32, #tpu.memory_space<hbm>>) dst(%arg11 : memref<128x128xf32, #tpu.memory_space<vmem>>)
      %run_scoped3A_361 = arith.constant 5 : i32
      "tpu.region"() ({
        %run_scoped3A_506 = tpu.sem_alloc : memref<!tpu.dma_semaphore, #tpu.memory_space<semaphore_mem>>
        %dma_start3A_507 = arith.constant 0 : i32
        %dma_start3A_508 = tpu.memref_slice %arg8[%run_scoped3A_361, %dma_start3A_507] : memref<8x128xi32, #tpu.memory_space<vmem>> -> memref<1x128xi32, #tpu.memory_space<vmem>>
        %dma_start3A_509 = tpu.memref_squeeze %dma_start3A_508 : memref<1x128xi32, #tpu.memory_space<vmem>> -> memref<128xi32, #tpu.memory_space<vmem>>
        %dma_start3A_510 = arith.constant 0 : i32
        %dma_start3A_511 = arith.constant 0 : i32
        %dma_start3A_512 = tpu.memref_slice %arg12[%dma_start3A_510, %dma_start3A_511] : memref<10064x128xf32, #tpu.memory_space<vmem_shared>> -> memref<10064x128xf32, #tpu.memory_space<vmem_shared>>
        tpu.enqueue_indirect_dma source(%arg11 : memref<128x128xf32, #tpu.memory_space<vmem>>) target(%dma_start3A_512 : memref<10064x128xf32, #tpu.memory_space<vmem_shared>>) offsets(%dma_start3A_509 : memref<128xi32, #tpu.memory_space<vmem>>) semaphore(%run_scoped3A_506 : memref<!tpu.dma_semaphore, #tpu.memory_space<semaphore_mem>>) {add = true}
        %dma_wait3A_513 = arith.constant 0 : i32
        %dma_wait3A_514 = tpu.memref_slice %arg8[%run_scoped3A_361, %dma_wait3A_513] : memref<8x128xi32, #tpu.memory_space<vmem>> -> memref<1x128xi32, #tpu.memory_space<vmem>>
        %dma_wait3A_515 = tpu.memref_squeeze %dma_wait3A_514 : memref<1x128xi32, #tpu.memory_space<vmem>> -> memref<128xi32, #tpu.memory_space<vmem>>
        %dma_wait3A_516 = arith.constant 0 : i32
        %dma_wait3A_517 = arith.constant 0 : i32
        %dma_wait3A_518 = tpu.memref_slice %arg12[%dma_wait3A_516, %dma_wait3A_517] : memref<10064x128xf32, #tpu.memory_space<vmem_shared>> -> memref<10064x128xf32, #tpu.memory_space<vmem_shared>>
        tpu.wait_indirect_dma semaphore(%run_scoped3A_506 : memref<!tpu.dma_semaphore, #tpu.memory_space<semaphore_mem>>) src(%arg11 : memref<128x128xf32, #tpu.memory_space<vmem>>) dst(%dma_wait3A_518 : memref<10064x128xf32, #tpu.memory_space<vmem_shared>>)
        tpu.yield
      }) : () -> ()
      %dma_start3A_362 = arith.constant 7 : i32
      %dma_start3A_363 = arith.constant 0 : i32
      %dma_start3A_364 = tpu.memref_slice %arg6[%dma_start3A_362, %dma_start3A_363] : memref<8x128xi32, #tpu.memory_space<vmem>> -> memref<1x128xi32, #tpu.memory_space<vmem>>
      %dma_start3A_365 = tpu.memref_squeeze %dma_start3A_364 : memref<1x128xi32, #tpu.memory_space<vmem>> -> memref<128xi32, #tpu.memory_space<vmem>>
      %dma_start3A_366 = arith.constant 0 : i32
      %dma_start3A_367 = arith.constant 0 : i32
      %dma_start3A_368 = tpu.memref_slice %arg2[%dma_start3A_366, %dma_start3A_367] : memref<10000x128xf32, #tpu.memory_space<hbm>> -> memref<10000x128xf32, #tpu.memory_space<hbm>>
      tpu.enqueue_indirect_dma source(%dma_start3A_368 : memref<10000x128xf32, #tpu.memory_space<hbm>>) target(%arg11 : memref<128x128xf32, #tpu.memory_space<vmem>>) offsets(%dma_start3A_365 : memref<128xi32, #tpu.memory_space<vmem>>) semaphore(%arg14 : memref<!tpu.dma_semaphore, #tpu.memory_space<semaphore_mem>>)
      %add3A_369 = arith.constant 8 : i32
      %add3A_370 = arith.addi %add3A_245, %add3A_369 : i32
      %dma_wait3A_371 = arith.constant 0 : i32
      %dma_wait3A_372 = tpu.memref_slice %arg3[%add3A_370, %dma_wait3A_371] : memref<2560x128xi32, #tpu.memory_space<hbm>> -> memref<8x128xi32, #tpu.memory_space<hbm>>
      %dma_wait3A_373 = arith.constant 0 : i32
      %dma_wait3A_374 = tpu.memref_slice %arg3[%add3A_370, %dma_wait3A_373] : memref<2560x128xi32, #tpu.memory_space<hbm>> -> memref<8x128xi32, #tpu.memory_space<hbm>>
      tpu.wait_dma2 semaphore(%arg17 : memref<!tpu.dma_semaphore, #tpu.memory_space<semaphore_mem>>) src(%dma_wait3A_374 : memref<8x128xi32, #tpu.memory_space<hbm>>) dst(%arg7 : memref<8x128xi32, #tpu.memory_space<vmem>>)
      %add3A_375 = arith.constant 8 : i32
      %add3A_376 = arith.addi %add3A_245, %add3A_375 : i32
      %dma_wait3A_377 = arith.constant 0 : i32
      %dma_wait3A_378 = tpu.memref_slice %arg4[%add3A_376, %dma_wait3A_377] : memref<2560x128xi32, #tpu.memory_space<hbm>> -> memref<8x128xi32, #tpu.memory_space<hbm>>
      %dma_wait3A_379 = arith.constant 0 : i32
      %dma_wait3A_380 = tpu.memref_slice %arg4[%add3A_376, %dma_wait3A_379] : memref<2560x128xi32, #tpu.memory_space<hbm>> -> memref<8x128xi32, #tpu.memory_space<hbm>>
      tpu.wait_dma2 semaphore(%arg17 : memref<!tpu.dma_semaphore, #tpu.memory_space<semaphore_mem>>) src(%dma_wait3A_380 : memref<8x128xi32, #tpu.memory_space<hbm>>) dst(%arg9 : memref<8x128xi32, #tpu.memory_space<vmem>>)
      %dma_wait3A_381 = arith.constant 6 : i32
      %dma_wait3A_382 = arith.constant 0 : i32
      %dma_wait3A_383 = tpu.memref_slice %arg6[%dma_wait3A_381, %dma_wait3A_382] : memref<8x128xi32, #tpu.memory_space<vmem>> -> memref<1x128xi32, #tpu.memory_space<vmem>>
      %dma_wait3A_384 = tpu.memref_squeeze %dma_wait3A_383 : memref<1x128xi32, #tpu.memory_space<vmem>> -> memref<128xi32, #tpu.memory_space<vmem>>
      %dma_wait3A_385 = arith.constant 0 : i32
      %dma_wait3A_386 = arith.constant 0 : i32
      %dma_wait3A_387 = tpu.memref_slice %arg2[%dma_wait3A_385, %dma_wait3A_386] : memref<10000x128xf32, #tpu.memory_space<hbm>> -> memref<10000x128xf32, #tpu.memory_space<hbm>>
      tpu.wait_indirect_dma semaphore(%arg13 : memref<!tpu.dma_semaphore, #tpu.memory_space<semaphore_mem>>) src(%dma_wait3A_387 : memref<10000x128xf32, #tpu.memory_space<hbm>>) dst(%arg10 : memref<128x128xf32, #tpu.memory_space<vmem>>)
      %run_scoped3A_388 = arith.constant 6 : i32
      "tpu.region"() ({
        %run_scoped3A_506 = tpu.sem_alloc : memref<!tpu.dma_semaphore, #tpu.memory_space<semaphore_mem>>
        %dma_start3A_507 = arith.constant 0 : i32
        %dma_start3A_508 = tpu.memref_slice %arg8[%run_scoped3A_388, %dma_start3A_507] : memref<8x128xi32, #tpu.memory_space<vmem>> -> memref<1x128xi32, #tpu.memory_space<vmem>>
        %dma_start3A_509 = tpu.memref_squeeze %dma_start3A_508 : memref<1x128xi32, #tpu.memory_space<vmem>> -> memref<128xi32, #tpu.memory_space<vmem>>
        %dma_start3A_510 = arith.constant 0 : i32
        %dma_start3A_511 = arith.constant 0 : i32
        %dma_start3A_512 = tpu.memref_slice %arg12[%dma_start3A_510, %dma_start3A_511] : memref<10064x128xf32, #tpu.memory_space<vmem_shared>> -> memref<10064x128xf32, #tpu.memory_space<vmem_shared>>
        tpu.enqueue_indirect_dma source(%arg10 : memref<128x128xf32, #tpu.memory_space<vmem>>) target(%dma_start3A_512 : memref<10064x128xf32, #tpu.memory_space<vmem_shared>>) offsets(%dma_start3A_509 : memref<128xi32, #tpu.memory_space<vmem>>) semaphore(%run_scoped3A_506 : memref<!tpu.dma_semaphore, #tpu.memory_space<semaphore_mem>>) {add = true}
        %dma_wait3A_513 = arith.constant 0 : i32
        %dma_wait3A_514 = tpu.memref_slice %arg8[%run_scoped3A_388, %dma_wait3A_513] : memref<8x128xi32, #tpu.memory_space<vmem>> -> memref<1x128xi32, #tpu.memory_space<vmem>>
        %dma_wait3A_515 = tpu.memref_squeeze %dma_wait3A_514 : memref<1x128xi32, #tpu.memory_space<vmem>> -> memref<128xi32, #tpu.memory_space<vmem>>
        %dma_wait3A_516 = arith.constant 0 : i32
        %dma_wait3A_517 = arith.constant 0 : i32
        %dma_wait3A_518 = tpu.memref_slice %arg12[%dma_wait3A_516, %dma_wait3A_517] : memref<10064x128xf32, #tpu.memory_space<vmem_shared>> -> memref<10064x128xf32, #tpu.memory_space<vmem_shared>>
        tpu.wait_indirect_dma semaphore(%run_scoped3A_506 : memref<!tpu.dma_semaphore, #tpu.memory_space<semaphore_mem>>) src(%arg10 : memref<128x128xf32, #tpu.memory_space<vmem>>) dst(%dma_wait3A_518 : memref<10064x128xf32, #tpu.memory_space<vmem_shared>>)
        tpu.yield
      }) : () -> ()
      %dma_start3A_389 = arith.constant 0 : i32
      %dma_start3A_390 = arith.constant 0 : i32
      %dma_start3A_391 = tpu.memref_slice %arg7[%dma_start3A_389, %dma_start3A_390] : memref<8x128xi32, #tpu.memory_space<vmem>> -> memref<1x128xi32, #tpu.memory_space<vmem>>
      %dma_start3A_392 = tpu.memref_squeeze %dma_start3A_391 : memref<1x128xi32, #tpu.memory_space<vmem>> -> memref<128xi32, #tpu.memory_space<vmem>>
      %dma_start3A_393 = arith.constant 0 : i32
      %dma_start3A_394 = arith.constant 0 : i32
      %dma_start3A_395 = tpu.memref_slice %arg2[%dma_start3A_393, %dma_start3A_394] : memref<10000x128xf32, #tpu.memory_space<hbm>> -> memref<10000x128xf32, #tpu.memory_space<hbm>>
      tpu.enqueue_indirect_dma source(%dma_start3A_395 : memref<10000x128xf32, #tpu.memory_space<hbm>>) target(%arg10 : memref<128x128xf32, #tpu.memory_space<vmem>>) offsets(%dma_start3A_392 : memref<128xi32, #tpu.memory_space<vmem>>) semaphore(%arg13 : memref<!tpu.dma_semaphore, #tpu.memory_space<semaphore_mem>>)
      %dma_wait3A_396 = arith.constant 7 : i32
      %dma_wait3A_397 = arith.constant 0 : i32
      %dma_wait3A_398 = tpu.memref_slice %arg6[%dma_wait3A_396, %dma_wait3A_397] : memref<8x128xi32, #tpu.memory_space<vmem>> -> memref<1x128xi32, #tpu.memory_space<vmem>>
      %dma_wait3A_399 = tpu.memref_squeeze %dma_wait3A_398 : memref<1x128xi32, #tpu.memory_space<vmem>> -> memref<128xi32, #tpu.memory_space<vmem>>
      %dma_wait3A_400 = arith.constant 0 : i32
      %dma_wait3A_401 = arith.constant 0 : i32
      %dma_wait3A_402 = tpu.memref_slice %arg2[%dma_wait3A_400, %dma_wait3A_401] : memref<10000x128xf32, #tpu.memory_space<hbm>> -> memref<10000x128xf32, #tpu.memory_space<hbm>>
      tpu.wait_indirect_dma semaphore(%arg14 : memref<!tpu.dma_semaphore, #tpu.memory_space<semaphore_mem>>) src(%dma_wait3A_402 : memref<10000x128xf32, #tpu.memory_space<hbm>>) dst(%arg11 : memref<128x128xf32, #tpu.memory_space<vmem>>)
      %run_scoped3A_403 = arith.constant 7 : i32
      "tpu.region"() ({
        %run_scoped3A_506 = tpu.sem_alloc : memref<!tpu.dma_semaphore, #tpu.memory_space<semaphore_mem>>
        %dma_start3A_507 = arith.constant 0 : i32
        %dma_start3A_508 = tpu.memref_slice %arg8[%run_scoped3A_403, %dma_start3A_507] : memref<8x128xi32, #tpu.memory_space<vmem>> -> memref<1x128xi32, #tpu.memory_space<vmem>>
        %dma_start3A_509 = tpu.memref_squeeze %dma_start3A_508 : memref<1x128xi32, #tpu.memory_space<vmem>> -> memref<128xi32, #tpu.memory_space<vmem>>
        %dma_start3A_510 = arith.constant 0 : i32
        %dma_start3A_511 = arith.constant 0 : i32
        %dma_start3A_512 = tpu.memref_slice %arg12[%dma_start3A_510, %dma_start3A_511] : memref<10064x128xf32, #tpu.memory_space<vmem_shared>> -> memref<10064x128xf32, #tpu.memory_space<vmem_shared>>
        tpu.enqueue_indirect_dma source(%arg11 : memref<128x128xf32, #tpu.memory_space<vmem>>) target(%dma_start3A_512 : memref<10064x128xf32, #tpu.memory_space<vmem_shared>>) offsets(%dma_start3A_509 : memref<128xi32, #tpu.memory_space<vmem>>) semaphore(%run_scoped3A_506 : memref<!tpu.dma_semaphore, #tpu.memory_space<semaphore_mem>>) {add = true}
        %dma_wait3A_513 = arith.constant 0 : i32
        %dma_wait3A_514 = tpu.memref_slice %arg8[%run_scoped3A_403, %dma_wait3A_513] : memref<8x128xi32, #tpu.memory_space<vmem>> -> memref<1x128xi32, #tpu.memory_space<vmem>>
        %dma_wait3A_515 = tpu.memref_squeeze %dma_wait3A_514 : memref<1x128xi32, #tpu.memory_space<vmem>> -> memref<128xi32, #tpu.memory_space<vmem>>
        %dma_wait3A_516 = arith.constant 0 : i32
        %dma_wait3A_517 = arith.constant 0 : i32
        %dma_wait3A_518 = tpu.memref_slice %arg12[%dma_wait3A_516, %dma_wait3A_517] : memref<10064x128xf32, #tpu.memory_space<vmem_shared>> -> memref<10064x128xf32, #tpu.memory_space<vmem_shared>>
        tpu.wait_indirect_dma semaphore(%run_scoped3A_506 : memref<!tpu.dma_semaphore, #tpu.memory_space<semaphore_mem>>) src(%arg11 : memref<128x128xf32, #tpu.memory_space<vmem>>) dst(%dma_wait3A_518 : memref<10064x128xf32, #tpu.memory_space<vmem_shared>>)
        tpu.yield
      }) : () -> ()
      %dma_start3A_404 = arith.constant 1 : i32
      %dma_start3A_405 = arith.constant 0 : i32
      %dma_start3A_406 = tpu.memref_slice %arg7[%dma_start3A_404, %dma_start3A_405] : memref<8x128xi32, #tpu.memory_space<vmem>> -> memref<1x128xi32, #tpu.memory_space<vmem>>
      %dma_start3A_407 = tpu.memref_squeeze %dma_start3A_406 : memref<1x128xi32, #tpu.memory_space<vmem>> -> memref<128xi32, #tpu.memory_space<vmem>>
      %dma_start3A_408 = arith.constant 0 : i32
      %dma_start3A_409 = arith.constant 0 : i32
      %dma_start3A_410 = tpu.memref_slice %arg2[%dma_start3A_408, %dma_start3A_409] : memref<10000x128xf32, #tpu.memory_space<hbm>> -> memref<10000x128xf32, #tpu.memory_space<hbm>>
      tpu.enqueue_indirect_dma source(%dma_start3A_410 : memref<10000x128xf32, #tpu.memory_space<hbm>>) target(%arg11 : memref<128x128xf32, #tpu.memory_space<vmem>>) offsets(%dma_start3A_407 : memref<128xi32, #tpu.memory_space<vmem>>) semaphore(%arg14 : memref<!tpu.dma_semaphore, #tpu.memory_space<semaphore_mem>>)
      %dma_wait3A_411 = arith.constant 0 : i32
      %dma_wait3A_412 = arith.constant 0 : i32
      %dma_wait3A_413 = tpu.memref_slice %arg7[%dma_wait3A_411, %dma_wait3A_412] : memref<8x128xi32, #tpu.memory_space<vmem>> -> memref<1x128xi32, #tpu.memory_space<vmem>>
      %dma_wait3A_414 = tpu.memref_squeeze %dma_wait3A_413 : memref<1x128xi32, #tpu.memory_space<vmem>> -> memref<128xi32, #tpu.memory_space<vmem>>
      %dma_wait3A_415 = arith.constant 0 : i32
      %dma_wait3A_416 = arith.constant 0 : i32
      %dma_wait3A_417 = tpu.memref_slice %arg2[%dma_wait3A_415, %dma_wait3A_416] : memref<10000x128xf32, #tpu.memory_space<hbm>> -> memref<10000x128xf32, #tpu.memory_space<hbm>>
      tpu.wait_indirect_dma semaphore(%arg13 : memref<!tpu.dma_semaphore, #tpu.memory_space<semaphore_mem>>) src(%dma_wait3A_417 : memref<10000x128xf32, #tpu.memory_space<hbm>>) dst(%arg10 : memref<128x128xf32, #tpu.memory_space<vmem>>)
      %run_scoped3A_418 = arith.constant 0 : i32
      "tpu.region"() ({
        %run_scoped3A_506 = tpu.sem_alloc : memref<!tpu.dma_semaphore, #tpu.memory_space<semaphore_mem>>
        %dma_start3A_507 = arith.constant 0 : i32
        %dma_start3A_508 = tpu.memref_slice %arg9[%run_scoped3A_418, %dma_start3A_507] : memref<8x128xi32, #tpu.memory_space<vmem>> -> memref<1x128xi32, #tpu.memory_space<vmem>>
        %dma_start3A_509 = tpu.memref_squeeze %dma_start3A_508 : memref<1x128xi32, #tpu.memory_space<vmem>> -> memref<128xi32, #tpu.memory_space<vmem>>
        %dma_start3A_510 = arith.constant 0 : i32
        %dma_start3A_511 = arith.constant 0 : i32
        %dma_start3A_512 = tpu.memref_slice %arg12[%dma_start3A_510, %dma_start3A_511] : memref<10064x128xf32, #tpu.memory_space<vmem_shared>> -> memref<10064x128xf32, #tpu.memory_space<vmem_shared>>
        tpu.enqueue_indirect_dma source(%arg10 : memref<128x128xf32, #tpu.memory_space<vmem>>) target(%dma_start3A_512 : memref<10064x128xf32, #tpu.memory_space<vmem_shared>>) offsets(%dma_start3A_509 : memref<128xi32, #tpu.memory_space<vmem>>) semaphore(%run_scoped3A_506 : memref<!tpu.dma_semaphore, #tpu.memory_space<semaphore_mem>>) {add = true}
        %dma_wait3A_513 = arith.constant 0 : i32
        %dma_wait3A_514 = tpu.memref_slice %arg9[%run_scoped3A_418, %dma_wait3A_513] : memref<8x128xi32, #tpu.memory_space<vmem>> -> memref<1x128xi32, #tpu.memory_space<vmem>>
        %dma_wait3A_515 = tpu.memref_squeeze %dma_wait3A_514 : memref<1x128xi32, #tpu.memory_space<vmem>> -> memref<128xi32, #tpu.memory_space<vmem>>
        %dma_wait3A_516 = arith.constant 0 : i32
        %dma_wait3A_517 = arith.constant 0 : i32
        %dma_wait3A_518 = tpu.memref_slice %arg12[%dma_wait3A_516, %dma_wait3A_517] : memref<10064x128xf32, #tpu.memory_space<vmem_shared>> -> memref<10064x128xf32, #tpu.memory_space<vmem_shared>>
        tpu.wait_indirect_dma semaphore(%run_scoped3A_506 : memref<!tpu.dma_semaphore, #tpu.memory_space<semaphore_mem>>) src(%arg10 : memref<128x128xf32, #tpu.memory_space<vmem>>) dst(%dma_wait3A_518 : memref<10064x128xf32, #tpu.memory_space<vmem_shared>>)
        tpu.yield
      }) : () -> ()
      %dma_start3A_419 = arith.constant 2 : i32
      %dma_start3A_420 = arith.constant 0 : i32
      %dma_start3A_421 = tpu.memref_slice %arg7[%dma_start3A_419, %dma_start3A_420] : memref<8x128xi32, #tpu.memory_space<vmem>> -> memref<1x128xi32, #tpu.memory_space<vmem>>
      %dma_start3A_422 = tpu.memref_squeeze %dma_start3A_421 : memref<1x128xi32, #tpu.memory_space<vmem>> -> memref<128xi32, #tpu.memory_space<vmem>>
      %dma_start3A_423 = arith.constant 0 : i32
      %dma_start3A_424 = arith.constant 0 : i32
      %dma_start3A_425 = tpu.memref_slice %arg2[%dma_start3A_423, %dma_start3A_424] : memref<10000x128xf32, #tpu.memory_space<hbm>> -> memref<10000x128xf32, #tpu.memory_space<hbm>>
      tpu.enqueue_indirect_dma source(%dma_start3A_425 : memref<10000x128xf32, #tpu.memory_space<hbm>>) target(%arg10 : memref<128x128xf32, #tpu.memory_space<vmem>>) offsets(%dma_start3A_422 : memref<128xi32, #tpu.memory_space<vmem>>) semaphore(%arg13 : memref<!tpu.dma_semaphore, #tpu.memory_space<semaphore_mem>>)
      %dma_wait3A_426 = arith.constant 1 : i32
      %dma_wait3A_427 = arith.constant 0 : i32
      %dma_wait3A_428 = tpu.memref_slice %arg7[%dma_wait3A_426, %dma_wait3A_427] : memref<8x128xi32, #tpu.memory_space<vmem>> -> memref<1x128xi32, #tpu.memory_space<vmem>>
      %dma_wait3A_429 = tpu.memref_squeeze %dma_wait3A_428 : memref<1x128xi32, #tpu.memory_space<vmem>> -> memref<128xi32, #tpu.memory_space<vmem>>
      %dma_wait3A_430 = arith.constant 0 : i32
      %dma_wait3A_431 = arith.constant 0 : i32
      %dma_wait3A_432 = tpu.memref_slice %arg2[%dma_wait3A_430, %dma_wait3A_431] : memref<10000x128xf32, #tpu.memory_space<hbm>> -> memref<10000x128xf32, #tpu.memory_space<hbm>>
      tpu.wait_indirect_dma semaphore(%arg14 : memref<!tpu.dma_semaphore, #tpu.memory_space<semaphore_mem>>) src(%dma_wait3A_432 : memref<10000x128xf32, #tpu.memory_space<hbm>>) dst(%arg11 : memref<128x128xf32, #tpu.memory_space<vmem>>)
      %run_scoped3A_433 = arith.constant 1 : i32
      "tpu.region"() ({
        %run_scoped3A_506 = tpu.sem_alloc : memref<!tpu.dma_semaphore, #tpu.memory_space<semaphore_mem>>
        %dma_start3A_507 = arith.constant 0 : i32
        %dma_start3A_508 = tpu.memref_slice %arg9[%run_scoped3A_433, %dma_start3A_507] : memref<8x128xi32, #tpu.memory_space<vmem>> -> memref<1x128xi32, #tpu.memory_space<vmem>>
        %dma_start3A_509 = tpu.memref_squeeze %dma_start3A_508 : memref<1x128xi32, #tpu.memory_space<vmem>> -> memref<128xi32, #tpu.memory_space<vmem>>
        %dma_start3A_510 = arith.constant 0 : i32
        %dma_start3A_511 = arith.constant 0 : i32
        %dma_start3A_512 = tpu.memref_slice %arg12[%dma_start3A_510, %dma_start3A_511] : memref<10064x128xf32, #tpu.memory_space<vmem_shared>> -> memref<10064x128xf32, #tpu.memory_space<vmem_shared>>
        tpu.enqueue_indirect_dma source(%arg11 : memref<128x128xf32, #tpu.memory_space<vmem>>) target(%dma_start3A_512 : memref<10064x128xf32, #tpu.memory_space<vmem_shared>>) offsets(%dma_start3A_509 : memref<128xi32, #tpu.memory_space<vmem>>) semaphore(%run_scoped3A_506 : memref<!tpu.dma_semaphore, #tpu.memory_space<semaphore_mem>>) {add = true}
        %dma_wait3A_513 = arith.constant 0 : i32
        %dma_wait3A_514 = tpu.memref_slice %arg9[%run_scoped3A_433, %dma_wait3A_513] : memref<8x128xi32, #tpu.memory_space<vmem>> -> memref<1x128xi32, #tpu.memory_space<vmem>>
        %dma_wait3A_515 = tpu.memref_squeeze %dma_wait3A_514 : memref<1x128xi32, #tpu.memory_space<vmem>> -> memref<128xi32, #tpu.memory_space<vmem>>
        %dma_wait3A_516 = arith.constant 0 : i32
        %dma_wait3A_517 = arith.constant 0 : i32
        %dma_wait3A_518 = tpu.memref_slice %arg12[%dma_wait3A_516, %dma_wait3A_517] : memref<10064x128xf32, #tpu.memory_space<vmem_shared>> -> memref<10064x128xf32, #tpu.memory_space<vmem_shared>>
        tpu.wait_indirect_dma semaphore(%run_scoped3A_506 : memref<!tpu.dma_semaphore, #tpu.memory_space<semaphore_mem>>) src(%arg11 : memref<128x128xf32, #tpu.memory_space<vmem>>) dst(%dma_wait3A_518 : memref<10064x128xf32, #tpu.memory_space<vmem_shared>>)
        tpu.yield
      }) : () -> ()
      %dma_start3A_434 = arith.constant 3 : i32
      %dma_start3A_435 = arith.constant 0 : i32
      %dma_start3A_436 = tpu.memref_slice %arg7[%dma_start3A_434, %dma_start3A_435] : memref<8x128xi32, #tpu.memory_space<vmem>> -> memref<1x128xi32, #tpu.memory_space<vmem>>
      %dma_start3A_437 = tpu.memref_squeeze %dma_start3A_436 : memref<1x128xi32, #tpu.memory_space<vmem>> -> memref<128xi32, #tpu.memory_space<vmem>>
      %dma_start3A_438 = arith.constant 0 : i32
      %dma_start3A_439 = arith.constant 0 : i32
      %dma_start3A_440 = tpu.memref_slice %arg2[%dma_start3A_438, %dma_start3A_439] : memref<10000x128xf32, #tpu.memory_space<hbm>> -> memref<10000x128xf32, #tpu.memory_space<hbm>>
      tpu.enqueue_indirect_dma source(%dma_start3A_440 : memref<10000x128xf32, #tpu.memory_space<hbm>>) target(%arg11 : memref<128x128xf32, #tpu.memory_space<vmem>>) offsets(%dma_start3A_437 : memref<128xi32, #tpu.memory_space<vmem>>) semaphore(%arg14 : memref<!tpu.dma_semaphore, #tpu.memory_space<semaphore_mem>>)
      %dma_wait3A_441 = arith.constant 2 : i32
      %dma_wait3A_442 = arith.constant 0 : i32
      %dma_wait3A_443 = tpu.memref_slice %arg7[%dma_wait3A_441, %dma_wait3A_442] : memref<8x128xi32, #tpu.memory_space<vmem>> -> memref<1x128xi32, #tpu.memory_space<vmem>>
      %dma_wait3A_444 = tpu.memref_squeeze %dma_wait3A_443 : memref<1x128xi32, #tpu.memory_space<vmem>> -> memref<128xi32, #tpu.memory_space<vmem>>
      %dma_wait3A_445 = arith.constant 0 : i32
      %dma_wait3A_446 = arith.constant 0 : i32
      %dma_wait3A_447 = tpu.memref_slice %arg2[%dma_wait3A_445, %dma_wait3A_446] : memref<10000x128xf32, #tpu.memory_space<hbm>> -> memref<10000x128xf32, #tpu.memory_space<hbm>>
      tpu.wait_indirect_dma semaphore(%arg13 : memref<!tpu.dma_semaphore, #tpu.memory_space<semaphore_mem>>) src(%dma_wait3A_447 : memref<10000x128xf32, #tpu.memory_space<hbm>>) dst(%arg10 : memref<128x128xf32, #tpu.memory_space<vmem>>)
      %run_scoped3A_448 = arith.constant 2 : i32
      "tpu.region"() ({
        %run_scoped3A_506 = tpu.sem_alloc : memref<!tpu.dma_semaphore, #tpu.memory_space<semaphore_mem>>
        %dma_start3A_507 = arith.constant 0 : i32
        %dma_start3A_508 = tpu.memref_slice %arg9[%run_scoped3A_448, %dma_start3A_507] : memref<8x128xi32, #tpu.memory_space<vmem>> -> memref<1x128xi32, #tpu.memory_space<vmem>>
        %dma_start3A_509 = tpu.memref_squeeze %dma_start3A_508 : memref<1x128xi32, #tpu.memory_space<vmem>> -> memref<128xi32, #tpu.memory_space<vmem>>
        %dma_start3A_510 = arith.constant 0 : i32
        %dma_start3A_511 = arith.constant 0 : i32
        %dma_start3A_512 = tpu.memref_slice %arg12[%dma_start3A_510, %dma_start3A_511] : memref<10064x128xf32, #tpu.memory_space<vmem_shared>> -> memref<10064x128xf32, #tpu.memory_space<vmem_shared>>
        tpu.enqueue_indirect_dma source(%arg10 : memref<128x128xf32, #tpu.memory_space<vmem>>) target(%dma_start3A_512 : memref<10064x128xf32, #tpu.memory_space<vmem_shared>>) offsets(%dma_start3A_509 : memref<128xi32, #tpu.memory_space<vmem>>) semaphore(%run_scoped3A_506 : memref<!tpu.dma_semaphore, #tpu.memory_space<semaphore_mem>>) {add = true}
        %dma_wait3A_513 = arith.constant 0 : i32
        %dma_wait3A_514 = tpu.memref_slice %arg9[%run_scoped3A_448, %dma_wait3A_513] : memref<8x128xi32, #tpu.memory_space<vmem>> -> memref<1x128xi32, #tpu.memory_space<vmem>>
        %dma_wait3A_515 = tpu.memref_squeeze %dma_wait3A_514 : memref<1x128xi32, #tpu.memory_space<vmem>> -> memref<128xi32, #tpu.memory_space<vmem>>
        %dma_wait3A_516 = arith.constant 0 : i32
        %dma_wait3A_517 = arith.constant 0 : i32
        %dma_wait3A_518 = tpu.memref_slice %arg12[%dma_wait3A_516, %dma_wait3A_517] : memref<10064x128xf32, #tpu.memory_space<vmem_shared>> -> memref<10064x128xf32, #tpu.memory_space<vmem_shared>>
        tpu.wait_indirect_dma semaphore(%run_scoped3A_506 : memref<!tpu.dma_semaphore, #tpu.memory_space<semaphore_mem>>) src(%arg10 : memref<128x128xf32, #tpu.memory_space<vmem>>) dst(%dma_wait3A_518 : memref<10064x128xf32, #tpu.memory_space<vmem_shared>>)
        tpu.yield
      }) : () -> ()
      %dma_start3A_449 = arith.constant 4 : i32
      %dma_start3A_450 = arith.constant 0 : i32
      %dma_start3A_451 = tpu.memref_slice %arg7[%dma_start3A_449, %dma_start3A_450] : memref<8x128xi32, #tpu.memory_space<vmem>> -> memref<1x128xi32, #tpu.memory_space<vmem>>
      %dma_start3A_452 = tpu.memref_squeeze %dma_start3A_451 : memref<1x128xi32, #tpu.memory_space<vmem>> -> memref<128xi32, #tpu.memory_space<vmem>>
      %dma_start3A_453 = arith.constant 0 : i32
      %dma_start3A_454 = arith.constant 0 : i32
      %dma_start3A_455 = tpu.memref_slice %arg2[%dma_start3A_453, %dma_start3A_454] : memref<10000x128xf32, #tpu.memory_space<hbm>> -> memref<10000x128xf32, #tpu.memory_space<hbm>>
      tpu.enqueue_indirect_dma source(%dma_start3A_455 : memref<10000x128xf32, #tpu.memory_space<hbm>>) target(%arg10 : memref<128x128xf32, #tpu.memory_space<vmem>>) offsets(%dma_start3A_452 : memref<128xi32, #tpu.memory_space<vmem>>) semaphore(%arg13 : memref<!tpu.dma_semaphore, #tpu.memory_space<semaphore_mem>>)
      %dma_wait3A_456 = arith.constant 3 : i32
      %dma_wait3A_457 = arith.constant 0 : i32
      %dma_wait3A_458 = tpu.memref_slice %arg7[%dma_wait3A_456, %dma_wait3A_457] : memref<8x128xi32, #tpu.memory_space<vmem>> -> memref<1x128xi32, #tpu.memory_space<vmem>>
      %dma_wait3A_459 = tpu.memref_squeeze %dma_wait3A_458 : memref<1x128xi32, #tpu.memory_space<vmem>> -> memref<128xi32, #tpu.memory_space<vmem>>
      %dma_wait3A_460 = arith.constant 0 : i32
      %dma_wait3A_461 = arith.constant 0 : i32
      %dma_wait3A_462 = tpu.memref_slice %arg2[%dma_wait3A_460, %dma_wait3A_461] : memref<10000x128xf32, #tpu.memory_space<hbm>> -> memref<10000x128xf32, #tpu.memory_space<hbm>>
      tpu.wait_indirect_dma semaphore(%arg14 : memref<!tpu.dma_semaphore, #tpu.memory_space<semaphore_mem>>) src(%dma_wait3A_462 : memref<10000x128xf32, #tpu.memory_space<hbm>>) dst(%arg11 : memref<128x128xf32, #tpu.memory_space<vmem>>)
      %run_scoped3A_463 = arith.constant 3 : i32
      "tpu.region"() ({
        %run_scoped3A_506 = tpu.sem_alloc : memref<!tpu.dma_semaphore, #tpu.memory_space<semaphore_mem>>
        %dma_start3A_507 = arith.constant 0 : i32
        %dma_start3A_508 = tpu.memref_slice %arg9[%run_scoped3A_463, %dma_start3A_507] : memref<8x128xi32, #tpu.memory_space<vmem>> -> memref<1x128xi32, #tpu.memory_space<vmem>>
        %dma_start3A_509 = tpu.memref_squeeze %dma_start3A_508 : memref<1x128xi32, #tpu.memory_space<vmem>> -> memref<128xi32, #tpu.memory_space<vmem>>
        %dma_start3A_510 = arith.constant 0 : i32
        %dma_start3A_511 = arith.constant 0 : i32
        %dma_start3A_512 = tpu.memref_slice %arg12[%dma_start3A_510, %dma_start3A_511] : memref<10064x128xf32, #tpu.memory_space<vmem_shared>> -> memref<10064x128xf32, #tpu.memory_space<vmem_shared>>
        tpu.enqueue_indirect_dma source(%arg11 : memref<128x128xf32, #tpu.memory_space<vmem>>) target(%dma_start3A_512 : memref<10064x128xf32, #tpu.memory_space<vmem_shared>>) offsets(%dma_start3A_509 : memref<128xi32, #tpu.memory_space<vmem>>) semaphore(%run_scoped3A_506 : memref<!tpu.dma_semaphore, #tpu.memory_space<semaphore_mem>>) {add = true}
        %dma_wait3A_513 = arith.constant 0 : i32
        %dma_wait3A_514 = tpu.memref_slice %arg9[%run_scoped3A_463, %dma_wait3A_513] : memref<8x128xi32, #tpu.memory_space<vmem>> -> memref<1x128xi32, #tpu.memory_space<vmem>>
        %dma_wait3A_515 = tpu.memref_squeeze %dma_wait3A_514 : memref<1x128xi32, #tpu.memory_space<vmem>> -> memref<128xi32, #tpu.memory_space<vmem>>
        %dma_wait3A_516 = arith.constant 0 : i32
        %dma_wait3A_517 = arith.constant 0 : i32
        %dma_wait3A_518 = tpu.memref_slice %arg12[%dma_wait3A_516, %dma_wait3A_517] : memref<10064x128xf32, #tpu.memory_space<vmem_shared>> -> memref<10064x128xf32, #tpu.memory_space<vmem_shared>>
        tpu.wait_indirect_dma semaphore(%run_scoped3A_506 : memref<!tpu.dma_semaphore, #tpu.memory_space<semaphore_mem>>) src(%arg11 : memref<128x128xf32, #tpu.memory_space<vmem>>) dst(%dma_wait3A_518 : memref<10064x128xf32, #tpu.memory_space<vmem_shared>>)
        tpu.yield
      }) : () -> ()
      %dma_start3A_464 = arith.constant 5 : i32
      %dma_start3A_465 = arith.constant 0 : i32
      %dma_start3A_466 = tpu.memref_slice %arg7[%dma_start3A_464, %dma_start3A_465] : memref<8x128xi32, #tpu.memory_space<vmem>> -> memref<1x128xi32, #tpu.memory_space<vmem>>
      %dma_start3A_467 = tpu.memref_squeeze %dma_start3A_466 : memref<1x128xi32, #tpu.memory_space<vmem>> -> memref<128xi32, #tpu.memory_space<vmem>>
      %dma_start3A_468 = arith.constant 0 : i32
      %dma_start3A_469 = arith.constant 0 : i32
      %dma_start3A_470 = tpu.memref_slice %arg2[%dma_start3A_468, %dma_start3A_469] : memref<10000x128xf32, #tpu.memory_space<hbm>> -> memref<10000x128xf32, #tpu.memory_space<hbm>>
      tpu.enqueue_indirect_dma source(%dma_start3A_470 : memref<10000x128xf32, #tpu.memory_space<hbm>>) target(%arg11 : memref<128x128xf32, #tpu.memory_space<vmem>>) offsets(%dma_start3A_467 : memref<128xi32, #tpu.memory_space<vmem>>) semaphore(%arg14 : memref<!tpu.dma_semaphore, #tpu.memory_space<semaphore_mem>>)
      %dma_wait3A_471 = arith.constant 4 : i32
      %dma_wait3A_472 = arith.constant 0 : i32
      %dma_wait3A_473 = tpu.memref_slice %arg7[%dma_wait3A_471, %dma_wait3A_472] : memref<8x128xi32, #tpu.memory_space<vmem>> -> memref<1x128xi32, #tpu.memory_space<vmem>>
      %dma_wait3A_474 = tpu.memref_squeeze %dma_wait3A_473 : memref<1x128xi32, #tpu.memory_space<vmem>> -> memref<128xi32, #tpu.memory_space<vmem>>
      %dma_wait3A_475 = arith.constant 0 : i32
      %dma_wait3A_476 = arith.constant 0 : i32
      %dma_wait3A_477 = tpu.memref_slice %arg2[%dma_wait3A_475, %dma_wait3A_476] : memref<10000x128xf32, #tpu.memory_space<hbm>> -> memref<10000x128xf32, #tpu.memory_space<hbm>>
      tpu.wait_indirect_dma semaphore(%arg13 : memref<!tpu.dma_semaphore, #tpu.memory_space<semaphore_mem>>) src(%dma_wait3A_477 : memref<10000x128xf32, #tpu.memory_space<hbm>>) dst(%arg10 : memref<128x128xf32, #tpu.memory_space<vmem>>)
      %run_scoped3A_478 = arith.constant 4 : i32
      "tpu.region"() ({
        %run_scoped3A_506 = tpu.sem_alloc : memref<!tpu.dma_semaphore, #tpu.memory_space<semaphore_mem>>
        %dma_start3A_507 = arith.constant 0 : i32
        %dma_start3A_508 = tpu.memref_slice %arg9[%run_scoped3A_478, %dma_start3A_507] : memref<8x128xi32, #tpu.memory_space<vmem>> -> memref<1x128xi32, #tpu.memory_space<vmem>>
        %dma_start3A_509 = tpu.memref_squeeze %dma_start3A_508 : memref<1x128xi32, #tpu.memory_space<vmem>> -> memref<128xi32, #tpu.memory_space<vmem>>
        %dma_start3A_510 = arith.constant 0 : i32
        %dma_start3A_511 = arith.constant 0 : i32
        %dma_start3A_512 = tpu.memref_slice %arg12[%dma_start3A_510, %dma_start3A_511] : memref<10064x128xf32, #tpu.memory_space<vmem_shared>> -> memref<10064x128xf32, #tpu.memory_space<vmem_shared>>
        tpu.enqueue_indirect_dma source(%arg10 : memref<128x128xf32, #tpu.memory_space<vmem>>) target(%dma_start3A_512 : memref<10064x128xf32, #tpu.memory_space<vmem_shared>>) offsets(%dma_start3A_509 : memref<128xi32, #tpu.memory_space<vmem>>) semaphore(%run_scoped3A_506 : memref<!tpu.dma_semaphore, #tpu.memory_space<semaphore_mem>>) {add = true}
        %dma_wait3A_513 = arith.constant 0 : i32
        %dma_wait3A_514 = tpu.memref_slice %arg9[%run_scoped3A_478, %dma_wait3A_513] : memref<8x128xi32, #tpu.memory_space<vmem>> -> memref<1x128xi32, #tpu.memory_space<vmem>>
        %dma_wait3A_515 = tpu.memref_squeeze %dma_wait3A_514 : memref<1x128xi32, #tpu.memory_space<vmem>> -> memref<128xi32, #tpu.memory_space<vmem>>
        %dma_wait3A_516 = arith.constant 0 : i32
        %dma_wait3A_517 = arith.constant 0 : i32
        %dma_wait3A_518 = tpu.memref_slice %arg12[%dma_wait3A_516, %dma_wait3A_517] : memref<10064x128xf32, #tpu.memory_space<vmem_shared>> -> memref<10064x128xf32, #tpu.memory_space<vmem_shared>>
        tpu.wait_indirect_dma semaphore(%run_scoped3A_506 : memref<!tpu.dma_semaphore, #tpu.memory_space<semaphore_mem>>) src(%arg10 : memref<128x128xf32, #tpu.memory_space<vmem>>) dst(%dma_wait3A_518 : memref<10064x128xf32, #tpu.memory_space<vmem_shared>>)
        tpu.yield
      }) : () -> ()
      %dma_start3A_479 = arith.constant 6 : i32
      %dma_start3A_480 = arith.constant 0 : i32
      %dma_start3A_481 = tpu.memref_slice %arg7[%dma_start3A_479, %dma_start3A_480] : memref<8x128xi32, #tpu.memory_space<vmem>> -> memref<1x128xi32, #tpu.memory_space<vmem>>
      %dma_start3A_482 = tpu.memref_squeeze %dma_start3A_481 : memref<1x128xi32, #tpu.memory_space<vmem>> -> memref<128xi32, #tpu.memory_space<vmem>>
      %dma_start3A_483 = arith.constant 0 : i32
      %dma_start3A_484 = arith.constant 0 : i32
      %dma_start3A_485 = tpu.memref_slice %arg2[%dma_start3A_483, %dma_start3A_484] : memref<10000x128xf32, #tpu.memory_space<hbm>> -> memref<10000x128xf32, #tpu.memory_space<hbm>>
      tpu.enqueue_indirect_dma source(%dma_start3A_485 : memref<10000x128xf32, #tpu.memory_space<hbm>>) target(%arg10 : memref<128x128xf32, #tpu.memory_space<vmem>>) offsets(%dma_start3A_482 : memref<128xi32, #tpu.memory_space<vmem>>) semaphore(%arg13 : memref<!tpu.dma_semaphore, #tpu.memory_space<semaphore_mem>>)
      %dma_wait3A_486 = arith.constant 5 : i32
      %dma_wait3A_487 = arith.constant 0 : i32
      %dma_wait3A_488 = tpu.memref_slice %arg7[%dma_wait3A_486, %dma_wait3A_487] : memref<8x128xi32, #tpu.memory_space<vmem>> -> memref<1x128xi32, #tpu.memory_space<vmem>>
      %dma_wait3A_489 = tpu.memref_squeeze %dma_wait3A_488 : memref<1x128xi32, #tpu.memory_space<vmem>> -> memref<128xi32, #tpu.memory_space<vmem>>
      %dma_wait3A_490 = arith.constant 0 : i32
      %dma_wait3A_491 = arith.constant 0 : i32
      %dma_wait3A_492 = tpu.memref_slice %arg2[%dma_wait3A_490, %dma_wait3A_491] : memref<10000x128xf32, #tpu.memory_space<hbm>> -> memref<10000x128xf32, #tpu.memory_space<hbm>>
      tpu.wait_indirect_dma semaphore(%arg14 : memref<!tpu.dma_semaphore, #tpu.memory_space<semaphore_mem>>) src(%dma_wait3A_492 : memref<10000x128xf32, #tpu.memory_space<hbm>>) dst(%arg11 : memref<128x128xf32, #tpu.memory_space<vmem>>)
      %run_scoped3A_493 = arith.constant 5 : i32
      "tpu.region"() ({
        %run_scoped3A_506 = tpu.sem_alloc : memref<!tpu.dma_semaphore, #tpu.memory_space<semaphore_mem>>
        %dma_start3A_507 = arith.constant 0 : i32
        %dma_start3A_508 = tpu.memref_slice %arg9[%run_scoped3A_493, %dma_start3A_507] : memref<8x128xi32, #tpu.memory_space<vmem>> -> memref<1x128xi32, #tpu.memory_space<vmem>>
        %dma_start3A_509 = tpu.memref_squeeze %dma_start3A_508 : memref<1x128xi32, #tpu.memory_space<vmem>> -> memref<128xi32, #tpu.memory_space<vmem>>
        %dma_start3A_510 = arith.constant 0 : i32
        %dma_start3A_511 = arith.constant 0 : i32
        %dma_start3A_512 = tpu.memref_slice %arg12[%dma_start3A_510, %dma_start3A_511] : memref<10064x128xf32, #tpu.memory_space<vmem_shared>> -> memref<10064x128xf32, #tpu.memory_space<vmem_shared>>
        tpu.enqueue_indirect_dma source(%arg11 : memref<128x128xf32, #tpu.memory_space<vmem>>) target(%dma_start3A_512 : memref<10064x128xf32, #tpu.memory_space<vmem_shared>>) offsets(%dma_start3A_509 : memref<128xi32, #tpu.memory_space<vmem>>) semaphore(%run_scoped3A_506 : memref<!tpu.dma_semaphore, #tpu.memory_space<semaphore_mem>>) {add = true}
        %dma_wait3A_513 = arith.constant 0 : i32
        %dma_wait3A_514 = tpu.memref_slice %arg9[%run_scoped3A_493, %dma_wait3A_513] : memref<8x128xi32, #tpu.memory_space<vmem>> -> memref<1x128xi32, #tpu.memory_space<vmem>>
        %dma_wait3A_515 = tpu.memref_squeeze %dma_wait3A_514 : memref<1x128xi32, #tpu.memory_space<vmem>> -> memref<128xi32, #tpu.memory_space<vmem>>
        %dma_wait3A_516 = arith.constant 0 : i32
        %dma_wait3A_517 = arith.constant 0 : i32
        %dma_wait3A_518 = tpu.memref_slice %arg12[%dma_wait3A_516, %dma_wait3A_517] : memref<10064x128xf32, #tpu.memory_space<vmem_shared>> -> memref<10064x128xf32, #tpu.memory_space<vmem_shared>>
        tpu.wait_indirect_dma semaphore(%run_scoped3A_506 : memref<!tpu.dma_semaphore, #tpu.memory_space<semaphore_mem>>) src(%arg11 : memref<128x128xf32, #tpu.memory_space<vmem>>) dst(%dma_wait3A_518 : memref<10064x128xf32, #tpu.memory_space<vmem_shared>>)
        tpu.yield
      }) : () -> ()
      %dma_start3A_494 = arith.constant 7 : i32
      %dma_start3A_495 = arith.constant 0 : i32
      %dma_start3A_496 = tpu.memref_slice %arg7[%dma_start3A_494, %dma_start3A_495] : memref<8x128xi32, #tpu.memory_space<vmem>> -> memref<1x128xi32, #tpu.memory_space<vmem>>
      %dma_start3A_497 = tpu.memref_squeeze %dma_start3A_496 : memref<1x128xi32, #tpu.memory_space<vmem>> -> memref<128xi32, #tpu.memory_space<vmem>>
      %dma_start3A_498 = arith.constant 0 : i32
      %dma_start3A_499 = arith.constant 0 : i32
      %dma_start3A_500 = tpu.memref_slice %arg2[%dma_start3A_498, %dma_start3A_499] : memref<10000x128xf32, #tpu.memory_space<hbm>> -> memref<10000x128xf32, #tpu.memory_space<hbm>>
      tpu.enqueue_indirect_dma source(%dma_start3A_500 : memref<10000x128xf32, #tpu.memory_space<hbm>>) target(%arg11 : memref<128x128xf32, #tpu.memory_space<vmem>>) offsets(%dma_start3A_497 : memref<128xi32, #tpu.memory_space<vmem>>) semaphore(%arg14 : memref<!tpu.dma_semaphore, #tpu.memory_space<semaphore_mem>>)
      %lt3A_501 = arith.constant 4 : i32
      %lt3A_502 = arith.cmpi slt, %scan3A_242, %lt3A_501 : i32
      %convert_element_type3A_503 = arith.extui %lt3A_502 : i1 to i32
      %cond3A_504 = arith.constant 0 : i32
      %cond3A_505 = arith.cmpi ne, %convert_element_type3A_503, %cond3A_504 : i32
      scf.if %cond3A_505 {
        %add3A_506 = arith.constant 16 : i32
        %add3A_507 = arith.addi %add3A_245, %add3A_506 : i32
        %dma_start3A_508 = arith.constant 0 : i32
        %dma_start3A_509 = tpu.memref_slice %arg3[%add3A_507, %dma_start3A_508] : memref<2560x128xi32, #tpu.memory_space<hbm>> -> memref<8x128xi32, #tpu.memory_space<hbm>>
        %dma_start3A_510 = arith.constant 0 : i32
        %dma_start3A_511 = tpu.memref_slice %arg3[%add3A_507, %dma_start3A_510] : memref<2560x128xi32, #tpu.memory_space<hbm>> -> memref<8x128xi32, #tpu.memory_space<hbm>>
        tpu.enqueue_dma source(%dma_start3A_511 : memref<8x128xi32, #tpu.memory_space<hbm>>) target(%arg6 : memref<8x128xi32, #tpu.memory_space<vmem>>) target_semaphore(%arg16 : memref<!tpu.dma_semaphore, #tpu.memory_space<semaphore_mem>>)
        %add3A_512 = arith.constant 16 : i32
        %add3A_513 = arith.addi %add3A_245, %add3A_512 : i32
        %dma_start3A_514 = arith.constant 0 : i32
        %dma_start3A_515 = tpu.memref_slice %arg4[%add3A_513, %dma_start3A_514] : memref<2560x128xi32, #tpu.memory_space<hbm>> -> memref<8x128xi32, #tpu.memory_space<hbm>>
        %dma_start3A_516 = arith.constant 0 : i32
        %dma_start3A_517 = tpu.memref_slice %arg4[%add3A_513, %dma_start3A_516] : memref<2560x128xi32, #tpu.memory_space<hbm>> -> memref<8x128xi32, #tpu.memory_space<hbm>>
        tpu.enqueue_dma source(%dma_start3A_517 : memref<8x128xi32, #tpu.memory_space<hbm>>) target(%arg8 : memref<8x128xi32, #tpu.memory_space<vmem>>) target_semaphore(%arg16 : memref<!tpu.dma_semaphore, #tpu.memory_space<semaphore_mem>>)
      } else {
      }
    }
    %scan3A_116 = arith.constant 5 : i32
    %dma_wait3A = arith.constant 0 : i32
    %dma_wait3A_117 = arith.constant 0 : i32
    %dma_wait3A_118 = tpu.memref_slice %arg2[%dma_wait3A, %dma_wait3A_117] : memref<10000x128xf32, #tpu.memory_space<hbm>> -> memref<128x128xf32, #tpu.memory_space<hbm>>
    %dma_wait3A_119 = arith.constant 0 : i32
    %dma_wait3A_120 = arith.constant 0 : i32
    %dma_wait3A_121 = tpu.memref_slice %arg2[%dma_wait3A_119, %dma_wait3A_120] : memref<10000x128xf32, #tpu.memory_space<hbm>> -> memref<128x128xf32, #tpu.memory_space<hbm>>
    tpu.wait_dma2 semaphore(%arg13 : memref<!tpu.dma_semaphore, #tpu.memory_space<semaphore_mem>>) src(%dma_wait3A_121 : memref<128x128xf32, #tpu.memory_space<hbm>>) dst(%arg10 : memref<128x128xf32, #tpu.memory_space<vmem>>)
    %run_scoped3A = arith.constant 6 : i32
    "tpu.region"() ({
      %run_scoped3A_242 = tpu.sem_alloc : memref<!tpu.dma_semaphore, #tpu.memory_space<semaphore_mem>>
      %dma_start3A = arith.constant 0 : i32
      %dma_start3A_243 = tpu.memref_slice %arg9[%run_scoped3A, %dma_start3A] : memref<8x128xi32, #tpu.memory_space<vmem>> -> memref<1x128xi32, #tpu.memory_space<vmem>>
      %dma_start3A_244 = tpu.memref_squeeze %dma_start3A_243 : memref<1x128xi32, #tpu.memory_space<vmem>> -> memref<128xi32, #tpu.memory_space<vmem>>
      %dma_start3A_245 = arith.constant 0 : i32
      %dma_start3A_246 = arith.constant 0 : i32
      %dma_start3A_247 = tpu.memref_slice %arg12[%dma_start3A_245, %dma_start3A_246] : memref<10064x128xf32, #tpu.memory_space<vmem_shared>> -> memref<10064x128xf32, #tpu.memory_space<vmem_shared>>
      tpu.enqueue_indirect_dma source(%arg10 : memref<128x128xf32, #tpu.memory_space<vmem>>) target(%dma_start3A_247 : memref<10064x128xf32, #tpu.memory_space<vmem_shared>>) offsets(%dma_start3A_244 : memref<128xi32, #tpu.memory_space<vmem>>) semaphore(%run_scoped3A_242 : memref<!tpu.dma_semaphore, #tpu.memory_space<semaphore_mem>>) {add = true}
      %dma_wait3A_248 = arith.constant 0 : i32
      %dma_wait3A_249 = tpu.memref_slice %arg9[%run_scoped3A, %dma_wait3A_248] : memref<8x128xi32, #tpu.memory_space<vmem>> -> memref<1x128xi32, #tpu.memory_space<vmem>>
      %dma_wait3A_250 = tpu.memref_squeeze %dma_wait3A_249 : memref<1x128xi32, #tpu.memory_space<vmem>> -> memref<128xi32, #tpu.memory_space<vmem>>
      %dma_wait3A_251 = arith.constant 0 : i32
      %dma_wait3A_252 = arith.constant 0 : i32
      %dma_wait3A_253 = tpu.memref_slice %arg12[%dma_wait3A_251, %dma_wait3A_252] : memref<10064x128xf32, #tpu.memory_space<vmem_shared>> -> memref<10064x128xf32, #tpu.memory_space<vmem_shared>>
      tpu.wait_indirect_dma semaphore(%run_scoped3A_242 : memref<!tpu.dma_semaphore, #tpu.memory_space<semaphore_mem>>) src(%arg10 : memref<128x128xf32, #tpu.memory_space<vmem>>) dst(%dma_wait3A_253 : memref<10064x128xf32, #tpu.memory_space<vmem_shared>>)
      tpu.yield
    }) : () -> ()
    %dma_wait3A_122 = arith.constant 0 : i32
    %dma_wait3A_123 = arith.constant 0 : i32
    %dma_wait3A_124 = tpu.memref_slice %arg2[%dma_wait3A_122, %dma_wait3A_123] : memref<10000x128xf32, #tpu.memory_space<hbm>> -> memref<128x128xf32, #tpu.memory_space<hbm>>
    %dma_wait3A_125 = arith.constant 0 : i32
    %dma_wait3A_126 = arith.constant 0 : i32
    %dma_wait3A_127 = tpu.memref_slice %arg2[%dma_wait3A_125, %dma_wait3A_126] : memref<10000x128xf32, #tpu.memory_space<hbm>> -> memref<128x128xf32, #tpu.memory_space<hbm>>
    tpu.wait_dma2 semaphore(%arg14 : memref<!tpu.dma_semaphore, #tpu.memory_space<semaphore_mem>>) src(%dma_wait3A_127 : memref<128x128xf32, #tpu.memory_space<hbm>>) dst(%arg11 : memref<128x128xf32, #tpu.memory_space<vmem>>)
    %run_scoped3A_128 = arith.constant 7 : i32
    "tpu.region"() ({
      %run_scoped3A_242 = tpu.sem_alloc : memref<!tpu.dma_semaphore, #tpu.memory_space<semaphore_mem>>
      %dma_start3A = arith.constant 0 : i32
      %dma_start3A_243 = tpu.memref_slice %arg9[%run_scoped3A_128, %dma_start3A] : memref<8x128xi32, #tpu.memory_space<vmem>> -> memref<1x128xi32, #tpu.memory_space<vmem>>
      %dma_start3A_244 = tpu.memref_squeeze %dma_start3A_243 : memref<1x128xi32, #tpu.memory_space<vmem>> -> memref<128xi32, #tpu.memory_space<vmem>>
      %dma_start3A_245 = arith.constant 0 : i32
      %dma_start3A_246 = arith.constant 0 : i32
      %dma_start3A_247 = tpu.memref_slice %arg12[%dma_start3A_245, %dma_start3A_246] : memref<10064x128xf32, #tpu.memory_space<vmem_shared>> -> memref<10064x128xf32, #tpu.memory_space<vmem_shared>>
      tpu.enqueue_indirect_dma source(%arg11 : memref<128x128xf32, #tpu.memory_space<vmem>>) target(%dma_start3A_247 : memref<10064x128xf32, #tpu.memory_space<vmem_shared>>) offsets(%dma_start3A_244 : memref<128xi32, #tpu.memory_space<vmem>>) semaphore(%run_scoped3A_242 : memref<!tpu.dma_semaphore, #tpu.memory_space<semaphore_mem>>) {add = true}
      %dma_wait3A_248 = arith.constant 0 : i32
      %dma_wait3A_249 = tpu.memref_slice %arg9[%run_scoped3A_128, %dma_wait3A_248] : memref<8x128xi32, #tpu.memory_space<vmem>> -> memref<1x128xi32, #tpu.memory_space<vmem>>
      %dma_wait3A_250 = tpu.memref_squeeze %dma_wait3A_249 : memref<1x128xi32, #tpu.memory_space<vmem>> -> memref<128xi32, #tpu.memory_space<vmem>>
      %dma_wait3A_251 = arith.constant 0 : i32
      %dma_wait3A_252 = arith.constant 0 : i32
      %dma_wait3A_253 = tpu.memref_slice %arg12[%dma_wait3A_251, %dma_wait3A_252] : memref<10064x128xf32, #tpu.memory_space<vmem_shared>> -> memref<10064x128xf32, #tpu.memory_space<vmem_shared>>
      tpu.wait_indirect_dma semaphore(%run_scoped3A_242 : memref<!tpu.dma_semaphore, #tpu.memory_space<semaphore_mem>>) src(%arg11 : memref<128x128xf32, #tpu.memory_space<vmem>>) dst(%dma_wait3A_253 : memref<10064x128xf32, #tpu.memory_space<vmem_shared>>)
      tpu.yield
    }) : () -> ()
    %barrier3A_129 = arith.constant 0 : index
    tpu.barrier barrier_id(%barrier3A_129)
    %add3A_130 = arith.constant 0 : i32
    %add3A_131 = arith.addi %arg1, %add3A_130 : i32
    %lt3A_132 = arith.constant 125 : i32
    %lt3A_133 = arith.cmpi slt, %add3A_131, %lt3A_132 : i32
    %convert_element_type3A_134 = arith.extui %lt3A_133 : i1 to i32
    %cond3A_135 = arith.constant 0 : i32
    %cond3A_136 = arith.cmpi ne, %convert_element_type3A_134, %cond3A_135 : i32
    scf.if %cond3A_136 {
      %mul3A_242 = arith.constant 80 : i32
      %mul3A_243 = arith.muli %add3A_131, %mul3A_242 : i32
      %dma_start3A = arith.constant 0 : i32
      %dma_start3A_244 = tpu.memref_slice %arg5[%arg0, %mul3A_243, %dma_start3A] : memref<2x10000x128xf32, #tpu.memory_space<hbm>> -> memref<1x80x128xf32, #tpu.memory_space<hbm>>
      %dma_start3A_245 = tpu.memref_squeeze %dma_start3A_244 : memref<1x80x128xf32, #tpu.memory_space<hbm>> -> memref<80x128xf32, #tpu.memory_space<hbm>>
      %dma_start3A_246 = arith.constant 0 : i32
      %dma_start3A_247 = tpu.memref_slice %arg12[%mul3A_243, %dma_start3A_246] : memref<10064x128xf32, #tpu.memory_space<vmem_shared>> -> memref<80x128xf32, #tpu.memory_space<vmem_shared>>
      tpu.enqueue_dma source(%dma_start3A_247 : memref<80x128xf32, #tpu.memory_space<vmem_shared>>) target(%dma_start3A_245 : memref<80x128xf32, #tpu.memory_space<hbm>>) target_semaphore(%arg15 : memref<!tpu.dma_semaphore, #tpu.memory_space<semaphore_mem>>)
    } else {
    }
    %add3A_137 = arith.constant 16 : i32
    %add3A_138 = arith.addi %arg1, %add3A_137 : i32
    %lt3A_139 = arith.constant 125 : i32
    %lt3A_140 = arith.cmpi slt, %add3A_138, %lt3A_139 : i32
    %convert_element_type3A_141 = arith.extui %lt3A_140 : i1 to i32
    %cond3A_142 = arith.constant 0 : i32
    %cond3A_143 = arith.cmpi ne, %convert_element_type3A_141, %cond3A_142 : i32
    scf.if %cond3A_143 {
      %mul3A_242 = arith.constant 80 : i32
      %mul3A_243 = arith.muli %add3A_138, %mul3A_242 : i32
      %dma_start3A = arith.constant 0 : i32
      %dma_start3A_244 = tpu.memref_slice %arg5[%arg0, %mul3A_243, %dma_start3A] : memref<2x10000x128xf32, #tpu.memory_space<hbm>> -> memref<1x80x128xf32, #tpu.memory_space<hbm>>
      %dma_start3A_245 = tpu.memref_squeeze %dma_start3A_244 : memref<1x80x128xf32, #tpu.memory_space<hbm>> -> memref<80x128xf32, #tpu.memory_space<hbm>>
      %dma_start3A_246 = arith.constant 0 : i32
      %dma_start3A_247 = tpu.memref_slice %arg12[%mul3A_243, %dma_start3A_246] : memref<10064x128xf32, #tpu.memory_space<vmem_shared>> -> memref<80x128xf32, #tpu.memory_space<vmem_shared>>
      tpu.enqueue_dma source(%dma_start3A_247 : memref<80x128xf32, #tpu.memory_space<vmem_shared>>) target(%dma_start3A_245 : memref<80x128xf32, #tpu.memory_space<hbm>>) target_semaphore(%arg15 : memref<!tpu.dma_semaphore, #tpu.memory_space<semaphore_mem>>)
    } else {
    }
    %add3A_144 = arith.constant 32 : i32
    %add3A_145 = arith.addi %arg1, %add3A_144 : i32
    %lt3A_146 = arith.constant 125 : i32
    %lt3A_147 = arith.cmpi slt, %add3A_145, %lt3A_146 : i32
    %convert_element_type3A_148 = arith.extui %lt3A_147 : i1 to i32
    %cond3A_149 = arith.constant 0 : i32
    %cond3A_150 = arith.cmpi ne, %convert_element_type3A_148, %cond3A_149 : i32
    scf.if %cond3A_150 {
      %mul3A_242 = arith.constant 80 : i32
      %mul3A_243 = arith.muli %add3A_145, %mul3A_242 : i32
      %dma_start3A = arith.constant 0 : i32
      %dma_start3A_244 = tpu.memref_slice %arg5[%arg0, %mul3A_243, %dma_start3A] : memref<2x10000x128xf32, #tpu.memory_space<hbm>> -> memref<1x80x128xf32, #tpu.memory_space<hbm>>
      %dma_start3A_245 = tpu.memref_squeeze %dma_start3A_244 : memref<1x80x128xf32, #tpu.memory_space<hbm>> -> memref<80x128xf32, #tpu.memory_space<hbm>>
      %dma_start3A_246 = arith.constant 0 : i32
      %dma_start3A_247 = tpu.memref_slice %arg12[%mul3A_243, %dma_start3A_246] : memref<10064x128xf32, #tpu.memory_space<vmem_shared>> -> memref<80x128xf32, #tpu.memory_space<vmem_shared>>
      tpu.enqueue_dma source(%dma_start3A_247 : memref<80x128xf32, #tpu.memory_space<vmem_shared>>) target(%dma_start3A_245 : memref<80x128xf32, #tpu.memory_space<hbm>>) target_semaphore(%arg15 : memref<!tpu.dma_semaphore, #tpu.memory_space<semaphore_mem>>)
    } else {
    }
    %add3A_151 = arith.constant 48 : i32
    %add3A_152 = arith.addi %arg1, %add3A_151 : i32
    %lt3A_153 = arith.constant 125 : i32
    %lt3A_154 = arith.cmpi slt, %add3A_152, %lt3A_153 : i32
    %convert_element_type3A_155 = arith.extui %lt3A_154 : i1 to i32
    %cond3A_156 = arith.constant 0 : i32
    %cond3A_157 = arith.cmpi ne, %convert_element_type3A_155, %cond3A_156 : i32
    scf.if %cond3A_157 {
      %mul3A_242 = arith.constant 80 : i32
      %mul3A_243 = arith.muli %add3A_152, %mul3A_242 : i32
      %dma_start3A = arith.constant 0 : i32
      %dma_start3A_244 = tpu.memref_slice %arg5[%arg0, %mul3A_243, %dma_start3A] : memref<2x10000x128xf32, #tpu.memory_space<hbm>> -> memref<1x80x128xf32, #tpu.memory_space<hbm>>
      %dma_start3A_245 = tpu.memref_squeeze %dma_start3A_244 : memref<1x80x128xf32, #tpu.memory_space<hbm>> -> memref<80x128xf32, #tpu.memory_space<hbm>>
      %dma_start3A_246 = arith.constant 0 : i32
      %dma_start3A_247 = tpu.memref_slice %arg12[%mul3A_243, %dma_start3A_246] : memref<10064x128xf32, #tpu.memory_space<vmem_shared>> -> memref<80x128xf32, #tpu.memory_space<vmem_shared>>
      tpu.enqueue_dma source(%dma_start3A_247 : memref<80x128xf32, #tpu.memory_space<vmem_shared>>) target(%dma_start3A_245 : memref<80x128xf32, #tpu.memory_space<hbm>>) target_semaphore(%arg15 : memref<!tpu.dma_semaphore, #tpu.memory_space<semaphore_mem>>)
    } else {
    }
    %add3A_158 = arith.constant 64 : i32
    %add3A_159 = arith.addi %arg1, %add3A_158 : i32
    %lt3A_160 = arith.constant 125 : i32
    %lt3A_161 = arith.cmpi slt, %add3A_159, %lt3A_160 : i32
    %convert_element_type3A_162 = arith.extui %lt3A_161 : i1 to i32
    %cond3A_163 = arith.constant 0 : i32
    %cond3A_164 = arith.cmpi ne, %convert_element_type3A_162, %cond3A_163 : i32
    scf.if %cond3A_164 {
      %mul3A_242 = arith.constant 80 : i32
      %mul3A_243 = arith.muli %add3A_159, %mul3A_242 : i32
      %dma_start3A = arith.constant 0 : i32
      %dma_start3A_244 = tpu.memref_slice %arg5[%arg0, %mul3A_243, %dma_start3A] : memref<2x10000x128xf32, #tpu.memory_space<hbm>> -> memref<1x80x128xf32, #tpu.memory_space<hbm>>
      %dma_start3A_245 = tpu.memref_squeeze %dma_start3A_244 : memref<1x80x128xf32, #tpu.memory_space<hbm>> -> memref<80x128xf32, #tpu.memory_space<hbm>>
      %dma_start3A_246 = arith.constant 0 : i32
      %dma_start3A_247 = tpu.memref_slice %arg12[%mul3A_243, %dma_start3A_246] : memref<10064x128xf32, #tpu.memory_space<vmem_shared>> -> memref<80x128xf32, #tpu.memory_space<vmem_shared>>
      tpu.enqueue_dma source(%dma_start3A_247 : memref<80x128xf32, #tpu.memory_space<vmem_shared>>) target(%dma_start3A_245 : memref<80x128xf32, #tpu.memory_space<hbm>>) target_semaphore(%arg15 : memref<!tpu.dma_semaphore, #tpu.memory_space<semaphore_mem>>)
    } else {
    }
    %add3A_165 = arith.constant 80 : i32
    %add3A_166 = arith.addi %arg1, %add3A_165 : i32
    %lt3A_167 = arith.constant 125 : i32
    %lt3A_168 = arith.cmpi slt, %add3A_166, %lt3A_167 : i32
    %convert_element_type3A_169 = arith.extui %lt3A_168 : i1 to i32
    %cond3A_170 = arith.constant 0 : i32
    %cond3A_171 = arith.cmpi ne, %convert_element_type3A_169, %cond3A_170 : i32
    scf.if %cond3A_171 {
      %mul3A_242 = arith.constant 80 : i32
      %mul3A_243 = arith.muli %add3A_166, %mul3A_242 : i32
      %dma_start3A = arith.constant 0 : i32
      %dma_start3A_244 = tpu.memref_slice %arg5[%arg0, %mul3A_243, %dma_start3A] : memref<2x10000x128xf32, #tpu.memory_space<hbm>> -> memref<1x80x128xf32, #tpu.memory_space<hbm>>
      %dma_start3A_245 = tpu.memref_squeeze %dma_start3A_244 : memref<1x80x128xf32, #tpu.memory_space<hbm>> -> memref<80x128xf32, #tpu.memory_space<hbm>>
      %dma_start3A_246 = arith.constant 0 : i32
      %dma_start3A_247 = tpu.memref_slice %arg12[%mul3A_243, %dma_start3A_246] : memref<10064x128xf32, #tpu.memory_space<vmem_shared>> -> memref<80x128xf32, #tpu.memory_space<vmem_shared>>
      tpu.enqueue_dma source(%dma_start3A_247 : memref<80x128xf32, #tpu.memory_space<vmem_shared>>) target(%dma_start3A_245 : memref<80x128xf32, #tpu.memory_space<hbm>>) target_semaphore(%arg15 : memref<!tpu.dma_semaphore, #tpu.memory_space<semaphore_mem>>)
    } else {
    }
    %add3A_172 = arith.constant 96 : i32
    %add3A_173 = arith.addi %arg1, %add3A_172 : i32
    %lt3A_174 = arith.constant 125 : i32
    %lt3A_175 = arith.cmpi slt, %add3A_173, %lt3A_174 : i32
    %convert_element_type3A_176 = arith.extui %lt3A_175 : i1 to i32
    %cond3A_177 = arith.constant 0 : i32
    %cond3A_178 = arith.cmpi ne, %convert_element_type3A_176, %cond3A_177 : i32
    scf.if %cond3A_178 {
      %mul3A_242 = arith.constant 80 : i32
      %mul3A_243 = arith.muli %add3A_173, %mul3A_242 : i32
      %dma_start3A = arith.constant 0 : i32
      %dma_start3A_244 = tpu.memref_slice %arg5[%arg0, %mul3A_243, %dma_start3A] : memref<2x10000x128xf32, #tpu.memory_space<hbm>> -> memref<1x80x128xf32, #tpu.memory_space<hbm>>
      %dma_start3A_245 = tpu.memref_squeeze %dma_start3A_244 : memref<1x80x128xf32, #tpu.memory_space<hbm>> -> memref<80x128xf32, #tpu.memory_space<hbm>>
      %dma_start3A_246 = arith.constant 0 : i32
      %dma_start3A_247 = tpu.memref_slice %arg12[%mul3A_243, %dma_start3A_246] : memref<10064x128xf32, #tpu.memory_space<vmem_shared>> -> memref<80x128xf32, #tpu.memory_space<vmem_shared>>
      tpu.enqueue_dma source(%dma_start3A_247 : memref<80x128xf32, #tpu.memory_space<vmem_shared>>) target(%dma_start3A_245 : memref<80x128xf32, #tpu.memory_space<hbm>>) target_semaphore(%arg15 : memref<!tpu.dma_semaphore, #tpu.memory_space<semaphore_mem>>)
    } else {
    }
    %add3A_179 = arith.constant 112 : i32
    %add3A_180 = arith.addi %arg1, %add3A_179 : i32
    %lt3A_181 = arith.constant 125 : i32
    %lt3A_182 = arith.cmpi slt, %add3A_180, %lt3A_181 : i32
    %convert_element_type3A_183 = arith.extui %lt3A_182 : i1 to i32
    %cond3A_184 = arith.constant 0 : i32
    %cond3A_185 = arith.cmpi ne, %convert_element_type3A_183, %cond3A_184 : i32
    scf.if %cond3A_185 {
      %mul3A_242 = arith.constant 80 : i32
      %mul3A_243 = arith.muli %add3A_180, %mul3A_242 : i32
      %dma_start3A = arith.constant 0 : i32
      %dma_start3A_244 = tpu.memref_slice %arg5[%arg0, %mul3A_243, %dma_start3A] : memref<2x10000x128xf32, #tpu.memory_space<hbm>> -> memref<1x80x128xf32, #tpu.memory_space<hbm>>
      %dma_start3A_245 = tpu.memref_squeeze %dma_start3A_244 : memref<1x80x128xf32, #tpu.memory_space<hbm>> -> memref<80x128xf32, #tpu.memory_space<hbm>>
      %dma_start3A_246 = arith.constant 0 : i32
      %dma_start3A_247 = tpu.memref_slice %arg12[%mul3A_243, %dma_start3A_246] : memref<10064x128xf32, #tpu.memory_space<vmem_shared>> -> memref<80x128xf32, #tpu.memory_space<vmem_shared>>
      tpu.enqueue_dma source(%dma_start3A_247 : memref<80x128xf32, #tpu.memory_space<vmem_shared>>) target(%dma_start3A_245 : memref<80x128xf32, #tpu.memory_space<hbm>>) target_semaphore(%arg15 : memref<!tpu.dma_semaphore, #tpu.memory_space<semaphore_mem>>)
    } else {
    }
    %add3A_186 = arith.constant 0 : i32
    %add3A_187 = arith.addi %arg1, %add3A_186 : i32
    %lt3A_188 = arith.constant 125 : i32
    %lt3A_189 = arith.cmpi slt, %add3A_187, %lt3A_188 : i32
    %convert_element_type3A_190 = arith.extui %lt3A_189 : i1 to i32
    %cond3A_191 = arith.constant 0 : i32
    %cond3A_192 = arith.cmpi ne, %convert_element_type3A_190, %cond3A_191 : i32
    scf.if %cond3A_192 {
      %mul3A_242 = arith.constant 80 : i32
      %mul3A_243 = arith.muli %add3A_187, %mul3A_242 : i32
      %dma_wait3A_244 = arith.constant 0 : i32
      %dma_wait3A_245 = tpu.memref_slice %arg5[%arg0, %mul3A_243, %dma_wait3A_244] : memref<2x10000x128xf32, #tpu.memory_space<hbm>> -> memref<1x80x128xf32, #tpu.memory_space<hbm>>
      %dma_wait3A_246 = tpu.memref_squeeze %dma_wait3A_245 : memref<1x80x128xf32, #tpu.memory_space<hbm>> -> memref<80x128xf32, #tpu.memory_space<hbm>>
      %dma_wait3A_247 = arith.constant 0 : i32
      %dma_wait3A_248 = tpu.memref_slice %arg12[%mul3A_243, %dma_wait3A_247] : memref<10064x128xf32, #tpu.memory_space<vmem_shared>> -> memref<80x128xf32, #tpu.memory_space<vmem_shared>>
      tpu.wait_dma2 semaphore(%arg15 : memref<!tpu.dma_semaphore, #tpu.memory_space<semaphore_mem>>) src(%dma_wait3A_248 : memref<80x128xf32, #tpu.memory_space<vmem_shared>>) dst(%dma_wait3A_246 : memref<80x128xf32, #tpu.memory_space<hbm>>)
    } else {
    }
    %add3A_193 = arith.constant 16 : i32
    %add3A_194 = arith.addi %arg1, %add3A_193 : i32
    %lt3A_195 = arith.constant 125 : i32
    %lt3A_196 = arith.cmpi slt, %add3A_194, %lt3A_195 : i32
    %convert_element_type3A_197 = arith.extui %lt3A_196 : i1 to i32
    %cond3A_198 = arith.constant 0 : i32
    %cond3A_199 = arith.cmpi ne, %convert_element_type3A_197, %cond3A_198 : i32
    scf.if %cond3A_199 {
      %mul3A_242 = arith.constant 80 : i32
      %mul3A_243 = arith.muli %add3A_194, %mul3A_242 : i32
      %dma_wait3A_244 = arith.constant 0 : i32
      %dma_wait3A_245 = tpu.memref_slice %arg5[%arg0, %mul3A_243, %dma_wait3A_244] : memref<2x10000x128xf32, #tpu.memory_space<hbm>> -> memref<1x80x128xf32, #tpu.memory_space<hbm>>
      %dma_wait3A_246 = tpu.memref_squeeze %dma_wait3A_245 : memref<1x80x128xf32, #tpu.memory_space<hbm>> -> memref<80x128xf32, #tpu.memory_space<hbm>>
      %dma_wait3A_247 = arith.constant 0 : i32
      %dma_wait3A_248 = tpu.memref_slice %arg12[%mul3A_243, %dma_wait3A_247] : memref<10064x128xf32, #tpu.memory_space<vmem_shared>> -> memref<80x128xf32, #tpu.memory_space<vmem_shared>>
      tpu.wait_dma2 semaphore(%arg15 : memref<!tpu.dma_semaphore, #tpu.memory_space<semaphore_mem>>) src(%dma_wait3A_248 : memref<80x128xf32, #tpu.memory_space<vmem_shared>>) dst(%dma_wait3A_246 : memref<80x128xf32, #tpu.memory_space<hbm>>)
    } else {
    }
    %add3A_200 = arith.constant 32 : i32
    %add3A_201 = arith.addi %arg1, %add3A_200 : i32
    %lt3A_202 = arith.constant 125 : i32
    %lt3A_203 = arith.cmpi slt, %add3A_201, %lt3A_202 : i32
    %convert_element_type3A_204 = arith.extui %lt3A_203 : i1 to i32
    %cond3A_205 = arith.constant 0 : i32
    %cond3A_206 = arith.cmpi ne, %convert_element_type3A_204, %cond3A_205 : i32
    scf.if %cond3A_206 {
      %mul3A_242 = arith.constant 80 : i32
      %mul3A_243 = arith.muli %add3A_201, %mul3A_242 : i32
      %dma_wait3A_244 = arith.constant 0 : i32
      %dma_wait3A_245 = tpu.memref_slice %arg5[%arg0, %mul3A_243, %dma_wait3A_244] : memref<2x10000x128xf32, #tpu.memory_space<hbm>> -> memref<1x80x128xf32, #tpu.memory_space<hbm>>
      %dma_wait3A_246 = tpu.memref_squeeze %dma_wait3A_245 : memref<1x80x128xf32, #tpu.memory_space<hbm>> -> memref<80x128xf32, #tpu.memory_space<hbm>>
      %dma_wait3A_247 = arith.constant 0 : i32
      %dma_wait3A_248 = tpu.memref_slice %arg12[%mul3A_243, %dma_wait3A_247] : memref<10064x128xf32, #tpu.memory_space<vmem_shared>> -> memref<80x128xf32, #tpu.memory_space<vmem_shared>>
      tpu.wait_dma2 semaphore(%arg15 : memref<!tpu.dma_semaphore, #tpu.memory_space<semaphore_mem>>) src(%dma_wait3A_248 : memref<80x128xf32, #tpu.memory_space<vmem_shared>>) dst(%dma_wait3A_246 : memref<80x128xf32, #tpu.memory_space<hbm>>)
    } else {
    }
    %add3A_207 = arith.constant 48 : i32
    %add3A_208 = arith.addi %arg1, %add3A_207 : i32
    %lt3A_209 = arith.constant 125 : i32
    %lt3A_210 = arith.cmpi slt, %add3A_208, %lt3A_209 : i32
    %convert_element_type3A_211 = arith.extui %lt3A_210 : i1 to i32
    %cond3A_212 = arith.constant 0 : i32
    %cond3A_213 = arith.cmpi ne, %convert_element_type3A_211, %cond3A_212 : i32
    scf.if %cond3A_213 {
      %mul3A_242 = arith.constant 80 : i32
      %mul3A_243 = arith.muli %add3A_208, %mul3A_242 : i32
      %dma_wait3A_244 = arith.constant 0 : i32
      %dma_wait3A_245 = tpu.memref_slice %arg5[%arg0, %mul3A_243, %dma_wait3A_244] : memref<2x10000x128xf32, #tpu.memory_space<hbm>> -> memref<1x80x128xf32, #tpu.memory_space<hbm>>
      %dma_wait3A_246 = tpu.memref_squeeze %dma_wait3A_245 : memref<1x80x128xf32, #tpu.memory_space<hbm>> -> memref<80x128xf32, #tpu.memory_space<hbm>>
      %dma_wait3A_247 = arith.constant 0 : i32
      %dma_wait3A_248 = tpu.memref_slice %arg12[%mul3A_243, %dma_wait3A_247] : memref<10064x128xf32, #tpu.memory_space<vmem_shared>> -> memref<80x128xf32, #tpu.memory_space<vmem_shared>>
      tpu.wait_dma2 semaphore(%arg15 : memref<!tpu.dma_semaphore, #tpu.memory_space<semaphore_mem>>) src(%dma_wait3A_248 : memref<80x128xf32, #tpu.memory_space<vmem_shared>>) dst(%dma_wait3A_246 : memref<80x128xf32, #tpu.memory_space<hbm>>)
    } else {
    }
    %add3A_214 = arith.constant 64 : i32
    %add3A_215 = arith.addi %arg1, %add3A_214 : i32
    %lt3A_216 = arith.constant 125 : i32
    %lt3A_217 = arith.cmpi slt, %add3A_215, %lt3A_216 : i32
    %convert_element_type3A_218 = arith.extui %lt3A_217 : i1 to i32
    %cond3A_219 = arith.constant 0 : i32
    %cond3A_220 = arith.cmpi ne, %convert_element_type3A_218, %cond3A_219 : i32
    scf.if %cond3A_220 {
      %mul3A_242 = arith.constant 80 : i32
      %mul3A_243 = arith.muli %add3A_215, %mul3A_242 : i32
      %dma_wait3A_244 = arith.constant 0 : i32
      %dma_wait3A_245 = tpu.memref_slice %arg5[%arg0, %mul3A_243, %dma_wait3A_244] : memref<2x10000x128xf32, #tpu.memory_space<hbm>> -> memref<1x80x128xf32, #tpu.memory_space<hbm>>
      %dma_wait3A_246 = tpu.memref_squeeze %dma_wait3A_245 : memref<1x80x128xf32, #tpu.memory_space<hbm>> -> memref<80x128xf32, #tpu.memory_space<hbm>>
      %dma_wait3A_247 = arith.constant 0 : i32
      %dma_wait3A_248 = tpu.memref_slice %arg12[%mul3A_243, %dma_wait3A_247] : memref<10064x128xf32, #tpu.memory_space<vmem_shared>> -> memref<80x128xf32, #tpu.memory_space<vmem_shared>>
      tpu.wait_dma2 semaphore(%arg15 : memref<!tpu.dma_semaphore, #tpu.memory_space<semaphore_mem>>) src(%dma_wait3A_248 : memref<80x128xf32, #tpu.memory_space<vmem_shared>>) dst(%dma_wait3A_246 : memref<80x128xf32, #tpu.memory_space<hbm>>)
    } else {
    }
    %add3A_221 = arith.constant 80 : i32
    %add3A_222 = arith.addi %arg1, %add3A_221 : i32
    %lt3A_223 = arith.constant 125 : i32
    %lt3A_224 = arith.cmpi slt, %add3A_222, %lt3A_223 : i32
    %convert_element_type3A_225 = arith.extui %lt3A_224 : i1 to i32
    %cond3A_226 = arith.constant 0 : i32
    %cond3A_227 = arith.cmpi ne, %convert_element_type3A_225, %cond3A_226 : i32
    scf.if %cond3A_227 {
      %mul3A_242 = arith.constant 80 : i32
      %mul3A_243 = arith.muli %add3A_222, %mul3A_242 : i32
      %dma_wait3A_244 = arith.constant 0 : i32
      %dma_wait3A_245 = tpu.memref_slice %arg5[%arg0, %mul3A_243, %dma_wait3A_244] : memref<2x10000x128xf32, #tpu.memory_space<hbm>> -> memref<1x80x128xf32, #tpu.memory_space<hbm>>
      %dma_wait3A_246 = tpu.memref_squeeze %dma_wait3A_245 : memref<1x80x128xf32, #tpu.memory_space<hbm>> -> memref<80x128xf32, #tpu.memory_space<hbm>>
      %dma_wait3A_247 = arith.constant 0 : i32
      %dma_wait3A_248 = tpu.memref_slice %arg12[%mul3A_243, %dma_wait3A_247] : memref<10064x128xf32, #tpu.memory_space<vmem_shared>> -> memref<80x128xf32, #tpu.memory_space<vmem_shared>>
      tpu.wait_dma2 semaphore(%arg15 : memref<!tpu.dma_semaphore, #tpu.memory_space<semaphore_mem>>) src(%dma_wait3A_248 : memref<80x128xf32, #tpu.memory_space<vmem_shared>>) dst(%dma_wait3A_246 : memref<80x128xf32, #tpu.memory_space<hbm>>)
    } else {
    }
    %add3A_228 = arith.constant 96 : i32
    %add3A_229 = arith.addi %arg1, %add3A_228 : i32
    %lt3A_230 = arith.constant 125 : i32
    %lt3A_231 = arith.cmpi slt, %add3A_229, %lt3A_230 : i32
    %convert_element_type3A_232 = arith.extui %lt3A_231 : i1 to i32
    %cond3A_233 = arith.constant 0 : i32
    %cond3A_234 = arith.cmpi ne, %convert_element_type3A_232, %cond3A_233 : i32
    scf.if %cond3A_234 {
      %mul3A_242 = arith.constant 80 : i32
      %mul3A_243 = arith.muli %add3A_229, %mul3A_242 : i32
      %dma_wait3A_244 = arith.constant 0 : i32
      %dma_wait3A_245 = tpu.memref_slice %arg5[%arg0, %mul3A_243, %dma_wait3A_244] : memref<2x10000x128xf32, #tpu.memory_space<hbm>> -> memref<1x80x128xf32, #tpu.memory_space<hbm>>
      %dma_wait3A_246 = tpu.memref_squeeze %dma_wait3A_245 : memref<1x80x128xf32, #tpu.memory_space<hbm>> -> memref<80x128xf32, #tpu.memory_space<hbm>>
      %dma_wait3A_247 = arith.constant 0 : i32
      %dma_wait3A_248 = tpu.memref_slice %arg12[%mul3A_243, %dma_wait3A_247] : memref<10064x128xf32, #tpu.memory_space<vmem_shared>> -> memref<80x128xf32, #tpu.memory_space<vmem_shared>>
      tpu.wait_dma2 semaphore(%arg15 : memref<!tpu.dma_semaphore, #tpu.memory_space<semaphore_mem>>) src(%dma_wait3A_248 : memref<80x128xf32, #tpu.memory_space<vmem_shared>>) dst(%dma_wait3A_246 : memref<80x128xf32, #tpu.memory_space<hbm>>)
    } else {
    }
    %add3A_235 = arith.constant 112 : i32
    %add3A_236 = arith.addi %arg1, %add3A_235 : i32
    %lt3A_237 = arith.constant 125 : i32
    %lt3A_238 = arith.cmpi slt, %add3A_236, %lt3A_237 : i32
    %convert_element_type3A_239 = arith.extui %lt3A_238 : i1 to i32
    %cond3A_240 = arith.constant 0 : i32
    %cond3A_241 = arith.cmpi ne, %convert_element_type3A_239, %cond3A_240 : i32
    scf.if %cond3A_241 {
      %mul3A_242 = arith.constant 80 : i32
      %mul3A_243 = arith.muli %add3A_236, %mul3A_242 : i32
      %dma_wait3A_244 = arith.constant 0 : i32
      %dma_wait3A_245 = tpu.memref_slice %arg5[%arg0, %mul3A_243, %dma_wait3A_244] : memref<2x10000x128xf32, #tpu.memory_space<hbm>> -> memref<1x80x128xf32, #tpu.memory_space<hbm>>
      %dma_wait3A_246 = tpu.memref_squeeze %dma_wait3A_245 : memref<1x80x128xf32, #tpu.memory_space<hbm>> -> memref<80x128xf32, #tpu.memory_space<hbm>>
      %dma_wait3A_247 = arith.constant 0 : i32
      %dma_wait3A_248 = tpu.memref_slice %arg12[%mul3A_243, %dma_wait3A_247] : memref<10064x128xf32, #tpu.memory_space<vmem_shared>> -> memref<80x128xf32, #tpu.memory_space<vmem_shared>>
      tpu.wait_dma2 semaphore(%arg15 : memref<!tpu.dma_semaphore, #tpu.memory_space<semaphore_mem>>) src(%dma_wait3A_248 : memref<80x128xf32, #tpu.memory_space<vmem_shared>>) dst(%dma_wait3A_246 : memref<80x128xf32, #tpu.memory_space<hbm>>)
    } else {
    }
    return
  }
}

module attributes {stable_mosaic.version = 14 : i64} {
  func.func @body(%arg0: i32, %arg1: memref<2x1000x128xf32, #tpu.memory_space<vmem>>, %arg2: memref<1000x128xf32, #tpu.memory_space<vmem>>, %arg3: memref<128x128xf32, #tpu.memory_space<vmem>>, %arg4: memref<1x128xf32, #tpu.memory_space<vmem>>, %arg5: memref<1000x128xf32, #tpu.memory_space<vmem>>) attributes {dimension_semantics = [#tpu.dimension_semantics<arbitrary>], iteration_bounds = array<i64: 10>, scalar_prefetch = 0 : i64, scratch_operands = 0 : i64, tpu.core_type = #tpu.core_type<tc>, window_params = [{transform_indices = @transform_0, window_bounds = array<i64: 2, 1000, 128>}, {transform_indices = @transform_1, window_bounds = array<i64: 1000, 128>}, {pipeline_mode = #tpu.pipeline_mode<synchronous>, transform_indices = @transform_2, window_bounds = array<i64: 128, 128>}, {pipeline_mode = #tpu.pipeline_mode<synchronous>, transform_indices = @transform_3, window_bounds = array<i64: 1, 128>}, {transform_indices = @transform_4, window_bounds = array<i64: 1000, 128>}]} {
    %get3A = arith.constant 0 : index
    %get3A_0 = arith.constant 0 : index
    %get3A_1 = arith.constant 0 : index
    %get3A_2 = vector.load %arg1[%get3A, %get3A_0, %get3A_1] : memref<2x1000x128xf32, #tpu.memory_space<vmem>>, vector<1x1000x128xf32>
    %get3A_3 = vector.shape_cast %get3A_2 : vector<1x1000x128xf32> to vector<1000x128xf32>
    %get3A_4 = arith.constant 1 : index
    %get3A_5 = arith.constant 0 : index
    %get3A_6 = arith.constant 0 : index
    %get3A_7 = vector.load %arg1[%get3A_4, %get3A_5, %get3A_6] : memref<2x1000x128xf32, #tpu.memory_space<vmem>>, vector<1x1000x128xf32>
    %get3A_8 = vector.shape_cast %get3A_7 : vector<1x1000x128xf32> to vector<1000x128xf32>
    %add3A = arith.addf %get3A_3, %get3A_8 : vector<1000x128xf32>
    %get3A_9 = arith.constant 0 : index
    %get3A_10 = arith.constant 0 : index
    %get3A_11 = vector.load %arg2[%get3A_9, %get3A_10] : memref<1000x128xf32, #tpu.memory_space<vmem>>, vector<1000x128xf32>
    %sub3A = arith.subf %add3A, %get3A_11 : vector<1000x128xf32>
    %get3A_12 = arith.constant 0 : index
    %get3A_13 = arith.constant 0 : index
    %get3A_14 = vector.load %arg3[%get3A_12, %get3A_13] : memref<128x128xf32, #tpu.memory_space<vmem>>, vector<128x128xf32>
    %dot_general3A = arith.constant dense<0.000000e+00> : vector<1000x128xf32>
    %dot_general3A_15 = tpu.matmul %sub3A, %get3A_14, %dot_general3A {dimension_numbers = #tpu.dot_dimension_numbers<[1], [0], [0], [1], [0, 0, 1, 1], [], []>, transpose_lhs_hint = false} : vector<1000x128xf32>, vector<128x128xf32>, vector<1000x128xf32> -> vector<1000x128xf32>
    %get3A_16 = arith.constant 0 : index
    %get3A_17 = arith.constant 0 : index
    %get3A_18 = vector.load %arg4[%get3A_16, %get3A_17] : memref<1x128xf32, #tpu.memory_space<vmem>>, vector<1x128xf32>
    %add3A_19 = vector.broadcast %get3A_18 : vector<1x128xf32> to vector<1000x128xf32>
    %add3A_20 = arith.addf %dot_general3A_15, %add3A_19 : vector<1000x128xf32>
    %max3A = arith.constant 0.000000e+00 : f32
    %max3A_21 = vector.broadcast %max3A : f32 to vector<1000x128xf32>
    %max3A_22 = arith.maximumf %add3A_20, %max3A_21 : vector<1000x128xf32>
    %swap3A = arith.constant 0 : index
    %swap3A_23 = arith.constant 0 : index
    %swap3A_24 = vector.load %arg5[%swap3A, %swap3A_23] : memref<1000x128xf32, #tpu.memory_space<vmem>>, vector<1000x128xf32>
    tpu.vector_store %arg5[%swap3A, %swap3A_23], %max3A_22 {strides = array<i32>} : memref<1000x128xf32, #tpu.memory_space<vmem>>, vector<1000x128xf32>,
    return
  }
  func.func @transform_0(%arg0: i32) -> (i32, i32, i32) {
    %c0_i32 = arith.constant 0 : i32
    %c0_i32_0 = arith.constant 0 : i32
    %c0_i32_1 = arith.constant 0 : i32
    return %c0_i32, %arg0, %c0_i32_0 : i32, i32, i32
  }
  func.func @transform_1(%arg0: i32) -> (i32, i32) {
    %c0_i32 = arith.constant 0 : i32
    %c0_i32_0 = arith.constant 0 : i32
    return %arg0, %c0_i32 : i32, i32
  }
  func.func @transform_2(%arg0: i32) -> (i32, i32) {
    %c0_i32 = arith.constant 0 : i32
    %c0_i32_0 = arith.constant 0 : i32
    %c0_i32_1 = arith.constant 0 : i32
    return %c0_i32, %c0_i32_0 : i32, i32
  }
  func.func @transform_3(%arg0: i32) -> (i32, i32) {
    %c0_i32 = arith.constant 0 : i32
    %c0_i32_0 = arith.constant 0 : i32
    %c0_i32_1 = arith.constant 0 : i32
    return %c0_i32, %c0_i32_0 : i32, i32
  }
  func.func @transform_4(%arg0: i32) -> (i32, i32) {
    %c0_i32 = arith.constant 0 : i32
    %c0_i32_0 = arith.constant 0 : i32
    return %arg0, %c0_i32 : i32, i32
  }
}

module attributes {stable_mosaic.version = 14 : i64} {
  func.func @body(%arg0: i32, %arg1: memref<2x1000x128xf32, #tpu.memory_space<vmem>>, %arg2: memref<1000x128xf32, #tpu.memory_space<vmem>>, %arg3: memref<128x128xf32, #tpu.memory_space<vmem>>, %arg4: memref<1x128xf32, #tpu.memory_space<vmem>>, %arg5: memref<128x256xf32, #tpu.memory_space<vmem>>, %arg6: memref<1x256xf32, #tpu.memory_space<vmem>>, %arg7: memref<256x10xf32, #tpu.memory_space<vmem>>, %arg8: memref<1x10xf32, #tpu.memory_space<vmem>>, %arg9: memref<1000x10xf32, #tpu.memory_space<vmem>>) attributes {dimension_semantics = [#tpu.dimension_semantics<arbitrary>], iteration_bounds = array<i64: 10>, scalar_prefetch = 0 : i64, scratch_operands = 0 : i64, tpu.core_type = #tpu.core_type<tc>, window_params = [{transform_indices = @transform_0, window_bounds = array<i64: 2, 1000, 128>}, {transform_indices = @transform_1, window_bounds = array<i64: 1000, 128>}, {pipeline_mode = #tpu.pipeline_mode<synchronous>, transform_indices = @transform_2, window_bounds = array<i64: 128, 128>}, {pipeline_mode = #tpu.pipeline_mode<synchronous>, transform_indices = @transform_3, window_bounds = array<i64: 1, 128>}, {pipeline_mode = #tpu.pipeline_mode<synchronous>, transform_indices = @transform_4, window_bounds = array<i64: 128, 256>}, {pipeline_mode = #tpu.pipeline_mode<synchronous>, transform_indices = @transform_5, window_bounds = array<i64: 1, 256>}, {pipeline_mode = #tpu.pipeline_mode<synchronous>, transform_indices = @transform_6, window_bounds = array<i64: 256, 10>}, {pipeline_mode = #tpu.pipeline_mode<synchronous>, transform_indices = @transform_7, window_bounds = array<i64: 1, 10>}, {transform_indices = @transform_8, window_bounds = array<i64: 1000, 10>}]} {
    %get3A = arith.constant 0 : index
    %get3A_0 = arith.constant 0 : index
    %get3A_1 = arith.constant 0 : index
    %get3A_2 = vector.load %arg1[%get3A, %get3A_0, %get3A_1] : memref<2x1000x128xf32, #tpu.memory_space<vmem>>, vector<1x1000x128xf32>
    %get3A_3 = vector.shape_cast %get3A_2 : vector<1x1000x128xf32> to vector<1000x128xf32>
    %get3A_4 = arith.constant 1 : index
    %get3A_5 = arith.constant 0 : index
    %get3A_6 = arith.constant 0 : index
    %get3A_7 = vector.load %arg1[%get3A_4, %get3A_5, %get3A_6] : memref<2x1000x128xf32, #tpu.memory_space<vmem>>, vector<1x1000x128xf32>
    %get3A_8 = vector.shape_cast %get3A_7 : vector<1x1000x128xf32> to vector<1000x128xf32>
    %add3A = arith.addf %get3A_3, %get3A_8 : vector<1000x128xf32>
    %get3A_9 = arith.constant 0 : index
    %get3A_10 = arith.constant 0 : index
    %get3A_11 = vector.load %arg2[%get3A_9, %get3A_10] : memref<1000x128xf32, #tpu.memory_space<vmem>>, vector<1000x128xf32>
    %sub3A = arith.subf %add3A, %get3A_11 : vector<1000x128xf32>
    %get3A_12 = arith.constant 0 : index
    %get3A_13 = arith.constant 0 : index
    %get3A_14 = vector.load %arg3[%get3A_12, %get3A_13] : memref<128x128xf32, #tpu.memory_space<vmem>>, vector<128x128xf32>
    %dot_general3A = arith.constant dense<0.000000e+00> : vector<1000x128xf32>
    %dot_general3A_15 = tpu.matmul %sub3A, %get3A_14, %dot_general3A {dimension_numbers = #tpu.dot_dimension_numbers<[1], [0], [0], [1], [0, 0, 1, 1], [], []>, transpose_lhs_hint = false} : vector<1000x128xf32>, vector<128x128xf32>, vector<1000x128xf32> -> vector<1000x128xf32>
    %get3A_16 = arith.constant 0 : index
    %get3A_17 = arith.constant 0 : index
    %get3A_18 = vector.load %arg4[%get3A_16, %get3A_17] : memref<1x128xf32, #tpu.memory_space<vmem>>, vector<1x128xf32>
    %add3A_19 = vector.broadcast %get3A_18 : vector<1x128xf32> to vector<1000x128xf32>
    %add3A_20 = arith.addf %dot_general3A_15, %add3A_19 : vector<1000x128xf32>
    %max3A = arith.constant 0.000000e+00 : f32
    %max3A_21 = vector.broadcast %max3A : f32 to vector<1000x128xf32>
    %max3A_22 = arith.maximumf %add3A_20, %max3A_21 : vector<1000x128xf32>
    %get3A_23 = arith.constant 0 : index
    %get3A_24 = arith.constant 0 : index
    %get3A_25 = vector.load %arg5[%get3A_23, %get3A_24] : memref<128x256xf32, #tpu.memory_space<vmem>>, vector<128x256xf32>
    %dot_general3A_26 = arith.constant dense<0.000000e+00> : vector<1000x256xf32>
    %dot_general3A_27 = tpu.matmul %max3A_22, %get3A_25, %dot_general3A_26 {dimension_numbers = #tpu.dot_dimension_numbers<[1], [0], [0], [1], [0, 0, 1, 1], [], []>, transpose_lhs_hint = false} : vector<1000x128xf32>, vector<128x256xf32>, vector<1000x256xf32> -> vector<1000x256xf32>
    %get3A_28 = arith.constant 0 : index
    %get3A_29 = arith.constant 0 : index
    %get3A_30 = vector.load %arg6[%get3A_28, %get3A_29] : memref<1x256xf32, #tpu.memory_space<vmem>>, vector<1x256xf32>
    %add3A_31 = vector.broadcast %get3A_30 : vector<1x256xf32> to vector<1000x256xf32>
    %add3A_32 = arith.addf %dot_general3A_27, %add3A_31 : vector<1000x256xf32>
    %max3A_33 = arith.constant 0.000000e+00 : f32
    %max3A_34 = vector.broadcast %max3A_33 : f32 to vector<1000x256xf32>
    %max3A_35 = arith.maximumf %add3A_32, %max3A_34 : vector<1000x256xf32>
    %get3A_36 = arith.constant 0 : index
    %get3A_37 = arith.constant 0 : index
    %get3A_38 = vector.load %arg7[%get3A_36, %get3A_37] : memref<256x10xf32, #tpu.memory_space<vmem>>, vector<256x10xf32>
    %dot_general3A_39 = arith.constant dense<0.000000e+00> : vector<1000x10xf32>
    %dot_general3A_40 = tpu.matmul %max3A_35, %get3A_38, %dot_general3A_39 {dimension_numbers = #tpu.dot_dimension_numbers<[1], [0], [0], [1], [0, 0, 1, 1], [], []>, transpose_lhs_hint = false} : vector<1000x256xf32>, vector<256x10xf32>, vector<1000x10xf32> -> vector<1000x10xf32>
    %get3A_41 = arith.constant 0 : index
    %get3A_42 = arith.constant 0 : index
    %get3A_43 = vector.load %arg8[%get3A_41, %get3A_42] : memref<1x10xf32, #tpu.memory_space<vmem>>, vector<1x10xf32>
    %add3A_44 = vector.broadcast %get3A_43 : vector<1x10xf32> to vector<1000x10xf32>
    %add3A_45 = arith.addf %dot_general3A_40, %add3A_44 : vector<1000x10xf32>
    %swap3A = arith.constant 0 : index
    %swap3A_46 = arith.constant 0 : index
    %swap3A_47 = vector.load %arg9[%swap3A, %swap3A_46] : memref<1000x10xf32, #tpu.memory_space<vmem>>, vector<1000x10xf32>
    tpu.vector_store %arg9[%swap3A, %swap3A_46], %add3A_45 {strides = array<i32>} : memref<1000x10xf32, #tpu.memory_space<vmem>>, vector<1000x10xf32>,
    return
  }
  func.func @transform_0(%arg0: i32) -> (i32, i32, i32) {
    %c0_i32 = arith.constant 0 : i32
    %c0_i32_0 = arith.constant 0 : i32
    %c0_i32_1 = arith.constant 0 : i32
    return %c0_i32, %arg0, %c0_i32_0 : i32, i32, i32
  }
  func.func @transform_1(%arg0: i32) -> (i32, i32) {
    %c0_i32 = arith.constant 0 : i32
    %c0_i32_0 = arith.constant 0 : i32
    return %arg0, %c0_i32 : i32, i32
  }
  func.func @transform_2(%arg0: i32) -> (i32, i32) {
    %c0_i32 = arith.constant 0 : i32
    %c0_i32_0 = arith.constant 0 : i32
    %c0_i32_1 = arith.constant 0 : i32
    return %c0_i32, %c0_i32_0 : i32, i32
  }
  func.func @transform_3(%arg0: i32) -> (i32, i32) {
    %c0_i32 = arith.constant 0 : i32
    %c0_i32_0 = arith.constant 0 : i32
    %c0_i32_1 = arith.constant 0 : i32
    return %c0_i32, %c0_i32_0 : i32, i32
  }
  func.func @transform_4(%arg0: i32) -> (i32, i32) {
    %c0_i32 = arith.constant 0 : i32
    %c0_i32_0 = arith.constant 0 : i32
    %c0_i32_1 = arith.constant 0 : i32
    return %c0_i32, %c0_i32_0 : i32, i32
  }
  func.func @transform_5(%arg0: i32) -> (i32, i32) {
    %c0_i32 = arith.constant 0 : i32
    %c0_i32_0 = arith.constant 0 : i32
    %c0_i32_1 = arith.constant 0 : i32
    return %c0_i32, %c0_i32_0 : i32, i32
  }
  func.func @transform_6(%arg0: i32) -> (i32, i32) {
    %c0_i32 = arith.constant 0 : i32
    %c0_i32_0 = arith.constant 0 : i32
    %c0_i32_1 = arith.constant 0 : i32
    return %c0_i32, %c0_i32_0 : i32, i32
  }
  func.func @transform_7(%arg0: i32) -> (i32, i32) {
    %c0_i32 = arith.constant 0 : i32
    %c0_i32_0 = arith.constant 0 : i32
    %c0_i32_1 = arith.constant 0 : i32
    return %c0_i32, %c0_i32_0 : i32, i32
  }
  func.func @transform_8(%arg0: i32) -> (i32, i32) {
    %c0_i32 = arith.constant 0 : i32
    %c0_i32_0 = arith.constant 0 : i32
    return %arg0, %c0_i32 : i32, i32
  }
}

</mosaic_0001>

<sc_bundles>
// kernel: kernel.11.cloned.1.call-start
scs
__scs_entry_jumppad:
0x0: {  	(pc) =	sbr.rel $0x88, $3  }
0x1: {  	(tag) =	ssettag $0x0;
	lr =	simm.s32 $0x1  }
0x2: {  	[smem:$0x3F95] =	sst lr;
	_ =	strace $0xD0000000  }
0x3: {  	_ = 	snop  }
0x4: {  	_ = 	snop  }
0x5: {  	_ = 	snop  }
0x6: {  	_ = 	snop  }
0x7: {  	_ = 	snop  }
__scs_overlays_trampoline_lowered:
0x8: {  	[smem:$0x3FA4] =	sst s0  }
0x9: {  	[smem:$0x3FA5] =	sst s1  }
0xa: {  	[smem:$0x3FA6] =	sst s2  }
0xb: {  	[smem:$0x3FA7] =	sst s3  }
0xc: {  	[smem:$0x3FA8] =	sst s4  }
0xd: {  	[smem:$0x3FA9] =	sst s5  }
0xe: {  	[smem:$0x3FAA] =	sst s6  }
0xf: {  	[smem:$0x3FAB] =	sst s7  }
0x10: {  	[smem:$0x3FAC] =	sst s8  }
0x11: {  	[smem:$0x3FAD] =	sst s9;
	s0 =	simm.s32 @!p0 $0x0  }
0x12: {  	s1 =	sld [smem:$0x3F93];
	s0 =	simm.s32 @p0 $0x1  }
0x13: {  	[smem:$0x3FAE] =	sst s0;
	s0 =	simm.s32 @!p1 $0x0  }
0x14: {  	s2 =	sld [smem:$0x3F92];
	s0 =	simm.s32 @p1 $0x1  }
0x15: {  	[smem:$0x3FAF] =	sst s0;
	s0 =	simm.s32 @!p2 $0x0  }
0x16: {  	s3 =	sld [smem:$0x3FDB];
	s0 =	simm.s32 @p2 $0x1  }
0x17: {  	s4 =	simm.s32 $0x1BF5;
	[smem:$0x3FB1] =	sst s0  }
0x18: {  	s0 =	sld [smem:$0x3F94];
	_ =	swait.ge [sflag:s4], $0x0  }
0x19: {  	s7 =	sld [smem:$0x3F95]  }
0x1a: {  	s8 =	sadd.s32 $0xFFFFE003, lr  }
0x1b: {  	s9 =	sadd.s32 $0xFFFFFEF7, lr;
	s5 =	simm.s32 $0xFFFFFFFF;
	p2 =	slt.u32 s8, $0xFFFFF086  }
0x1c: {  	p1 =	slt.u32 s9, $0xF7A;
	s5 =	simm.s32 @!p2 $0x0  }
0x1d: {  	s5 =	simm.s32 @p1 $0x1;
	p0 =	seq.s32 s7, s2  }
0x1e: {  	s7 =	smul.u32 @!p0 $0xF7A, s2;
	p2 =	seq.s32 @!p0 s5, $0x0  }
0x1f: {  	s9 =	smul.u32 $0xF7A, s1;
	s8 =	simm.s32 @!p0 $0x1BF5;
	p2 =	por !p2, p0  }
0x20: {  	[sflag:s8] =	ssyncset.s32 @!p0 $0xFFFFF086;
	s6 =	sadd.s32 @!p0 s3, s7;
	s7 =	simm.s32 @!p0 $0x108  }
0x21: {  	s3 =	sadd.s32 s3, s9;
	s6 =	sadd.s32 @!p0 $0x88, s6;
	s7 =	simm.s32 @p2 $0x1082  }
0x22: {  	[simem:s7], [sflag:s8] =	dma.local @!p0 [hbm:s6], $0xF7A  }
0x23: {  	s9 =	sor.u32 $0xD0000000, s2;
	s6 =	simm.s32 $0x108;
	_ =	swait.ge @!p0 [sflag:s8], $0x0  }
0x24: {  	s3 =	sadd.s32 $0x88, s3;
	s6 =	simm.s32 @!p1 $0x1082;
	[sflag:s4] =	ssyncset.s32 $0xFFFFF086  }
0x25: {  	[simem:s6], [sflag:s4] =	dma.local [hbm:s3], $0xF7A  }
0x26: {  	[smem:$0x3F95] =	sst s1;
	(tag) =	ssettag s2;
	_ =	strace s9  }
0x27: {  	s1 =	sld [smem:$0x3FA5]  }
0x28: {  	s2 =	sld [smem:$0x3FA6]  }
0x29: {  	s4 =	sld [smem:$0x3FA8]  }
0x2a: {  	p0 =	seq.s32 s5, $0x0;
	s5 =	sld [smem:$0x3FA9]  }
0x2b: {  	s6 =	sld [smem:$0x3FAA]  }
0x2c: {  	s7 =	sld [smem:$0x3FAB]  }
0x2d: {  	s3 =	simm.s32 $0x108;
	s8 =	sld [smem:$0x3FAC]  }
0x2e: {  	s3 =	simm.s32 @!p0 $0x1082;
	s9 =	sld [smem:$0x3FAD]  }
0x2f: {  	lr =	sadd.s32 s0, s3;
	s0 =	sld [smem:$0x3FA4]  }
0x30: {  	s3 =	sld [smem:$0x3FA7]  }
0x31: {  	[smem:$0x3FB0] =	sst s10  }
0x32: {  	s10 =	sld [smem:$0x3FAE];
	_ =	sdelay $0x3  }
0x33: {  	p0 =	seq.s32 s10, $0x1;
	s10 =	sld [smem:$0x3FB0];
	_ =	sdelay $0x3  }
0x34: {  	[smem:$0x3FB0] =	sst s10  }
0x35: {  	s10 =	sld [smem:$0x3FAF];
	_ =	sdelay $0x3  }
0x36: {  	p1 =	seq.s32 s10, $0x1;
	s10 =	sld [smem:$0x3FB0];
	_ =	sdelay $0x3  }
0x37: {  	[smem:$0x3FB0] =	sst s10  }
0x38: {  	s10 =	sld [smem:$0x3FB1]  }
0x39: {  	_ = 	snop;
	(pc) =	sbr.ind lr, $3  }
0x3a: {  	_ = 	snop  }
0x3b: {  	_ = 	snop  }
0x3c: {  	p2 =	seq.s32 s10, $0x1;
	s10 =	sld [smem:$0x3FB0]  }
0x3d: {  	_ =	shalt  }
0x3e: {  	_ =	shalt  }
0x3f: {  	_ =	shalt  }
0x40: {  	_ =	shalt  }
0x41: {  	_ =	shalt  }
0x42: {  	_ =	shalt  }
0x43: {  	_ =	shalt  }
0x44: {  	_ =	shalt  }
0x45: {  	_ =	shalt  }
0x46: {  	_ =	shalt  }
0x47: {  	_ =	shalt  }
0x48: {  	_ =	shalt  }
0x49: {  	_ =	shalt  }
0x4a: {  	_ =	shalt  }
0x4b: {  	_ =	shalt  }
0x4c: {  	_ =	shalt  }
0x4d: {  	_ =	shalt  }
0x4e: {  	_ =	shalt  }
0x4f: {  	_ =	shalt  }
0x50: {  	_ =	shalt  }
0x51: {  	_ =	shalt  }
0x52: {  	_ =	shalt  }
0x53: {  	_ =	shalt  }
0x54: {  	_ =	shalt  }
0x55: {  	_ =	shalt  }
0x56: {  	_ =	shalt  }
0x57: {  	_ =	shalt  }
0x58: {  	_ =	shalt  }
0x59: {  	_ =	shalt  }
0x5a: {  	_ =	shalt  }
0x5b: {  	_ =	shalt  }
0x5c: {  	_ =	shalt  }
0x5d: {  	_ =	shalt  }
0x5e: {  	_ =	shalt  }
0x5f: {  	_ =	shalt  }
0x60: {  	_ =	shalt  }
0x61: {  	_ =	shalt  }
0x62: {  	_ =	shalt  }
0x63: {  	_ =	shalt  }
0x64: {  	_ =	shalt  }
0x65: {  	_ =	shalt  }
0x66: {  	_ =	shalt  }
0x67: {  	_ =	shalt  }
0x68: {  	_ =	shalt  }
0x69: {  	_ =	shalt  }
0x6a: {  	_ =	shalt  }
0x6b: {  	_ =	shalt  }
0x6c: {  	_ =	shalt  }
0x6d: {  	_ =	shalt  }
0x6e: {  	_ =	shalt  }
0x6f: {  	_ =	shalt  }
0x70: {  	_ =	shalt  }
0x71: {  	_ =	shalt  }
0x72: {  	_ =	shalt  }
0x73: {  	_ =	shalt  }
0x74: {  	_ =	shalt  }
0x75: {  	_ =	shalt  }
0x76: {  	_ =	shalt  }
0x77: {  	_ =	shalt  }
0x78: {  	_ =	shalt  }
0x79: {  	_ =	shalt  }
0x7a: {  	_ =	shalt  }
0x7b: {  	_ =	shalt  }
0x7c: {  	_ =	shalt  }
0x7d: {  	_ =	shalt  }
0x7e: {  	_ =	shalt  }
0x7f: {  	_ =	shalt  }
0x80: {  	_ =	shalt  }
0x81: {  	_ =	shalt  }
0x82: {  	_ =	shalt  }
0x83: {  	_ =	shalt  }
0x84: {  	_ =	shalt  }
0x85: {  	_ =	shalt  }
0x86: {  	_ =	shalt  }
0x87: {  	_ =	shalt  }
.Lfunc_end0:
.L_simem_size_0:
called_computation.1_lowered:
.L_overlay_start_0:
0x88: {  	s2 =	sld [smem:$0x3FD9]  }
0x89: {  	s3 =	sld [smem:$0x3FFE];
	_ =	sdelay $0x1  }
0x8a: {  	s1 =	srdreg.scid  }
0x8b: {  	s0 =	sand.u32 $0x1, s1  }
0x8c: {  	s16 =	sshll.u32 s0, $0xA;
	s2 =	sadd.s32 s3, s2  }
0x8d: {  	s2 =	sadd.s32 s2, s16  }
0x8e: {  	[smem:$0x3FBC] =	sst s2  }
0x8f: {  	_ = 	snop  }
0x90: {  	(tm) =	ssettm $0x1  }
0x91: {  	s17 =	sld [smem:$0x3FFB];
	_ =	sdelay $0x3  }
0x92: {  	_ =	strace s17  }
0x93: {  	s2 =	sld [smem:$0x3FFC];
	_ =	sdelay $0x3  }
0x94: {  	_ =	strace s2  }
0x95: {  	s2 =	sld [smem:$0x3FFD];
	_ =	sdelay $0x3  }
0x96: {  	_ =	strace s2  }
0x97: {  	_ =	strace $0x8FFFFFFF  }
0x98: {  	s18 =	sld [smem:$0x3FDB];
	_ =	sdelay $0x1  }
0x99: {  	s19 =	simm.s32 $_scs_section_size  }
0x9a: {  	s4 =	simm.s32 $_size__tile_overlayer_lowered;
	s5 =	simm.s32 $_tile_overlayer_lowered  }
0x9b: {  	s22 =	simm.s32 $0x1BFF;
	s21 =	sshll.u32 s5, $0x1;
	s2 =	sadd.s32 s19, s18  }
0x9c: {  	s6 =	simm.s32 $0x0;
	s20 =	sshll.u32 s4, $0x1;
	s4 =	sadd.s32 s21, s2  }
0x9d: {  	[timem:s6], [sflag:s22] =	dma.local [hbm:s4], s20  }
0x9e: {  	_ =	swait.ge [sflag:s22], s20  }
0x9f: {  	s3 =	ssub.s32 $0x0, s20;
	[sflag:s22] =	ssyncset.done $0x0  }
0xa0: {  	[sflag:s22] =	ssyncadd.s32 s3;
	_ =	sdelay $0x1  }
0xa1: {  	s23 =	simm.s32 $0x1B8B  }
0xa2: {  	_ =	swait.ge [sflag:s23], $0x1  }
0xa3: {  	[sflag:s23] =	ssyncset.done $0x0  }
0xa4: {  	s25 =	simm.s32 $0x1B8E;
	s24 =	sld [smem:$0x3FFE];
	[sflag:s23] =	ssyncadd.s32 $0xFFFFFFFF  }
0xa5: {  	s26 =	simm.s32 $execute0_lowered;
	[smem:$0x3FD2] =	sst s25  }
0xa6: {  	s4 =	sshll.u32 s26, $0x1;
	_ =	strace $0x80000049;
	[dreg:$0x1] =	wrdreg $0xFFFFFFFF  }
0xa7: {  	s28 =	simm.s32 $_size_execute0_lowered;
	s2 =	sadd.s32 s2, s4;
	[dreg:$0x0] =	wrdreg $0x0  }
0xa8: {  	s4 =	sshll.u32 s28, $0x1;
	[dreg:$0x2] =	wrdreg s2  }
0xa9: {  	[dreg:$0x3] =	wrdreg s4  }
0xaa: {  	[dreg:$0x4] =	wrdreg $0xC0  }
0xab: {  	_ =	task [dreg:s6], $0x5FFFF  }
0xac: {  	[dreg:$0x1] =	wrdreg $0xFFFFFFFF  }
0xad: {  	[dreg:$0x0] =	wrdreg $0x60  }
0xae: {  	[dreg:$0x2] =	wrdreg s24  }
0xaf: {  	[dreg:$0x3] =	wrdreg $0x90000  }
0xb0: {  	[dreg:$0x4] =	wrdreg $0x9  }
0xb1: {  	_ =	task.clear_ibuf [dreg:s6], $0x5FFFF;
	_ =	strace $0x90000049  }
0xb2: {  	s29 =	simm.s32 $0x9;
	_ =	strace $0x8000004B  }
0xb3: {  	_ =	swait.ge [sflag:s29], $0x1  }
0xb4: {  	[sflag:s29] =	ssyncadd.s32 $0xFFFFFFFF  }
0xb5: {  	_ =	strace $0x9000004B  }
0xb6: {  	_ =	sfence  }
0xb7: {  	s30 =	sld [smem:$0x0];
	_ =	sdelay $0x2  }
0xb8: {  	s31 =	sshll.u32 s1, $0xD;
	s1 =	sshrl.u32 s1, $0x2  }
0xb9: {  	s3 =	sand.u32 $0x4000, s31;
	s1 =	sadd.s32 s1, s30  }
0xba: {  	s0 =	sor.u32 s3, s0;
	s1 =	sshll.u32 s1, $0x11  }
0xbb: {  	s0 =	sor.u32 s1, s0  }
0xbc: {  	s0 =	sadd.s32 $0x8F2B, s0  }
0xbd: {  	[sflag:s0] =	ssyncadd.remote.s32 $0x1  }
0xbe: {  	_ =	sfence.sel $0xFFFF  }
0xbf: {  	[dreg:$0x0] =	wrdreg $0xFFFFFFFF;
	(pc) =	sbr.abs _section_cstart, $3  }
0xc0: {  	[dreg:$0x1] =	wrdreg $0xFFFFFFFF  }
0xc1: {  	_ =	task.clear_ibuf [dreg:s6], $0x2FFFF;
	_ =	strace $0x9FFFFFFF  }
0xc2: {  	(tm) =	ssettm $0x7FFFFFFF  }
0xc3: {  	_ =	shalt  }
tec
execute0_lowered:
.L_overlay_start_1:
0x0: {  	(tag) =	ssettag $0x1  }
0x1: {  	s4 =	rddreg [dreg:$0x0]  }
0x2: {  	s1 =	rddreg [dreg:$0x1]  }
0x3: {  	s0 =	srdreg.scid;
	s22 =	stileid.u32  }
0x4: {  	s28 =	simm.s32 $0x600;
	s14 =	sor.u32 $0x10, s22;
	s3 =	smul.u32 $0x2800, s22  }
0x5: {  	s29 =	simm.s32 $0xD80;
	s9 =	sand.u32 $0x1, s0;
	s6 =	smul.u32 $0xA000, s14  }
0x6: {  	s30 =	simm.s32 $0x680;
	s31 =	simm.s32 $0xE00;
	s11 =	smul.u32 $0x138800, s9  }
0x7: {  	s8 =	sadd.s32 $0x3000, s4;
	s17 =	sor.u32 $0x20, s22;
	s16 =	smul.u32 $0x2800, s14  }
0x8: {  	s12 =	sadd.s32 $0xD000, s4;
	s18 =	sor.u32 $0x30, s22;
	s19 =	smul.u32 $0x2800, s17  }
0x9: {  	s10 =	sadd.s32 $0x3E200, s4;
	s7 =	sor.u32 $0x40, s22;
	s21 =	smul.u32 $0x2800, s18  }
0xa: {  	s15 =	sshll.u32 s22, $0x1;
	s5 =	sor.u32 $0x50, s22;
	s24 =	smul.u32 $0x2800, s7  }
0xb: {  	p0 =	sgt.u32 s22, $0xC;
	s0 =	ssub.s32 $0x2, s9;
	s26 =	smul.u32 $0x2800, s5  }
0xc: {  	s13 =	sor.u32 s9, s15;
	s9 =	smul.u32 $0x500, s9;
	s2 =	sshrl.u32 s0, $0x1  }
0xd: {  	s13 =	smul.u32 $0x500, s13;
	s0 =	ssub.s32 s0, s2;
	s2 =	sor.u32 $0x60, s22  }
0xe: {  	s15 =	sadd.s32 s3, s11;
	s3 =	sor.u32 $0x70, s22;
	s16 =	sadd.s32 s11, s16  }
0xf: {  	s20 =	sadd.s32 s11, s19;
	s19 =	sadd.s32 s11, s26;
	s26 =	smul.u32 $0xA000, s17  }
0x10: {  	s25 =	sadd.s32 s11, s21;
	s23 =	sshrl.u32 s20, $0x3;
	s20 =	smul.u32 $0x2800, s2  }
0x11: {  	s6 =	sshrl.u32 s6, $0x2;
	s15 =	sshrl.u32 s15, $0x3;
	s21 =	smul.u32 $0x2800, s3  }
0x12: {  	s19 =	sshrl.u32 s19, $0x3;
	s6 =	sadd.s32 s6, s1;
	s15 =	sadd.s32 s10, s15  }
0x13: {  	s0 =	smax.u32 s0, $0x1;
	[dreg:$0x3] =	wrdreg s15;
	s15 =	sshrl.u32 s16, $0x3  }
0x14: {  	s16 =	sadd.s32 s11, s24;
	s20 =	sadd.s32 s11, s20;
	s11 =	sadd.s32 s11, s21  }
0x15: {  	s24 =	smul.u32 $0xA000, s22;
	s15 =	sadd.s32 s10, s15;
	s16 =	sshrl.u32 s16, $0x3  }
0x16: {  	s11 =	sshrl.u32 s11, $0x3;
	[dreg:$0x4] =	wrdreg s15;
	s15 =	sadd.s32 s10, s23  }
0x17: {  	s16 =	sadd.s32 s10, s16;
	s23 =	smul.u32 $0xA00, s22;
	[dreg:$0x5] =	wrdreg s15  }
0x18: {  	s15 =	sshrl.u32 s25, $0x3;
	[dreg:$0x7] =	wrdreg s16;
	s25 =	smul.u32 $0x500, s22  }
0x19: {  	s16 =	sadd.s32 $0x17000, s4;
	s4 =	smul.u32 $0x500, s17;
	s17 =	sshll.u32 s22, $0x6  }
0x1a: {  	s22 =	simm.s32 $0x2;
	s15 =	sadd.s32 s10, s15;
	s21 =	sor.u32 $0x1C03, s17  }
0x1b: {  	s17 =	smul.u32 $0xA000, s5;
	[dreg:$0x6] =	wrdreg s15;
	s15 =	sadd.s32 s10, s19  }
0x1c: {  	s5 =	smul.u32 $0x500, s5;
	[dreg:$0x8] =	wrdreg s15;
	s15 =	sshrl.u32 s20, $0x3  }
0x1d: {  	s19 =	smul.u32 $0x500, s14;
	s4 =	sadd.s32 s16, s4;
	s15 =	sadd.s32 s10, s15  }
0x1e: {  	s20 =	smul.u32 $0xA000, s18;
	s10 =	sadd.s32 s10, s11;
	[dreg:$0x9] =	wrdreg s15  }
0x1f: {  	s11 =	sadd.s32 s12, s13;
	s12 =	sadd.s32 s23, s12;
	[dreg:$0xa] =	wrdreg s10  }
0x20: {  	s10 =	sadd.s32 s8, s13;
	s8 =	sadd.s32 s23, s8;
	s13 =	simm.s32 $0x0  }
0x21: {  	s15 =	sadd.s32 s9, s12;
	s23 =	smul.u32 $0x500, s18;
	[smem:$0x7FF] =	sst s13  }
0x22: {  	s14 =	sadd.s32 s9, s8;
	s8 =	sshrl.u32 s24, $0x2;
	s9 =	sadd.s32 s16, s25  }
0x23: {  	s24 =	sshrl.u32 s26, $0x2;
	_ =	strace $0x8000004A;
	[dreg:$0xc] =	wrdreg s9  }
0x24: {  	s25 =	smul.u32 $0xA000, s7;
	s26 =	sadd.s32 s16, s19;
	[dreg:$0xe] =	wrdreg s6  }
0x25: {  	s5 =	sadd.s32 s16, s5;
	s7 =	smul.u32 $0x500, s7;
	[dreg:$0xf] =	wrdreg s26  }
0x26: {  	s12 =	simm.s32 $0x700;
	s19 =	smul.u32 $0xA000, s2;
	[dreg:$0x11] =	wrdreg s4  }
0x27: {  	s2 =	smul.u32 $0x500, s2;
	s8 =	sadd.s32 s8, s1;
	[dreg:$0x17] =	wrdreg s5  }
0x28: {  	s6 =	sadd.s32 s24, s1;
	s9 =	sshrl.u32 s20, $0x2;
	[dreg:$0x1c] =	wrdreg s0  }
0x29: {  	s20 =	sshrl.u32 s17, $0x2;
	s5 =	simm.s32 $0x400;
	[dreg:$0xd] =	wrdreg s21  }
0x2a: {  	s17 =	simm.s32 $0x1;
	s0 =	simm.s32 $0xE80;
	[dreg:$0xb] =	wrdreg s8  }
0x2b: {  	[dreg:$0x10] =	wrdreg s6;
	s4 =	sadd.s32 s9, s1;
	s18 =	sshrl.u32 s25, $0x2  }
0x2c: {  	s8 =	sadd.s32 s16, s23;
	s6 =	sadd.s32 s16, s7;
	s23 =	smul.u32 $0xA000, s3  }
0x2d: {  	s3 =	smul.u32 $0x500, s3;
	s2 =	sadd.s32 s16, s2;
	[dreg:$0x12] =	wrdreg s4  }
0x2e: {  	s7 =	simm.s32 $0x80;
	s9 =	simm.s32 $0x5000;
	[dreg:$0x13] =	wrdreg s8  }
0x2f: {  	s4 =	sadd.s32 s18, s1;
	[dreg:$0x15] =	wrdreg s6;
	s6 =	sadd.s32 s20, s1  }
0x30: {  	[dreg:$0x19] =	wrdreg s2;
	s8 =	simm.s32 $0x1000;
	s18 =	simm.s32 $0x800  }
0x31: {  	s20 =	simm.s32 $0x6;
	s2 =	simm.s32 $0x5;
	[dreg:$0x14] =	wrdreg s4  }
.Ltmp0:
0x32: {  	[dreg:$0x16] =	wrdreg s6;
	s4 =	sshrl.u32 s19, $0x2;
	(pc) =	sbr.rel .LBB2_1-.Ltmp0, $4  }
0x33: {  	s24 =	sshrl.u32 s23, $0x2;
	s26 =	sadd.s32 s16, s3;
	s6 =	simm.s32 $0xC00  }
0x34: {  	s3 =	simm.s32 $0x780;
	s4 =	sadd.s32 s4, s1;
	[dreg:$0x1b] =	wrdreg s26  }
0x35: {  	s25 =	sadd.s32 s24, s1;
	s26 =	simm.s32 $0xD00;
	[dreg:$0x18] =	wrdreg s4  }
0x36: {  	s24 =	simm.s32 $0x0;
	[dreg:$0x1a] =	wrdreg s25;
	s4 =	simm.s32 $0x3  }
.LBB2_4:
0x37: {  	_ =	swait.ge [sflag:s17], $0x4000  }
0x38: {  	[sflag:s17] =	ssyncset.done $0x0  }
0x39: {  	s19 =	simm.s32 $0xF00;
	[sflag:s17] =	ssyncadd.s32 $0xFFFFC000  }
0x3a: {  	[spmem:s1] =	stream.indirect.scatter.add.f32 [tilespmem:s8], [sflag:$0x6], $0x80, s19, s7, $0xb8;
	[tilespmem:$0x1CA80] =	vst v63  }
0x3b: {  	_ =	swait.ge [sflag:s20], $0x4000  }
0x3c: {  	[sflag:s20] =	ssyncset.done $0x0  }
0x3d: {  	[sflag:s20] =	ssyncadd.s32 $0xFFFFC000  }
0x3e: {  	_ =	swait.ge [sflag:s22], $0x4000  }
0x3f: {  	[sflag:s22] =	ssyncset.done $0x0  }
0x40: {  	s23 =	simm.s32 $0xF80;
	[sflag:s22] =	ssyncadd.s32 $0xFFFFC000  }
0x41: {  	[spmem:s1] =	stream.indirect.scatter.add.f32 [tilespmem:s9], [sflag:$0x6], $0x80, s23, s7, $0xb8;
	[tilespmem:$0x1CA80] =	vst v63  }
0x42: {  	_ =	swait.ge [sflag:s20], $0x4000  }
0x43: {  	[sflag:s20] =	ssyncset.done $0x0  }
0x44: {  	[sflag:s20] =	ssyncadd.s32 $0xFFFFC000  }
0x45: {  	[bflag:$0x0] =	sbarrier.arrive $0xFFFF  }
0x46: {  	s24 =	rddreg [dreg:$0x3]  }
0x47: {  	s21 =	rddreg [dreg:$0xd]  }
0x48: {  	s23 =	rddreg [dreg:$0x1e]  }
0x49: {  	[hbm:s24], [sflag:s21] =	dma.local [spmem:s23], $0x500  }
0x4a: {  	s19 =	rddreg [dreg:$0x4]  }
0x4b: {  	s23 =	rddreg [dreg:$0x1f]  }
0x4c: {  	[hbm:s19], [sflag:s21] =	dma.local [spmem:s23], $0x500  }
0x4d: {  	s23 =	sld [smem:$0x7F8];
	_ =	sdelay $0x1  }
0x4e: {  	s19 =	rddreg [dreg:$0x5]  }
0x4f: {  	[hbm:s19], [sflag:s21] =	dma.local [spmem:s23], $0x500  }
0x50: {  	s23 =	sld [smem:$0x7F9];
	_ =	sdelay $0x1  }
0x51: {  	s19 =	rddreg [dreg:$0x6]  }
0x52: {  	[hbm:s19], [sflag:s21] =	dma.local [spmem:s23], $0x500  }
0x53: {  	s23 =	sld [smem:$0x7FA];
	_ =	sdelay $0x1  }
0x54: {  	s19 =	rddreg [dreg:$0x7]  }
0x55: {  	[hbm:s19], [sflag:s21] =	dma.local [spmem:s23], $0x500  }
0x56: {  	s23 =	sld [smem:$0x7FB];
	_ =	sdelay $0x1  }
0x57: {  	s19 =	rddreg [dreg:$0x8]  }
0x58: {  	[hbm:s19], [sflag:s21] =	dma.local [spmem:s23], $0x500  }
0x59: {  	s23 =	sld [smem:$0x7FC];
	_ =	sdelay $0x1  }
0x5a: {  	s19 =	rddreg [dreg:$0x9]  }
0x5b: {  	[hbm:s19], [sflag:s21] =	dma.local [spmem:s23], $0x500  }
0x5c: {  	s23 =	sld [smem:$0x7FD];
	_ =	sdelay $0x1  }
0x5d: {  	s19 =	rddreg [dreg:$0xa]  }
0x5e: {  	[hbm:s19], [sflag:s21] =	dma.local @!p0 [spmem:s23], $0x500  }
0x5f: {  	_ =	swait.ge [sflag:s4], $0x500  }
0x60: {  	[sflag:s4] =	ssyncset.done $0x0  }
0x61: {  	[sflag:s4] =	ssyncadd.s32 $0xFFFFFB00  }
0x62: {  	_ =	swait.ge [sflag:s4], $0x500  }
0x63: {  	[sflag:s4] =	ssyncset.done $0x0  }
0x64: {  	[sflag:s4] =	ssyncadd.s32 $0xFFFFFB00  }
0x65: {  	_ =	swait.ge [sflag:s4], $0x500  }
0x66: {  	[sflag:s4] =	ssyncset.done $0x0  }
0x67: {  	[sflag:s4] =	ssyncadd.s32 $0xFFFFFB00  }
0x68: {  	_ =	swait.ge [sflag:s4], $0x500  }
0x69: {  	[sflag:s4] =	ssyncset.done $0x0  }
0x6a: {  	[sflag:s4] =	ssyncadd.s32 $0xFFFFFB00  }
0x6b: {  	_ =	swait.ge [sflag:s4], $0x500  }
0x6c: {  	[sflag:s4] =	ssyncset.done $0x0  }
0x6d: {  	[sflag:s4] =	ssyncadd.s32 $0xFFFFFB00  }
0x6e: {  	_ =	swait.ge [sflag:s4], $0x500  }
0x6f: {  	[sflag:s4] =	ssyncset.done $0x0  }
0x70: {  	[sflag:s4] =	ssyncadd.s32 $0xFFFFFB00  }
0x71: {  	_ =	swait.ge [sflag:s4], $0x500  }
0x72: {  	[sflag:s4] =	ssyncset.done $0x0  }
0x73: {  	s19 =	simm.s32 @!p0 $0x3;
	[sflag:s4] =	ssyncadd.s32 $0xFFFFFB00  }
0x74: {  	_ =	swait.ge @!p0 [sflag:s19], $0x500  }
0x75: {  	s24 =	rddreg [dreg:$0x1d]  }
0x76: {  	s25 =	rddreg [dreg:$0x1c];
	s24 =	sadd.s32 $0x1, s24  }
0x77: {  	p1 =	sne.s32 s24, s25  }
.Ltmp1:
0x78: {  	_ = 	snop;
	(pc) =	sbr.rel @!p1 .LBB2_5-.Ltmp1, $3  }
0x79: {  	_ =	sdelay $0x1  }
0x7a: {  	[sflag:s19] =	ssyncset.done @!p0 $0x0  }
0x7b: {  	[sflag:s19] =	ssyncadd.s32 @!p0 $0xFFFFFB00  }
.LBB2_1:
0x7c: {  	[dreg:$0x1d] =	wrdreg s24  }
0x7d: {  	s19 =	rddreg [dreg:$0xb]  }
0x7e: {  	s25 =	rddreg [dreg:$0xc];
	s23 =	sshrl.u32 s19, $0x3  }
0x7f: {  	[dreg:$0x1e] =	wrdreg s23  }
0x80: {  	[spmem:s23], [sflag:s21] =	dma.local [hbm:s25], $0x500  }
0x81: {  	s19 =	rddreg [dreg:$0xe]  }
0x82: {  	s25 =	rddreg [dreg:$0xf];
	s24 =	sshrl.u32 s19, $0x3  }
0x83: {  	[dreg:$0x1f] =	wrdreg s24  }
0x84: {  	[spmem:s24], [sflag:s21] =	dma.local [hbm:s25], $0x500  }
0x85: {  	s19 =	rddreg [dreg:$0x10]  }
0x86: {  	s25 =	rddreg [dreg:$0x11];
	s24 =	sshrl.u32 s19, $0x3  }
0x87: {  	[smem:$0x7F8] =	sst s24  }
0x88: {  	[spmem:s24], [sflag:s21] =	dma.local [hbm:s25], $0x500  }
0x89: {  	s19 =	rddreg [dreg:$0x12]  }
0x8a: {  	s25 =	rddreg [dreg:$0x13];
	s24 =	sshrl.u32 s19, $0x3  }
0x8b: {  	[smem:$0x7F9] =	sst s24  }
0x8c: {  	[spmem:s24], [sflag:s21] =	dma.local [hbm:s25], $0x500  }
0x8d: {  	s19 =	rddreg [dreg:$0x14]  }
0x8e: {  	s25 =	rddreg [dreg:$0x15];
	s24 =	sshrl.u32 s19, $0x3  }
0x8f: {  	[smem:$0x7FA] =	sst s24  }
0x90: {  	[spmem:s24], [sflag:s21] =	dma.local [hbm:s25], $0x500  }
0x91: {  	s19 =	rddreg [dreg:$0x16]  }
0x92: {  	s25 =	rddreg [dreg:$0x17];
	s24 =	sshrl.u32 s19, $0x3  }
0x93: {  	[smem:$0x7FB] =	sst s24  }
0x94: {  	[spmem:s24], [sflag:s21] =	dma.local [hbm:s25], $0x500  }
0x95: {  	s19 =	rddreg [dreg:$0x18]  }
0x96: {  	s25 =	rddreg [dreg:$0x19];
	s24 =	sshrl.u32 s19, $0x3  }
0x97: {  	[smem:$0x7FC] =	sst s24  }
0x98: {  	[spmem:s24], [sflag:s21] =	dma.local [hbm:s25], $0x500  }
0x99: {  	s19 =	rddreg [dreg:$0x1a]  }
0x9a: {  	s23 =	sshrl.u32 @!p0 s19, $0x3;
	s19 =	rddreg [dreg:$0x1b]  }
0x9b: {  	[smem:$0x7FD] =	sst s23  }
0x9c: {  	[spmem:s23], [sflag:s21] =	dma.local @!p0 [hbm:s19], $0x500  }
0x9d: {  	_ =	swait.ge [sflag:s4], $0x500  }
0x9e: {  	[sflag:s4] =	ssyncset.done $0x0  }
0x9f: {  	[sflag:s4] =	ssyncadd.s32 $0xFFFFFB00  }
0xa0: {  	_ =	swait.ge [sflag:s4], $0x500  }
0xa1: {  	[sflag:s4] =	ssyncset.done $0x0  }
0xa2: {  	[sflag:s4] =	ssyncadd.s32 $0xFFFFFB00  }
0xa3: {  	_ =	swait.ge [sflag:s4], $0x500  }
0xa4: {  	[sflag:s4] =	ssyncset.done $0x0  }
0xa5: {  	[sflag:s4] =	ssyncadd.s32 $0xFFFFFB00  }
0xa6: {  	_ =	swait.ge [sflag:s4], $0x500  }
0xa7: {  	[sflag:s4] =	ssyncset.done $0x0  }
0xa8: {  	[sflag:s4] =	ssyncadd.s32 $0xFFFFFB00  }
0xa9: {  	_ =	swait.ge [sflag:s4], $0x500  }
0xaa: {  	[sflag:s4] =	ssyncset.done $0x0  }
0xab: {  	[sflag:s4] =	ssyncadd.s32 $0xFFFFFB00  }
0xac: {  	_ =	swait.ge [sflag:s4], $0x500  }
0xad: {  	[sflag:s4] =	ssyncset.done $0x0  }
0xae: {  	[sflag:s4] =	ssyncadd.s32 $0xFFFFFB00  }
0xaf: {  	_ =	swait.ge [sflag:s4], $0x500  }
0xb0: {  	[sflag:s4] =	ssyncset.done $0x0  }
0xb1: {  	s19 =	simm.s32 @!p0 $0x3;
	[sflag:s4] =	ssyncadd.s32 $0xFFFFFB00  }
0xb2: {  	_ =	swait.ge @!p0 [sflag:s19], $0x500  }
0xb3: {  	[sflag:s19] =	ssyncset.done @!p0 $0x0  }
0xb4: {  	[sflag:s19] =	ssyncadd.s32 @!p0 $0xFFFFFB00  }
0xb5: {  	s19 =	simm.s32 $0x0;
	[bflag:$0x0] =	sbarrier.arrive $0xFFFF  }
.LBB2_2:
0xb6: {  	p1 =	sne.s32 s19, $0x0  }
0xb7: {  	s21 =	simm.s32 @p1 $0x4  }
0xb8: {  	_ =	swait.ge @p1 [sflag:s21], $0x400  }
0xb9: {  	[sflag:s21] =	ssyncset.done @p1 $0x0  }
0xba: {  	[sflag:s21] =	ssyncadd.s32 @p1 $0xFFFFFC00  }
0xbb: {  	_ =	swait.ge @p1 [sflag:s21], $0x400  }
0xbc: {  	[sflag:s21] =	ssyncset.done @p1 $0x0  }
0xbd: {  	[sflag:s21] =	ssyncadd.s32 @p1 $0xFFFFFC00;
	s21 =	simm.s32 @p1 $0x1  }
0xbe: {  	_ =	swait.ge @p1 [sflag:s21], $0x4000  }
0xbf: {  	s23 =	simm.s32 @p1 $0xF00;
	[sflag:s21] =	ssyncset.done @p1 $0x0  }
0xc0: {  	s24 =	simm.s32 @p1 $0x1000;
	[sflag:s21] =	ssyncadd.s32 @p1 $0xFFFFC000;
	s21 =	simm.s32 @p1 $0x80  }
0xc1: {  	[spmem:s1] =	stream.indirect.scatter.add.f32 @p1 [tilespmem:s24], [sflag:$0x6], $0x80, s23, s21, $0xb8;
	[tilespmem:$0x1CA80] =	vst v63  }
0xc2: {  	s23 =	simm.s32 @p1 $0x6  }
0xc3: {  	_ =	swait.ge @p1 [sflag:s23], $0x4000  }
0xc4: {  	[sflag:s23] =	ssyncset.done @p1 $0x0  }
0xc5: {  	s24 =	simm.s32 @p1 $0x2;
	[sflag:s23] =	ssyncadd.s32 @p1 $0xFFFFC000  }
0xc6: {  	_ =	swait.ge @p1 [sflag:s24], $0x4000  }
0xc7: {  	[sflag:s24] =	ssyncset.done @p1 $0x0  }
0xc8: {  	s25 =	simm.s32 @p1 $0x5000;
	[sflag:s24] =	ssyncadd.s32 @p1 $0xFFFFC000;
	s24 =	simm.s32 @p1 $0xF80  }
0xc9: {  	[spmem:s1] =	stream.indirect.scatter.add.f32 @p1 [tilespmem:s25], [sflag:$0x6], $0x80, s24, s21, $0xb8;
	[tilespmem:$0x1CA80] =	vst v63  }
0xca: {  	_ =	swait.ge @p1 [sflag:s23], $0x4000  }
0xcb: {  	[sflag:s23] =	ssyncset.done @p1 $0x0  }
0xcc: {  	s21 =	simm.s32 @!p1 $0x0;
	[sflag:s23] =	ssyncadd.s32 @p1 $0xFFFFC000;
	s23 =	simm.s32 @!p1 $0x6  }
0xcd: {  	[tilespmem:s21], [sflag:$0x6] =	stream.linear.gather @!p1 [hbm4b:s10+s21], $0x400, $0x38;
	[tilespmem:$0x1CA80] =	vst v63  }
0xce: {  	_ =	swait.ge @!p1 [sflag:s23], $0x400  }
0xcf: {  	[sflag:s23] =	ssyncset.done @!p1 $0x0  }
0xd0: {  	s24 =	simm.s32 @!p1 $0x800;
	[sflag:s23] =	ssyncadd.s32 @!p1 $0xFFFFFC00  }
0xd1: {  	[tilespmem:s24], [sflag:$0x6] =	stream.linear.gather @!p1 [hbm4b:s11+s21], $0x400, $0x38;
	[tilespmem:$0x1CA80] =	vst v63  }
0xd2: {  	_ =	swait.ge @!p1 [sflag:s23], $0x400  }
0xd3: {  	s21 =	sadd.s32 s19, s14;
	[sflag:s23] =	ssyncset.done @!p1 $0x0  }
0xd4: {  	s24 =	sadd.s32 $0x80, s21;
	[sflag:s23] =	ssyncadd.s32 @!p1 $0xFFFFFC00;
	s23 =	sadd.s32 s19, s15  }
0xd5: {  	[tilespmem:s5], [sflag:$0x5] =	stream.linear.gather [hbm4b:s24+s13], $0x400, $0x38;
	[tilespmem:$0x1CA80] =	vst v63  }
0xd6: {  	s25 =	sadd.s32 $0x80, s23  }
0xd7: {  	[tilespmem:s6], [sflag:$0x5] =	stream.linear.gather [hbm4b:s25+s13], $0x400, $0x38;
	[tilespmem:$0x1CA80] =	vst v63  }
0xd8: {  	_ = 	snop  }
0xd9: {  	[tilespmem:s8], [sflag:$0x1] =	stream.indirect.gather [hbm4b:s16+s7], $0x80, s13, s7, $0xb8;
	[tilespmem:$0x1CA80] =	vst v63  }
0xda: {  	_ = 	snop  }
0xdb: {  	[tilespmem:s9], [sflag:$0x2] =	stream.indirect.gather [hbm4b:s16+s7], $0x80, s7, s7, $0xb8;
	[tilespmem:$0x1CA80] =	vst v63  }
0xdc: {  	_ =	swait.ge [sflag:s17], $0x4000  }
0xdd: {  	[sflag:s17] =	ssyncset.done $0x0  }
0xde: {  	[sflag:s17] =	ssyncadd.s32 $0xFFFFC000  }
0xdf: {  	[spmem:s1] =	stream.indirect.scatter.add.f32 [tilespmem:s8], [sflag:$0x6], $0x80, s18, s7, $0xb8;
	[tilespmem:$0x1CA80] =	vst v63  }
0xe0: {  	_ =	swait.ge [sflag:s20], $0x4000  }
0xe1: {  	[sflag:s20] =	ssyncset.done $0x0  }
0xe2: {  	s25 =	simm.s32 $0x100;
	[sflag:s20] =	ssyncadd.s32 $0xFFFFC000  }
0xe3: {  	[tilespmem:s8], [sflag:$0x1] =	stream.indirect.gather [hbm4b:s16+s7], $0x80, s25, s7, $0xb8;
	[tilespmem:$0x1CA80] =	vst v63  }
0xe4: {  	_ =	swait.ge [sflag:s22], $0x4000  }
0xe5: {  	[sflag:s22] =	ssyncset.done $0x0  }
0xe6: {  	s25 =	simm.s32 $0x880;
	[sflag:s22] =	ssyncadd.s32 $0xFFFFC000  }
0xe7: {  	[spmem:s1] =	stream.indirect.scatter.add.f32 [tilespmem:s9], [sflag:$0x6], $0x80, s25, s7, $0xb8;
	[tilespmem:$0x1CA80] =	vst v63  }
0xe8: {  	_ =	swait.ge [sflag:s20], $0x4000  }
0xe9: {  	[sflag:s20] =	ssyncset.done $0x0  }
0xea: {  	s25 =	simm.s32 $0x180;
	[sflag:s20] =	ssyncadd.s32 $0xFFFFC000  }
0xeb: {  	[tilespmem:s9], [sflag:$0x2] =	stream.indirect.gather [hbm4b:s16+s7], $0x80, s25, s7, $0xb8;
	[tilespmem:$0x1CA80] =	vst v63  }
0xec: {  	_ =	swait.ge [sflag:s17], $0x4000  }
0xed: {  	[sflag:s17] =	ssyncset.done $0x0  }
0xee: {  	s25 =	simm.s32 $0x900;
	[sflag:s17] =	ssyncadd.s32 $0xFFFFC000  }
0xef: {  	[spmem:s1] =	stream.indirect.scatter.add.f32 [tilespmem:s8], [sflag:$0x6], $0x80, s25, s7, $0xb8;
	[tilespmem:$0x1CA80] =	vst v63  }
0xf0: {  	_ =	swait.ge [sflag:s20], $0x4000  }
0xf1: {  	[sflag:s20] =	ssyncset.done $0x0  }
0xf2: {  	s25 =	simm.s32 $0x200;
	[sflag:s20] =	ssyncadd.s32 $0xFFFFC000  }
0xf3: {  	[tilespmem:s8], [sflag:$0x1] =	stream.indirect.gather [hbm4b:s16+s7], $0x80, s25, s7, $0xb8;
	[tilespmem:$0x1CA80] =	vst v63  }
0xf4: {  	_ =	swait.ge [sflag:s22], $0x4000  }
0xf5: {  	[sflag:s22] =	ssyncset.done $0x0  }
0xf6: {  	s25 =	simm.s32 $0x980;
	[sflag:s22] =	ssyncadd.s32 $0xFFFFC000  }
0xf7: {  	[spmem:s1] =	stream.indirect.scatter.add.f32 [tilespmem:s9], [sflag:$0x6], $0x80, s25, s7, $0xb8;
	[tilespmem:$0x1CA80] =	vst v63  }
0xf8: {  	_ =	swait.ge [sflag:s20], $0x4000  }
0xf9: {  	[sflag:s20] =	ssyncset.done $0x0  }
0xfa: {  	s25 =	simm.s32 $0x280;
	[sflag:s20] =	ssyncadd.s32 $0xFFFFC000  }
0xfb: {  	[tilespmem:s9], [sflag:$0x2] =	stream.indirect.gather [hbm4b:s16+s7], $0x80, s25, s7, $0xb8;
	[tilespmem:$0x1CA80] =	vst v63  }
0xfc: {  	_ =	swait.ge [sflag:s17], $0x4000  }
0xfd: {  	[sflag:s17] =	ssyncset.done $0x0  }
0xfe: {  	s25 =	simm.s32 $0xA00;
	[sflag:s17] =	ssyncadd.s32 $0xFFFFC000  }
0xff: {  	[spmem:s1] =	stream.indirect.scatter.add.f32 [tilespmem:s8], [sflag:$0x6], $0x80, s25, s7, $0xb8;
	[tilespmem:$0x1CA80] =	vst v63  }
0x100: {  	_ =	swait.ge [sflag:s20], $0x4000  }
0x101: {  	[sflag:s20] =	ssyncset.done $0x0  }
0x102: {  	s25 =	simm.s32 $0x300;
	[sflag:s20] =	ssyncadd.s32 $0xFFFFC000  }
0x103: {  	[tilespmem:s8], [sflag:$0x1] =	stream.indirect.gather [hbm4b:s16+s7], $0x80, s25, s7, $0xb8;
	[tilespmem:$0x1CA80] =	vst v63  }
0x104: {  	_ =	swait.ge [sflag:s22], $0x4000  }
0x105: {  	[sflag:s22] =	ssyncset.done $0x0  }
0x106: {  	s25 =	simm.s32 $0xA80;
	[sflag:s22] =	ssyncadd.s32 $0xFFFFC000  }
0x107: {  	[spmem:s1] =	stream.indirect.scatter.add.f32 [tilespmem:s9], [sflag:$0x6], $0x80, s25, s7, $0xb8;
	[tilespmem:$0x1CA80] =	vst v63  }
0x108: {  	_ =	swait.ge [sflag:s20], $0x4000  }
0x109: {  	[sflag:s20] =	ssyncset.done $0x0  }
0x10a: {  	s25 =	simm.s32 $0x380;
	[sflag:s20] =	ssyncadd.s32 $0xFFFFC000  }
0x10b: {  	[tilespmem:s9], [sflag:$0x2] =	stream.indirect.gather [hbm4b:s16+s7], $0x80, s25, s7, $0xb8;
	[tilespmem:$0x1CA80] =	vst v63  }
0x10c: {  	_ =	swait.ge [sflag:s2], $0x400  }
0x10d: {  	[sflag:s2] =	ssyncset.done $0x0  }
0x10e: {  	[sflag:s2] =	ssyncadd.s32 $0xFFFFFC00  }
0x10f: {  	_ =	swait.ge [sflag:s2], $0x400  }
0x110: {  	[sflag:s2] =	ssyncset.done $0x0  }
0x111: {  	[sflag:s2] =	ssyncadd.s32 $0xFFFFFC00  }
0x112: {  	_ =	swait.ge [sflag:s17], $0x4000  }
0x113: {  	[sflag:s17] =	ssyncset.done $0x0  }
0x114: {  	s25 =	simm.s32 $0xB00;
	[sflag:s17] =	ssyncadd.s32 $0xFFFFC000  }
0x115: {  	[spmem:s1] =	stream.indirect.scatter.add.f32 [tilespmem:s8], [sflag:$0x6], $0x80, s25, s7, $0xb8;
	[tilespmem:$0x1CA80] =	vst v63  }
0x116: {  	_ =	swait.ge [sflag:s20], $0x4000  }
0x117: {  	[sflag:s20] =	ssyncset.done $0x0  }
0x118: {  	[sflag:s20] =	ssyncadd.s32 $0xFFFFC000  }
0x119: {  	[tilespmem:s8], [sflag:$0x1] =	stream.indirect.gather [hbm4b:s16+s7], $0x80, s5, s7, $0xb8;
	[tilespmem:$0x1CA80] =	vst v63  }
0x11a: {  	_ =	swait.ge [sflag:s22], $0x4000  }
0x11b: {  	[sflag:s22] =	ssyncset.done $0x0  }
0x11c: {  	s25 =	simm.s32 $0xB80;
	[sflag:s22] =	ssyncadd.s32 $0xFFFFC000  }
0x11d: {  	[spmem:s1] =	stream.indirect.scatter.add.f32 [tilespmem:s9], [sflag:$0x6], $0x80, s25, s7, $0xb8;
	[tilespmem:$0x1CA80] =	vst v63  }
0x11e: {  	_ =	swait.ge [sflag:s20], $0x4000  }
0x11f: {  	[sflag:s20] =	ssyncset.done $0x0  }
0x120: {  	s25 =	simm.s32 $0x480;
	[sflag:s20] =	ssyncadd.s32 $0xFFFFC000  }
0x121: {  	[tilespmem:s9], [sflag:$0x2] =	stream.indirect.gather [hbm4b:s16+s7], $0x80, s25, s7, $0xb8;
	[tilespmem:$0x1CA80] =	vst v63  }
0x122: {  	_ =	swait.ge [sflag:s17], $0x4000  }
0x123: {  	[sflag:s17] =	ssyncset.done $0x0  }
0x124: {  	[sflag:s17] =	ssyncadd.s32 $0xFFFFC000  }
0x125: {  	[spmem:s1] =	stream.indirect.scatter.add.f32 [tilespmem:s8], [sflag:$0x6], $0x80, s6, s7, $0xb8;
	[tilespmem:$0x1CA80] =	vst v63  }
0x126: {  	_ =	swait.ge [sflag:s20], $0x4000  }
0x127: {  	[sflag:s20] =	ssyncset.done $0x0  }
0x128: {  	s25 =	simm.s32 $0x500;
	[sflag:s20] =	ssyncadd.s32 $0xFFFFC000  }
0x129: {  	[tilespmem:s8], [sflag:$0x1] =	stream.indirect.gather [hbm4b:s16+s7], $0x80, s25, s7, $0xb8;
	[tilespmem:$0x1CA80] =	vst v63  }
0x12a: {  	_ =	swait.ge [sflag:s22], $0x4000  }
0x12b: {  	[sflag:s22] =	ssyncset.done $0x0  }
0x12c: {  	s25 =	simm.s32 $0xC80;
	[sflag:s22] =	ssyncadd.s32 $0xFFFFC000  }
0x12d: {  	[spmem:s1] =	stream.indirect.scatter.add.f32 [tilespmem:s9], [sflag:$0x6], $0x80, s25, s7, $0xb8;
	[tilespmem:$0x1CA80] =	vst v63  }
0x12e: {  	_ =	swait.ge [sflag:s20], $0x4000  }
0x12f: {  	[sflag:s20] =	ssyncset.done $0x0  }
0x130: {  	s25 =	simm.s32 $0x580;
	[sflag:s20] =	ssyncadd.s32 $0xFFFFC000  }
0x131: {  	[tilespmem:s9], [sflag:$0x2] =	stream.indirect.gather [hbm4b:s16+s7], $0x80, s25, s7, $0xb8;
	[tilespmem:$0x1CA80] =	vst v63  }
0x132: {  	_ =	swait.ge [sflag:s17], $0x4000  }
0x133: {  	[sflag:s17] =	ssyncset.done $0x0  }
0x134: {  	[sflag:s17] =	ssyncadd.s32 $0xFFFFC000  }
0x135: {  	[spmem:s1] =	stream.indirect.scatter.add.f32 [tilespmem:s8], [sflag:$0x6], $0x80, s26, s7, $0xb8;
	[tilespmem:$0x1CA80] =	vst v63  }
0x136: {  	_ =	swait.ge [sflag:s20], $0x4000  }
0x137: {  	[sflag:s20] =	ssyncset.done $0x0  }
0x138: {  	[sflag:s20] =	ssyncadd.s32 $0xFFFFC000  }
0x139: {  	[tilespmem:s8], [sflag:$0x1] =	stream.indirect.gather [hbm4b:s16+s7], $0x80, s28, s7, $0xb8;
	[tilespmem:$0x1CA80] =	vst v63  }
0x13a: {  	_ =	swait.ge [sflag:s22], $0x4000  }
0x13b: {  	[sflag:s22] =	ssyncset.done $0x0  }
0x13c: {  	[sflag:s22] =	ssyncadd.s32 $0xFFFFC000  }
0x13d: {  	[spmem:s1] =	stream.indirect.scatter.add.f32 [tilespmem:s9], [sflag:$0x6], $0x80, s29, s7, $0xb8;
	[tilespmem:$0x1CA80] =	vst v63  }
0x13e: {  	_ =	swait.ge [sflag:s20], $0x4000  }
0x13f: {  	[sflag:s20] =	ssyncset.done $0x0  }
0x140: {  	[sflag:s20] =	ssyncadd.s32 $0xFFFFC000  }
0x141: {  	[tilespmem:s9], [sflag:$0x2] =	stream.indirect.gather [hbm4b:s16+s7], $0x80, s30, s7, $0xb8;
	[tilespmem:$0x1CA80] =	vst v63  }
0x142: {  	_ =	swait.ge [sflag:s17], $0x4000  }
0x143: {  	[sflag:s17] =	ssyncset.done $0x0  }
0x144: {  	[sflag:s17] =	ssyncadd.s32 $0xFFFFC000  }
0x145: {  	[spmem:s1] =	stream.indirect.scatter.add.f32 [tilespmem:s8], [sflag:$0x6], $0x80, s31, s7, $0xb8;
	[tilespmem:$0x1CA80] =	vst v63  }
0x146: {  	_ =	swait.ge [sflag:s20], $0x4000  }
0x147: {  	[sflag:s20] =	ssyncset.done $0x0  }
0x148: {  	[sflag:s20] =	ssyncadd.s32 $0xFFFFC000  }
0x149: {  	[tilespmem:s8], [sflag:$0x1] =	stream.indirect.gather [hbm4b:s16+s7], $0x80, s12, s7, $0xb8;
	[tilespmem:$0x1CA80] =	vst v63  }
0x14a: {  	_ =	swait.ge [sflag:s22], $0x4000  }
0x14b: {  	[sflag:s22] =	ssyncset.done $0x0  }
0x14c: {  	p1 =	seq.s32 s19, $0x400;
	[sflag:s22] =	ssyncadd.s32 $0xFFFFC000  }
0x14d: {  	[spmem:s1] =	stream.indirect.scatter.add.f32 [tilespmem:s9], [sflag:$0x6], $0x80, s0, s7, $0xb8;
	[tilespmem:$0x1CA80] =	vst v63  }
.Ltmp2:
0x14e: {  	_ = 	snop;
	(pc) =	sbr.rel @p1 .LBB2_4-.Ltmp2, $4  }
0x14f: {  	_ =	swait.ge [sflag:s20], $0x4000  }
0x150: {  	[sflag:s20] =	ssyncset.done $0x0  }
0x151: {  	[sflag:s20] =	ssyncadd.s32 $0xFFFFC000  }
0x152: {  	[tilespmem:s9], [sflag:$0x2] =	stream.indirect.gather [hbm4b:s16+s7], $0x80, s3, s7, $0xb8;
	[tilespmem:$0x1CA80] =	vst v63  }
.Ltmp3:
0x153: {  	(pc) =	sbr.rel .LBB2_2-.Ltmp3, $4  }
0x154: {  	s21 =	sadd.s32 $0x100, s21  }
0x155: {  	[tilespmem:s13], [sflag:$0x4] =	stream.linear.gather [hbm4b:s21+s13], $0x400, $0x38;
	[tilespmem:$0x1CA80] =	vst v63  }
0x156: {  	s25 =	sadd.s32 $0x100, s23;
	s19 =	sadd.s32 $0x100, s19  }
0x157: {  	[tilespmem:s18], [sflag:$0x4] =	stream.linear.gather [hbm4b:s25+s13], $0x400, $0x38;
	[tilespmem:$0x1CA80] =	vst v63  }
.LBB2_5:
0x158: {  	_ =	sfence.sel $0x180000  }
0x159: {  	[bflag:$0x0] =	sbarrier.arrive $0xFFFF  }
0x15a: {  	_ =	strace $0x9000004A  }
0x15b: {  	s0 =	stileid.u32;
	[bflag:$0x2] =	sbarrier.arrive $0xFFFF  }
0x15c: {  	p0 =	sne.s32 s0, $0x0;
	s0 =	rddreg [dreg:$0x2]  }
0x15d: {  	s0 =	sadd.s32 @!p0 $0x100000, s0  }
0x15e: {  	[sflag:s0] =	ssyncadd.tile.s32 @!p0 $0x1;
	_ =	shalt  }
.Lfunc_end2:
_tile_overlayer_lowered:
.L_overlay_start_2:
0x15f: {  	(tag) =	ssettag $0x2  }
0x160: {  	s0 =	rddreg [dreg:$0x0];
	s2 =	stileid.u32  }
0x161: {  	s1 =	rddreg [dreg:$0x1];
	p0 =	sne.s32 s2, $0x0  }
0x162: {  	s3 =	rddreg [dreg:$0x2];
	[bflag:$0x3] =	sbarrier.arrive $0xFFFF;
	s2 =	simm.s32 @!p0 $0x1C06  }
0x163: {  	[timem:s3], [sflag:s2] =	dma.local @!p0 [hbm:s0], s1  }
0x164: {  	s0 =	simm.s32 @!p0 $0x6  }
0x165: {  	_ =	swait.ge @!p0 [sflag:s0], s1  }
0x166: {  	s1 =	ssub.s32 @!p0 $0x0, s1;
	[sflag:s0] =	ssyncset.done @!p0 $0x0  }
0x167: {  	[sflag:s0] =	ssyncadd.s32 @!p0 s1  }
0x168: {  	[bflag:$0x3] =	sbarrier.arrive $0xFFFF  }
0x169: {  	_ =	shalt  }

// kernel: kernel.14.cloned.1.call-start
scs
__scs_entry_jumppad:
0x0: {  	(pc) =	sbr.rel $0x88, $3  }
0x1: {  	(tag) =	ssettag $0x0;
	lr =	simm.s32 $0x1  }
0x2: {  	[smem:$0x3F95] =	sst lr;
	_ =	strace $0xD0000000  }
0x3: {  	_ = 	snop  }
0x4: {  	_ = 	snop  }
0x5: {  	_ = 	snop  }
0x6: {  	_ = 	snop  }
0x7: {  	_ = 	snop  }
__scs_overlays_trampoline_lowered:
0x8: {  	[smem:$0x3FA4] =	sst s0  }
0x9: {  	[smem:$0x3FA5] =	sst s1  }
0xa: {  	[smem:$0x3FA6] =	sst s2  }
0xb: {  	[smem:$0x3FA7] =	sst s3  }
0xc: {  	[smem:$0x3FA8] =	sst s4  }
0xd: {  	[smem:$0x3FA9] =	sst s5  }
0xe: {  	[smem:$0x3FAA] =	sst s6  }
0xf: {  	[smem:$0x3FAB] =	sst s7  }
0x10: {  	[smem:$0x3FAC] =	sst s8  }
0x11: {  	[smem:$0x3FAD] =	sst s9;
	s0 =	simm.s32 @!p0 $0x0  }
0x12: {  	s1 =	sld [smem:$0x3F93];
	s0 =	simm.s32 @p0 $0x1  }
0x13: {  	[smem:$0x3FAE] =	sst s0;
	s0 =	simm.s32 @!p1 $0x0  }
0x14: {  	s2 =	sld [smem:$0x3F92];
	s0 =	simm.s32 @p1 $0x1  }
0x15: {  	[smem:$0x3FAF] =	sst s0;
	s0 =	simm.s32 @!p2 $0x0  }
0x16: {  	s3 =	sld [smem:$0x3FDB];
	s0 =	simm.s32 @p2 $0x1  }
0x17: {  	s4 =	simm.s32 $0x1BF5;
	[smem:$0x3FB1] =	sst s0  }
0x18: {  	s0 =	sld [smem:$0x3F94];
	_ =	swait.ge [sflag:s4], $0x0  }
0x19: {  	s7 =	sld [smem:$0x3F95]  }
0x1a: {  	s8 =	sadd.s32 $0xFFFFE003, lr  }
0x1b: {  	s9 =	sadd.s32 $0xFFFFFEF7, lr;
	s5 =	simm.s32 $0xFFFFFFFF;
	p2 =	slt.u32 s8, $0xFFFFF086  }
0x1c: {  	p1 =	slt.u32 s9, $0xF7A;
	s5 =	simm.s32 @!p2 $0x0  }
0x1d: {  	s5 =	simm.s32 @p1 $0x1;
	p0 =	seq.s32 s7, s2  }
0x1e: {  	s7 =	smul.u32 @!p0 $0xF7A, s2;
	p2 =	seq.s32 @!p0 s5, $0x0  }
0x1f: {  	s9 =	smul.u32 $0xF7A, s1;
	s8 =	simm.s32 @!p0 $0x1BF5;
	p2 =	por !p2, p0  }
0x20: {  	[sflag:s8] =	ssyncset.s32 @!p0 $0xFFFFF086;
	s6 =	sadd.s32 @!p0 s3, s7;
	s7 =	simm.s32 @!p0 $0x108  }
0x21: {  	s3 =	sadd.s32 s3, s9;
	s6 =	sadd.s32 @!p0 $0x88, s6;
	s7 =	simm.s32 @p2 $0x1082  }
0x22: {  	[simem:s7], [sflag:s8] =	dma.local @!p0 [hbm:s6], $0xF7A  }
0x23: {  	s9 =	sor.u32 $0xD0000000, s2;
	s6 =	simm.s32 $0x108;
	_ =	swait.ge @!p0 [sflag:s8], $0x0  }
0x24: {  	s3 =	sadd.s32 $0x88, s3;
	s6 =	simm.s32 @!p1 $0x1082;
	[sflag:s4] =	ssyncset.s32 $0xFFFFF086  }
0x25: {  	[simem:s6], [sflag:s4] =	dma.local [hbm:s3], $0xF7A  }
0x26: {  	[smem:$0x3F95] =	sst s1;
	(tag) =	ssettag s2;
	_ =	strace s9  }
0x27: {  	s1 =	sld [smem:$0x3FA5]  }
0x28: {  	s2 =	sld [smem:$0x3FA6]  }
0x29: {  	s4 =	sld [smem:$0x3FA8]  }
0x2a: {  	p0 =	seq.s32 s5, $0x0;
	s5 =	sld [smem:$0x3FA9]  }
0x2b: {  	s6 =	sld [smem:$0x3FAA]  }
0x2c: {  	s7 =	sld [smem:$0x3FAB]  }
0x2d: {  	s3 =	simm.s32 $0x108;
	s8 =	sld [smem:$0x3FAC]  }
0x2e: {  	s3 =	simm.s32 @!p0 $0x1082;
	s9 =	sld [smem:$0x3FAD]  }
0x2f: {  	lr =	sadd.s32 s0, s3;
	s0 =	sld [smem:$0x3FA4]  }
0x30: {  	s3 =	sld [smem:$0x3FA7]  }
0x31: {  	[smem:$0x3FB0] =	sst s10  }
0x32: {  	s10 =	sld [smem:$0x3FAE];
	_ =	sdelay $0x3  }
0x33: {  	p0 =	seq.s32 s10, $0x1;
	s10 =	sld [smem:$0x3FB0];
	_ =	sdelay $0x3  }
0x34: {  	[smem:$0x3FB0] =	sst s10  }
0x35: {  	s10 =	sld [smem:$0x3FAF];
	_ =	sdelay $0x3  }
0x36: {  	p1 =	seq.s32 s10, $0x1;
	s10 =	sld [smem:$0x3FB0];
	_ =	sdelay $0x3  }
0x37: {  	[smem:$0x3FB0] =	sst s10  }
0x38: {  	s10 =	sld [smem:$0x3FB1]  }
0x39: {  	_ = 	snop;
	(pc) =	sbr.ind lr, $3  }
0x3a: {  	_ = 	snop  }
0x3b: {  	_ = 	snop  }
0x3c: {  	p2 =	seq.s32 s10, $0x1;
	s10 =	sld [smem:$0x3FB0]  }
0x3d: {  	_ =	shalt  }
0x3e: {  	_ =	shalt  }
0x3f: {  	_ =	shalt  }
0x40: {  	_ =	shalt  }
0x41: {  	_ =	shalt  }
0x42: {  	_ =	shalt  }
0x43: {  	_ =	shalt  }
0x44: {  	_ =	shalt  }
0x45: {  	_ =	shalt  }
0x46: {  	_ =	shalt  }
0x47: {  	_ =	shalt  }
0x48: {  	_ =	shalt  }
0x49: {  	_ =	shalt  }
0x4a: {  	_ =	shalt  }
0x4b: {  	_ =	shalt  }
0x4c: {  	_ =	shalt  }
0x4d: {  	_ =	shalt  }
0x4e: {  	_ =	shalt  }
0x4f: {  	_ =	shalt  }
0x50: {  	_ =	shalt  }
0x51: {  	_ =	shalt  }
0x52: {  	_ =	shalt  }
0x53: {  	_ =	shalt  }
0x54: {  	_ =	shalt  }
0x55: {  	_ =	shalt  }
0x56: {  	_ =	shalt  }
0x57: {  	_ =	shalt  }
0x58: {  	_ =	shalt  }
0x59: {  	_ =	shalt  }
0x5a: {  	_ =	shalt  }
0x5b: {  	_ =	shalt  }
0x5c: {  	_ =	shalt  }
0x5d: {  	_ =	shalt  }
0x5e: {  	_ =	shalt  }
0x5f: {  	_ =	shalt  }
0x60: {  	_ =	shalt  }
0x61: {  	_ =	shalt  }
0x62: {  	_ =	shalt  }
0x63: {  	_ =	shalt  }
0x64: {  	_ =	shalt  }
0x65: {  	_ =	shalt  }
0x66: {  	_ =	shalt  }
0x67: {  	_ =	shalt  }
0x68: {  	_ =	shalt  }
0x69: {  	_ =	shalt  }
0x6a: {  	_ =	shalt  }
0x6b: {  	_ =	shalt  }
0x6c: {  	_ =	shalt  }
0x6d: {  	_ =	shalt  }
0x6e: {  	_ =	shalt  }
0x6f: {  	_ =	shalt  }
0x70: {  	_ =	shalt  }
0x71: {  	_ =	shalt  }
0x72: {  	_ =	shalt  }
0x73: {  	_ =	shalt  }
0x74: {  	_ =	shalt  }
0x75: {  	_ =	shalt  }
0x76: {  	_ =	shalt  }
0x77: {  	_ =	shalt  }
0x78: {  	_ =	shalt  }
0x79: {  	_ =	shalt  }
0x7a: {  	_ =	shalt  }
0x7b: {  	_ =	shalt  }
0x7c: {  	_ =	shalt  }
0x7d: {  	_ =	shalt  }
0x7e: {  	_ =	shalt  }
0x7f: {  	_ =	shalt  }
0x80: {  	_ =	shalt  }
0x81: {  	_ =	shalt  }
0x82: {  	_ =	shalt  }
0x83: {  	_ =	shalt  }
0x84: {  	_ =	shalt  }
0x85: {  	_ =	shalt  }
0x86: {  	_ =	shalt  }
0x87: {  	_ =	shalt  }
.Lfunc_end0:
.L_simem_size_0:
called_computation.2_lowered:
.L_overlay_start_0:
0x88: {  	s2 =	sld [smem:$0x3FD9]  }
0x89: {  	s3 =	sld [smem:$0x3FFE];
	_ =	sdelay $0x1  }
0x8a: {  	s1 =	srdreg.scid  }
0x8b: {  	s0 =	sand.u32 $0x1, s1  }
0x8c: {  	s16 =	sshll.u32 s0, $0xA;
	s2 =	sadd.s32 s3, s2  }
0x8d: {  	s2 =	sadd.s32 s2, s16  }
0x8e: {  	[smem:$0x3FBC] =	sst s2  }
0x8f: {  	_ = 	snop  }
0x90: {  	(tm) =	ssettm $0x1  }
0x91: {  	s17 =	sld [smem:$0x3FFB];
	_ =	sdelay $0x3  }
0x92: {  	_ =	strace s17  }
0x93: {  	s2 =	sld [smem:$0x3FFC];
	_ =	sdelay $0x3  }
0x94: {  	_ =	strace s2  }
0x95: {  	s2 =	sld [smem:$0x3FFD];
	_ =	sdelay $0x3  }
0x96: {  	_ =	strace s2  }
0x97: {  	_ =	strace $0x8FFFFFFF  }
0x98: {  	s18 =	sld [smem:$0x3FDB];
	_ =	sdelay $0x1  }
0x99: {  	s19 =	simm.s32 $_scs_section_size  }
0x9a: {  	s4 =	simm.s32 $_size__tile_overlayer_lowered;
	s5 =	simm.s32 $_tile_overlayer_lowered  }
0x9b: {  	s22 =	simm.s32 $0x1BFF;
	s21 =	sshll.u32 s5, $0x1;
	s2 =	sadd.s32 s19, s18  }
0x9c: {  	s6 =	simm.s32 $0x0;
	s20 =	sshll.u32 s4, $0x1;
	s4 =	sadd.s32 s21, s2  }
0x9d: {  	[timem:s6], [sflag:s22] =	dma.local [hbm:s4], s20  }
0x9e: {  	_ =	swait.ge [sflag:s22], s20  }
0x9f: {  	s3 =	ssub.s32 $0x0, s20;
	[sflag:s22] =	ssyncset.done $0x0  }
0xa0: {  	[sflag:s22] =	ssyncadd.s32 s3;
	_ =	sdelay $0x1  }
0xa1: {  	s23 =	simm.s32 $0x1B8B  }
0xa2: {  	_ =	swait.ge [sflag:s23], $0x1  }
0xa3: {  	[sflag:s23] =	ssyncset.done $0x0  }
0xa4: {  	s25 =	simm.s32 $0x1B8E;
	s24 =	sld [smem:$0x3FFE];
	[sflag:s23] =	ssyncadd.s32 $0xFFFFFFFF  }
0xa5: {  	s26 =	simm.s32 $execute0_lowered;
	[smem:$0x3FD2] =	sst s25  }
0xa6: {  	s4 =	sshll.u32 s26, $0x1;
	_ =	strace $0x8000004C;
	[dreg:$0x1] =	wrdreg $0xFFFFFFFF  }
0xa7: {  	s28 =	simm.s32 $_size_execute0_lowered;
	s2 =	sadd.s32 s2, s4;
	[dreg:$0x0] =	wrdreg $0x0  }
0xa8: {  	s4 =	sshll.u32 s28, $0x1;
	[dreg:$0x2] =	wrdreg s2  }
0xa9: {  	[dreg:$0x3] =	wrdreg s4  }
0xaa: {  	[dreg:$0x4] =	wrdreg $0xC0  }
0xab: {  	_ =	task [dreg:s6], $0x5FFFF  }
0xac: {  	[dreg:$0x1] =	wrdreg $0xFFFFFFFF  }
0xad: {  	[dreg:$0x0] =	wrdreg $0x60  }
0xae: {  	[dreg:$0x2] =	wrdreg s24  }
0xaf: {  	[dreg:$0x3] =	wrdreg $0x90000  }
0xb0: {  	[dreg:$0x4] =	wrdreg $0x9  }
0xb1: {  	_ =	task.clear_ibuf [dreg:s6], $0x5FFFF;
	_ =	strace $0x9000004C  }
0xb2: {  	s29 =	simm.s32 $0x9;
	_ =	strace $0x8000004E  }
0xb3: {  	_ =	swait.ge [sflag:s29], $0x1  }
0xb4: {  	[sflag:s29] =	ssyncadd.s32 $0xFFFFFFFF  }
0xb5: {  	_ =	strace $0x9000004E  }
0xb6: {  	_ =	sfence  }
0xb7: {  	s30 =	sld [smem:$0x0];
	_ =	sdelay $0x2  }
0xb8: {  	s31 =	sshll.u32 s1, $0xD;
	s1 =	sshrl.u32 s1, $0x2  }
0xb9: {  	s3 =	sand.u32 $0x4000, s31;
	s1 =	sadd.s32 s1, s30  }
0xba: {  	s0 =	sor.u32 s3, s0;
	s1 =	sshll.u32 s1, $0x11  }
0xbb: {  	s0 =	sor.u32 s1, s0  }
0xbc: {  	s0 =	sadd.s32 $0x8F2B, s0  }
0xbd: {  	[sflag:s0] =	ssyncadd.remote.s32 $0x1  }
0xbe: {  	_ =	sfence.sel $0xFFFF  }
0xbf: {  	[dreg:$0x0] =	wrdreg $0xFFFFFFFF;
	(pc) =	sbr.abs _section_cstart, $3  }
0xc0: {  	[dreg:$0x1] =	wrdreg $0xFFFFFFFF  }
0xc1: {  	_ =	task.clear_ibuf [dreg:s6], $0x2FFFF;
	_ =	strace $0x9FFFFFFF  }
0xc2: {  	(tm) =	ssettm $0x7FFFFFFF  }
0xc3: {  	_ =	shalt  }
tec
execute0_lowered:
.L_overlay_start_1:
0x0: {  	(tag) =	ssettag $0x1  }
0x1: {  	s4 =	rddreg [dreg:$0x0]  }
0x2: {  	s1 =	rddreg [dreg:$0x1]  }
0x3: {  	s0 =	srdreg.scid;
	s22 =	stileid.u32  }
0x4: {  	s28 =	simm.s32 $0x600;
	s14 =	sor.u32 $0x10, s22;
	s3 =	smul.u32 $0x2800, s22  }
0x5: {  	s29 =	simm.s32 $0xD80;
	s9 =	sand.u32 $0x1, s0;
	s6 =	smul.u32 $0xA000, s14  }
0x6: {  	s30 =	simm.s32 $0x680;
	s31 =	simm.s32 $0xE00;
	s11 =	smul.u32 $0x138800, s9  }
0x7: {  	s8 =	sadd.s32 $0x3000, s4;
	s17 =	sor.u32 $0x20, s22;
	s16 =	smul.u32 $0x2800, s14  }
0x8: {  	s12 =	sadd.s32 $0xD000, s4;
	s18 =	sor.u32 $0x30, s22;
	s19 =	smul.u32 $0x2800, s17  }
0x9: {  	s10 =	sadd.s32 $0x3E200, s4;
	s7 =	sor.u32 $0x40, s22;
	s21 =	smul.u32 $0x2800, s18  }
0xa: {  	s15 =	sshll.u32 s22, $0x1;
	s5 =	sor.u32 $0x50, s22;
	s24 =	smul.u32 $0x2800, s7  }
0xb: {  	p0 =	sgt.u32 s22, $0xC;
	s0 =	ssub.s32 $0x2, s9;
	s26 =	smul.u32 $0x2800, s5  }
0xc: {  	s13 =	sor.u32 s9, s15;
	s9 =	smul.u32 $0x500, s9;
	s2 =	sshrl.u32 s0, $0x1  }
0xd: {  	s13 =	smul.u32 $0x500, s13;
	s0 =	ssub.s32 s0, s2;
	s2 =	sor.u32 $0x60, s22  }
0xe: {  	s15 =	sadd.s32 s3, s11;
	s3 =	sor.u32 $0x70, s22;
	s16 =	sadd.s32 s11, s16  }
0xf: {  	s20 =	sadd.s32 s11, s19;
	s19 =	sadd.s32 s11, s26;
	s26 =	smul.u32 $0xA000, s17  }
0x10: {  	s25 =	sadd.s32 s11, s21;
	s23 =	sshrl.u32 s20, $0x3;
	s20 =	smul.u32 $0x2800, s2  }
0x11: {  	s6 =	sshrl.u32 s6, $0x2;
	s15 =	sshrl.u32 s15, $0x3;
	s21 =	smul.u32 $0x2800, s3  }
0x12: {  	s19 =	sshrl.u32 s19, $0x3;
	s6 =	sadd.s32 s6, s1;
	s15 =	sadd.s32 s10, s15  }
0x13: {  	s0 =	smax.u32 s0, $0x1;
	[dreg:$0x3] =	wrdreg s15;
	s15 =	sshrl.u32 s16, $0x3  }
0x14: {  	s16 =	sadd.s32 s11, s24;
	s20 =	sadd.s32 s11, s20;
	s11 =	sadd.s32 s11, s21  }
0x15: {  	s24 =	smul.u32 $0xA000, s22;
	s15 =	sadd.s32 s10, s15;
	s16 =	sshrl.u32 s16, $0x3  }
0x16: {  	s11 =	sshrl.u32 s11, $0x3;
	[dreg:$0x4] =	wrdreg s15;
	s15 =	sadd.s32 s10, s23  }
0x17: {  	s16 =	sadd.s32 s10, s16;
	s23 =	smul.u32 $0xA00, s22;
	[dreg:$0x5] =	wrdreg s15  }
0x18: {  	s15 =	sshrl.u32 s25, $0x3;
	[dreg:$0x7] =	wrdreg s16;
	s25 =	smul.u32 $0x500, s22  }
0x19: {  	s16 =	sadd.s32 $0x17000, s4;
	s4 =	smul.u32 $0x500, s17;
	s17 =	sshll.u32 s22, $0x6  }
0x1a: {  	s22 =	simm.s32 $0x2;
	s15 =	sadd.s32 s10, s15;
	s21 =	sor.u32 $0x1C03, s17  }
0x1b: {  	s17 =	smul.u32 $0xA000, s5;
	[dreg:$0x6] =	wrdreg s15;
	s15 =	sadd.s32 s10, s19  }
0x1c: {  	s5 =	smul.u32 $0x500, s5;
	[dreg:$0x8] =	wrdreg s15;
	s15 =	sshrl.u32 s20, $0x3  }
0x1d: {  	s19 =	smul.u32 $0x500, s14;
	s4 =	sadd.s32 s16, s4;
	s15 =	sadd.s32 s10, s15  }
0x1e: {  	s20 =	smul.u32 $0xA000, s18;
	s10 =	sadd.s32 s10, s11;
	[dreg:$0x9] =	wrdreg s15  }
0x1f: {  	s11 =	sadd.s32 s12, s13;
	s12 =	sadd.s32 s23, s12;
	[dreg:$0xa] =	wrdreg s10  }
0x20: {  	s10 =	sadd.s32 s8, s13;
	s8 =	sadd.s32 s23, s8;
	s13 =	simm.s32 $0x0  }
0x21: {  	s15 =	sadd.s32 s9, s12;
	s23 =	smul.u32 $0x500, s18;
	[smem:$0x7FF] =	sst s13  }
0x22: {  	s14 =	sadd.s32 s9, s8;
	s8 =	sshrl.u32 s24, $0x2;
	s9 =	sadd.s32 s16, s25  }
0x23: {  	s24 =	sshrl.u32 s26, $0x2;
	_ =	strace $0x8000004D;
	[dreg:$0xc] =	wrdreg s9  }
0x24: {  	s25 =	smul.u32 $0xA000, s7;
	s26 =	sadd.s32 s16, s19;
	[dreg:$0xe] =	wrdreg s6  }
0x25: {  	s5 =	sadd.s32 s16, s5;
	s7 =	smul.u32 $0x500, s7;
	[dreg:$0xf] =	wrdreg s26  }
0x26: {  	s12 =	simm.s32 $0x700;
	s19 =	smul.u32 $0xA000, s2;
	[dreg:$0x11] =	wrdreg s4  }
0x27: {  	s2 =	smul.u32 $0x500, s2;
	s8 =	sadd.s32 s8, s1;
	[dreg:$0x17] =	wrdreg s5  }
0x28: {  	s6 =	sadd.s32 s24, s1;
	s9 =	sshrl.u32 s20, $0x2;
	[dreg:$0x1c] =	wrdreg s0  }
0x29: {  	s20 =	sshrl.u32 s17, $0x2;
	s5 =	simm.s32 $0x400;
	[dreg:$0xd] =	wrdreg s21  }
0x2a: {  	s17 =	simm.s32 $0x1;
	s0 =	simm.s32 $0xE80;
	[dreg:$0xb] =	wrdreg s8  }
0x2b: {  	[dreg:$0x10] =	wrdreg s6;
	s4 =	sadd.s32 s9, s1;
	s18 =	sshrl.u32 s25, $0x2  }
0x2c: {  	s8 =	sadd.s32 s16, s23;
	s6 =	sadd.s32 s16, s7;
	s23 =	smul.u32 $0xA000, s3  }
0x2d: {  	s3 =	smul.u32 $0x500, s3;
	s2 =	sadd.s32 s16, s2;
	[dreg:$0x12] =	wrdreg s4  }
0x2e: {  	s7 =	simm.s32 $0x80;
	s9 =	simm.s32 $0x5000;
	[dreg:$0x13] =	wrdreg s8  }
0x2f: {  	s4 =	sadd.s32 s18, s1;
	[dreg:$0x15] =	wrdreg s6;
	s6 =	sadd.s32 s20, s1  }
0x30: {  	[dreg:$0x19] =	wrdreg s2;
	s8 =	simm.s32 $0x1000;
	s18 =	simm.s32 $0x800  }
0x31: {  	s20 =	simm.s32 $0x6;
	s2 =	simm.s32 $0x5;
	[dreg:$0x14] =	wrdreg s4  }
.Ltmp0:
0x32: {  	[dreg:$0x16] =	wrdreg s6;
	s4 =	sshrl.u32 s19, $0x2;
	(pc) =	sbr.rel .LBB2_1-.Ltmp0, $4  }
0x33: {  	s24 =	sshrl.u32 s23, $0x2;
	s26 =	sadd.s32 s16, s3;
	s6 =	simm.s32 $0xC00  }
0x34: {  	s3 =	simm.s32 $0x780;
	s4 =	sadd.s32 s4, s1;
	[dreg:$0x1b] =	wrdreg s26  }
0x35: {  	s25 =	sadd.s32 s24, s1;
	s26 =	simm.s32 $0xD00;
	[dreg:$0x18] =	wrdreg s4  }
0x36: {  	s24 =	simm.s32 $0x0;
	[dreg:$0x1a] =	wrdreg s25;
	s4 =	simm.s32 $0x3  }
.LBB2_4:
0x37: {  	_ =	swait.ge [sflag:s17], $0x4000  }
0x38: {  	[sflag:s17] =	ssyncset.done $0x0  }
0x39: {  	s19 =	simm.s32 $0xF00;
	[sflag:s17] =	ssyncadd.s32 $0xFFFFC000  }
0x3a: {  	[spmem:s1] =	stream.indirect.scatter.add.f32 [tilespmem:s8], [sflag:$0x6], $0x80, s19, s7, $0xb8;
	[tilespmem:$0x1CA80] =	vst v63  }
0x3b: {  	_ =	swait.ge [sflag:s20], $0x4000  }
0x3c: {  	[sflag:s20] =	ssyncset.done $0x0  }
0x3d: {  	[sflag:s20] =	ssyncadd.s32 $0xFFFFC000  }
0x3e: {  	_ =	swait.ge [sflag:s22], $0x4000  }
0x3f: {  	[sflag:s22] =	ssyncset.done $0x0  }
0x40: {  	s23 =	simm.s32 $0xF80;
	[sflag:s22] =	ssyncadd.s32 $0xFFFFC000  }
0x41: {  	[spmem:s1] =	stream.indirect.scatter.add.f32 [tilespmem:s9], [sflag:$0x6], $0x80, s23, s7, $0xb8;
	[tilespmem:$0x1CA80] =	vst v63  }
0x42: {  	_ =	swait.ge [sflag:s20], $0x4000  }
0x43: {  	[sflag:s20] =	ssyncset.done $0x0  }
0x44: {  	[sflag:s20] =	ssyncadd.s32 $0xFFFFC000  }
0x45: {  	[bflag:$0x0] =	sbarrier.arrive $0xFFFF  }
0x46: {  	s24 =	rddreg [dreg:$0x3]  }
0x47: {  	s21 =	rddreg [dreg:$0xd]  }
0x48: {  	s23 =	rddreg [dreg:$0x1e]  }
0x49: {  	[hbm:s24], [sflag:s21] =	dma.local [spmem:s23], $0x500  }
0x4a: {  	s19 =	rddreg [dreg:$0x4]  }
0x4b: {  	s23 =	rddreg [dreg:$0x1f]  }
0x4c: {  	[hbm:s19], [sflag:s21] =	dma.local [spmem:s23], $0x500  }
0x4d: {  	s23 =	sld [smem:$0x7F8];
	_ =	sdelay $0x1  }
0x4e: {  	s19 =	rddreg [dreg:$0x5]  }
0x4f: {  	[hbm:s19], [sflag:s21] =	dma.local [spmem:s23], $0x500  }
0x50: {  	s23 =	sld [smem:$0x7F9];
	_ =	sdelay $0x1  }
0x51: {  	s19 =	rddreg [dreg:$0x6]  }
0x52: {  	[hbm:s19], [sflag:s21] =	dma.local [spmem:s23], $0x500  }
0x53: {  	s23 =	sld [smem:$0x7FA];
	_ =	sdelay $0x1  }
0x54: {  	s19 =	rddreg [dreg:$0x7]  }
0x55: {  	[hbm:s19], [sflag:s21] =	dma.local [spmem:s23], $0x500  }
0x56: {  	s23 =	sld [smem:$0x7FB];
	_ =	sdelay $0x1  }
0x57: {  	s19 =	rddreg [dreg:$0x8]  }
0x58: {  	[hbm:s19], [sflag:s21] =	dma.local [spmem:s23], $0x500  }
0x59: {  	s23 =	sld [smem:$0x7FC];
	_ =	sdelay $0x1  }
0x5a: {  	s19 =	rddreg [dreg:$0x9]  }
0x5b: {  	[hbm:s19], [sflag:s21] =	dma.local [spmem:s23], $0x500  }
0x5c: {  	s23 =	sld [smem:$0x7FD];
	_ =	sdelay $0x1  }
0x5d: {  	s19 =	rddreg [dreg:$0xa]  }
0x5e: {  	[hbm:s19], [sflag:s21] =	dma.local @!p0 [spmem:s23], $0x500  }
0x5f: {  	_ =	swait.ge [sflag:s4], $0x500  }
0x60: {  	[sflag:s4] =	ssyncset.done $0x0  }
0x61: {  	[sflag:s4] =	ssyncadd.s32 $0xFFFFFB00  }
0x62: {  	_ =	swait.ge [sflag:s4], $0x500  }
0x63: {  	[sflag:s4] =	ssyncset.done $0x0  }
0x64: {  	[sflag:s4] =	ssyncadd.s32 $0xFFFFFB00  }
0x65: {  	_ =	swait.ge [sflag:s4], $0x500  }
0x66: {  	[sflag:s4] =	ssyncset.done $0x0  }
0x67: {  	[sflag:s4] =	ssyncadd.s32 $0xFFFFFB00  }
0x68: {  	_ =	swait.ge [sflag:s4], $0x500  }
0x69: {  	[sflag:s4] =	ssyncset.done $0x0  }
0x6a: {  	[sflag:s4] =	ssyncadd.s32 $0xFFFFFB00  }
0x6b: {  	_ =	swait.ge [sflag:s4], $0x500  }
0x6c: {  	[sflag:s4] =	ssyncset.done $0x0  }
0x6d: {  	[sflag:s4] =	ssyncadd.s32 $0xFFFFFB00  }
0x6e: {  	_ =	swait.ge [sflag:s4], $0x500  }
0x6f: {  	[sflag:s4] =	ssyncset.done $0x0  }
0x70: {  	[sflag:s4] =	ssyncadd.s32 $0xFFFFFB00  }
0x71: {  	_ =	swait.ge [sflag:s4], $0x500  }
0x72: {  	[sflag:s4] =	ssyncset.done $0x0  }
0x73: {  	s19 =	simm.s32 @!p0 $0x3;
	[sflag:s4] =	ssyncadd.s32 $0xFFFFFB00  }
0x74: {  	_ =	swait.ge @!p0 [sflag:s19], $0x500  }
0x75: {  	s24 =	rddreg [dreg:$0x1d]  }
0x76: {  	s25 =	rddreg [dreg:$0x1c];
	s24 =	sadd.s32 $0x1, s24  }
0x77: {  	p1 =	sne.s32 s24, s25  }
.Ltmp1:
0x78: {  	_ = 	snop;
	(pc) =	sbr.rel @!p1 .LBB2_5-.Ltmp1, $3  }
0x79: {  	_ =	sdelay $0x1  }
0x7a: {  	[sflag:s19] =	ssyncset.done @!p0 $0x0  }
0x7b: {  	[sflag:s19] =	ssyncadd.s32 @!p0 $0xFFFFFB00  }
.LBB2_1:
0x7c: {  	[dreg:$0x1d] =	wrdreg s24  }
0x7d: {  	s19 =	rddreg [dreg:$0xb]  }
0x7e: {  	s25 =	rddreg [dreg:$0xc];
	s23 =	sshrl.u32 s19, $0x3  }
0x7f: {  	[dreg:$0x1e] =	wrdreg s23  }
0x80: {  	[spmem:s23], [sflag:s21] =	dma.local [hbm:s25], $0x500  }
0x81: {  	s19 =	rddreg [dreg:$0xe]  }
0x82: {  	s25 =	rddreg [dreg:$0xf];
	s24 =	sshrl.u32 s19, $0x3  }
0x83: {  	[dreg:$0x1f] =	wrdreg s24  }
0x84: {  	[spmem:s24], [sflag:s21] =	dma.local [hbm:s25], $0x500  }
0x85: {  	s19 =	rddreg [dreg:$0x10]  }
0x86: {  	s25 =	rddreg [dreg:$0x11];
	s24 =	sshrl.u32 s19, $0x3  }
0x87: {  	[smem:$0x7F8] =	sst s24  }
0x88: {  	[spmem:s24], [sflag:s21] =	dma.local [hbm:s25], $0x500  }
0x89: {  	s19 =	rddreg [dreg:$0x12]  }
0x8a: {  	s25 =	rddreg [dreg:$0x13];
	s24 =	sshrl.u32 s19, $0x3  }
0x8b: {  	[smem:$0x7F9] =	sst s24  }
0x8c: {  	[spmem:s24], [sflag:s21] =	dma.local [hbm:s25], $0x500  }
0x8d: {  	s19 =	rddreg [dreg:$0x14]  }
0x8e: {  	s25 =	rddreg [dreg:$0x15];
	s24 =	sshrl.u32 s19, $0x3  }
0x8f: {  	[smem:$0x7FA] =	sst s24  }
0x90: {  	[spmem:s24], [sflag:s21] =	dma.local [hbm:s25], $0x500  }
0x91: {  	s19 =	rddreg [dreg:$0x16]  }
0x92: {  	s25 =	rddreg [dreg:$0x17];
	s24 =	sshrl.u32 s19, $0x3  }
0x93: {  	[smem:$0x7FB] =	sst s24  }
0x94: {  	[spmem:s24], [sflag:s21] =	dma.local [hbm:s25], $0x500  }
0x95: {  	s19 =	rddreg [dreg:$0x18]  }
0x96: {  	s25 =	rddreg [dreg:$0x19];
	s24 =	sshrl.u32 s19, $0x3  }
0x97: {  	[smem:$0x7FC] =	sst s24  }
0x98: {  	[spmem:s24], [sflag:s21] =	dma.local [hbm:s25], $0x500  }
0x99: {  	s19 =	rddreg [dreg:$0x1a]  }
0x9a: {  	s23 =	sshrl.u32 @!p0 s19, $0x3;
	s19 =	rddreg [dreg:$0x1b]  }
0x9b: {  	[smem:$0x7FD] =	sst s23  }
0x9c: {  	[spmem:s23], [sflag:s21] =	dma.local @!p0 [hbm:s19], $0x500  }
0x9d: {  	_ =	swait.ge [sflag:s4], $0x500  }
0x9e: {  	[sflag:s4] =	ssyncset.done $0x0  }
0x9f: {  	[sflag:s4] =	ssyncadd.s32 $0xFFFFFB00  }
0xa0: {  	_ =	swait.ge [sflag:s4], $0x500  }
0xa1: {  	[sflag:s4] =	ssyncset.done $0x0  }
0xa2: {  	[sflag:s4] =	ssyncadd.s32 $0xFFFFFB00  }
0xa3: {  	_ =	swait.ge [sflag:s4], $0x500  }
0xa4: {  	[sflag:s4] =	ssyncset.done $0x0  }
0xa5: {  	[sflag:s4] =	ssyncadd.s32 $0xFFFFFB00  }
0xa6: {  	_ =	swait.ge [sflag:s4], $0x500  }
0xa7: {  	[sflag:s4] =	ssyncset.done $0x0  }
0xa8: {  	[sflag:s4] =	ssyncadd.s32 $0xFFFFFB00  }
0xa9: {  	_ =	swait.ge [sflag:s4], $0x500  }
0xaa: {  	[sflag:s4] =	ssyncset.done $0x0  }
0xab: {  	[sflag:s4] =	ssyncadd.s32 $0xFFFFFB00  }
0xac: {  	_ =	swait.ge [sflag:s4], $0x500  }
0xad: {  	[sflag:s4] =	ssyncset.done $0x0  }
0xae: {  	[sflag:s4] =	ssyncadd.s32 $0xFFFFFB00  }
0xaf: {  	_ =	swait.ge [sflag:s4], $0x500  }
0xb0: {  	[sflag:s4] =	ssyncset.done $0x0  }
0xb1: {  	s19 =	simm.s32 @!p0 $0x3;
	[sflag:s4] =	ssyncadd.s32 $0xFFFFFB00  }
0xb2: {  	_ =	swait.ge @!p0 [sflag:s19], $0x500  }
0xb3: {  	[sflag:s19] =	ssyncset.done @!p0 $0x0  }
0xb4: {  	[sflag:s19] =	ssyncadd.s32 @!p0 $0xFFFFFB00  }
0xb5: {  	s19 =	simm.s32 $0x0;
	[bflag:$0x0] =	sbarrier.arrive $0xFFFF  }
.LBB2_2:
0xb6: {  	p1 =	sne.s32 s19, $0x0  }
0xb7: {  	s21 =	simm.s32 @p1 $0x4  }
0xb8: {  	_ =	swait.ge @p1 [sflag:s21], $0x400  }
0xb9: {  	[sflag:s21] =	ssyncset.done @p1 $0x0  }
0xba: {  	[sflag:s21] =	ssyncadd.s32 @p1 $0xFFFFFC00  }
0xbb: {  	_ =	swait.ge @p1 [sflag:s21], $0x400  }
0xbc: {  	[sflag:s21] =	ssyncset.done @p1 $0x0  }
0xbd: {  	[sflag:s21] =	ssyncadd.s32 @p1 $0xFFFFFC00;
	s21 =	simm.s32 @p1 $0x1  }
0xbe: {  	_ =	swait.ge @p1 [sflag:s21], $0x4000  }
0xbf: {  	s23 =	simm.s32 @p1 $0xF00;
	[sflag:s21] =	ssyncset.done @p1 $0x0  }
0xc0: {  	s24 =	simm.s32 @p1 $0x1000;
	[sflag:s21] =	ssyncadd.s32 @p1 $0xFFFFC000;
	s21 =	simm.s32 @p1 $0x80  }
0xc1: {  	[spmem:s1] =	stream.indirect.scatter.add.f32 @p1 [tilespmem:s24], [sflag:$0x6], $0x80, s23, s21, $0xb8;
	[tilespmem:$0x1CA80] =	vst v63  }
0xc2: {  	s23 =	simm.s32 @p1 $0x6  }
0xc3: {  	_ =	swait.ge @p1 [sflag:s23], $0x4000  }
0xc4: {  	[sflag:s23] =	ssyncset.done @p1 $0x0  }
0xc5: {  	s24 =	simm.s32 @p1 $0x2;
	[sflag:s23] =	ssyncadd.s32 @p1 $0xFFFFC000  }
0xc6: {  	_ =	swait.ge @p1 [sflag:s24], $0x4000  }
0xc7: {  	[sflag:s24] =	ssyncset.done @p1 $0x0  }
0xc8: {  	s25 =	simm.s32 @p1 $0x5000;
	[sflag:s24] =	ssyncadd.s32 @p1 $0xFFFFC000;
	s24 =	simm.s32 @p1 $0xF80  }
0xc9: {  	[spmem:s1] =	stream.indirect.scatter.add.f32 @p1 [tilespmem:s25], [sflag:$0x6], $0x80, s24, s21, $0xb8;
	[tilespmem:$0x1CA80] =	vst v63  }
0xca: {  	_ =	swait.ge @p1 [sflag:s23], $0x4000  }
0xcb: {  	[sflag:s23] =	ssyncset.done @p1 $0x0  }
0xcc: {  	s21 =	simm.s32 @!p1 $0x0;
	[sflag:s23] =	ssyncadd.s32 @p1 $0xFFFFC000;
	s23 =	simm.s32 @!p1 $0x6  }
0xcd: {  	[tilespmem:s21], [sflag:$0x6] =	stream.linear.gather @!p1 [hbm4b:s10+s21], $0x400, $0x38;
	[tilespmem:$0x1CA80] =	vst v63  }
0xce: {  	_ =	swait.ge @!p1 [sflag:s23], $0x400  }
0xcf: {  	[sflag:s23] =	ssyncset.done @!p1 $0x0  }
0xd0: {  	s24 =	simm.s32 @!p1 $0x800;
	[sflag:s23] =	ssyncadd.s32 @!p1 $0xFFFFFC00  }
0xd1: {  	[tilespmem:s24], [sflag:$0x6] =	stream.linear.gather @!p1 [hbm4b:s11+s21], $0x400, $0x38;
	[tilespmem:$0x1CA80] =	vst v63  }
0xd2: {  	_ =	swait.ge @!p1 [sflag:s23], $0x400  }
0xd3: {  	s21 =	sadd.s32 s19, s14;
	[sflag:s23] =	ssyncset.done @!p1 $0x0  }
0xd4: {  	s24 =	sadd.s32 $0x80, s21;
	[sflag:s23] =	ssyncadd.s32 @!p1 $0xFFFFFC00;
	s23 =	sadd.s32 s19, s15  }
0xd5: {  	[tilespmem:s5], [sflag:$0x5] =	stream.linear.gather [hbm4b:s24+s13], $0x400, $0x38;
	[tilespmem:$0x1CA80] =	vst v63  }
0xd6: {  	s25 =	sadd.s32 $0x80, s23  }
0xd7: {  	[tilespmem:s6], [sflag:$0x5] =	stream.linear.gather [hbm4b:s25+s13], $0x400, $0x38;
	[tilespmem:$0x1CA80] =	vst v63  }
0xd8: {  	_ = 	snop  }
0xd9: {  	[tilespmem:s8], [sflag:$0x1] =	stream.indirect.gather [hbm4b:s16+s7], $0x80, s13, s7, $0xb8;
	[tilespmem:$0x1CA80] =	vst v63  }
0xda: {  	_ = 	snop  }
0xdb: {  	[tilespmem:s9], [sflag:$0x2] =	stream.indirect.gather [hbm4b:s16+s7], $0x80, s7, s7, $0xb8;
	[tilespmem:$0x1CA80] =	vst v63  }
0xdc: {  	_ =	swait.ge [sflag:s17], $0x4000  }
0xdd: {  	[sflag:s17] =	ssyncset.done $0x0  }
0xde: {  	[sflag:s17] =	ssyncadd.s32 $0xFFFFC000  }
0xdf: {  	[spmem:s1] =	stream.indirect.scatter.add.f32 [tilespmem:s8], [sflag:$0x6], $0x80, s18, s7, $0xb8;
	[tilespmem:$0x1CA80] =	vst v63  }
0xe0: {  	_ =	swait.ge [sflag:s20], $0x4000  }
0xe1: {  	[sflag:s20] =	ssyncset.done $0x0  }
0xe2: {  	s25 =	simm.s32 $0x100;
	[sflag:s20] =	ssyncadd.s32 $0xFFFFC000  }
0xe3: {  	[tilespmem:s8], [sflag:$0x1] =	stream.indirect.gather [hbm4b:s16+s7], $0x80, s25, s7, $0xb8;
	[tilespmem:$0x1CA80] =	vst v63  }
0xe4: {  	_ =	swait.ge [sflag:s22], $0x4000  }
0xe5: {  	[sflag:s22] =	ssyncset.done $0x0  }
0xe6: {  	s25 =	simm.s32 $0x880;
	[sflag:s22] =	ssyncadd.s32 $0xFFFFC000  }
0xe7: {  	[spmem:s1] =	stream.indirect.scatter.add.f32 [tilespmem:s9], [sflag:$0x6], $0x80, s25, s7, $0xb8;
	[tilespmem:$0x1CA80] =	vst v63  }
0xe8: {  	_ =	swait.ge [sflag:s20], $0x4000  }
0xe9: {  	[sflag:s20] =	ssyncset.done $0x0  }
0xea: {  	s25 =	simm.s32 $0x180;
	[sflag:s20] =	ssyncadd.s32 $0xFFFFC000  }
0xeb: {  	[tilespmem:s9], [sflag:$0x2] =	stream.indirect.gather [hbm4b:s16+s7], $0x80, s25, s7, $0xb8;
	[tilespmem:$0x1CA80] =	vst v63  }
0xec: {  	_ =	swait.ge [sflag:s17], $0x4000  }
0xed: {  	[sflag:s17] =	ssyncset.done $0x0  }
0xee: {  	s25 =	simm.s32 $0x900;
	[sflag:s17] =	ssyncadd.s32 $0xFFFFC000  }
0xef: {  	[spmem:s1] =	stream.indirect.scatter.add.f32 [tilespmem:s8], [sflag:$0x6], $0x80, s25, s7, $0xb8;
	[tilespmem:$0x1CA80] =	vst v63  }
0xf0: {  	_ =	swait.ge [sflag:s20], $0x4000  }
0xf1: {  	[sflag:s20] =	ssyncset.done $0x0  }
0xf2: {  	s25 =	simm.s32 $0x200;
	[sflag:s20] =	ssyncadd.s32 $0xFFFFC000  }
0xf3: {  	[tilespmem:s8], [sflag:$0x1] =	stream.indirect.gather [hbm4b:s16+s7], $0x80, s25, s7, $0xb8;
	[tilespmem:$0x1CA80] =	vst v63  }
0xf4: {  	_ =	swait.ge [sflag:s22], $0x4000  }
0xf5: {  	[sflag:s22] =	ssyncset.done $0x0  }
0xf6: {  	s25 =	simm.s32 $0x980;
	[sflag:s22] =	ssyncadd.s32 $0xFFFFC000  }
0xf7: {  	[spmem:s1] =	stream.indirect.scatter.add.f32 [tilespmem:s9], [sflag:$0x6], $0x80, s25, s7, $0xb8;
	[tilespmem:$0x1CA80] =	vst v63  }
0xf8: {  	_ =	swait.ge [sflag:s20], $0x4000  }
0xf9: {  	[sflag:s20] =	ssyncset.done $0x0  }
0xfa: {  	s25 =	simm.s32 $0x280;
	[sflag:s20] =	ssyncadd.s32 $0xFFFFC000  }
0xfb: {  	[tilespmem:s9], [sflag:$0x2] =	stream.indirect.gather [hbm4b:s16+s7], $0x80, s25, s7, $0xb8;
	[tilespmem:$0x1CA80] =	vst v63  }
0xfc: {  	_ =	swait.ge [sflag:s17], $0x4000  }
0xfd: {  	[sflag:s17] =	ssyncset.done $0x0  }
0xfe: {  	s25 =	simm.s32 $0xA00;
	[sflag:s17] =	ssyncadd.s32 $0xFFFFC000  }
0xff: {  	[spmem:s1] =	stream.indirect.scatter.add.f32 [tilespmem:s8], [sflag:$0x6], $0x80, s25, s7, $0xb8;
	[tilespmem:$0x1CA80] =	vst v63  }
0x100: {  	_ =	swait.ge [sflag:s20], $0x4000  }
0x101: {  	[sflag:s20] =	ssyncset.done $0x0  }
0x102: {  	s25 =	simm.s32 $0x300;
	[sflag:s20] =	ssyncadd.s32 $0xFFFFC000  }
0x103: {  	[tilespmem:s8], [sflag:$0x1] =	stream.indirect.gather [hbm4b:s16+s7], $0x80, s25, s7, $0xb8;
	[tilespmem:$0x1CA80] =	vst v63  }
0x104: {  	_ =	swait.ge [sflag:s22], $0x4000  }
0x105: {  	[sflag:s22] =	ssyncset.done $0x0  }
0x106: {  	s25 =	simm.s32 $0xA80;
	[sflag:s22] =	ssyncadd.s32 $0xFFFFC000  }
0x107: {  	[spmem:s1] =	stream.indirect.scatter.add.f32 [tilespmem:s9], [sflag:$0x6], $0x80, s25, s7, $0xb8;
	[tilespmem:$0x1CA80] =	vst v63  }
0x108: {  	_ =	swait.ge [sflag:s20], $0x4000  }
0x109: {  	[sflag:s20] =	ssyncset.done $0x0  }
0x10a: {  	s25 =	simm.s32 $0x380;
	[sflag:s20] =	ssyncadd.s32 $0xFFFFC000  }
0x10b: {  	[tilespmem:s9], [sflag:$0x2] =	stream.indirect.gather [hbm4b:s16+s7], $0x80, s25, s7, $0xb8;
	[tilespmem:$0x1CA80] =	vst v63  }
0x10c: {  	_ =	swait.ge [sflag:s2], $0x400  }
0x10d: {  	[sflag:s2] =	ssyncset.done $0x0  }
0x10e: {  	[sflag:s2] =	ssyncadd.s32 $0xFFFFFC00  }
0x10f: {  	_ =	swait.ge [sflag:s2], $0x400  }
0x110: {  	[sflag:s2] =	ssyncset.done $0x0  }
0x111: {  	[sflag:s2] =	ssyncadd.s32 $0xFFFFFC00  }
0x112: {  	_ =	swait.ge [sflag:s17], $0x4000  }
0x113: {  	[sflag:s17] =	ssyncset.done $0x0  }
0x114: {  	s25 =	simm.s32 $0xB00;
	[sflag:s17] =	ssyncadd.s32 $0xFFFFC000  }
0x115: {  	[spmem:s1] =	stream.indirect.scatter.add.f32 [tilespmem:s8], [sflag:$0x6], $0x80, s25, s7, $0xb8;
	[tilespmem:$0x1CA80] =	vst v63  }
0x116: {  	_ =	swait.ge [sflag:s20], $0x4000  }
0x117: {  	[sflag:s20] =	ssyncset.done $0x0  }
0x118: {  	[sflag:s20] =	ssyncadd.s32 $0xFFFFC000  }
0x119: {  	[tilespmem:s8], [sflag:$0x1] =	stream.indirect.gather [hbm4b:s16+s7], $0x80, s5, s7, $0xb8;
	[tilespmem:$0x1CA80] =	vst v63  }
0x11a: {  	_ =	swait.ge [sflag:s22], $0x4000  }
0x11b: {  	[sflag:s22] =	ssyncset.done $0x0  }
0x11c: {  	s25 =	simm.s32 $0xB80;
	[sflag:s22] =	ssyncadd.s32 $0xFFFFC000  }
0x11d: {  	[spmem:s1] =	stream.indirect.scatter.add.f32 [tilespmem:s9], [sflag:$0x6], $0x80, s25, s7, $0xb8;
	[tilespmem:$0x1CA80] =	vst v63  }
0x11e: {  	_ =	swait.ge [sflag:s20], $0x4000  }
0x11f: {  	[sflag:s20] =	ssyncset.done $0x0  }
0x120: {  	s25 =	simm.s32 $0x480;
	[sflag:s20] =	ssyncadd.s32 $0xFFFFC000  }
0x121: {  	[tilespmem:s9], [sflag:$0x2] =	stream.indirect.gather [hbm4b:s16+s7], $0x80, s25, s7, $0xb8;
	[tilespmem:$0x1CA80] =	vst v63  }
0x122: {  	_ =	swait.ge [sflag:s17], $0x4000  }
0x123: {  	[sflag:s17] =	ssyncset.done $0x0  }
0x124: {  	[sflag:s17] =	ssyncadd.s32 $0xFFFFC000  }
0x125: {  	[spmem:s1] =	stream.indirect.scatter.add.f32 [tilespmem:s8], [sflag:$0x6], $0x80, s6, s7, $0xb8;
	[tilespmem:$0x1CA80] =	vst v63  }
0x126: {  	_ =	swait.ge [sflag:s20], $0x4000  }
0x127: {  	[sflag:s20] =	ssyncset.done $0x0  }
0x128: {  	s25 =	simm.s32 $0x500;
	[sflag:s20] =	ssyncadd.s32 $0xFFFFC000  }
0x129: {  	[tilespmem:s8], [sflag:$0x1] =	stream.indirect.gather [hbm4b:s16+s7], $0x80, s25, s7, $0xb8;
	[tilespmem:$0x1CA80] =	vst v63  }
0x12a: {  	_ =	swait.ge [sflag:s22], $0x4000  }
0x12b: {  	[sflag:s22] =	ssyncset.done $0x0  }
0x12c: {  	s25 =	simm.s32 $0xC80;
	[sflag:s22] =	ssyncadd.s32 $0xFFFFC000  }
0x12d: {  	[spmem:s1] =	stream.indirect.scatter.add.f32 [tilespmem:s9], [sflag:$0x6], $0x80, s25, s7, $0xb8;
	[tilespmem:$0x1CA80] =	vst v63  }
0x12e: {  	_ =	swait.ge [sflag:s20], $0x4000  }
0x12f: {  	[sflag:s20] =	ssyncset.done $0x0  }
0x130: {  	s25 =	simm.s32 $0x580;
	[sflag:s20] =	ssyncadd.s32 $0xFFFFC000  }
0x131: {  	[tilespmem:s9], [sflag:$0x2] =	stream.indirect.gather [hbm4b:s16+s7], $0x80, s25, s7, $0xb8;
	[tilespmem:$0x1CA80] =	vst v63  }
0x132: {  	_ =	swait.ge [sflag:s17], $0x4000  }
0x133: {  	[sflag:s17] =	ssyncset.done $0x0  }
0x134: {  	[sflag:s17] =	ssyncadd.s32 $0xFFFFC000  }
0x135: {  	[spmem:s1] =	stream.indirect.scatter.add.f32 [tilespmem:s8], [sflag:$0x6], $0x80, s26, s7, $0xb8;
	[tilespmem:$0x1CA80] =	vst v63  }
0x136: {  	_ =	swait.ge [sflag:s20], $0x4000  }
0x137: {  	[sflag:s20] =	ssyncset.done $0x0  }
0x138: {  	[sflag:s20] =	ssyncadd.s32 $0xFFFFC000  }
0x139: {  	[tilespmem:s8], [sflag:$0x1] =	stream.indirect.gather [hbm4b:s16+s7], $0x80, s28, s7, $0xb8;
	[tilespmem:$0x1CA80] =	vst v63  }
0x13a: {  	_ =	swait.ge [sflag:s22], $0x4000  }
0x13b: {  	[sflag:s22] =	ssyncset.done $0x0  }
0x13c: {  	[sflag:s22] =	ssyncadd.s32 $0xFFFFC000  }
0x13d: {  	[spmem:s1] =	stream.indirect.scatter.add.f32 [tilespmem:s9], [sflag:$0x6], $0x80, s29, s7, $0xb8;
	[tilespmem:$0x1CA80] =	vst v63  }
0x13e: {  	_ =	swait.ge [sflag:s20], $0x4000  }
0x13f: {  	[sflag:s20] =	ssyncset.done $0x0  }
0x140: {  	[sflag:s20] =	ssyncadd.s32 $0xFFFFC000  }
0x141: {  	[tilespmem:s9], [sflag:$0x2] =	stream.indirect.gather [hbm4b:s16+s7], $0x80, s30, s7, $0xb8;
	[tilespmem:$0x1CA80] =	vst v63  }
0x142: {  	_ =	swait.ge [sflag:s17], $0x4000  }
0x143: {  	[sflag:s17] =	ssyncset.done $0x0  }
0x144: {  	[sflag:s17] =	ssyncadd.s32 $0xFFFFC000  }
0x145: {  	[spmem:s1] =	stream.indirect.scatter.add.f32 [tilespmem:s8], [sflag:$0x6], $0x80, s31, s7, $0xb8;
	[tilespmem:$0x1CA80] =	vst v63  }
0x146: {  	_ =	swait.ge [sflag:s20], $0x4000  }
0x147: {  	[sflag:s20] =	ssyncset.done $0x0  }
0x148: {  	[sflag:s20] =	ssyncadd.s32 $0xFFFFC000  }
0x149: {  	[tilespmem:s8], [sflag:$0x1] =	stream.indirect.gather [hbm4b:s16+s7], $0x80, s12, s7, $0xb8;
	[tilespmem:$0x1CA80] =	vst v63  }
0x14a: {  	_ =	swait.ge [sflag:s22], $0x4000  }
0x14b: {  	[sflag:s22] =	ssyncset.done $0x0  }
0x14c: {  	p1 =	seq.s32 s19, $0x400;
	[sflag:s22] =	ssyncadd.s32 $0xFFFFC000  }
0x14d: {  	[spmem:s1] =	stream.indirect.scatter.add.f32 [tilespmem:s9], [sflag:$0x6], $0x80, s0, s7, $0xb8;
	[tilespmem:$0x1CA80] =	vst v63  }
.Ltmp2:
0x14e: {  	_ = 	snop;
	(pc) =	sbr.rel @p1 .LBB2_4-.Ltmp2, $4  }
0x14f: {  	_ =	swait.ge [sflag:s20], $0x4000  }
0x150: {  	[sflag:s20] =	ssyncset.done $0x0  }
0x151: {  	[sflag:s20] =	ssyncadd.s32 $0xFFFFC000  }
0x152: {  	[tilespmem:s9], [sflag:$0x2] =	stream.indirect.gather [hbm4b:s16+s7], $0x80, s3, s7, $0xb8;
	[tilespmem:$0x1CA80] =	vst v63  }
.Ltmp3:
0x153: {  	(pc) =	sbr.rel .LBB2_2-.Ltmp3, $4  }
0x154: {  	s21 =	sadd.s32 $0x100, s21  }
0x155: {  	[tilespmem:s13], [sflag:$0x4] =	stream.linear.gather [hbm4b:s21+s13], $0x400, $0x38;
	[tilespmem:$0x1CA80] =	vst v63  }
0x156: {  	s25 =	sadd.s32 $0x100, s23;
	s19 =	sadd.s32 $0x100, s19  }
0x157: {  	[tilespmem:s18], [sflag:$0x4] =	stream.linear.gather [hbm4b:s25+s13], $0x400, $0x38;
	[tilespmem:$0x1CA80] =	vst v63  }
.LBB2_5:
0x158: {  	_ =	sfence.sel $0x180000  }
0x159: {  	[bflag:$0x0] =	sbarrier.arrive $0xFFFF  }
0x15a: {  	_ =	strace $0x9000004D  }
0x15b: {  	s0 =	stileid.u32;
	[bflag:$0x2] =	sbarrier.arrive $0xFFFF  }
0x15c: {  	p0 =	sne.s32 s0, $0x0;
	s0 =	rddreg [dreg:$0x2]  }
0x15d: {  	s0 =	sadd.s32 @!p0 $0x100000, s0  }
0x15e: {  	[sflag:s0] =	ssyncadd.tile.s32 @!p0 $0x1;
	_ =	shalt  }
.Lfunc_end2:
_tile_overlayer_lowered:
.L_overlay_start_2:
0x15f: {  	(tag) =	ssettag $0x2  }
0x160: {  	s0 =	rddreg [dreg:$0x0];
	s2 =	stileid.u32  }
0x161: {  	s1 =	rddreg [dreg:$0x1];
	p0 =	sne.s32 s2, $0x0  }
0x162: {  	s3 =	rddreg [dreg:$0x2];
	[bflag:$0x3] =	sbarrier.arrive $0xFFFF;
	s2 =	simm.s32 @!p0 $0x1C06  }
0x163: {  	[timem:s3], [sflag:s2] =	dma.local @!p0 [hbm:s0], s1  }
0x164: {  	s0 =	simm.s32 @!p0 $0x6  }
0x165: {  	_ =	swait.ge @!p0 [sflag:s0], s1  }
0x166: {  	s1 =	ssub.s32 @!p0 $0x0, s1;
	[sflag:s0] =	ssyncset.done @!p0 $0x0  }
0x167: {  	[sflag:s0] =	ssyncadd.s32 @!p0 s1  }
0x168: {  	[bflag:$0x3] =	sbarrier.arrive $0xFFFF  }
0x169: {  	_ =	shalt  }

// kernel: kernel.8.cloned.1.call-start
scs
__scs_entry_jumppad:
0x0: {  	(pc) =	sbr.rel $0x88, $3  }
0x1: {  	(tag) =	ssettag $0x0;
	lr =	simm.s32 $0x1  }
0x2: {  	[smem:$0x3F95] =	sst lr;
	_ =	strace $0xD0000000  }
0x3: {  	_ = 	snop  }
0x4: {  	_ = 	snop  }
0x5: {  	_ = 	snop  }
0x6: {  	_ = 	snop  }
0x7: {  	_ = 	snop  }
__scs_overlays_trampoline_lowered:
0x8: {  	[smem:$0x3FA4] =	sst s0  }
0x9: {  	[smem:$0x3FA5] =	sst s1  }
0xa: {  	[smem:$0x3FA6] =	sst s2  }
0xb: {  	[smem:$0x3FA7] =	sst s3  }
0xc: {  	[smem:$0x3FA8] =	sst s4  }
0xd: {  	[smem:$0x3FA9] =	sst s5  }
0xe: {  	[smem:$0x3FAA] =	sst s6  }
0xf: {  	[smem:$0x3FAB] =	sst s7  }
0x10: {  	[smem:$0x3FAC] =	sst s8  }
0x11: {  	[smem:$0x3FAD] =	sst s9;
	s0 =	simm.s32 @!p0 $0x0  }
0x12: {  	s1 =	sld [smem:$0x3F93];
	s0 =	simm.s32 @p0 $0x1  }
0x13: {  	[smem:$0x3FAE] =	sst s0;
	s0 =	simm.s32 @!p1 $0x0  }
0x14: {  	s2 =	sld [smem:$0x3F92];
	s0 =	simm.s32 @p1 $0x1  }
0x15: {  	[smem:$0x3FAF] =	sst s0;
	s0 =	simm.s32 @!p2 $0x0  }
0x16: {  	s3 =	sld [smem:$0x3FDB];
	s0 =	simm.s32 @p2 $0x1  }
0x17: {  	s4 =	simm.s32 $0x1BF5;
	[smem:$0x3FB1] =	sst s0  }
0x18: {  	s0 =	sld [smem:$0x3F94];
	_ =	swait.ge [sflag:s4], $0x0  }
0x19: {  	s7 =	sld [smem:$0x3F95]  }
0x1a: {  	s8 =	sadd.s32 $0xFFFFE003, lr  }
0x1b: {  	s9 =	sadd.s32 $0xFFFFFEF7, lr;
	s5 =	simm.s32 $0xFFFFFFFF;
	p2 =	slt.u32 s8, $0xFFFFF086  }
0x1c: {  	p1 =	slt.u32 s9, $0xF7A;
	s5 =	simm.s32 @!p2 $0x0  }
0x1d: {  	s5 =	simm.s32 @p1 $0x1;
	p0 =	seq.s32 s7, s2  }
0x1e: {  	s7 =	smul.u32 @!p0 $0xF7A, s2;
	p2 =	seq.s32 @!p0 s5, $0x0  }
0x1f: {  	s9 =	smul.u32 $0xF7A, s1;
	s8 =	simm.s32 @!p0 $0x1BF5;
	p2 =	por !p2, p0  }
0x20: {  	[sflag:s8] =	ssyncset.s32 @!p0 $0xFFFFF086;
	s6 =	sadd.s32 @!p0 s3, s7;
	s7 =	simm.s32 @!p0 $0x108  }
0x21: {  	s3 =	sadd.s32 s3, s9;
	s6 =	sadd.s32 @!p0 $0x88, s6;
	s7 =	simm.s32 @p2 $0x1082  }
0x22: {  	[simem:s7], [sflag:s8] =	dma.local @!p0 [hbm:s6], $0xF7A  }
0x23: {  	s9 =	sor.u32 $0xD0000000, s2;
	s6 =	simm.s32 $0x108;
	_ =	swait.ge @!p0 [sflag:s8], $0x0  }
0x24: {  	s3 =	sadd.s32 $0x88, s3;
	s6 =	simm.s32 @!p1 $0x1082;
	[sflag:s4] =	ssyncset.s32 $0xFFFFF086  }
0x25: {  	[simem:s6], [sflag:s4] =	dma.local [hbm:s3], $0xF7A  }
0x26: {  	[smem:$0x3F95] =	sst s1;
	(tag) =	ssettag s2;
	_ =	strace s9  }
0x27: {  	s1 =	sld [smem:$0x3FA5]  }
0x28: {  	s2 =	sld [smem:$0x3FA6]  }
0x29: {  	s4 =	sld [smem:$0x3FA8]  }
0x2a: {  	p0 =	seq.s32 s5, $0x0;
	s5 =	sld [smem:$0x3FA9]  }
0x2b: {  	s6 =	sld [smem:$0x3FAA]  }
0x2c: {  	s7 =	sld [smem:$0x3FAB]  }
0x2d: {  	s3 =	simm.s32 $0x108;
	s8 =	sld [smem:$0x3FAC]  }
0x2e: {  	s3 =	simm.s32 @!p0 $0x1082;
	s9 =	sld [smem:$0x3FAD]  }
0x2f: {  	lr =	sadd.s32 s0, s3;
	s0 =	sld [smem:$0x3FA4]  }
0x30: {  	s3 =	sld [smem:$0x3FA7]  }
0x31: {  	[smem:$0x3FB0] =	sst s10  }
0x32: {  	s10 =	sld [smem:$0x3FAE];
	_ =	sdelay $0x3  }
0x33: {  	p0 =	seq.s32 s10, $0x1;
	s10 =	sld [smem:$0x3FB0];
	_ =	sdelay $0x3  }
0x34: {  	[smem:$0x3FB0] =	sst s10  }
0x35: {  	s10 =	sld [smem:$0x3FAF];
	_ =	sdelay $0x3  }
0x36: {  	p1 =	seq.s32 s10, $0x1;
	s10 =	sld [smem:$0x3FB0];
	_ =	sdelay $0x3  }
0x37: {  	[smem:$0x3FB0] =	sst s10  }
0x38: {  	s10 =	sld [smem:$0x3FB1]  }
0x39: {  	_ = 	snop;
	(pc) =	sbr.ind lr, $3  }
0x3a: {  	_ = 	snop  }
0x3b: {  	_ = 	snop  }
0x3c: {  	p2 =	seq.s32 s10, $0x1;
	s10 =	sld [smem:$0x3FB0]  }
0x3d: {  	_ =	shalt  }
0x3e: {  	_ =	shalt  }
0x3f: {  	_ =	shalt  }
0x40: {  	_ =	shalt  }
0x41: {  	_ =	shalt  }
0x42: {  	_ =	shalt  }
0x43: {  	_ =	shalt  }
0x44: {  	_ =	shalt  }
0x45: {  	_ =	shalt  }
0x46: {  	_ =	shalt  }
0x47: {  	_ =	shalt  }
0x48: {  	_ =	shalt  }
0x49: {  	_ =	shalt  }
0x4a: {  	_ =	shalt  }
0x4b: {  	_ =	shalt  }
0x4c: {  	_ =	shalt  }
0x4d: {  	_ =	shalt  }
0x4e: {  	_ =	shalt  }
0x4f: {  	_ =	shalt  }
0x50: {  	_ =	shalt  }
0x51: {  	_ =	shalt  }
0x52: {  	_ =	shalt  }
0x53: {  	_ =	shalt  }
0x54: {  	_ =	shalt  }
0x55: {  	_ =	shalt  }
0x56: {  	_ =	shalt  }
0x57: {  	_ =	shalt  }
0x58: {  	_ =	shalt  }
0x59: {  	_ =	shalt  }
0x5a: {  	_ =	shalt  }
0x5b: {  	_ =	shalt  }
0x5c: {  	_ =	shalt  }
0x5d: {  	_ =	shalt  }
0x5e: {  	_ =	shalt  }
0x5f: {  	_ =	shalt  }
0x60: {  	_ =	shalt  }
0x61: {  	_ =	shalt  }
0x62: {  	_ =	shalt  }
0x63: {  	_ =	shalt  }
0x64: {  	_ =	shalt  }
0x65: {  	_ =	shalt  }
0x66: {  	_ =	shalt  }
0x67: {  	_ =	shalt  }
0x68: {  	_ =	shalt  }
0x69: {  	_ =	shalt  }
0x6a: {  	_ =	shalt  }
0x6b: {  	_ =	shalt  }
0x6c: {  	_ =	shalt  }
0x6d: {  	_ =	shalt  }
0x6e: {  	_ =	shalt  }
0x6f: {  	_ =	shalt  }
0x70: {  	_ =	shalt  }
0x71: {  	_ =	shalt  }
0x72: {  	_ =	shalt  }
0x73: {  	_ =	shalt  }
0x74: {  	_ =	shalt  }
0x75: {  	_ =	shalt  }
0x76: {  	_ =	shalt  }
0x77: {  	_ =	shalt  }
0x78: {  	_ =	shalt  }
0x79: {  	_ =	shalt  }
0x7a: {  	_ =	shalt  }
0x7b: {  	_ =	shalt  }
0x7c: {  	_ =	shalt  }
0x7d: {  	_ =	shalt  }
0x7e: {  	_ =	shalt  }
0x7f: {  	_ =	shalt  }
0x80: {  	_ =	shalt  }
0x81: {  	_ =	shalt  }
0x82: {  	_ =	shalt  }
0x83: {  	_ =	shalt  }
0x84: {  	_ =	shalt  }
0x85: {  	_ =	shalt  }
0x86: {  	_ =	shalt  }
0x87: {  	_ =	shalt  }
.Lfunc_end0:
.L_simem_size_0:
called_computation_lowered:
.L_overlay_start_0:
0x88: {  	s2 =	sld [smem:$0x3FD9]  }
0x89: {  	s3 =	sld [smem:$0x3FFE];
	_ =	sdelay $0x1  }
0x8a: {  	s1 =	srdreg.scid  }
0x8b: {  	s0 =	sand.u32 $0x1, s1  }
0x8c: {  	s17 =	sshll.u32 s0, $0xA;
	s2 =	sadd.s32 s3, s2  }
0x8d: {  	s2 =	sadd.s32 s2, s17  }
0x8e: {  	[smem:$0x3FBC] =	sst s2  }
0x8f: {  	_ = 	snop  }
0x90: {  	s2 =	sld [smem:$0x3FC9];
	(tm) =	ssettm $0x1  }
0x91: {  	s18 =	sld [smem:$0x3FFB];
	_ =	sdelay $0x3  }
0x92: {  	_ =	strace s18  }
0x93: {  	s3 =	sld [smem:$0x3FFC];
	_ =	sdelay $0x3  }
0x94: {  	_ =	strace s3  }
0x95: {  	s3 =	sld [smem:$0x3FFD];
	_ =	sdelay $0x3  }
0x96: {  	_ =	strace s3  }
0x97: {  	_ =	strace $0x8FFFFFFF  }
0x98: {  	s19 =	sld [smem:$0x3FDB];
	_ =	sdelay $0x1  }
0x99: {  	s4 =	simm.s32 $_scs_section_size  }
0x9a: {  	s5 =	simm.s32 $_size__tile_overlayer_lowered;
	s6 =	simm.s32 $_tile_overlayer_lowered  }
0x9b: {  	s22 =	simm.s32 $0x1BFF;
	s21 =	sshll.u32 s6, $0x1;
	s3 =	sadd.s32 s4, s19  }
0x9c: {  	s7 =	simm.s32 $0x0;
	s20 =	sshll.u32 s5, $0x1;
	s5 =	sadd.s32 s21, s3  }
0x9d: {  	[timem:s7], [sflag:s22] =	dma.local [hbm:s5], s20  }
0x9e: {  	_ =	swait.ge [sflag:s22], s20  }
0x9f: {  	s4 =	ssub.s32 $0x0, s20;
	[sflag:s22] =	ssyncset.done $0x0  }
0xa0: {  	[sflag:s22] =	ssyncadd.s32 s4;
	_ =	sdelay $0x1  }
0xa1: {  	s23 =	simm.s32 $0x1B8B  }
0xa2: {  	_ =	swait.ge [sflag:s23], $0x1  }
0xa3: {  	[sflag:s23] =	ssyncset.done $0x0  }
0xa4: {  	s25 =	simm.s32 $0x1B8E;
	s24 =	sld [smem:$0x3FFE];
	[sflag:s23] =	ssyncadd.s32 $0xFFFFFFFF  }
0xa5: {  	s26 =	simm.s32 $execute0_lowered;
	[smem:$0x3FD2] =	sst s25  }
0xa6: {  	s5 =	sshll.u32 s26, $0x1;
	_ =	strace $0x80000046;
	[dreg:$0x1] =	wrdreg $0xFFFFFFFF  }
0xa7: {  	s28 =	simm.s32 $_size_execute0_lowered;
	s3 =	sadd.s32 s3, s5;
	[dreg:$0x0] =	wrdreg $0x0  }
0xa8: {  	s5 =	sshll.u32 s28, $0x1;
	[dreg:$0x2] =	wrdreg s3  }
0xa9: {  	[dreg:$0x3] =	wrdreg s5  }
0xaa: {  	[dreg:$0x4] =	wrdreg $0xC0  }
0xab: {  	_ =	task [dreg:s7], $0x5FFFF  }
0xac: {  	[dreg:$0x1] =	wrdreg $0xFFFFFFFF  }
0xad: {  	[dreg:$0x0] =	wrdreg $0x60  }
0xae: {  	[dreg:$0x2] =	wrdreg s2  }
0xaf: {  	[dreg:$0x3] =	wrdreg s24  }
0xb0: {  	[dreg:$0x4] =	wrdreg $0x90000  }
0xb1: {  	[dreg:$0x5] =	wrdreg $0x9  }
0xb2: {  	_ =	task.clear_ibuf [dreg:s7], $0x6FFFF;
	_ =	strace $0x90000046  }
0xb3: {  	s29 =	simm.s32 $0x9;
	_ =	strace $0x80000048  }
0xb4: {  	_ =	swait.ge [sflag:s29], $0x1  }
0xb5: {  	[sflag:s29] =	ssyncadd.s32 $0xFFFFFFFF  }
0xb6: {  	_ =	strace $0x90000048  }
0xb7: {  	_ =	sfence  }
0xb8: {  	s30 =	sld [smem:$0x0];
	_ =	sdelay $0x2  }
0xb9: {  	s31 =	sshll.u32 s1, $0xD;
	s1 =	sshrl.u32 s1, $0x2  }
0xba: {  	s3 =	sand.u32 $0x4000, s31;
	s1 =	sadd.s32 s1, s30  }
0xbb: {  	s0 =	sor.u32 s3, s0;
	s1 =	sshll.u32 s1, $0x11  }
0xbc: {  	s0 =	sor.u32 s1, s0  }
0xbd: {  	s0 =	sadd.s32 $0x8F2B, s0  }
0xbe: {  	[sflag:s0] =	ssyncadd.remote.s32 $0x1  }
0xbf: {  	_ =	sfence.sel $0xFFFF  }
0xc0: {  	[dreg:$0x0] =	wrdreg $0xFFFFFFFF;
	(pc) =	sbr.abs _section_cstart, $3  }
0xc1: {  	[dreg:$0x1] =	wrdreg $0xFFFFFFFF  }
0xc2: {  	_ =	task.clear_ibuf [dreg:s7], $0x2FFFF;
	_ =	strace $0x9FFFFFFF  }
0xc3: {  	(tm) =	ssettm $0x7FFFFFFF  }
tec
execute0_lowered:
.L_overlay_start_1:
0x0: {  	(tag) =	ssettag $0x1  }
0x1: {  	s0 =	rddreg [dreg:$0x0]  }
0x2: {  	s1 =	rddreg [dreg:$0x1]  }
0x3: {  	s2 =	rddreg [dreg:$0x2];
	s21 =	stileid.u32  }
0x4: {  	s3 =	srdreg.scid;
	s28 =	simm.s32 $0x600;
	s26 =	sor.u32 $0x10, s21  }
0x5: {  	s29 =	simm.s32 $0xD80;
	s30 =	simm.s32 $0x680;
	s7 =	smul.u32 $0xA000, s26  }
0x6: {  	s31 =	simm.s32 $0xE00;
	s12 =	sand.u32 $0x1, s3;
	s5 =	smul.u32 $0x500, s26  }
0x7: {  	s9 =	sadd.s32 $0x3000, s1;
	s10 =	sadd.s32 $0xD000, s1;
	s14 =	smul.u32 $0x138800, s12  }
0x8: {  	s11 =	sadd.s32 $0x17000, s1;
	s17 =	sor.u32 $0x20, s21;
	s16 =	smul.u32 $0x2800, s26  }
0x9: {  	s6 =	sshll.u32 s21, $0x1;
	s18 =	sor.u32 $0x30, s21;
	s19 =	smul.u32 $0x2800, s17  }
0xa: {  	s8 =	sor.u32 $0x40, s21;
	s3 =	sor.u32 $0x70, s21;
	s20 =	smul.u32 $0x2800, s18  }
0xb: {  	s15 =	ssub.s32 $0x2, s12;
	s13 =	sor.u32 s12, s6;
	s24 =	smul.u32 $0x2800, s8  }
0xc: {  	s6 =	sor.u32 $0x50, s21;
	s4 =	sshrl.u32 s15, $0x1;
	s13 =	smul.u32 $0x500, s13  }
0xd: {  	p0 =	sgt.u32 s21, $0xC;
	s26 =	smul.u32 $0x2800, s6;
	s1 =	ssub.s32 s15, s4  }
0xe: {  	s15 =	smul.u32 $0x2800, s21;
	s4 =	sor.u32 $0x60, s21;
	s16 =	sadd.s32 s14, s16  }
0xf: {  	s22 =	sadd.s32 s14, s19;
	s23 =	sadd.s32 s14, s20;
	s19 =	sadd.s32 s14, s24  }
0x10: {  	s7 =	sshrl.u32 s7, $0x2;
	s5 =	sadd.s32 s0, s5;
	s16 =	sshrl.u32 s16, $0x3  }
0x11: {  	s25 =	sshrl.u32 s23, $0x3;
	s20 =	smul.u32 $0x2800, s4;
	s7 =	sadd.s32 s7, s2  }
0x12: {  	s1 =	smax.u32 s1, $0x1;
	s15 =	sadd.s32 s15, s14;
	s16 =	sadd.s32 s11, s16  }
0x13: {  	[dreg:$0x5] =	wrdreg s16;
	s16 =	sadd.s32 s14, s26;
	s26 =	smul.u32 $0xA00, s21  }
0x14: {  	s15 =	sshrl.u32 s15, $0x3;
	s24 =	sadd.s32 s14, s20;
	s20 =	smul.u32 $0x500, s21  }
0x15: {  	s15 =	sadd.s32 s11, s15;
	s23 =	sshrl.u32 s16, $0x3;
	s16 =	smul.u32 $0x500, s12  }
0x16: {  	[dreg:$0x4] =	wrdreg s15;
	s15 =	sshrl.u32 s22, $0x3;
	s22 =	smul.u32 $0x2800, s3  }
0x17: {  	s12 =	sadd.s32 s10, s13;
	s10 =	sadd.s32 s26, s10;
	s15 =	sadd.s32 s11, s15  }
0x18: {  	[dreg:$0x6] =	wrdreg s15;
	s15 =	sadd.s32 s11, s25;
	s14 =	sadd.s32 s14, s22  }
0x19: {  	s22 =	smul.u32 $0xA000, s17;
	[dreg:$0x7] =	wrdreg s15;
	s15 =	sshrl.u32 s19, $0x3  }
0x1a: {  	s25 =	sshrl.u32 s24, $0x3;
	s24 =	smul.u32 $0x500, s17;
	s15 =	sadd.s32 s11, s15  }
0x1b: {  	s14 =	sshrl.u32 s14, $0x3;
	[dreg:$0x8] =	wrdreg s15;
	s15 =	sadd.s32 s11, s23  }
0x1c: {  	s19 =	smul.u32 $0xA000, s21;
	s24 =	sadd.s32 s0, s24;
	[dreg:$0x9] =	wrdreg s15  }
0x1d: {  	s15 =	sadd.s32 s11, s25;
	s11 =	sadd.s32 s11, s14;
	s25 =	sshll.u32 s21, $0x6  }
0x1e: {  	[dreg:$0xb] =	wrdreg s11;
	s11 =	sadd.s32 s9, s13;
	s9 =	sadd.s32 s26, s9  }
0x1f: {  	[dreg:$0xa] =	wrdreg s15;
	s13 =	simm.s32 $0x0;
	s15 =	sadd.s32 s16, s9  }
0x20: {  	s16 =	sadd.s32 s16, s10;
	[smem:$0x7FF] =	sst s13;
	s10 =	sadd.s32 s0, s20  }
0x21: {  	s26 =	smul.u32 $0xA000, s18;
	_ =	strace $0x80000047;
	[dreg:$0xd] =	wrdreg s10  }
0x22: {  	s9 =	sshrl.u32 s19, $0x2;
	s19 =	smul.u32 $0xA000, s8;
	[dreg:$0xf] =	wrdreg s7  }
0x23: {  	s23 =	sor.u32 $0x1C03, s25;
	s10 =	smul.u32 $0x500, s18;
	[dreg:$0x10] =	wrdreg s5  }
0x24: {  	s18 =	sshrl.u32 s22, $0x2;
	s22 =	smul.u32 $0x500, s8;
	[dreg:$0x12] =	wrdreg s24  }
0x25: {  	s25 =	sshrl.u32 s26, $0x2;
	s26 =	smul.u32 $0xA000, s6;
	[dreg:$0x1d] =	wrdreg s1  }
0x26: {  	s9 =	sadd.s32 s9, s2;
	s6 =	smul.u32 $0x500, s6;
	[dreg:$0xe] =	wrdreg s23  }
0x27: {  	s8 =	simm.s32 $0x80;
	s1 =	simm.s32 $0xE80;
	[dreg:$0xc] =	wrdreg s9  }
0x28: {  	s20 =	sadd.s32 s18, s2;
	s7 =	sadd.s32 s25, s2;
	s18 =	smul.u32 $0xA000, s4  }
0x29: {  	s14 =	sshrl.u32 s19, $0x2;
	s4 =	smul.u32 $0x500, s4;
	[dreg:$0x11] =	wrdreg s20  }
0x2a: {  	s9 =	simm.s32 $0x1000;
	[dreg:$0x13] =	wrdreg s7;
	s17 =	sadd.s32 s0, s10  }
0x2b: {  	s7 =	sadd.s32 s14, s2;
	s5 =	sadd.s32 s0, s22;
	s19 =	sshrl.u32 s26, $0x2  }
0x2c: {  	s20 =	smul.u32 $0xA000, s3;
	s22 =	sadd.s32 s0, s6;
	[dreg:$0x14] =	wrdreg s17  }
0x2d: {  	s3 =	smul.u32 $0x500, s3;
	s6 =	simm.s32 $0x400;
	[dreg:$0x15] =	wrdreg s7  }
0x2e: {  	s10 =	simm.s32 $0x5000;
	s14 =	simm.s32 $0x700;
	[dreg:$0x16] =	wrdreg s5  }
0x2f: {  	s5 =	sadd.s32 s19, s2;
	[dreg:$0x18] =	wrdreg s22;
	s24 =	sshrl.u32 s18, $0x2  }
0x30: {  	s4 =	sadd.s32 s0, s4;
	s7 =	simm.s32 $0xC00;
	s17 =	simm.s32 $0x1  }
0x31: {  	s18 =	simm.s32 $0x800;
	s22 =	simm.s32 $0x2;
	[dreg:$0x17] =	wrdreg s5  }
.Ltmp0:
0x32: {  	s25 =	sshrl.u32 s20, $0x2;
	s5 =	sadd.s32 s24, s2;
	(pc) =	sbr.rel .LBB2_1-.Ltmp0, $4  }
0x33: {  	[dreg:$0x1a] =	wrdreg s4;
	s3 =	sadd.s32 s0, s3;
	s20 =	simm.s32 $0x6  }
0x34: {  	s4 =	simm.s32 $0x780;
	s24 =	simm.s32 $0x0;
	[dreg:$0x19] =	wrdreg s5  }
0x35: {  	s26 =	sadd.s32 s25, s2;
	[dreg:$0x1c] =	wrdreg s3;
	s5 =	simm.s32 $0x3  }
0x36: {  	s3 =	simm.s32 $0x5;
	[dreg:$0x1b] =	wrdreg s26;
	s26 =	simm.s32 $0xD00  }
.LBB2_4:
0x37: {  	_ =	swait.ge [sflag:s17], $0x4000  }
0x38: {  	[sflag:s17] =	ssyncset.done $0x0  }
0x39: {  	s19 =	simm.s32 $0xF00;
	[sflag:s17] =	ssyncadd.s32 $0xFFFFC000  }
0x3a: {  	[spmem:s2] =	stream.indirect.scatter.add.f32 [tilespmem:s9], [sflag:$0x6], $0x80, s19, s8, $0xb8;
	[tilespmem:$0x1CA80] =	vst v63  }
0x3b: {  	_ =	swait.ge [sflag:s20], $0x4000  }
0x3c: {  	[sflag:s20] =	ssyncset.done $0x0  }
0x3d: {  	[sflag:s20] =	ssyncadd.s32 $0xFFFFC000  }
0x3e: {  	_ =	swait.ge [sflag:s22], $0x4000  }
0x3f: {  	[sflag:s22] =	ssyncset.done $0x0  }
0x40: {  	s23 =	simm.s32 $0xF80;
	[sflag:s22] =	ssyncadd.s32 $0xFFFFC000  }
0x41: {  	[spmem:s2] =	stream.indirect.scatter.add.f32 [tilespmem:s10], [sflag:$0x6], $0x80, s23, s8, $0xb8;
	[tilespmem:$0x1CA80] =	vst v63  }
0x42: {  	_ =	swait.ge [sflag:s20], $0x4000  }
0x43: {  	[sflag:s20] =	ssyncset.done $0x0  }
0x44: {  	[sflag:s20] =	ssyncadd.s32 $0xFFFFC000  }
0x45: {  	[bflag:$0x0] =	sbarrier.arrive $0xFFFF  }
0x46: {  	s24 =	rddreg [dreg:$0x4]  }
0x47: {  	s23 =	rddreg [dreg:$0xe]  }
0x48: {  	s21 =	rddreg [dreg:$0x1f]  }
0x49: {  	[hbm:s24], [sflag:s23] =	dma.local [spmem:s21], $0x500  }
0x4a: {  	s21 =	sld [smem:$0x7F7];
	_ =	sdelay $0x1  }
0x4b: {  	s19 =	rddreg [dreg:$0x5]  }
0x4c: {  	[hbm:s19], [sflag:s23] =	dma.local [spmem:s21], $0x500  }
0x4d: {  	s21 =	sld [smem:$0x7F8];
	_ =	sdelay $0x1  }
0x4e: {  	s19 =	rddreg [dreg:$0x6]  }
0x4f: {  	[hbm:s19], [sflag:s23] =	dma.local [spmem:s21], $0x500  }
0x50: {  	s21 =	sld [smem:$0x7F9];
	_ =	sdelay $0x1  }
0x51: {  	s19 =	rddreg [dreg:$0x7]  }
0x52: {  	[hbm:s19], [sflag:s23] =	dma.local [spmem:s21], $0x500  }
0x53: {  	s21 =	sld [smem:$0x7FA];
	_ =	sdelay $0x1  }
0x54: {  	s19 =	rddreg [dreg:$0x8]  }
0x55: {  	[hbm:s19], [sflag:s23] =	dma.local [spmem:s21], $0x500  }
0x56: {  	s21 =	sld [smem:$0x7FB];
	_ =	sdelay $0x1  }
0x57: {  	s19 =	rddreg [dreg:$0x9]  }
0x58: {  	[hbm:s19], [sflag:s23] =	dma.local [spmem:s21], $0x500  }
0x59: {  	s21 =	sld [smem:$0x7FC];
	_ =	sdelay $0x1  }
0x5a: {  	s19 =	rddreg [dreg:$0xa]  }
0x5b: {  	[hbm:s19], [sflag:s23] =	dma.local [spmem:s21], $0x500  }
0x5c: {  	s21 =	sld [smem:$0x7FD];
	_ =	sdelay $0x1  }
0x5d: {  	s19 =	rddreg [dreg:$0xb]  }
0x5e: {  	[hbm:s19], [sflag:s23] =	dma.local @!p0 [spmem:s21], $0x500  }
0x5f: {  	_ =	swait.ge [sflag:s5], $0x500  }
0x60: {  	[sflag:s5] =	ssyncset.done $0x0  }
0x61: {  	[sflag:s5] =	ssyncadd.s32 $0xFFFFFB00  }
0x62: {  	_ =	swait.ge [sflag:s5], $0x500  }
0x63: {  	[sflag:s5] =	ssyncset.done $0x0  }
0x64: {  	[sflag:s5] =	ssyncadd.s32 $0xFFFFFB00  }
0x65: {  	_ =	swait.ge [sflag:s5], $0x500  }
0x66: {  	[sflag:s5] =	ssyncset.done $0x0  }
0x67: {  	[sflag:s5] =	ssyncadd.s32 $0xFFFFFB00  }
0x68: {  	_ =	swait.ge [sflag:s5], $0x500  }
0x69: {  	[sflag:s5] =	ssyncset.done $0x0  }
0x6a: {  	[sflag:s5] =	ssyncadd.s32 $0xFFFFFB00  }
0x6b: {  	_ =	swait.ge [sflag:s5], $0x500  }
0x6c: {  	[sflag:s5] =	ssyncset.done $0x0  }
0x6d: {  	[sflag:s5] =	ssyncadd.s32 $0xFFFFFB00  }
0x6e: {  	_ =	swait.ge [sflag:s5], $0x500  }
0x6f: {  	[sflag:s5] =	ssyncset.done $0x0  }
0x70: {  	[sflag:s5] =	ssyncadd.s32 $0xFFFFFB00  }
0x71: {  	_ =	swait.ge [sflag:s5], $0x500  }
0x72: {  	[sflag:s5] =	ssyncset.done $0x0  }
0x73: {  	s19 =	simm.s32 @!p0 $0x3;
	[sflag:s5] =	ssyncadd.s32 $0xFFFFFB00  }
0x74: {  	_ =	swait.ge @!p0 [sflag:s19], $0x500  }
0x75: {  	s24 =	rddreg [dreg:$0x1e]  }
0x76: {  	s25 =	rddreg [dreg:$0x1d];
	s24 =	sadd.s32 $0x1, s24  }
0x77: {  	p1 =	sne.s32 s24, s25  }
.Ltmp1:
0x78: {  	_ = 	snop;
	(pc) =	sbr.rel @!p1 .LBB2_5-.Ltmp1, $3  }
0x79: {  	_ =	sdelay $0x1  }
0x7a: {  	[sflag:s19] =	ssyncset.done @!p0 $0x0  }
0x7b: {  	[sflag:s19] =	ssyncadd.s32 @!p0 $0xFFFFFB00  }
.LBB2_1:
0x7c: {  	[dreg:$0x1e] =	wrdreg s24  }
0x7d: {  	s19 =	rddreg [dreg:$0xc]  }
0x7e: {  	s25 =	rddreg [dreg:$0xd];
	s21 =	sshrl.u32 s19, $0x3  }
0x7f: {  	[dreg:$0x1f] =	wrdreg s21  }
0x80: {  	[spmem:s21], [sflag:s23] =	dma.local [hbm:s25], $0x500  }
0x81: {  	s19 =	rddreg [dreg:$0xf]  }
0x82: {  	s25 =	rddreg [dreg:$0x10];
	s24 =	sshrl.u32 s19, $0x3  }
0x83: {  	[smem:$0x7F7] =	sst s24  }
0x84: {  	[spmem:s24], [sflag:s23] =	dma.local [hbm:s25], $0x500  }
0x85: {  	s19 =	rddreg [dreg:$0x11]  }
0x86: {  	s25 =	rddreg [dreg:$0x12];
	s24 =	sshrl.u32 s19, $0x3  }
0x87: {  	[smem:$0x7F8] =	sst s24  }
0x88: {  	[spmem:s24], [sflag:s23] =	dma.local [hbm:s25], $0x500  }
0x89: {  	s19 =	rddreg [dreg:$0x13]  }
0x8a: {  	s25 =	rddreg [dreg:$0x14];
	s24 =	sshrl.u32 s19, $0x3  }
0x8b: {  	[smem:$0x7F9] =	sst s24  }
0x8c: {  	[spmem:s24], [sflag:s23] =	dma.local [hbm:s25], $0x500  }
0x8d: {  	s19 =	rddreg [dreg:$0x15]  }
0x8e: {  	s25 =	rddreg [dreg:$0x16];
	s24 =	sshrl.u32 s19, $0x3  }
0x8f: {  	[smem:$0x7FA] =	sst s24  }
0x90: {  	[spmem:s24], [sflag:s23] =	dma.local [hbm:s25], $0x500  }
0x91: {  	s19 =	rddreg [dreg:$0x17]  }
0x92: {  	s25 =	rddreg [dreg:$0x18];
	s24 =	sshrl.u32 s19, $0x3  }
0x93: {  	[smem:$0x7FB] =	sst s24  }
0x94: {  	[spmem:s24], [sflag:s23] =	dma.local [hbm:s25], $0x500  }
0x95: {  	s19 =	rddreg [dreg:$0x19]  }
0x96: {  	s25 =	rddreg [dreg:$0x1a];
	s24 =	sshrl.u32 s19, $0x3  }
0x97: {  	[smem:$0x7FC] =	sst s24  }
0x98: {  	[spmem:s24], [sflag:s23] =	dma.local [hbm:s25], $0x500  }
0x99: {  	s19 =	rddreg [dreg:$0x1b]  }
0x9a: {  	s21 =	sshrl.u32 @!p0 s19, $0x3;
	s19 =	rddreg [dreg:$0x1c]  }
0x9b: {  	[smem:$0x7FD] =	sst s21  }
0x9c: {  	[spmem:s21], [sflag:s23] =	dma.local @!p0 [hbm:s19], $0x500  }
0x9d: {  	_ =	swait.ge [sflag:s5], $0x500  }
0x9e: {  	[sflag:s5] =	ssyncset.done $0x0  }
0x9f: {  	[sflag:s5] =	ssyncadd.s32 $0xFFFFFB00  }
0xa0: {  	_ =	swait.ge [sflag:s5], $0x500  }
0xa1: {  	[sflag:s5] =	ssyncset.done $0x0  }
0xa2: {  	[sflag:s5] =	ssyncadd.s32 $0xFFFFFB00  }
0xa3: {  	_ =	swait.ge [sflag:s5], $0x500  }
0xa4: {  	[sflag:s5] =	ssyncset.done $0x0  }
0xa5: {  	[sflag:s5] =	ssyncadd.s32 $0xFFFFFB00  }
0xa6: {  	_ =	swait.ge [sflag:s5], $0x500  }
0xa7: {  	[sflag:s5] =	ssyncset.done $0x0  }
0xa8: {  	[sflag:s5] =	ssyncadd.s32 $0xFFFFFB00  }
0xa9: {  	_ =	swait.ge [sflag:s5], $0x500  }
0xaa: {  	[sflag:s5] =	ssyncset.done $0x0  }
0xab: {  	[sflag:s5] =	ssyncadd.s32 $0xFFFFFB00  }
0xac: {  	_ =	swait.ge [sflag:s5], $0x500  }
0xad: {  	[sflag:s5] =	ssyncset.done $0x0  }
0xae: {  	[sflag:s5] =	ssyncadd.s32 $0xFFFFFB00  }
0xaf: {  	_ =	swait.ge [sflag:s5], $0x500  }
0xb0: {  	[sflag:s5] =	ssyncset.done $0x0  }
0xb1: {  	s19 =	simm.s32 @!p0 $0x3;
	[sflag:s5] =	ssyncadd.s32 $0xFFFFFB00  }
0xb2: {  	_ =	swait.ge @!p0 [sflag:s19], $0x500  }
0xb3: {  	[sflag:s19] =	ssyncset.done @!p0 $0x0  }
0xb4: {  	[sflag:s19] =	ssyncadd.s32 @!p0 $0xFFFFFB00  }
0xb5: {  	s19 =	simm.s32 $0x0;
	[bflag:$0x0] =	sbarrier.arrive $0xFFFF  }
.LBB2_2:
0xb6: {  	p1 =	sne.s32 s19, $0x0  }
0xb7: {  	s21 =	simm.s32 @p1 $0x4  }
0xb8: {  	_ =	swait.ge @p1 [sflag:s21], $0x400  }
0xb9: {  	[sflag:s21] =	ssyncset.done @p1 $0x0  }
0xba: {  	[sflag:s21] =	ssyncadd.s32 @p1 $0xFFFFFC00  }
0xbb: {  	_ =	swait.ge @p1 [sflag:s21], $0x400  }
0xbc: {  	[sflag:s21] =	ssyncset.done @p1 $0x0  }
0xbd: {  	[sflag:s21] =	ssyncadd.s32 @p1 $0xFFFFFC00;
	s21 =	simm.s32 @p1 $0x1  }
0xbe: {  	_ =	swait.ge @p1 [sflag:s21], $0x4000  }
0xbf: {  	s23 =	simm.s32 @p1 $0xF00;
	[sflag:s21] =	ssyncset.done @p1 $0x0  }
0xc0: {  	s24 =	simm.s32 @p1 $0x1000;
	[sflag:s21] =	ssyncadd.s32 @p1 $0xFFFFC000;
	s21 =	simm.s32 @p1 $0x80  }
0xc1: {  	[spmem:s2] =	stream.indirect.scatter.add.f32 @p1 [tilespmem:s24], [sflag:$0x6], $0x80, s23, s21, $0xb8;
	[tilespmem:$0x1CA80] =	vst v63  }
0xc2: {  	s23 =	simm.s32 @p1 $0x6  }
0xc3: {  	_ =	swait.ge @p1 [sflag:s23], $0x4000  }
0xc4: {  	[sflag:s23] =	ssyncset.done @p1 $0x0  }
0xc5: {  	s24 =	simm.s32 @p1 $0x2;
	[sflag:s23] =	ssyncadd.s32 @p1 $0xFFFFC000  }
0xc6: {  	_ =	swait.ge @p1 [sflag:s24], $0x4000  }
0xc7: {  	[sflag:s24] =	ssyncset.done @p1 $0x0  }
0xc8: {  	s25 =	simm.s32 @p1 $0x5000;
	[sflag:s24] =	ssyncadd.s32 @p1 $0xFFFFC000;
	s24 =	simm.s32 @p1 $0xF80  }
0xc9: {  	[spmem:s2] =	stream.indirect.scatter.add.f32 @p1 [tilespmem:s25], [sflag:$0x6], $0x80, s24, s21, $0xb8;
	[tilespmem:$0x1CA80] =	vst v63  }
0xca: {  	_ =	swait.ge @p1 [sflag:s23], $0x4000  }
0xcb: {  	[sflag:s23] =	ssyncset.done @p1 $0x0  }
0xcc: {  	s21 =	simm.s32 @!p1 $0x0;
	[sflag:s23] =	ssyncadd.s32 @p1 $0xFFFFC000;
	s23 =	simm.s32 @!p1 $0x6  }
0xcd: {  	[tilespmem:s21], [sflag:$0x6] =	stream.linear.gather @!p1 [hbm4b:s11+s21], $0x400, $0x38;
	[tilespmem:$0x1CA80] =	vst v63  }
0xce: {  	_ =	swait.ge @!p1 [sflag:s23], $0x400  }
0xcf: {  	[sflag:s23] =	ssyncset.done @!p1 $0x0  }
0xd0: {  	s24 =	simm.s32 @!p1 $0x800;
	[sflag:s23] =	ssyncadd.s32 @!p1 $0xFFFFFC00  }
0xd1: {  	[tilespmem:s24], [sflag:$0x6] =	stream.linear.gather @!p1 [hbm4b:s12+s21], $0x400, $0x38;
	[tilespmem:$0x1CA80] =	vst v63  }
0xd2: {  	_ =	swait.ge @!p1 [sflag:s23], $0x400  }
0xd3: {  	s21 =	sadd.s32 s19, s15;
	[sflag:s23] =	ssyncset.done @!p1 $0x0  }
0xd4: {  	s24 =	sadd.s32 $0x80, s21;
	[sflag:s23] =	ssyncadd.s32 @!p1 $0xFFFFFC00;
	s23 =	sadd.s32 s19, s16  }
0xd5: {  	[tilespmem:s6], [sflag:$0x5] =	stream.linear.gather [hbm4b:s24+s13], $0x400, $0x38;
	[tilespmem:$0x1CA80] =	vst v63  }
0xd6: {  	s25 =	sadd.s32 $0x80, s23  }
0xd7: {  	[tilespmem:s7], [sflag:$0x5] =	stream.linear.gather [hbm4b:s25+s13], $0x400, $0x38;
	[tilespmem:$0x1CA80] =	vst v63  }
0xd8: {  	_ = 	snop  }
0xd9: {  	[tilespmem:s9], [sflag:$0x1] =	stream.indirect.gather [hbm4b:s0+s8], $0x80, s13, s8, $0xb8;
	[tilespmem:$0x1CA80] =	vst v63  }
0xda: {  	_ = 	snop  }
0xdb: {  	[tilespmem:s10], [sflag:$0x2] =	stream.indirect.gather [hbm4b:s0+s8], $0x80, s8, s8, $0xb8;
	[tilespmem:$0x1CA80] =	vst v63  }
0xdc: {  	_ =	swait.ge [sflag:s17], $0x4000  }
0xdd: {  	[sflag:s17] =	ssyncset.done $0x0  }
0xde: {  	[sflag:s17] =	ssyncadd.s32 $0xFFFFC000  }
0xdf: {  	[spmem:s2] =	stream.indirect.scatter.add.f32 [tilespmem:s9], [sflag:$0x6], $0x80, s18, s8, $0xb8;
	[tilespmem:$0x1CA80] =	vst v63  }
0xe0: {  	_ =	swait.ge [sflag:s20], $0x4000  }
0xe1: {  	[sflag:s20] =	ssyncset.done $0x0  }
0xe2: {  	s25 =	simm.s32 $0x100;
	[sflag:s20] =	ssyncadd.s32 $0xFFFFC000  }
0xe3: {  	[tilespmem:s9], [sflag:$0x1] =	stream.indirect.gather [hbm4b:s0+s8], $0x80, s25, s8, $0xb8;
	[tilespmem:$0x1CA80] =	vst v63  }
0xe4: {  	_ =	swait.ge [sflag:s22], $0x4000  }
0xe5: {  	[sflag:s22] =	ssyncset.done $0x0  }
0xe6: {  	s25 =	simm.s32 $0x880;
	[sflag:s22] =	ssyncadd.s32 $0xFFFFC000  }
0xe7: {  	[spmem:s2] =	stream.indirect.scatter.add.f32 [tilespmem:s10], [sflag:$0x6], $0x80, s25, s8, $0xb8;
	[tilespmem:$0x1CA80] =	vst v63  }
0xe8: {  	_ =	swait.ge [sflag:s20], $0x4000  }
0xe9: {  	[sflag:s20] =	ssyncset.done $0x0  }
0xea: {  	s25 =	simm.s32 $0x180;
	[sflag:s20] =	ssyncadd.s32 $0xFFFFC000  }
0xeb: {  	[tilespmem:s10], [sflag:$0x2] =	stream.indirect.gather [hbm4b:s0+s8], $0x80, s25, s8, $0xb8;
	[tilespmem:$0x1CA80] =	vst v63  }
0xec: {  	_ =	swait.ge [sflag:s17], $0x4000  }
0xed: {  	[sflag:s17] =	ssyncset.done $0x0  }
0xee: {  	s25 =	simm.s32 $0x900;
	[sflag:s17] =	ssyncadd.s32 $0xFFFFC000  }
0xef: {  	[spmem:s2] =	stream.indirect.scatter.add.f32 [tilespmem:s9], [sflag:$0x6], $0x80, s25, s8, $0xb8;
	[tilespmem:$0x1CA80] =	vst v63  }
0xf0: {  	_ =	swait.ge [sflag:s20], $0x4000  }
0xf1: {  	[sflag:s20] =	ssyncset.done $0x0  }
0xf2: {  	s25 =	simm.s32 $0x200;
	[sflag:s20] =	ssyncadd.s32 $0xFFFFC000  }
0xf3: {  	[tilespmem:s9], [sflag:$0x1] =	stream.indirect.gather [hbm4b:s0+s8], $0x80, s25, s8, $0xb8;
	[tilespmem:$0x1CA80] =	vst v63  }
0xf4: {  	_ =	swait.ge [sflag:s22], $0x4000  }
0xf5: {  	[sflag:s22] =	ssyncset.done $0x0  }
0xf6: {  	s25 =	simm.s32 $0x980;
	[sflag:s22] =	ssyncadd.s32 $0xFFFFC000  }
0xf7: {  	[spmem:s2] =	stream.indirect.scatter.add.f32 [tilespmem:s10], [sflag:$0x6], $0x80, s25, s8, $0xb8;
	[tilespmem:$0x1CA80] =	vst v63  }
0xf8: {  	_ =	swait.ge [sflag:s20], $0x4000  }
0xf9: {  	[sflag:s20] =	ssyncset.done $0x0  }
0xfa: {  	s25 =	simm.s32 $0x280;
	[sflag:s20] =	ssyncadd.s32 $0xFFFFC000  }
0xfb: {  	[tilespmem:s10], [sflag:$0x2] =	stream.indirect.gather [hbm4b:s0+s8], $0x80, s25, s8, $0xb8;
	[tilespmem:$0x1CA80] =	vst v63  }
0xfc: {  	_ =	swait.ge [sflag:s17], $0x4000  }
0xfd: {  	[sflag:s17] =	ssyncset.done $0x0  }
0xfe: {  	s25 =	simm.s32 $0xA00;
	[sflag:s17] =	ssyncadd.s32 $0xFFFFC000  }
0xff: {  	[spmem:s2] =	stream.indirect.scatter.add.f32 [tilespmem:s9], [sflag:$0x6], $0x80, s25, s8, $0xb8;
	[tilespmem:$0x1CA80] =	vst v63  }
0x100: {  	_ =	swait.ge [sflag:s20], $0x4000  }
0x101: {  	[sflag:s20] =	ssyncset.done $0x0  }
0x102: {  	s25 =	simm.s32 $0x300;
	[sflag:s20] =	ssyncadd.s32 $0xFFFFC000  }
0x103: {  	[tilespmem:s9], [sflag:$0x1] =	stream.indirect.gather [hbm4b:s0+s8], $0x80, s25, s8, $0xb8;
	[tilespmem:$0x1CA80] =	vst v63  }
0x104: {  	_ =	swait.ge [sflag:s22], $0x4000  }
0x105: {  	[sflag:s22] =	ssyncset.done $0x0  }
0x106: {  	s25 =	simm.s32 $0xA80;
	[sflag:s22] =	ssyncadd.s32 $0xFFFFC000  }
0x107: {  	[spmem:s2] =	stream.indirect.scatter.add.f32 [tilespmem:s10], [sflag:$0x6], $0x80, s25, s8, $0xb8;
	[tilespmem:$0x1CA80] =	vst v63  }
0x108: {  	_ =	swait.ge [sflag:s20], $0x4000  }
0x109: {  	[sflag:s20] =	ssyncset.done $0x0  }
0x10a: {  	s25 =	simm.s32 $0x380;
	[sflag:s20] =	ssyncadd.s32 $0xFFFFC000  }
0x10b: {  	[tilespmem:s10], [sflag:$0x2] =	stream.indirect.gather [hbm4b:s0+s8], $0x80, s25, s8, $0xb8;
	[tilespmem:$0x1CA80] =	vst v63  }
0x10c: {  	_ =	swait.ge [sflag:s3], $0x400  }
0x10d: {  	[sflag:s3] =	ssyncset.done $0x0  }
0x10e: {  	[sflag:s3] =	ssyncadd.s32 $0xFFFFFC00  }
0x10f: {  	_ =	swait.ge [sflag:s3], $0x400  }
0x110: {  	[sflag:s3] =	ssyncset.done $0x0  }
0x111: {  	[sflag:s3] =	ssyncadd.s32 $0xFFFFFC00  }
0x112: {  	_ =	swait.ge [sflag:s17], $0x4000  }
0x113: {  	[sflag:s17] =	ssyncset.done $0x0  }
0x114: {  	s25 =	simm.s32 $0xB00;
	[sflag:s17] =	ssyncadd.s32 $0xFFFFC000  }
0x115: {  	[spmem:s2] =	stream.indirect.scatter.add.f32 [tilespmem:s9], [sflag:$0x6], $0x80, s25, s8, $0xb8;
	[tilespmem:$0x1CA80] =	vst v63  }
0x116: {  	_ =	swait.ge [sflag:s20], $0x4000  }
0x117: {  	[sflag:s20] =	ssyncset.done $0x0  }
0x118: {  	[sflag:s20] =	ssyncadd.s32 $0xFFFFC000  }
0x119: {  	[tilespmem:s9], [sflag:$0x1] =	stream.indirect.gather [hbm4b:s0+s8], $0x80, s6, s8, $0xb8;
	[tilespmem:$0x1CA80] =	vst v63  }
0x11a: {  	_ =	swait.ge [sflag:s22], $0x4000  }
0x11b: {  	[sflag:s22] =	ssyncset.done $0x0  }
0x11c: {  	s25 =	simm.s32 $0xB80;
	[sflag:s22] =	ssyncadd.s32 $0xFFFFC000  }
0x11d: {  	[spmem:s2] =	stream.indirect.scatter.add.f32 [tilespmem:s10], [sflag:$0x6], $0x80, s25, s8, $0xb8;
	[tilespmem:$0x1CA80] =	vst v63  }
0x11e: {  	_ =	swait.ge [sflag:s20], $0x4000  }
0x11f: {  	[sflag:s20] =	ssyncset.done $0x0  }
0x120: {  	s25 =	simm.s32 $0x480;
	[sflag:s20] =	ssyncadd.s32 $0xFFFFC000  }
0x121: {  	[tilespmem:s10], [sflag:$0x2] =	stream.indirect.gather [hbm4b:s0+s8], $0x80, s25, s8, $0xb8;
	[tilespmem:$0x1CA80] =	vst v63  }
0x122: {  	_ =	swait.ge [sflag:s17], $0x4000  }
0x123: {  	[sflag:s17] =	ssyncset.done $0x0  }
0x124: {  	[sflag:s17] =	ssyncadd.s32 $0xFFFFC000  }
0x125: {  	[spmem:s2] =	stream.indirect.scatter.add.f32 [tilespmem:s9], [sflag:$0x6], $0x80, s7, s8, $0xb8;
	[tilespmem:$0x1CA80] =	vst v63  }
0x126: {  	_ =	swait.ge [sflag:s20], $0x4000  }
0x127: {  	[sflag:s20] =	ssyncset.done $0x0  }
0x128: {  	s25 =	simm.s32 $0x500;
	[sflag:s20] =	ssyncadd.s32 $0xFFFFC000  }
0x129: {  	[tilespmem:s9], [sflag:$0x1] =	stream.indirect.gather [hbm4b:s0+s8], $0x80, s25, s8, $0xb8;
	[tilespmem:$0x1CA80] =	vst v63  }
0x12a: {  	_ =	swait.ge [sflag:s22], $0x4000  }
0x12b: {  	[sflag:s22] =	ssyncset.done $0x0  }
0x12c: {  	s25 =	simm.s32 $0xC80;
	[sflag:s22] =	ssyncadd.s32 $0xFFFFC000  }
0x12d: {  	[spmem:s2] =	stream.indirect.scatter.add.f32 [tilespmem:s10], [sflag:$0x6], $0x80, s25, s8, $0xb8;
	[tilespmem:$0x1CA80] =	vst v63  }
0x12e: {  	_ =	swait.ge [sflag:s20], $0x4000  }
0x12f: {  	[sflag:s20] =	ssyncset.done $0x0  }
0x130: {  	s25 =	simm.s32 $0x580;
	[sflag:s20] =	ssyncadd.s32 $0xFFFFC000  }
0x131: {  	[tilespmem:s10], [sflag:$0x2] =	stream.indirect.gather [hbm4b:s0+s8], $0x80, s25, s8, $0xb8;
	[tilespmem:$0x1CA80] =	vst v63  }
0x132: {  	_ =	swait.ge [sflag:s17], $0x4000  }
0x133: {  	[sflag:s17] =	ssyncset.done $0x0  }
0x134: {  	[sflag:s17] =	ssyncadd.s32 $0xFFFFC000  }
0x135: {  	[spmem:s2] =	stream.indirect.scatter.add.f32 [tilespmem:s9], [sflag:$0x6], $0x80, s26, s8, $0xb8;
	[tilespmem:$0x1CA80] =	vst v63  }
0x136: {  	_ =	swait.ge [sflag:s20], $0x4000  }
0x137: {  	[sflag:s20] =	ssyncset.done $0x0  }
0x138: {  	[sflag:s20] =	ssyncadd.s32 $0xFFFFC000  }
0x139: {  	[tilespmem:s9], [sflag:$0x1] =	stream.indirect.gather [hbm4b:s0+s8], $0x80, s28, s8, $0xb8;
	[tilespmem:$0x1CA80] =	vst v63  }
0x13a: {  	_ =	swait.ge [sflag:s22], $0x4000  }
0x13b: {  	[sflag:s22] =	ssyncset.done $0x0  }
0x13c: {  	[sflag:s22] =	ssyncadd.s32 $0xFFFFC000  }
0x13d: {  	[spmem:s2] =	stream.indirect.scatter.add.f32 [tilespmem:s10], [sflag:$0x6], $0x80, s29, s8, $0xb8;
	[tilespmem:$0x1CA80] =	vst v63  }
0x13e: {  	_ =	swait.ge [sflag:s20], $0x4000  }
0x13f: {  	[sflag:s20] =	ssyncset.done $0x0  }
0x140: {  	[sflag:s20] =	ssyncadd.s32 $0xFFFFC000  }
0x141: {  	[tilespmem:s10], [sflag:$0x2] =	stream.indirect.gather [hbm4b:s0+s8], $0x80, s30, s8, $0xb8;
	[tilespmem:$0x1CA80] =	vst v63  }
0x142: {  	_ =	swait.ge [sflag:s17], $0x4000  }
0x143: {  	[sflag:s17] =	ssyncset.done $0x0  }
0x144: {  	[sflag:s17] =	ssyncadd.s32 $0xFFFFC000  }
0x145: {  	[spmem:s2] =	stream.indirect.scatter.add.f32 [tilespmem:s9], [sflag:$0x6], $0x80, s31, s8, $0xb8;
	[tilespmem:$0x1CA80] =	vst v63  }
0x146: {  	_ =	swait.ge [sflag:s20], $0x4000  }
0x147: {  	[sflag:s20] =	ssyncset.done $0x0  }
0x148: {  	[sflag:s20] =	ssyncadd.s32 $0xFFFFC000  }
0x149: {  	[tilespmem:s9], [sflag:$0x1] =	stream.indirect.gather [hbm4b:s0+s8], $0x80, s14, s8, $0xb8;
	[tilespmem:$0x1CA80] =	vst v63  }
0x14a: {  	_ =	swait.ge [sflag:s22], $0x4000  }
0x14b: {  	[sflag:s22] =	ssyncset.done $0x0  }
0x14c: {  	p1 =	seq.s32 s19, $0x400;
	[sflag:s22] =	ssyncadd.s32 $0xFFFFC000  }
0x14d: {  	[spmem:s2] =	stream.indirect.scatter.add.f32 [tilespmem:s10], [sflag:$0x6], $0x80, s1, s8, $0xb8;
	[tilespmem:$0x1CA80] =	vst v63  }
.Ltmp2:
0x14e: {  	_ = 	snop;
	(pc) =	sbr.rel @p1 .LBB2_4-.Ltmp2, $4  }
0x14f: {  	_ =	swait.ge [sflag:s20], $0x4000  }
0x150: {  	[sflag:s20] =	ssyncset.done $0x0  }
0x151: {  	[sflag:s20] =	ssyncadd.s32 $0xFFFFC000  }
0x152: {  	[tilespmem:s10], [sflag:$0x2] =	stream.indirect.gather [hbm4b:s0+s8], $0x80, s4, s8, $0xb8;
	[tilespmem:$0x1CA80] =	vst v63  }
.Ltmp3:
0x153: {  	(pc) =	sbr.rel .LBB2_2-.Ltmp3, $4  }
0x154: {  	s21 =	sadd.s32 $0x100, s21  }
0x155: {  	[tilespmem:s13], [sflag:$0x4] =	stream.linear.gather [hbm4b:s21+s13], $0x400, $0x38;
	[tilespmem:$0x1CA80] =	vst v63  }
0x156: {  	s25 =	sadd.s32 $0x100, s23;
	s19 =	sadd.s32 $0x100, s19  }
0x157: {  	[tilespmem:s18], [sflag:$0x4] =	stream.linear.gather [hbm4b:s25+s13], $0x400, $0x38;
	[tilespmem:$0x1CA80] =	vst v63  }
.LBB2_5:
0x158: {  	_ =	sfence.sel $0x180000  }
0x159: {  	[bflag:$0x0] =	sbarrier.arrive $0xFFFF  }
0x15a: {  	_ =	strace $0x90000047  }
0x15b: {  	s0 =	stileid.u32;
	[bflag:$0x2] =	sbarrier.arrive $0xFFFF  }
0x15c: {  	p0 =	sne.s32 s0, $0x0;
	s0 =	rddreg [dreg:$0x3]  }
0x15d: {  	s0 =	sadd.s32 @!p0 $0x100000, s0  }
0x15e: {  	[sflag:s0] =	ssyncadd.tile.s32 @!p0 $0x1;
	_ =	shalt  }
.Lfunc_end2:
_tile_overlayer_lowered:
.L_overlay_start_2:
0x15f: {  	(tag) =	ssettag $0x2  }
0x160: {  	s0 =	rddreg [dreg:$0x0];
	s2 =	stileid.u32  }
0x161: {  	s1 =	rddreg [dreg:$0x1];
	p0 =	sne.s32 s2, $0x0  }
0x162: {  	s3 =	rddreg [dreg:$0x2];
	[bflag:$0x3] =	sbarrier.arrive $0xFFFF;
	s2 =	simm.s32 @!p0 $0x1C06  }
0x163: {  	[timem:s3], [sflag:s2] =	dma.local @!p0 [hbm:s0], s1  }
0x164: {  	s0 =	simm.s32 @!p0 $0x6  }
0x165: {  	_ =	swait.ge @!p0 [sflag:s0], s1  }
0x166: {  	s1 =	ssub.s32 @!p0 $0x0, s1;
	[sflag:s0] =	ssyncset.done @!p0 $0x0  }
0x167: {  	[sflag:s0] =	ssyncadd.s32 @!p0 s1  }
0x168: {  	[bflag:$0x3] =	sbarrier.arrive $0xFFFF  }
0x169: {  	_ =	shalt  }

</sc_bundles>
